<compile_context>
chip_gen: v7x
topology: tpu7x:2x2x1
jax: 0.10.2.dev20260603
libtpu: 0.0.44.dev20260713+nightly
codegen_flags: <defaults>
</compile_context>

<pallas_src>
import functools

import jax
import jax.numpy as jnp
from jax import lax
from jax.experimental import pallas as pl
from jax.experimental.pallas import tpu as pltpu
from jax.experimental.pallas import tpu_sc as plsc

_NC = 2
_NS = 16
_NW = _NC * _NS
_BB = 128
_NGBUF = 4
_NTBUF = 4
_LOOKAHEAD = 3
_TPAD = 1


def _pos_encoding(seq_len, d_model, min_timescale=1.0, max_timescale=10000.0):
    position = jnp.arange(seq_len, dtype=jnp.float32)
    num_timescales = d_model // 2
    log_timescale_increment = jnp.log(
        jnp.float32(max_timescale) / jnp.float32(min_timescale)
    ) / (num_timescales - 1)
    inv_timescales = min_timescale * jnp.exp(
        jnp.arange(num_timescales, dtype=jnp.float32) * -log_timescale_increment
    )
    scaled_time = position[:, None] * inv_timescales[None, :]
    signal = jnp.concatenate([jnp.sin(scaled_time), jnp.cos(scaled_time)], axis=1)
    if d_model % 2:
        signal = jnp.pad(signal, ((0, 0), (0, 1)))
    return signal


@functools.lru_cache(maxsize=None)
def _make_kernel(batch, seq_len, d_model):
    assert batch % _BB == 0 and d_model % 16 == 0 and d_model % 8 == 0
    nb = batch // _BB
    assert nb == 32
    n_items = seq_len * nb
    assert n_items % _NW == 0
    ipw = n_items // _NW
    assert ipw % 4 == 0 and ipw > 4
    nd8 = d_model // 8
    nw16 = d_model // 16

    mesh = plsc.VectorSubcoreMesh(core_axis_name="c", subcore_axis_name="s")

    @functools.partial(
        pl.kernel,
        out_type=jax.ShapeDtypeStruct((seq_len, nd8, nb, 8, 128), jnp.float32),
        mesh=mesh,
        scratch_types=[
            pltpu.VMEM((ipw * _BB,), jnp.int32),
            pltpu.VMEM((seq_len * d_model,), jnp.float32),
        ]
        + [pltpu.VMEM((_BB, d_model), jnp.float32)] * _NGBUF
        + [pltpu.VMEM((nd8, 8, 128 + _TPAD), jnp.float32)] * _NTBUF
        + [pltpu.SemaphoreType.DMA] * (_NGBUF + _NTBUF),
        compiler_params=pltpu.CompilerParams(
            use_tc_tiling_on_sc=False, needs_layout_passes=False
        ),
    )
    def k(emb_hbm, idx_hbm, pe_hbm, out_hbm, idx_v, pe_v, *bufs_and_sems):
        gbufs = bufs_and_sems[:_NGBUF]
        tbufs = bufs_and_sems[_NGBUF : _NGBUF + _NTBUF]
        gsems = bufs_and_sems[_NGBUF + _NTBUF : 2 * _NGBUF + _NTBUF]
        osems = bufs_and_sems[2 * _NGBUF + _NTBUF :]

        wid = lax.axis_index("s") * _NC + lax.axis_index("c")
        gbase = wid * ipw
        pltpu.sync_copy(idx_hbm.at[pl.ds(gbase * _BB, ipw * _BB)], idx_v)
        pltpu.sync_copy(pe_hbm, pe_v)

        ii = lax.iota(jnp.int32, 16)
        tdv = [lax.shift_right_logical(ii + c4 * 16, 3) for c4 in range(nw16)]
        trv = [lax.bitwise_and(ii + c4 * 16, 7) for c4 in range(nw16)]

        def gather(t, gb):
            return pltpu.make_async_copy(
                emb_hbm.at[idx_v.at[pl.ds(t * _BB, _BB)]], gbufs[gb], gsems[gb]
            )

        def out_copy(t, tbu):
            g = gbase + t
            s = lax.shift_right_logical(g, 5)
            tbi = lax.bitwise_and(g, 31)
            return pltpu.make_async_copy(
                tbufs[tbu].at[:, :, pl.ds(0, 128)],
                out_hbm.at[s, :, tbi],
                osems[tbu],
            )

        for b in range(_LOOKAHEAD):
            gather(b, b).start()

        @pl.loop(0, ipw, step=4)
        def _step(t0):
            for j in range(4):
                t = t0 + j
                gb = j
                tbu = j % _NTBUF
                gather(t, gb).wait()

                g = gbase + t
                s = lax.shift_right_logical(g, 5)
                pv = [
                    pe_v[pl.ds(s * d_model + c4 * 16, 16)] for c4 in range(nw16)
                ]

                @pl.when(t >= _NTBUF)
                def _():
                    out_copy(t - _NTBUF, tbu).wait()

                gbuf = gbufs[gb]
                tbuf = tbufs[tbu]

                @plsc.parallel_loop(0, _BB, step=8)
                def _row(r0):
                    for dr in range(8):
                        rb = r0 + dr
                        cvec = jnp.full((16,), 0, jnp.int32) + rb
                        for c4 in range(nw16):
                            vec = gbuf[rb, pl.ds(c4 * 16, 16)] + pv[c4]
                            plsc.store_scatter(
                                tbuf, [tdv[c4], trv[c4], cvec], vec
                            )

                out_copy(t, tbu).start()

                nt = t + _LOOKAHEAD

                @pl.when(nt < ipw)
                def _():
                    gather(nt, (j + _LOOKAHEAD) % _NGBUF).start()

        for t in range(ipw - _NTBUF, ipw):
            out_copy(t, t % _NTBUF).wait()

    return k


def kernel(x, emb_weight):
    batch, seq_len = x.shape
    _, d_model = emb_weight.shape
    pe = _pos_encoding(seq_len, d_model)
    idx = jnp.transpose(x).reshape(-1).astype(jnp.int32)
    z = _make_kernel(batch, seq_len, d_model)(
        emb_weight.astype(jnp.float32), idx, pe.reshape(-1)
    )
    return z.transpose(2, 4, 0, 1, 3).reshape(batch, seq_len, d_model)

# --- scband reference (transcript-rebuilt; emitter-appended) ---
"""Pipeline reference for scband-positional-embedding-27659589386699 (READ-ONLY COPY).

The authoritative reference and input builder live on the scoring server;
editing this copy changes nothing except your own understanding.
"""

import jax, jax.numpy as jnp
import numpy as np

VOCAB = 100000
D_MODEL = 64
BATCH = 4096
SEQ = 200


def _positional_encoding(seq_len, d_model, min_timescale=1.0, max_timescale=10000.0):
    position = jnp.arange(seq_len, dtype=jnp.float32)
    num_timescales = d_model // 2
    log_timescale_increment = jnp.log(jnp.float32(max_timescale) / jnp.float32(min_timescale)) / (num_timescales - 1)
    inv_timescales = min_timescale * jnp.exp(jnp.arange(num_timescales, dtype=jnp.float32) * -log_timescale_increment)
    scaled_time = position[:, None] * inv_timescales[None, :]
    signal = jnp.concatenate([jnp.sin(scaled_time), jnp.cos(scaled_time)], axis=1)
    pad = d_model % 2
    if pad:
        signal = jnp.pad(signal, ((0, 0), (0, pad)))
    return signal


def setup_inputs(seed: int = 0) -> dict:
    key = jax.random.key(seed)
    k1, k2 = jax.random.split(key)
    x = jax.random.randint(k1, (BATCH, SEQ), 0, VOCAB)
    # nn.Embedding default init: N(0, 1); padding_idx=0 row is zeroed
    emb_weight = jax.random.normal(k2, (VOCAB, D_MODEL), dtype=jnp.float32)
    emb_weight = emb_weight.at[0].set(0.0)
    return {"x": x, "emb_weight": emb_weight}


def reference(x, emb_weight):
    seq_len = x.shape[1]
    d_model = emb_weight.shape[1]
    # seq_len (200) exceeds the initial max_seq_len (100), so pe is recomputed for seq_len
    pe = _positional_encoding(seq_len, d_model)
    # embedding gather + positional encoding broadcast add; dropout is identity in eval
    out = jnp.take(emb_weight, x, axis=0) + pe[:seq_len]
    return out

if __name__ == "__main__":
    import jax
    _d = setup_inputs()
    print(jax.jit(kernel)(*tuple(_d.values())))

</pallas_src>

<mosaic_0001>
#map = affine_map<(d0, d1) -> (0, 0)>
#map1 = affine_map<(d0, d1) -> (0)>
#map2 = affine_map<(d0, d1) -> (0, 0, 0, 0, 0)>
module attributes {stable_mosaic.version = 14 : i64} {
  func.func @k(%arg0: i32, %arg1: i32, %arg2: memref<100000x64xf32, #tpu.memory_space<hbm>>, %arg3: memref<819200xi32, #tpu.memory_space<hbm>>, %arg4: memref<12800xf32, #tpu.memory_space<hbm>>, %arg5: memref<200x8x32x8x128xf32, #tpu.memory_space<hbm>>, %arg6: memref<25600xi32, #tpu.memory_space<vmem>>, %arg7: memref<12800xf32, #tpu.memory_space<vmem>>, %arg8: memref<128x64xf32, #tpu.memory_space<vmem>>, %arg9: memref<128x64xf32, #tpu.memory_space<vmem>>, %arg10: memref<128x64xf32, #tpu.memory_space<vmem>>, %arg11: memref<128x64xf32, #tpu.memory_space<vmem>>, %arg12: memref<8x8x129xf32, #tpu.memory_space<vmem>>, %arg13: memref<8x8x129xf32, #tpu.memory_space<vmem>>, %arg14: memref<8x8x129xf32, #tpu.memory_space<vmem>>, %arg15: memref<8x8x129xf32, #tpu.memory_space<vmem>>, %arg16: memref<!tpu.dma_semaphore, #tpu.memory_space<semaphore_mem>>, %arg17: memref<!tpu.dma_semaphore, #tpu.memory_space<semaphore_mem>>, %arg18: memref<!tpu.dma_semaphore, #tpu.memory_space<semaphore_mem>>, %arg19: memref<!tpu.dma_semaphore, #tpu.memory_space<semaphore_mem>>, %arg20: memref<!tpu.dma_semaphore, #tpu.memory_space<semaphore_mem>>, %arg21: memref<!tpu.dma_semaphore, #tpu.memory_space<semaphore_mem>>, %arg22: memref<!tpu.dma_semaphore, #tpu.memory_space<semaphore_mem>>, %arg23: memref<!tpu.dma_semaphore, #tpu.memory_space<semaphore_mem>>) attributes {dimension_semantics = [#tpu.dimension_semantics<core_parallel>, #tpu.dimension_semantics<subcore_parallel>], iteration_bounds = array<i64: 2, 16>, scalar_prefetch = 0 : i64, scratch_operands = 18 : i64, tpu.core_type = #tpu.core_type<sc_vector_subcore>, window_params = [{transform_indices = #map}, {transform_indices = #map1}, {transform_indices = #map1}, {transform_indices = #map2}]} {
    %mul3A = arith.constant 2 : i32
    %mul3A_0 = arith.muli %arg1, %mul3A : i32
    %add3A = arith.addi %mul3A_0, %arg0 : i32
    %mul3A_1 = arith.constant 200 : i32
    %mul3A_2 = arith.muli %add3A, %mul3A_1 : i32
    %mul3A_3 = arith.constant 128 : i32
    %mul3A_4 = arith.muli %mul3A_2, %mul3A_3 : i32
    "tpu.region"() ({
      %run_scoped3A = tpu.sem_alloc : memref<!tpu.dma_semaphore, #tpu.memory_space<semaphore_mem>>
      %dma_start3A_164 = tpu.memref_slice %arg3[%mul3A_4] : memref<819200xi32, #tpu.memory_space<hbm>> -> memref<25600xi32, #tpu.memory_space<hbm>>
      %dma_start3A_165 = tpu.memref_slice %arg3[%mul3A_4] : memref<819200xi32, #tpu.memory_space<hbm>> -> memref<25600xi32, #tpu.memory_space<hbm>>
      tpu.enqueue_dma source(%dma_start3A_165 : memref<25600xi32, #tpu.memory_space<hbm>>) target(%arg6 : memref<25600xi32, #tpu.memory_space<vmem>>) target_semaphore(%run_scoped3A : memref<!tpu.dma_semaphore, #tpu.memory_space<semaphore_mem>>)
      %dma_wait3A_166 = tpu.memref_slice %arg3[%mul3A_4] : memref<819200xi32, #tpu.memory_space<hbm>> -> memref<25600xi32, #tpu.memory_space<hbm>>
      %dma_wait3A_167 = tpu.memref_slice %arg3[%mul3A_4] : memref<819200xi32, #tpu.memory_space<hbm>> -> memref<25600xi32, #tpu.memory_space<hbm>>
      tpu.wait_dma2 semaphore(%run_scoped3A : memref<!tpu.dma_semaphore, #tpu.memory_space<semaphore_mem>>) src(%dma_wait3A_167 : memref<25600xi32, #tpu.memory_space<hbm>>) dst(%arg6 : memref<25600xi32, #tpu.memory_space<vmem>>)
      tpu.yield
    }) : () -> ()
    "tpu.region"() ({
      %run_scoped3A = tpu.sem_alloc : memref<!tpu.dma_semaphore, #tpu.memory_space<semaphore_mem>>
      tpu.enqueue_dma source(%arg4 : memref<12800xf32, #tpu.memory_space<hbm>>) target(%arg7 : memref<12800xf32, #tpu.memory_space<vmem>>) target_semaphore(%run_scoped3A : memref<!tpu.dma_semaphore, #tpu.memory_space<semaphore_mem>>)
      tpu.wait_dma2 semaphore(%run_scoped3A : memref<!tpu.dma_semaphore, #tpu.memory_space<semaphore_mem>>) src(%arg4 : memref<12800xf32, #tpu.memory_space<hbm>>) dst(%arg7 : memref<12800xf32, #tpu.memory_space<vmem>>)
      tpu.yield
    }) : () -> ()
    %iota3A = tpu.iota {dimensions = array<i32: 0>} : vector<16xi32>
    %add3A_5 = arith.constant 0 : i32
    %add3A_6 = vector.broadcast %add3A_5 : i32 to vector<16xi32>
    %add3A_7 = arith.addi %iota3A, %add3A_6 : vector<16xi32>
    %shift_right_logical3A = arith.constant 3 : i32
    %shift_right_logical3A_8 = vector.broadcast %shift_right_logical3A : i32 to vector<16xi32>
    %shift_right_logical3A_9 = arith.shrui %add3A_7, %shift_right_logical3A_8 : vector<16xi32>
    %add3A_10 = arith.constant 16 : i32
    %add3A_11 = vector.broadcast %add3A_10 : i32 to vector<16xi32>
    %add3A_12 = arith.addi %iota3A, %add3A_11 : vector<16xi32>
    %shift_right_logical3A_13 = arith.constant 3 : i32
    %shift_right_logical3A_14 = vector.broadcast %shift_right_logical3A_13 : i32 to vector<16xi32>
    %shift_right_logical3A_15 = arith.shrui %add3A_12, %shift_right_logical3A_14 : vector<16xi32>
    %add3A_16 = arith.constant 32 : i32
    %add3A_17 = vector.broadcast %add3A_16 : i32 to vector<16xi32>
    %add3A_18 = arith.addi %iota3A, %add3A_17 : vector<16xi32>
    %shift_right_logical3A_19 = arith.constant 3 : i32
    %shift_right_logical3A_20 = vector.broadcast %shift_right_logical3A_19 : i32 to vector<16xi32>
    %shift_right_logical3A_21 = arith.shrui %add3A_18, %shift_right_logical3A_20 : vector<16xi32>
    %add3A_22 = arith.constant 48 : i32
    %add3A_23 = vector.broadcast %add3A_22 : i32 to vector<16xi32>
    %add3A_24 = arith.addi %iota3A, %add3A_23 : vector<16xi32>
    %shift_right_logical3A_25 = arith.constant 3 : i32
    %shift_right_logical3A_26 = vector.broadcast %shift_right_logical3A_25 : i32 to vector<16xi32>
    %shift_right_logical3A_27 = arith.shrui %add3A_24, %shift_right_logical3A_26 : vector<16xi32>
    %add3A_28 = arith.constant 0 : i32
    %add3A_29 = vector.broadcast %add3A_28 : i32 to vector<16xi32>
    %add3A_30 = arith.addi %iota3A, %add3A_29 : vector<16xi32>
    %and3A = arith.constant 7 : i32
    %and3A_31 = vector.broadcast %and3A : i32 to vector<16xi32>
    %and3A_32 = arith.andi %add3A_30, %and3A_31 : vector<16xi32>
    %add3A_33 = arith.constant 16 : i32
    %add3A_34 = vector.broadcast %add3A_33 : i32 to vector<16xi32>
    %add3A_35 = arith.addi %iota3A, %add3A_34 : vector<16xi32>
    %and3A_36 = arith.constant 7 : i32
    %and3A_37 = vector.broadcast %and3A_36 : i32 to vector<16xi32>
    %and3A_38 = arith.andi %add3A_35, %and3A_37 : vector<16xi32>
    %add3A_39 = arith.constant 32 : i32
    %add3A_40 = vector.broadcast %add3A_39 : i32 to vector<16xi32>
    %add3A_41 = arith.addi %iota3A, %add3A_40 : vector<16xi32>
    %and3A_42 = arith.constant 7 : i32
    %and3A_43 = vector.broadcast %and3A_42 : i32 to vector<16xi32>
    %and3A_44 = arith.andi %add3A_41, %and3A_43 : vector<16xi32>
    %add3A_45 = arith.constant 48 : i32
    %add3A_46 = vector.broadcast %add3A_45 : i32 to vector<16xi32>
    %add3A_47 = arith.addi %iota3A, %add3A_46 : vector<16xi32>
    %and3A_48 = arith.constant 7 : i32
    %and3A_49 = vector.broadcast %and3A_48 : i32 to vector<16xi32>
    %and3A_50 = arith.andi %add3A_47, %and3A_49 : vector<16xi32>
    %dma_start3A = arith.constant 0 : i32
    %dma_start3A_51 = tpu.memref_slice %arg6[%dma_start3A] : memref<25600xi32, #tpu.memory_space<vmem>> -> memref<128xi32, #tpu.memory_space<vmem>>
    %dma_start3A_52 = arith.constant 0 : i32
    %dma_start3A_53 = arith.constant 0 : i32
    %dma_start3A_54 = tpu.memref_slice %arg2[%dma_start3A_52, %dma_start3A_53] : memref<100000x64xf32, #tpu.memory_space<hbm>> -> memref<100000x64xf32, #tpu.memory_space<hbm>>
    tpu.enqueue_indirect_dma source(%dma_start3A_54 : memref<100000x64xf32, #tpu.memory_space<hbm>>) target(%arg8 : memref<128x64xf32, #tpu.memory_space<vmem>>) offsets(%dma_start3A_51 : memref<128xi32, #tpu.memory_space<vmem>>) semaphore(%arg16 : memref<!tpu.dma_semaphore, #tpu.memory_space<semaphore_mem>>)
    %dma_start3A_55 = arith.constant 128 : i32
    %dma_start3A_56 = tpu.memref_slice %arg6[%dma_start3A_55] : memref<25600xi32, #tpu.memory_space<vmem>> -> memref<128xi32, #tpu.memory_space<vmem>>
    %dma_start3A_57 = arith.constant 0 : i32
    %dma_start3A_58 = arith.constant 0 : i32
    %dma_start3A_59 = tpu.memref_slice %arg2[%dma_start3A_57, %dma_start3A_58] : memref<100000x64xf32, #tpu.memory_space<hbm>> -> memref<100000x64xf32, #tpu.memory_space<hbm>>
    tpu.enqueue_indirect_dma source(%dma_start3A_59 : memref<100000x64xf32, #tpu.memory_space<hbm>>) target(%arg9 : memref<128x64xf32, #tpu.memory_space<vmem>>) offsets(%dma_start3A_56 : memref<128xi32, #tpu.memory_space<vmem>>) semaphore(%arg17 : memref<!tpu.dma_semaphore, #tpu.memory_space<semaphore_mem>>)
    %dma_start3A_60 = arith.constant 256 : i32
    %dma_start3A_61 = tpu.memref_slice %arg6[%dma_start3A_60] : memref<25600xi32, #tpu.memory_space<vmem>> -> memref<128xi32, #tpu.memory_space<vmem>>
    %dma_start3A_62 = arith.constant 0 : i32
    %dma_start3A_63 = arith.constant 0 : i32
    %dma_start3A_64 = tpu.memref_slice %arg2[%dma_start3A_62, %dma_start3A_63] : memref<100000x64xf32, #tpu.memory_space<hbm>> -> memref<100000x64xf32, #tpu.memory_space<hbm>>
    tpu.enqueue_indirect_dma source(%dma_start3A_64 : memref<100000x64xf32, #tpu.memory_space<hbm>>) target(%arg10 : memref<128x64xf32, #tpu.memory_space<vmem>>) offsets(%dma_start3A_61 : memref<128xi32, #tpu.memory_space<vmem>>) semaphore(%arg18 : memref<!tpu.dma_semaphore, #tpu.memory_space<semaphore_mem>>)
    %scan3A = arith.constant 0 : i32
    %scan3A_65 = arith.constant 50 : i32
    %scan3A_66 = arith.addi %scan3A, %scan3A_65 : i32
    %scan3A_67 = arith.constant 1 : i32
    scf.for %scan3A_164 = %scan3A to %scan3A_66 step %scan3A_67  : i32 {
      %mul3A_165 = arith.constant 4 : i32
      %mul3A_166 = arith.muli %scan3A_164, %mul3A_165 : i32
      %add3A_167 = arith.constant 0 : i32
      %add3A_168 = arith.addi %add3A_167, %mul3A_166 : i32
      %add3A_169 = arith.constant 0 : i32
      %add3A_170 = arith.addi %add3A_168, %add3A_169 : i32
      %mul3A_171 = arith.constant 128 : i32
      %mul3A_172 = arith.muli %add3A_170, %mul3A_171 : i32
      %dma_wait3A_173 = tpu.memref_slice %arg6[%mul3A_172] : memref<25600xi32, #tpu.memory_space<vmem>> -> memref<128xi32, #tpu.memory_space<vmem>>
      %dma_wait3A_174 = arith.constant 0 : i32
      %dma_wait3A_175 = arith.constant 0 : i32
      %dma_wait3A_176 = tpu.memref_slice %arg2[%dma_wait3A_174, %dma_wait3A_175] : memref<100000x64xf32, #tpu.memory_space<hbm>> -> memref<100000x64xf32, #tpu.memory_space<hbm>>
      tpu.wait_indirect_dma semaphore(%arg16 : memref<!tpu.dma_semaphore, #tpu.memory_space<semaphore_mem>>) src(%dma_wait3A_176 : memref<100000x64xf32, #tpu.memory_space<hbm>>) dst(%arg8 : memref<128x64xf32, #tpu.memory_space<vmem>>)
      %add3A_177 = arith.addi %mul3A_2, %add3A_170 : i32
      %shift_right_logical3A_178 = arith.constant 5 : i32
      %shift_right_logical3A_179 = arith.shrui %add3A_177, %shift_right_logical3A_178 : i32
      %mul3A_180 = arith.constant 64 : i32
      %mul3A_181 = arith.muli %shift_right_logical3A_179, %mul3A_180 : i32
      %add3A_182 = arith.constant 0 : i32
      %add3A_183 = arith.addi %mul3A_181, %add3A_182 : i32
      %get3A = arith.index_cast %add3A_183 : i32 to index
      %get3A_184 = tpu.vector_load %arg7[%get3A] {strides = array<i32>} : memref<12800xf32, #tpu.memory_space<vmem>>, vector<16xf32>,
      %mul3A_185 = arith.constant 64 : i32
      %mul3A_186 = arith.muli %shift_right_logical3A_179, %mul3A_185 : i32
      %add3A_187 = arith.constant 16 : i32
      %add3A_188 = arith.addi %mul3A_186, %add3A_187 : i32
      %get3A_189 = arith.index_cast %add3A_188 : i32 to index
      %get3A_190 = tpu.vector_load %arg7[%get3A_189] {strides = array<i32>} : memref<12800xf32, #tpu.memory_space<vmem>>, vector<16xf32>,
      %mul3A_191 = arith.constant 64 : i32
      %mul3A_192 = arith.muli %shift_right_logical3A_179, %mul3A_191 : i32
      %add3A_193 = arith.constant 32 : i32
      %add3A_194 = arith.addi %mul3A_192, %add3A_193 : i32
      %get3A_195 = arith.index_cast %add3A_194 : i32 to index
      %get3A_196 = tpu.vector_load %arg7[%get3A_195] {strides = array<i32>} : memref<12800xf32, #tpu.memory_space<vmem>>, vector<16xf32>,
      %mul3A_197 = arith.constant 64 : i32
      %mul3A_198 = arith.muli %shift_right_logical3A_179, %mul3A_197 : i32
      %add3A_199 = arith.constant 48 : i32
      %add3A_200 = arith.addi %mul3A_198, %add3A_199 : i32
      %get3A_201 = arith.index_cast %add3A_200 : i32 to index
      %get3A_202 = tpu.vector_load %arg7[%get3A_201] {strides = array<i32>} : memref<12800xf32, #tpu.memory_space<vmem>>, vector<16xf32>,
      %ge3A = arith.constant 4 : i32
      %ge3A_203 = arith.cmpi sge, %add3A_170, %ge3A : i32
      %convert_element_type3A = arith.extui %ge3A_203 : i1 to i32
      %cond3A = arith.constant 0 : i32
      %cond3A_204 = arith.cmpi ne, %convert_element_type3A, %cond3A : i32
      scf.if %cond3A_204 {
        %sub3A = arith.constant 4 : i32
        %sub3A_455 = arith.subi %add3A_170, %sub3A : i32
        %add3A_456 = arith.addi %mul3A_2, %sub3A_455 : i32
        %shift_right_logical3A_457 = arith.constant 5 : i32
        %shift_right_logical3A_458 = arith.shrui %add3A_456, %shift_right_logical3A_457 : i32
        %and3A_459 = arith.constant 31 : i32
        %and3A_460 = arith.andi %add3A_456, %and3A_459 : i32
        %dma_wait3A_461 = arith.constant 0 : i32
        %dma_wait3A_462 = arith.constant 0 : i32
        %dma_wait3A_463 = arith.constant 0 : i32
        %dma_wait3A_464 = tpu.memref_slice %arg12[%dma_wait3A_461, %dma_wait3A_462, %dma_wait3A_463] : memref<8x8x129xf32, #tpu.memory_space<vmem>> -> memref<8x8x128xf32, #tpu.memory_space<vmem>>
        %dma_wait3A_465 = arith.constant 0 : i32
        %dma_wait3A_466 = arith.constant 0 : i32
        %dma_wait3A_467 = arith.constant 0 : i32
        %dma_wait3A_468 = tpu.memref_slice %arg5[%shift_right_logical3A_458, %dma_wait3A_465, %and3A_460, %dma_wait3A_466, %dma_wait3A_467] : memref<200x8x32x8x128xf32, #tpu.memory_space<hbm>> -> memref<1x8x1x8x128xf32, #tpu.memory_space<hbm>>
        %dma_wait3A_469 = tpu.memref_squeeze %dma_wait3A_468 : memref<1x8x1x8x128xf32, #tpu.memory_space<hbm>> -> memref<8x8x128xf32, #tpu.memory_space<hbm>>
        %dma_wait3A_470 = arith.constant 0 : i32
        %dma_wait3A_471 = arith.constant 0 : i32
        %dma_wait3A_472 = arith.constant 0 : i32
        %dma_wait3A_473 = tpu.memref_slice %arg5[%shift_right_logical3A_458, %dma_wait3A_470, %and3A_460, %dma_wait3A_471, %dma_wait3A_472] : memref<200x8x32x8x128xf32, #tpu.memory_space<hbm>> -> memref<1x8x1x8x128xf32, #tpu.memory_space<hbm>>
        %dma_wait3A_474 = tpu.memref_squeeze %dma_wait3A_473 : memref<1x8x1x8x128xf32, #tpu.memory_space<hbm>> -> memref<8x8x128xf32, #tpu.memory_space<hbm>>
        %dma_wait3A_475 = arith.constant 0 : i32
        %dma_wait3A_476 = arith.constant 0 : i32
        %dma_wait3A_477 = arith.constant 0 : i32
        %dma_wait3A_478 = tpu.memref_slice %arg12[%dma_wait3A_475, %dma_wait3A_476, %dma_wait3A_477] : memref<8x8x129xf32, #tpu.memory_space<vmem>> -> memref<8x8x128xf32, #tpu.memory_space<vmem>>
        tpu.wait_dma2 semaphore(%arg20 : memref<!tpu.dma_semaphore, #tpu.memory_space<semaphore_mem>>) src(%dma_wait3A_478 : memref<8x8x128xf32, #tpu.memory_space<vmem>>) dst(%dma_wait3A_474 : memref<8x8x128xf32, #tpu.memory_space<hbm>>)
      } else {
      }
      %parallel_loop3A = arith.constant 0 : i32
      %parallel_loop3A_205 = arith.constant 128 : i32
      %parallel_loop3A_206 = arith.constant 8 : i32
      scf.for %parallel_loop3A_455 = %parallel_loop3A to %parallel_loop3A_205 step %parallel_loop3A_206  : i32 {
        %parallel_loop3A_456 = arith.constant 0 : i32
        %parallel_loop3A_457 = arith.addi %parallel_loop3A_455, %parallel_loop3A_456 : i32
        %parallel_loop3A_458 = arith.constant 0 : i32
        %parallel_loop3A_459 = vector.broadcast %parallel_loop3A_458 : i32 to vector<16xi32>
        %parallel_loop3A_460 = vector.broadcast %parallel_loop3A_457 : i32 to vector<16xi32>
        %parallel_loop3A_461 = arith.addi %parallel_loop3A_459, %parallel_loop3A_460 : vector<16xi32>
        %parallel_loop3A_462 = arith.index_cast %parallel_loop3A_457 : i32 to index
        %parallel_loop3A_463 = arith.constant 0 : index
        %parallel_loop3A_464 = tpu.vector_load %arg8[%parallel_loop3A_462, %parallel_loop3A_463] {strides = array<i32>} : memref<128x64xf32, #tpu.memory_space<vmem>>, vector<16xf32>,
        %parallel_loop3A_465 = arith.addf %parallel_loop3A_464, %get3A_184 : vector<16xf32>
        tpu.vector_store_idx %arg12[%shift_right_logical3A_9, %and3A_32, %parallel_loop3A_461], %parallel_loop3A_465 : memref<8x8x129xf32, #tpu.memory_space<vmem>>[vector<16xi32>, vector<16xi32>, vector<16xi32>], vector<16xf32>,
        %parallel_loop3A_466 = arith.index_cast %parallel_loop3A_457 : i32 to index
        %parallel_loop3A_467 = arith.constant 16 : index
        %parallel_loop3A_468 = tpu.vector_load %arg8[%parallel_loop3A_466, %parallel_loop3A_467] {strides = array<i32>} : memref<128x64xf32, #tpu.memory_space<vmem>>, vector<16xf32>,
        %parallel_loop3A_469 = arith.addf %parallel_loop3A_468, %get3A_190 : vector<16xf32>
        tpu.vector_store_idx %arg12[%shift_right_logical3A_15, %and3A_38, %parallel_loop3A_461], %parallel_loop3A_469 : memref<8x8x129xf32, #tpu.memory_space<vmem>>[vector<16xi32>, vector<16xi32>, vector<16xi32>], vector<16xf32>,
        %parallel_loop3A_470 = arith.index_cast %parallel_loop3A_457 : i32 to index
        %parallel_loop3A_471 = arith.constant 32 : index
        %parallel_loop3A_472 = tpu.vector_load %arg8[%parallel_loop3A_470, %parallel_loop3A_471] {strides = array<i32>} : memref<128x64xf32, #tpu.memory_space<vmem>>, vector<16xf32>,
        %parallel_loop3A_473 = arith.addf %parallel_loop3A_472, %get3A_196 : vector<16xf32>
        tpu.vector_store_idx %arg12[%shift_right_logical3A_21, %and3A_44, %parallel_loop3A_461], %parallel_loop3A_473 : memref<8x8x129xf32, #tpu.memory_space<vmem>>[vector<16xi32>, vector<16xi32>, vector<16xi32>], vector<16xf32>,
        %parallel_loop3A_474 = arith.index_cast %parallel_loop3A_457 : i32 to index
        %parallel_loop3A_475 = arith.constant 48 : index
        %parallel_loop3A_476 = tpu.vector_load %arg8[%parallel_loop3A_474, %parallel_loop3A_475] {strides = array<i32>} : memref<128x64xf32, #tpu.memory_space<vmem>>, vector<16xf32>,
        %parallel_loop3A_477 = arith.addf %parallel_loop3A_476, %get3A_202 : vector<16xf32>
        tpu.vector_store_idx %arg12[%shift_right_logical3A_27, %and3A_50, %parallel_loop3A_461], %parallel_loop3A_477 : memref<8x8x129xf32, #tpu.memory_space<vmem>>[vector<16xi32>, vector<16xi32>, vector<16xi32>], vector<16xf32>,
        %parallel_loop3A_478 = arith.constant 1 : i32
        %parallel_loop3A_479 = arith.addi %parallel_loop3A_455, %parallel_loop3A_478 : i32
        %parallel_loop3A_480 = arith.constant 0 : i32
        %parallel_loop3A_481 = vector.broadcast %parallel_loop3A_480 : i32 to vector<16xi32>
        %parallel_loop3A_482 = vector.broadcast %parallel_loop3A_479 : i32 to vector<16xi32>
        %parallel_loop3A_483 = arith.addi %parallel_loop3A_481, %parallel_loop3A_482 : vector<16xi32>
        %parallel_loop3A_484 = arith.index_cast %parallel_loop3A_479 : i32 to index
        %parallel_loop3A_485 = arith.constant 0 : index
        %parallel_loop3A_486 = tpu.vector_load %arg8[%parallel_loop3A_484, %parallel_loop3A_485] {strides = array<i32>} : memref<128x64xf32, #tpu.memory_space<vmem>>, vector<16xf32>,
        %parallel_loop3A_487 = arith.addf %parallel_loop3A_486, %get3A_184 : vector<16xf32>
        tpu.vector_store_idx %arg12[%shift_right_logical3A_9, %and3A_32, %parallel_loop3A_483], %parallel_loop3A_487 : memref<8x8x129xf32, #tpu.memory_space<vmem>>[vector<16xi32>, vector<16xi32>, vector<16xi32>], vector<16xf32>,
        %parallel_loop3A_488 = arith.index_cast %parallel_loop3A_479 : i32 to index
        %parallel_loop3A_489 = arith.constant 16 : index
        %parallel_loop3A_490 = tpu.vector_load %arg8[%parallel_loop3A_488, %parallel_loop3A_489] {strides = array<i32>} : memref<128x64xf32, #tpu.memory_space<vmem>>, vector<16xf32>,
        %parallel_loop3A_491 = arith.addf %parallel_loop3A_490, %get3A_190 : vector<16xf32>
        tpu.vector_store_idx %arg12[%shift_right_logical3A_15, %and3A_38, %parallel_loop3A_483], %parallel_loop3A_491 : memref<8x8x129xf32, #tpu.memory_space<vmem>>[vector<16xi32>, vector<16xi32>, vector<16xi32>], vector<16xf32>,
        %parallel_loop3A_492 = arith.index_cast %parallel_loop3A_479 : i32 to index
        %parallel_loop3A_493 = arith.constant 32 : index
        %parallel_loop3A_494 = tpu.vector_load %arg8[%parallel_loop3A_492, %parallel_loop3A_493] {strides = array<i32>} : memref<128x64xf32, #tpu.memory_space<vmem>>, vector<16xf32>,
        %parallel_loop3A_495 = arith.addf %parallel_loop3A_494, %get3A_196 : vector<16xf32>
        tpu.vector_store_idx %arg12[%shift_right_logical3A_21, %and3A_44, %parallel_loop3A_483], %parallel_loop3A_495 : memref<8x8x129xf32, #tpu.memory_space<vmem>>[vector<16xi32>, vector<16xi32>, vector<16xi32>], vector<16xf32>,
        %parallel_loop3A_496 = arith.index_cast %parallel_loop3A_479 : i32 to index
        %parallel_loop3A_497 = arith.constant 48 : index
        %parallel_loop3A_498 = tpu.vector_load %arg8[%parallel_loop3A_496, %parallel_loop3A_497] {strides = array<i32>} : memref<128x64xf32, #tpu.memory_space<vmem>>, vector<16xf32>,
        %parallel_loop3A_499 = arith.addf %parallel_loop3A_498, %get3A_202 : vector<16xf32>
        tpu.vector_store_idx %arg12[%shift_right_logical3A_27, %and3A_50, %parallel_loop3A_483], %parallel_loop3A_499 : memref<8x8x129xf32, #tpu.memory_space<vmem>>[vector<16xi32>, vector<16xi32>, vector<16xi32>], vector<16xf32>,
        %parallel_loop3A_500 = arith.constant 2 : i32
        %parallel_loop3A_501 = arith.addi %parallel_loop3A_455, %parallel_loop3A_500 : i32
        %parallel_loop3A_502 = arith.constant 0 : i32
        %parallel_loop3A_503 = vector.broadcast %parallel_loop3A_502 : i32 to vector<16xi32>
        %parallel_loop3A_504 = vector.broadcast %parallel_loop3A_501 : i32 to vector<16xi32>
        %parallel_loop3A_505 = arith.addi %parallel_loop3A_503, %parallel_loop3A_504 : vector<16xi32>
        %parallel_loop3A_506 = arith.index_cast %parallel_loop3A_501 : i32 to index
        %parallel_loop3A_507 = arith.constant 0 : index
        %parallel_loop3A_508 = tpu.vector_load %arg8[%parallel_loop3A_506, %parallel_loop3A_507] {strides = array<i32>} : memref<128x64xf32, #tpu.memory_space<vmem>>, vector<16xf32>,
        %parallel_loop3A_509 = arith.addf %parallel_loop3A_508, %get3A_184 : vector<16xf32>
        tpu.vector_store_idx %arg12[%shift_right_logical3A_9, %and3A_32, %parallel_loop3A_505], %parallel_loop3A_509 : memref<8x8x129xf32, #tpu.memory_space<vmem>>[vector<16xi32>, vector<16xi32>, vector<16xi32>], vector<16xf32>,
        %parallel_loop3A_510 = arith.index_cast %parallel_loop3A_501 : i32 to index
        %parallel_loop3A_511 = arith.constant 16 : index
        %parallel_loop3A_512 = tpu.vector_load %arg8[%parallel_loop3A_510, %parallel_loop3A_511] {strides = array<i32>} : memref<128x64xf32, #tpu.memory_space<vmem>>, vector<16xf32>,
        %parallel_loop3A_513 = arith.addf %parallel_loop3A_512, %get3A_190 : vector<16xf32>
        tpu.vector_store_idx %arg12[%shift_right_logical3A_15, %and3A_38, %parallel_loop3A_505], %parallel_loop3A_513 : memref<8x8x129xf32, #tpu.memory_space<vmem>>[vector<16xi32>, vector<16xi32>, vector<16xi32>], vector<16xf32>,
        %parallel_loop3A_514 = arith.index_cast %parallel_loop3A_501 : i32 to index
        %parallel_loop3A_515 = arith.constant 32 : index
        %parallel_loop3A_516 = tpu.vector_load %arg8[%parallel_loop3A_514, %parallel_loop3A_515] {strides = array<i32>} : memref<128x64xf32, #tpu.memory_space<vmem>>, vector<16xf32>,
        %parallel_loop3A_517 = arith.addf %parallel_loop3A_516, %get3A_196 : vector<16xf32>
        tpu.vector_store_idx %arg12[%shift_right_logical3A_21, %and3A_44, %parallel_loop3A_505], %parallel_loop3A_517 : memref<8x8x129xf32, #tpu.memory_space<vmem>>[vector<16xi32>, vector<16xi32>, vector<16xi32>], vector<16xf32>,
        %parallel_loop3A_518 = arith.index_cast %parallel_loop3A_501 : i32 to index
        %parallel_loop3A_519 = arith.constant 48 : index
        %parallel_loop3A_520 = tpu.vector_load %arg8[%parallel_loop3A_518, %parallel_loop3A_519] {strides = array<i32>} : memref<128x64xf32, #tpu.memory_space<vmem>>, vector<16xf32>,
        %parallel_loop3A_521 = arith.addf %parallel_loop3A_520, %get3A_202 : vector<16xf32>
        tpu.vector_store_idx %arg12[%shift_right_logical3A_27, %and3A_50, %parallel_loop3A_505], %parallel_loop3A_521 : memref<8x8x129xf32, #tpu.memory_space<vmem>>[vector<16xi32>, vector<16xi32>, vector<16xi32>], vector<16xf32>,
        %parallel_loop3A_522 = arith.constant 3 : i32
        %parallel_loop3A_523 = arith.addi %parallel_loop3A_455, %parallel_loop3A_522 : i32
        %parallel_loop3A_524 = arith.constant 0 : i32
        %parallel_loop3A_525 = vector.broadcast %parallel_loop3A_524 : i32 to vector<16xi32>
        %parallel_loop3A_526 = vector.broadcast %parallel_loop3A_523 : i32 to vector<16xi32>
        %parallel_loop3A_527 = arith.addi %parallel_loop3A_525, %parallel_loop3A_526 : vector<16xi32>
        %parallel_loop3A_528 = arith.index_cast %parallel_loop3A_523 : i32 to index
        %parallel_loop3A_529 = arith.constant 0 : index
        %parallel_loop3A_530 = tpu.vector_load %arg8[%parallel_loop3A_528, %parallel_loop3A_529] {strides = array<i32>} : memref<128x64xf32, #tpu.memory_space<vmem>>, vector<16xf32>,
        %parallel_loop3A_531 = arith.addf %parallel_loop3A_530, %get3A_184 : vector<16xf32>
        tpu.vector_store_idx %arg12[%shift_right_logical3A_9, %and3A_32, %parallel_loop3A_527], %parallel_loop3A_531 : memref<8x8x129xf32, #tpu.memory_space<vmem>>[vector<16xi32>, vector<16xi32>, vector<16xi32>], vector<16xf32>,
        %parallel_loop3A_532 = arith.index_cast %parallel_loop3A_523 : i32 to index
        %parallel_loop3A_533 = arith.constant 16 : index
        %parallel_loop3A_534 = tpu.vector_load %arg8[%parallel_loop3A_532, %parallel_loop3A_533] {strides = array<i32>} : memref<128x64xf32, #tpu.memory_space<vmem>>, vector<16xf32>,
        %parallel_loop3A_535 = arith.addf %parallel_loop3A_534, %get3A_190 : vector<16xf32>
        tpu.vector_store_idx %arg12[%shift_right_logical3A_15, %and3A_38, %parallel_loop3A_527], %parallel_loop3A_535 : memref<8x8x129xf32, #tpu.memory_space<vmem>>[vector<16xi32>, vector<16xi32>, vector<16xi32>], vector<16xf32>,
        %parallel_loop3A_536 = arith.index_cast %parallel_loop3A_523 : i32 to index
        %parallel_loop3A_537 = arith.constant 32 : index
        %parallel_loop3A_538 = tpu.vector_load %arg8[%parallel_loop3A_536, %parallel_loop3A_537] {strides = array<i32>} : memref<128x64xf32, #tpu.memory_space<vmem>>, vector<16xf32>,
        %parallel_loop3A_539 = arith.addf %parallel_loop3A_538, %get3A_196 : vector<16xf32>
        tpu.vector_store_idx %arg12[%shift_right_logical3A_21, %and3A_44, %parallel_loop3A_527], %parallel_loop3A_539 : memref<8x8x129xf32, #tpu.memory_space<vmem>>[vector<16xi32>, vector<16xi32>, vector<16xi32>], vector<16xf32>,
        %parallel_loop3A_540 = arith.index_cast %parallel_loop3A_523 : i32 to index
        %parallel_loop3A_541 = arith.constant 48 : index
        %parallel_loop3A_542 = tpu.vector_load %arg8[%parallel_loop3A_540, %parallel_loop3A_541] {strides = array<i32>} : memref<128x64xf32, #tpu.memory_space<vmem>>, vector<16xf32>,
        %parallel_loop3A_543 = arith.addf %parallel_loop3A_542, %get3A_202 : vector<16xf32>
        tpu.vector_store_idx %arg12[%shift_right_logical3A_27, %and3A_50, %parallel_loop3A_527], %parallel_loop3A_543 : memref<8x8x129xf32, #tpu.memory_space<vmem>>[vector<16xi32>, vector<16xi32>, vector<16xi32>], vector<16xf32>,
        %parallel_loop3A_544 = arith.constant 4 : i32
        %parallel_loop3A_545 = arith.addi %parallel_loop3A_455, %parallel_loop3A_544 : i32
        %parallel_loop3A_546 = arith.constant 0 : i32
        %parallel_loop3A_547 = vector.broadcast %parallel_loop3A_546 : i32 to vector<16xi32>
        %parallel_loop3A_548 = vector.broadcast %parallel_loop3A_545 : i32 to vector<16xi32>
        %parallel_loop3A_549 = arith.addi %parallel_loop3A_547, %parallel_loop3A_548 : vector<16xi32>
        %parallel_loop3A_550 = arith.index_cast %parallel_loop3A_545 : i32 to index
        %parallel_loop3A_551 = arith.constant 0 : index
        %parallel_loop3A_552 = tpu.vector_load %arg8[%parallel_loop3A_550, %parallel_loop3A_551] {strides = array<i32>} : memref<128x64xf32, #tpu.memory_space<vmem>>, vector<16xf32>,
        %parallel_loop3A_553 = arith.addf %parallel_loop3A_552, %get3A_184 : vector<16xf32>
        tpu.vector_store_idx %arg12[%shift_right_logical3A_9, %and3A_32, %parallel_loop3A_549], %parallel_loop3A_553 : memref<8x8x129xf32, #tpu.memory_space<vmem>>[vector<16xi32>, vector<16xi32>, vector<16xi32>], vector<16xf32>,
        %parallel_loop3A_554 = arith.index_cast %parallel_loop3A_545 : i32 to index
        %parallel_loop3A_555 = arith.constant 16 : index
        %parallel_loop3A_556 = tpu.vector_load %arg8[%parallel_loop3A_554, %parallel_loop3A_555] {strides = array<i32>} : memref<128x64xf32, #tpu.memory_space<vmem>>, vector<16xf32>,
        %parallel_loop3A_557 = arith.addf %parallel_loop3A_556, %get3A_190 : vector<16xf32>
        tpu.vector_store_idx %arg12[%shift_right_logical3A_15, %and3A_38, %parallel_loop3A_549], %parallel_loop3A_557 : memref<8x8x129xf32, #tpu.memory_space<vmem>>[vector<16xi32>, vector<16xi32>, vector<16xi32>], vector<16xf32>,
        %parallel_loop3A_558 = arith.index_cast %parallel_loop3A_545 : i32 to index
        %parallel_loop3A_559 = arith.constant 32 : index
        %parallel_loop3A_560 = tpu.vector_load %arg8[%parallel_loop3A_558, %parallel_loop3A_559] {strides = array<i32>} : memref<128x64xf32, #tpu.memory_space<vmem>>, vector<16xf32>,
        %parallel_loop3A_561 = arith.addf %parallel_loop3A_560, %get3A_196 : vector<16xf32>
        tpu.vector_store_idx %arg12[%shift_right_logical3A_21, %and3A_44, %parallel_loop3A_549], %parallel_loop3A_561 : memref<8x8x129xf32, #tpu.memory_space<vmem>>[vector<16xi32>, vector<16xi32>, vector<16xi32>], vector<16xf32>,
        %parallel_loop3A_562 = arith.index_cast %parallel_loop3A_545 : i32 to index
        %parallel_loop3A_563 = arith.constant 48 : index
        %parallel_loop3A_564 = tpu.vector_load %arg8[%parallel_loop3A_562, %parallel_loop3A_563] {strides = array<i32>} : memref<128x64xf32, #tpu.memory_space<vmem>>, vector<16xf32>,
        %parallel_loop3A_565 = arith.addf %parallel_loop3A_564, %get3A_202 : vector<16xf32>
        tpu.vector_store_idx %arg12[%shift_right_logical3A_27, %and3A_50, %parallel_loop3A_549], %parallel_loop3A_565 : memref<8x8x129xf32, #tpu.memory_space<vmem>>[vector<16xi32>, vector<16xi32>, vector<16xi32>], vector<16xf32>,
        %parallel_loop3A_566 = arith.constant 5 : i32
        %parallel_loop3A_567 = arith.addi %parallel_loop3A_455, %parallel_loop3A_566 : i32
        %parallel_loop3A_568 = arith.constant 0 : i32
        %parallel_loop3A_569 = vector.broadcast %parallel_loop3A_568 : i32 to vector<16xi32>
        %parallel_loop3A_570 = vector.broadcast %parallel_loop3A_567 : i32 to vector<16xi32>
        %parallel_loop3A_571 = arith.addi %parallel_loop3A_569, %parallel_loop3A_570 : vector<16xi32>
        %parallel_loop3A_572 = arith.index_cast %parallel_loop3A_567 : i32 to index
        %parallel_loop3A_573 = arith.constant 0 : index
        %parallel_loop3A_574 = tpu.vector_load %arg8[%parallel_loop3A_572, %parallel_loop3A_573] {strides = array<i32>} : memref<128x64xf32, #tpu.memory_space<vmem>>, vector<16xf32>,
        %parallel_loop3A_575 = arith.addf %parallel_loop3A_574, %get3A_184 : vector<16xf32>
        tpu.vector_store_idx %arg12[%shift_right_logical3A_9, %and3A_32, %parallel_loop3A_571], %parallel_loop3A_575 : memref<8x8x129xf32, #tpu.memory_space<vmem>>[vector<16xi32>, vector<16xi32>, vector<16xi32>], vector<16xf32>,
        %parallel_loop3A_576 = arith.index_cast %parallel_loop3A_567 : i32 to index
        %parallel_loop3A_577 = arith.constant 16 : index
        %parallel_loop3A_578 = tpu.vector_load %arg8[%parallel_loop3A_576, %parallel_loop3A_577] {strides = array<i32>} : memref<128x64xf32, #tpu.memory_space<vmem>>, vector<16xf32>,
        %parallel_loop3A_579 = arith.addf %parallel_loop3A_578, %get3A_190 : vector<16xf32>
        tpu.vector_store_idx %arg12[%shift_right_logical3A_15, %and3A_38, %parallel_loop3A_571], %parallel_loop3A_579 : memref<8x8x129xf32, #tpu.memory_space<vmem>>[vector<16xi32>, vector<16xi32>, vector<16xi32>], vector<16xf32>,
        %parallel_loop3A_580 = arith.index_cast %parallel_loop3A_567 : i32 to index
        %parallel_loop3A_581 = arith.constant 32 : index
        %parallel_loop3A_582 = tpu.vector_load %arg8[%parallel_loop3A_580, %parallel_loop3A_581] {strides = array<i32>} : memref<128x64xf32, #tpu.memory_space<vmem>>, vector<16xf32>,
        %parallel_loop3A_583 = arith.addf %parallel_loop3A_582, %get3A_196 : vector<16xf32>
        tpu.vector_store_idx %arg12[%shift_right_logical3A_21, %and3A_44, %parallel_loop3A_571], %parallel_loop3A_583 : memref<8x8x129xf32, #tpu.memory_space<vmem>>[vector<16xi32>, vector<16xi32>, vector<16xi32>], vector<16xf32>,
        %parallel_loop3A_584 = arith.index_cast %parallel_loop3A_567 : i32 to index
        %parallel_loop3A_585 = arith.constant 48 : index
        %parallel_loop3A_586 = tpu.vector_load %arg8[%parallel_loop3A_584, %parallel_loop3A_585] {strides = array<i32>} : memref<128x64xf32, #tpu.memory_space<vmem>>, vector<16xf32>,
        %parallel_loop3A_587 = arith.addf %parallel_loop3A_586, %get3A_202 : vector<16xf32>
        tpu.vector_store_idx %arg12[%shift_right_logical3A_27, %and3A_50, %parallel_loop3A_571], %parallel_loop3A_587 : memref<8x8x129xf32, #tpu.memory_space<vmem>>[vector<16xi32>, vector<16xi32>, vector<16xi32>], vector<16xf32>,
        %parallel_loop3A_588 = arith.constant 6 : i32
        %parallel_loop3A_589 = arith.addi %parallel_loop3A_455, %parallel_loop3A_588 : i32
        %parallel_loop3A_590 = arith.constant 0 : i32
        %parallel_loop3A_591 = vector.broadcast %parallel_loop3A_590 : i32 to vector<16xi32>
        %parallel_loop3A_592 = vector.broadcast %parallel_loop3A_589 : i32 to vector<16xi32>
        %parallel_loop3A_593 = arith.addi %parallel_loop3A_591, %parallel_loop3A_592 : vector<16xi32>
        %parallel_loop3A_594 = arith.index_cast %parallel_loop3A_589 : i32 to index
        %parallel_loop3A_595 = arith.constant 0 : index
        %parallel_loop3A_596 = tpu.vector_load %arg8[%parallel_loop3A_594, %parallel_loop3A_595] {strides = array<i32>} : memref<128x64xf32, #tpu.memory_space<vmem>>, vector<16xf32>,
        %parallel_loop3A_597 = arith.addf %parallel_loop3A_596, %get3A_184 : vector<16xf32>
        tpu.vector_store_idx %arg12[%shift_right_logical3A_9, %and3A_32, %parallel_loop3A_593], %parallel_loop3A_597 : memref<8x8x129xf32, #tpu.memory_space<vmem>>[vector<16xi32>, vector<16xi32>, vector<16xi32>], vector<16xf32>,
        %parallel_loop3A_598 = arith.index_cast %parallel_loop3A_589 : i32 to index
        %parallel_loop3A_599 = arith.constant 16 : index
        %parallel_loop3A_600 = tpu.vector_load %arg8[%parallel_loop3A_598, %parallel_loop3A_599] {strides = array<i32>} : memref<128x64xf32, #tpu.memory_space<vmem>>, vector<16xf32>,
        %parallel_loop3A_601 = arith.addf %parallel_loop3A_600, %get3A_190 : vector<16xf32>
        tpu.vector_store_idx %arg12[%shift_right_logical3A_15, %and3A_38, %parallel_loop3A_593], %parallel_loop3A_601 : memref<8x8x129xf32, #tpu.memory_space<vmem>>[vector<16xi32>, vector<16xi32>, vector<16xi32>], vector<16xf32>,
        %parallel_loop3A_602 = arith.index_cast %parallel_loop3A_589 : i32 to index
        %parallel_loop3A_603 = arith.constant 32 : index
        %parallel_loop3A_604 = tpu.vector_load %arg8[%parallel_loop3A_602, %parallel_loop3A_603] {strides = array<i32>} : memref<128x64xf32, #tpu.memory_space<vmem>>, vector<16xf32>,
        %parallel_loop3A_605 = arith.addf %parallel_loop3A_604, %get3A_196 : vector<16xf32>
        tpu.vector_store_idx %arg12[%shift_right_logical3A_21, %and3A_44, %parallel_loop3A_593], %parallel_loop3A_605 : memref<8x8x129xf32, #tpu.memory_space<vmem>>[vector<16xi32>, vector<16xi32>, vector<16xi32>], vector<16xf32>,
        %parallel_loop3A_606 = arith.index_cast %parallel_loop3A_589 : i32 to index
        %parallel_loop3A_607 = arith.constant 48 : index
        %parallel_loop3A_608 = tpu.vector_load %arg8[%parallel_loop3A_606, %parallel_loop3A_607] {strides = array<i32>} : memref<128x64xf32, #tpu.memory_space<vmem>>, vector<16xf32>,
        %parallel_loop3A_609 = arith.addf %parallel_loop3A_608, %get3A_202 : vector<16xf32>
        tpu.vector_store_idx %arg12[%shift_right_logical3A_27, %and3A_50, %parallel_loop3A_593], %parallel_loop3A_609 : memref<8x8x129xf32, #tpu.memory_space<vmem>>[vector<16xi32>, vector<16xi32>, vector<16xi32>], vector<16xf32>,
        %parallel_loop3A_610 = arith.constant 7 : i32
        %parallel_loop3A_611 = arith.addi %parallel_loop3A_455, %parallel_loop3A_610 : i32
        %parallel_loop3A_612 = arith.constant 0 : i32
        %parallel_loop3A_613 = vector.broadcast %parallel_loop3A_612 : i32 to vector<16xi32>
        %parallel_loop3A_614 = vector.broadcast %parallel_loop3A_611 : i32 to vector<16xi32>
        %parallel_loop3A_615 = arith.addi %parallel_loop3A_613, %parallel_loop3A_614 : vector<16xi32>
        %parallel_loop3A_616 = arith.index_cast %parallel_loop3A_611 : i32 to index
        %parallel_loop3A_617 = arith.constant 0 : index
        %parallel_loop3A_618 = tpu.vector_load %arg8[%parallel_loop3A_616, %parallel_loop3A_617] {strides = array<i32>} : memref<128x64xf32, #tpu.memory_space<vmem>>, vector<16xf32>,
        %parallel_loop3A_619 = arith.addf %parallel_loop3A_618, %get3A_184 : vector<16xf32>
        tpu.vector_store_idx %arg12[%shift_right_logical3A_9, %and3A_32, %parallel_loop3A_615], %parallel_loop3A_619 : memref<8x8x129xf32, #tpu.memory_space<vmem>>[vector<16xi32>, vector<16xi32>, vector<16xi32>], vector<16xf32>,
        %parallel_loop3A_620 = arith.index_cast %parallel_loop3A_611 : i32 to index
        %parallel_loop3A_621 = arith.constant 16 : index
        %parallel_loop3A_622 = tpu.vector_load %arg8[%parallel_loop3A_620, %parallel_loop3A_621] {strides = array<i32>} : memref<128x64xf32, #tpu.memory_space<vmem>>, vector<16xf32>,
        %parallel_loop3A_623 = arith.addf %parallel_loop3A_622, %get3A_190 : vector<16xf32>
        tpu.vector_store_idx %arg12[%shift_right_logical3A_15, %and3A_38, %parallel_loop3A_615], %parallel_loop3A_623 : memref<8x8x129xf32, #tpu.memory_space<vmem>>[vector<16xi32>, vector<16xi32>, vector<16xi32>], vector<16xf32>,
        %parallel_loop3A_624 = arith.index_cast %parallel_loop3A_611 : i32 to index
        %parallel_loop3A_625 = arith.constant 32 : index
        %parallel_loop3A_626 = tpu.vector_load %arg8[%parallel_loop3A_624, %parallel_loop3A_625] {strides = array<i32>} : memref<128x64xf32, #tpu.memory_space<vmem>>, vector<16xf32>,
        %parallel_loop3A_627 = arith.addf %parallel_loop3A_626, %get3A_196 : vector<16xf32>
        tpu.vector_store_idx %arg12[%shift_right_logical3A_21, %and3A_44, %parallel_loop3A_615], %parallel_loop3A_627 : memref<8x8x129xf32, #tpu.memory_space<vmem>>[vector<16xi32>, vector<16xi32>, vector<16xi32>], vector<16xf32>,
        %parallel_loop3A_628 = arith.index_cast %parallel_loop3A_611 : i32 to index
        %parallel_loop3A_629 = arith.constant 48 : index
        %parallel_loop3A_630 = tpu.vector_load %arg8[%parallel_loop3A_628, %parallel_loop3A_629] {strides = array<i32>} : memref<128x64xf32, #tpu.memory_space<vmem>>, vector<16xf32>,
        %parallel_loop3A_631 = arith.addf %parallel_loop3A_630, %get3A_202 : vector<16xf32>
        tpu.vector_store_idx %arg12[%shift_right_logical3A_27, %and3A_50, %parallel_loop3A_615], %parallel_loop3A_631 : memref<8x8x129xf32, #tpu.memory_space<vmem>>[vector<16xi32>, vector<16xi32>, vector<16xi32>], vector<16xf32>,
      } {sc.loop_unroll_factor = 1 : i64, sc.parallel_access}
      %add3A_207 = arith.addi %mul3A_2, %add3A_170 : i32
      %shift_right_logical3A_208 = arith.constant 5 : i32
      %shift_right_logical3A_209 = arith.shrui %add3A_207, %shift_right_logical3A_208 : i32
      %and3A_210 = arith.constant 31 : i32
      %and3A_211 = arith.andi %add3A_207, %and3A_210 : i32
      %dma_start3A_212 = arith.constant 0 : i32
      %dma_start3A_213 = arith.constant 0 : i32
      %dma_start3A_214 = arith.constant 0 : i32
      %dma_start3A_215 = tpu.memref_slice %arg12[%dma_start3A_212, %dma_start3A_213, %dma_start3A_214] : memref<8x8x129xf32, #tpu.memory_space<vmem>> -> memref<8x8x128xf32, #tpu.memory_space<vmem>>
      %dma_start3A_216 = arith.constant 0 : i32
      %dma_start3A_217 = arith.constant 0 : i32
      %dma_start3A_218 = arith.constant 0 : i32
      %dma_start3A_219 = tpu.memref_slice %arg5[%shift_right_logical3A_209, %dma_start3A_216, %and3A_211, %dma_start3A_217, %dma_start3A_218] : memref<200x8x32x8x128xf32, #tpu.memory_space<hbm>> -> memref<1x8x1x8x128xf32, #tpu.memory_space<hbm>>
      %dma_start3A_220 = tpu.memref_squeeze %dma_start3A_219 : memref<1x8x1x8x128xf32, #tpu.memory_space<hbm>> -> memref<8x8x128xf32, #tpu.memory_space<hbm>>
      %dma_start3A_221 = arith.constant 0 : i32
      %dma_start3A_222 = arith.constant 0 : i32
      %dma_start3A_223 = arith.constant 0 : i32
      %dma_start3A_224 = tpu.memref_slice %arg5[%shift_right_logical3A_209, %dma_start3A_221, %and3A_211, %dma_start3A_222, %dma_start3A_223] : memref<200x8x32x8x128xf32, #tpu.memory_space<hbm>> -> memref<1x8x1x8x128xf32, #tpu.memory_space<hbm>>
      %dma_start3A_225 = tpu.memref_squeeze %dma_start3A_224 : memref<1x8x1x8x128xf32, #tpu.memory_space<hbm>> -> memref<8x8x128xf32, #tpu.memory_space<hbm>>
      %dma_start3A_226 = arith.constant 0 : i32
      %dma_start3A_227 = arith.constant 0 : i32
      %dma_start3A_228 = arith.constant 0 : i32
      %dma_start3A_229 = tpu.memref_slice %arg12[%dma_start3A_226, %dma_start3A_227, %dma_start3A_228] : memref<8x8x129xf32, #tpu.memory_space<vmem>> -> memref<8x8x128xf32, #tpu.memory_space<vmem>>
      tpu.enqueue_dma source(%dma_start3A_229 : memref<8x8x128xf32, #tpu.memory_space<vmem>>) target(%dma_start3A_225 : memref<8x8x128xf32, #tpu.memory_space<hbm>>) target_semaphore(%arg20 : memref<!tpu.dma_semaphore, #tpu.memory_space<semaphore_mem>>)
      %add3A_230 = arith.constant 3 : i32
      %add3A_231 = arith.addi %add3A_170, %add3A_230 : i32
      %lt3A = arith.constant 200 : i32
      %lt3A_232 = arith.cmpi slt, %add3A_231, %lt3A : i32
      %convert_element_type3A_233 = arith.extui %lt3A_232 : i1 to i32
      %cond3A_234 = arith.constant 0 : i32
      %cond3A_235 = arith.cmpi ne, %convert_element_type3A_233, %cond3A_234 : i32
      scf.if %cond3A_235 {
        %mul3A_455 = arith.constant 128 : i32
        %mul3A_456 = arith.muli %add3A_231, %mul3A_455 : i32
        %dma_start3A_457 = tpu.memref_slice %arg6[%mul3A_456] : memref<25600xi32, #tpu.memory_space<vmem>> -> memref<128xi32, #tpu.memory_space<vmem>>
        %dma_start3A_458 = arith.constant 0 : i32
        %dma_start3A_459 = arith.constant 0 : i32
        %dma_start3A_460 = tpu.memref_slice %arg2[%dma_start3A_458, %dma_start3A_459] : memref<100000x64xf32, #tpu.memory_space<hbm>> -> memref<100000x64xf32, #tpu.memory_space<hbm>>
        tpu.enqueue_indirect_dma source(%dma_start3A_460 : memref<100000x64xf32, #tpu.memory_space<hbm>>) target(%arg11 : memref<128x64xf32, #tpu.memory_space<vmem>>) offsets(%dma_start3A_457 : memref<128xi32, #tpu.memory_space<vmem>>) semaphore(%arg19 : memref<!tpu.dma_semaphore, #tpu.memory_space<semaphore_mem>>)
      } else {
      }
      %add3A_236 = arith.constant 1 : i32
      %add3A_237 = arith.addi %add3A_168, %add3A_236 : i32
      %mul3A_238 = arith.constant 128 : i32
      %mul3A_239 = arith.muli %add3A_237, %mul3A_238 : i32
      %dma_wait3A_240 = tpu.memref_slice %arg6[%mul3A_239] : memref<25600xi32, #tpu.memory_space<vmem>> -> memref<128xi32, #tpu.memory_space<vmem>>
      %dma_wait3A_241 = arith.constant 0 : i32
      %dma_wait3A_242 = arith.constant 0 : i32
      %dma_wait3A_243 = tpu.memref_slice %arg2[%dma_wait3A_241, %dma_wait3A_242] : memref<100000x64xf32, #tpu.memory_space<hbm>> -> memref<100000x64xf32, #tpu.memory_space<hbm>>
      tpu.wait_indirect_dma semaphore(%arg17 : memref<!tpu.dma_semaphore, #tpu.memory_space<semaphore_mem>>) src(%dma_wait3A_243 : memref<100000x64xf32, #tpu.memory_space<hbm>>) dst(%arg9 : memref<128x64xf32, #tpu.memory_space<vmem>>)
      %add3A_244 = arith.addi %mul3A_2, %add3A_237 : i32
      %shift_right_logical3A_245 = arith.constant 5 : i32
      %shift_right_logical3A_246 = arith.shrui %add3A_244, %shift_right_logical3A_245 : i32
      %mul3A_247 = arith.constant 64 : i32
      %mul3A_248 = arith.muli %shift_right_logical3A_246, %mul3A_247 : i32
      %add3A_249 = arith.constant 0 : i32
      %add3A_250 = arith.addi %mul3A_248, %add3A_249 : i32
      %get3A_251 = arith.index_cast %add3A_250 : i32 to index
      %get3A_252 = tpu.vector_load %arg7[%get3A_251] {strides = array<i32>} : memref<12800xf32, #tpu.memory_space<vmem>>, vector<16xf32>,
      %mul3A_253 = arith.constant 64 : i32
      %mul3A_254 = arith.muli %shift_right_logical3A_246, %mul3A_253 : i32
      %add3A_255 = arith.constant 16 : i32
      %add3A_256 = arith.addi %mul3A_254, %add3A_255 : i32
      %get3A_257 = arith.index_cast %add3A_256 : i32 to index
      %get3A_258 = tpu.vector_load %arg7[%get3A_257] {strides = array<i32>} : memref<12800xf32, #tpu.memory_space<vmem>>, vector<16xf32>,
      %mul3A_259 = arith.constant 64 : i32
      %mul3A_260 = arith.muli %shift_right_logical3A_246, %mul3A_259 : i32
      %add3A_261 = arith.constant 32 : i32
      %add3A_262 = arith.addi %mul3A_260, %add3A_261 : i32
      %get3A_263 = arith.index_cast %add3A_262 : i32 to index
      %get3A_264 = tpu.vector_load %arg7[%get3A_263] {strides = array<i32>} : memref<12800xf32, #tpu.memory_space<vmem>>, vector<16xf32>,
      %mul3A_265 = arith.constant 64 : i32
      %mul3A_266 = arith.muli %shift_right_logical3A_246, %mul3A_265 : i32
      %add3A_267 = arith.constant 48 : i32
      %add3A_268 = arith.addi %mul3A_266, %add3A_267 : i32
      %get3A_269 = arith.index_cast %add3A_268 : i32 to index
      %get3A_270 = tpu.vector_load %arg7[%get3A_269] {strides = array<i32>} : memref<12800xf32, #tpu.memory_space<vmem>>, vector<16xf32>,
      %ge3A_271 = arith.constant 4 : i32
      %ge3A_272 = arith.cmpi sge, %add3A_237, %ge3A_271 : i32
      %convert_element_type3A_273 = arith.extui %ge3A_272 : i1 to i32
      %cond3A_274 = arith.constant 0 : i32
      %cond3A_275 = arith.cmpi ne, %convert_element_type3A_273, %cond3A_274 : i32
      scf.if %cond3A_275 {
        %sub3A = arith.constant 4 : i32
        %sub3A_455 = arith.subi %add3A_237, %sub3A : i32
        %add3A_456 = arith.addi %mul3A_2, %sub3A_455 : i32
        %shift_right_logical3A_457 = arith.constant 5 : i32
        %shift_right_logical3A_458 = arith.shrui %add3A_456, %shift_right_logical3A_457 : i32
        %and3A_459 = arith.constant 31 : i32
        %and3A_460 = arith.andi %add3A_456, %and3A_459 : i32
        %dma_wait3A_461 = arith.constant 0 : i32
        %dma_wait3A_462 = arith.constant 0 : i32
        %dma_wait3A_463 = arith.constant 0 : i32
        %dma_wait3A_464 = tpu.memref_slice %arg13[%dma_wait3A_461, %dma_wait3A_462, %dma_wait3A_463] : memref<8x8x129xf32, #tpu.memory_space<vmem>> -> memref<8x8x128xf32, #tpu.memory_space<vmem>>
        %dma_wait3A_465 = arith.constant 0 : i32
        %dma_wait3A_466 = arith.constant 0 : i32
        %dma_wait3A_467 = arith.constant 0 : i32
        %dma_wait3A_468 = tpu.memref_slice %arg5[%shift_right_logical3A_458, %dma_wait3A_465, %and3A_460, %dma_wait3A_466, %dma_wait3A_467] : memref<200x8x32x8x128xf32, #tpu.memory_space<hbm>> -> memref<1x8x1x8x128xf32, #tpu.memory_space<hbm>>
        %dma_wait3A_469 = tpu.memref_squeeze %dma_wait3A_468 : memref<1x8x1x8x128xf32, #tpu.memory_space<hbm>> -> memref<8x8x128xf32, #tpu.memory_space<hbm>>
        %dma_wait3A_470 = arith.constant 0 : i32
        %dma_wait3A_471 = arith.constant 0 : i32
        %dma_wait3A_472 = arith.constant 0 : i32
        %dma_wait3A_473 = tpu.memref_slice %arg5[%shift_right_logical3A_458, %dma_wait3A_470, %and3A_460, %dma_wait3A_471, %dma_wait3A_472] : memref<200x8x32x8x128xf32, #tpu.memory_space<hbm>> -> memref<1x8x1x8x128xf32, #tpu.memory_space<hbm>>
        %dma_wait3A_474 = tpu.memref_squeeze %dma_wait3A_473 : memref<1x8x1x8x128xf32, #tpu.memory_space<hbm>> -> memref<8x8x128xf32, #tpu.memory_space<hbm>>
        %dma_wait3A_475 = arith.constant 0 : i32
        %dma_wait3A_476 = arith.constant 0 : i32
        %dma_wait3A_477 = arith.constant 0 : i32
        %dma_wait3A_478 = tpu.memref_slice %arg13[%dma_wait3A_475, %dma_wait3A_476, %dma_wait3A_477] : memref<8x8x129xf32, #tpu.memory_space<vmem>> -> memref<8x8x128xf32, #tpu.memory_space<vmem>>
        tpu.wait_dma2 semaphore(%arg21 : memref<!tpu.dma_semaphore, #tpu.memory_space<semaphore_mem>>) src(%dma_wait3A_478 : memref<8x8x128xf32, #tpu.memory_space<vmem>>) dst(%dma_wait3A_474 : memref<8x8x128xf32, #tpu.memory_space<hbm>>)
      } else {
      }
      %parallel_loop3A_276 = arith.constant 0 : i32
      %parallel_loop3A_277 = arith.constant 128 : i32
      %parallel_loop3A_278 = arith.constant 8 : i32
      scf.for %parallel_loop3A_455 = %parallel_loop3A_276 to %parallel_loop3A_277 step %parallel_loop3A_278  : i32 {
        %parallel_loop3A_456 = arith.constant 0 : i32
        %parallel_loop3A_457 = arith.addi %parallel_loop3A_455, %parallel_loop3A_456 : i32
        %parallel_loop3A_458 = arith.constant 0 : i32
        %parallel_loop3A_459 = vector.broadcast %parallel_loop3A_458 : i32 to vector<16xi32>
        %parallel_loop3A_460 = vector.broadcast %parallel_loop3A_457 : i32 to vector<16xi32>
        %parallel_loop3A_461 = arith.addi %parallel_loop3A_459, %parallel_loop3A_460 : vector<16xi32>
        %parallel_loop3A_462 = arith.index_cast %parallel_loop3A_457 : i32 to index
        %parallel_loop3A_463 = arith.constant 0 : index
        %parallel_loop3A_464 = tpu.vector_load %arg9[%parallel_loop3A_462, %parallel_loop3A_463] {strides = array<i32>} : memref<128x64xf32, #tpu.memory_space<vmem>>, vector<16xf32>,
        %parallel_loop3A_465 = arith.addf %parallel_loop3A_464, %get3A_252 : vector<16xf32>
        tpu.vector_store_idx %arg13[%shift_right_logical3A_9, %and3A_32, %parallel_loop3A_461], %parallel_loop3A_465 : memref<8x8x129xf32, #tpu.memory_space<vmem>>[vector<16xi32>, vector<16xi32>, vector<16xi32>], vector<16xf32>,
        %parallel_loop3A_466 = arith.index_cast %parallel_loop3A_457 : i32 to index
        %parallel_loop3A_467 = arith.constant 16 : index
        %parallel_loop3A_468 = tpu.vector_load %arg9[%parallel_loop3A_466, %parallel_loop3A_467] {strides = array<i32>} : memref<128x64xf32, #tpu.memory_space<vmem>>, vector<16xf32>,
        %parallel_loop3A_469 = arith.addf %parallel_loop3A_468, %get3A_258 : vector<16xf32>
        tpu.vector_store_idx %arg13[%shift_right_logical3A_15, %and3A_38, %parallel_loop3A_461], %parallel_loop3A_469 : memref<8x8x129xf32, #tpu.memory_space<vmem>>[vector<16xi32>, vector<16xi32>, vector<16xi32>], vector<16xf32>,
        %parallel_loop3A_470 = arith.index_cast %parallel_loop3A_457 : i32 to index
        %parallel_loop3A_471 = arith.constant 32 : index
        %parallel_loop3A_472 = tpu.vector_load %arg9[%parallel_loop3A_470, %parallel_loop3A_471] {strides = array<i32>} : memref<128x64xf32, #tpu.memory_space<vmem>>, vector<16xf32>,
        %parallel_loop3A_473 = arith.addf %parallel_loop3A_472, %get3A_264 : vector<16xf32>
        tpu.vector_store_idx %arg13[%shift_right_logical3A_21, %and3A_44, %parallel_loop3A_461], %parallel_loop3A_473 : memref<8x8x129xf32, #tpu.memory_space<vmem>>[vector<16xi32>, vector<16xi32>, vector<16xi32>], vector<16xf32>,
        %parallel_loop3A_474 = arith.index_cast %parallel_loop3A_457 : i32 to index
        %parallel_loop3A_475 = arith.constant 48 : index
        %parallel_loop3A_476 = tpu.vector_load %arg9[%parallel_loop3A_474, %parallel_loop3A_475] {strides = array<i32>} : memref<128x64xf32, #tpu.memory_space<vmem>>, vector<16xf32>,
        %parallel_loop3A_477 = arith.addf %parallel_loop3A_476, %get3A_270 : vector<16xf32>
        tpu.vector_store_idx %arg13[%shift_right_logical3A_27, %and3A_50, %parallel_loop3A_461], %parallel_loop3A_477 : memref<8x8x129xf32, #tpu.memory_space<vmem>>[vector<16xi32>, vector<16xi32>, vector<16xi32>], vector<16xf32>,
        %parallel_loop3A_478 = arith.constant 1 : i32
        %parallel_loop3A_479 = arith.addi %parallel_loop3A_455, %parallel_loop3A_478 : i32
        %parallel_loop3A_480 = arith.constant 0 : i32
        %parallel_loop3A_481 = vector.broadcast %parallel_loop3A_480 : i32 to vector<16xi32>
        %parallel_loop3A_482 = vector.broadcast %parallel_loop3A_479 : i32 to vector<16xi32>
        %parallel_loop3A_483 = arith.addi %parallel_loop3A_481, %parallel_loop3A_482 : vector<16xi32>
        %parallel_loop3A_484 = arith.index_cast %parallel_loop3A_479 : i32 to index
        %parallel_loop3A_485 = arith.constant 0 : index
        %parallel_loop3A_486 = tpu.vector_load %arg9[%parallel_loop3A_484, %parallel_loop3A_485] {strides = array<i32>} : memref<128x64xf32, #tpu.memory_space<vmem>>, vector<16xf32>,
        %parallel_loop3A_487 = arith.addf %parallel_loop3A_486, %get3A_252 : vector<16xf32>
        tpu.vector_store_idx %arg13[%shift_right_logical3A_9, %and3A_32, %parallel_loop3A_483], %parallel_loop3A_487 : memref<8x8x129xf32, #tpu.memory_space<vmem>>[vector<16xi32>, vector<16xi32>, vector<16xi32>], vector<16xf32>,
        %parallel_loop3A_488 = arith.index_cast %parallel_loop3A_479 : i32 to index
        %parallel_loop3A_489 = arith.constant 16 : index
        %parallel_loop3A_490 = tpu.vector_load %arg9[%parallel_loop3A_488, %parallel_loop3A_489] {strides = array<i32>} : memref<128x64xf32, #tpu.memory_space<vmem>>, vector<16xf32>,
        %parallel_loop3A_491 = arith.addf %parallel_loop3A_490, %get3A_258 : vector<16xf32>
        tpu.vector_store_idx %arg13[%shift_right_logical3A_15, %and3A_38, %parallel_loop3A_483], %parallel_loop3A_491 : memref<8x8x129xf32, #tpu.memory_space<vmem>>[vector<16xi32>, vector<16xi32>, vector<16xi32>], vector<16xf32>,
        %parallel_loop3A_492 = arith.index_cast %parallel_loop3A_479 : i32 to index
        %parallel_loop3A_493 = arith.constant 32 : index
        %parallel_loop3A_494 = tpu.vector_load %arg9[%parallel_loop3A_492, %parallel_loop3A_493] {strides = array<i32>} : memref<128x64xf32, #tpu.memory_space<vmem>>, vector<16xf32>,
        %parallel_loop3A_495 = arith.addf %parallel_loop3A_494, %get3A_264 : vector<16xf32>
        tpu.vector_store_idx %arg13[%shift_right_logical3A_21, %and3A_44, %parallel_loop3A_483], %parallel_loop3A_495 : memref<8x8x129xf32, #tpu.memory_space<vmem>>[vector<16xi32>, vector<16xi32>, vector<16xi32>], vector<16xf32>,
        %parallel_loop3A_496 = arith.index_cast %parallel_loop3A_479 : i32 to index
        %parallel_loop3A_497 = arith.constant 48 : index
        %parallel_loop3A_498 = tpu.vector_load %arg9[%parallel_loop3A_496, %parallel_loop3A_497] {strides = array<i32>} : memref<128x64xf32, #tpu.memory_space<vmem>>, vector<16xf32>,
        %parallel_loop3A_499 = arith.addf %parallel_loop3A_498, %get3A_270 : vector<16xf32>
        tpu.vector_store_idx %arg13[%shift_right_logical3A_27, %and3A_50, %parallel_loop3A_483], %parallel_loop3A_499 : memref<8x8x129xf32, #tpu.memory_space<vmem>>[vector<16xi32>, vector<16xi32>, vector<16xi32>], vector<16xf32>,
        %parallel_loop3A_500 = arith.constant 2 : i32
        %parallel_loop3A_501 = arith.addi %parallel_loop3A_455, %parallel_loop3A_500 : i32
        %parallel_loop3A_502 = arith.constant 0 : i32
        %parallel_loop3A_503 = vector.broadcast %parallel_loop3A_502 : i32 to vector<16xi32>
        %parallel_loop3A_504 = vector.broadcast %parallel_loop3A_501 : i32 to vector<16xi32>
        %parallel_loop3A_505 = arith.addi %parallel_loop3A_503, %parallel_loop3A_504 : vector<16xi32>
        %parallel_loop3A_506 = arith.index_cast %parallel_loop3A_501 : i32 to index
        %parallel_loop3A_507 = arith.constant 0 : index
        %parallel_loop3A_508 = tpu.vector_load %arg9[%parallel_loop3A_506, %parallel_loop3A_507] {strides = array<i32>} : memref<128x64xf32, #tpu.memory_space<vmem>>, vector<16xf32>,
        %parallel_loop3A_509 = arith.addf %parallel_loop3A_508, %get3A_252 : vector<16xf32>
        tpu.vector_store_idx %arg13[%shift_right_logical3A_9, %and3A_32, %parallel_loop3A_505], %parallel_loop3A_509 : memref<8x8x129xf32, #tpu.memory_space<vmem>>[vector<16xi32>, vector<16xi32>, vector<16xi32>], vector<16xf32>,
        %parallel_loop3A_510 = arith.index_cast %parallel_loop3A_501 : i32 to index
        %parallel_loop3A_511 = arith.constant 16 : index
        %parallel_loop3A_512 = tpu.vector_load %arg9[%parallel_loop3A_510, %parallel_loop3A_511] {strides = array<i32>} : memref<128x64xf32, #tpu.memory_space<vmem>>, vector<16xf32>,
        %parallel_loop3A_513 = arith.addf %parallel_loop3A_512, %get3A_258 : vector<16xf32>
        tpu.vector_store_idx %arg13[%shift_right_logical3A_15, %and3A_38, %parallel_loop3A_505], %parallel_loop3A_513 : memref<8x8x129xf32, #tpu.memory_space<vmem>>[vector<16xi32>, vector<16xi32>, vector<16xi32>], vector<16xf32>,
        %parallel_loop3A_514 = arith.index_cast %parallel_loop3A_501 : i32 to index
        %parallel_loop3A_515 = arith.constant 32 : index
        %parallel_loop3A_516 = tpu.vector_load %arg9[%parallel_loop3A_514, %parallel_loop3A_515] {strides = array<i32>} : memref<128x64xf32, #tpu.memory_space<vmem>>, vector<16xf32>,
        %parallel_loop3A_517 = arith.addf %parallel_loop3A_516, %get3A_264 : vector<16xf32>
        tpu.vector_store_idx %arg13[%shift_right_logical3A_21, %and3A_44, %parallel_loop3A_505], %parallel_loop3A_517 : memref<8x8x129xf32, #tpu.memory_space<vmem>>[vector<16xi32>, vector<16xi32>, vector<16xi32>], vector<16xf32>,
        %parallel_loop3A_518 = arith.index_cast %parallel_loop3A_501 : i32 to index
        %parallel_loop3A_519 = arith.constant 48 : index
        %parallel_loop3A_520 = tpu.vector_load %arg9[%parallel_loop3A_518, %parallel_loop3A_519] {strides = array<i32>} : memref<128x64xf32, #tpu.memory_space<vmem>>, vector<16xf32>,
        %parallel_loop3A_521 = arith.addf %parallel_loop3A_520, %get3A_270 : vector<16xf32>
        tpu.vector_store_idx %arg13[%shift_right_logical3A_27, %and3A_50, %parallel_loop3A_505], %parallel_loop3A_521 : memref<8x8x129xf32, #tpu.memory_space<vmem>>[vector<16xi32>, vector<16xi32>, vector<16xi32>], vector<16xf32>,
        %parallel_loop3A_522 = arith.constant 3 : i32
        %parallel_loop3A_523 = arith.addi %parallel_loop3A_455, %parallel_loop3A_522 : i32
        %parallel_loop3A_524 = arith.constant 0 : i32
        %parallel_loop3A_525 = vector.broadcast %parallel_loop3A_524 : i32 to vector<16xi32>
        %parallel_loop3A_526 = vector.broadcast %parallel_loop3A_523 : i32 to vector<16xi32>
        %parallel_loop3A_527 = arith.addi %parallel_loop3A_525, %parallel_loop3A_526 : vector<16xi32>
        %parallel_loop3A_528 = arith.index_cast %parallel_loop3A_523 : i32 to index
        %parallel_loop3A_529 = arith.constant 0 : index
        %parallel_loop3A_530 = tpu.vector_load %arg9[%parallel_loop3A_528, %parallel_loop3A_529] {strides = array<i32>} : memref<128x64xf32, #tpu.memory_space<vmem>>, vector<16xf32>,
        %parallel_loop3A_531 = arith.addf %parallel_loop3A_530, %get3A_252 : vector<16xf32>
        tpu.vector_store_idx %arg13[%shift_right_logical3A_9, %and3A_32, %parallel_loop3A_527], %parallel_loop3A_531 : memref<8x8x129xf32, #tpu.memory_space<vmem>>[vector<16xi32>, vector<16xi32>, vector<16xi32>], vector<16xf32>,
        %parallel_loop3A_532 = arith.index_cast %parallel_loop3A_523 : i32 to index
        %parallel_loop3A_533 = arith.constant 16 : index
        %parallel_loop3A_534 = tpu.vector_load %arg9[%parallel_loop3A_532, %parallel_loop3A_533] {strides = array<i32>} : memref<128x64xf32, #tpu.memory_space<vmem>>, vector<16xf32>,
        %parallel_loop3A_535 = arith.addf %parallel_loop3A_534, %get3A_258 : vector<16xf32>
        tpu.vector_store_idx %arg13[%shift_right_logical3A_15, %and3A_38, %parallel_loop3A_527], %parallel_loop3A_535 : memref<8x8x129xf32, #tpu.memory_space<vmem>>[vector<16xi32>, vector<16xi32>, vector<16xi32>], vector<16xf32>,
        %parallel_loop3A_536 = arith.index_cast %parallel_loop3A_523 : i32 to index
        %parallel_loop3A_537 = arith.constant 32 : index
        %parallel_loop3A_538 = tpu.vector_load %arg9[%parallel_loop3A_536, %parallel_loop3A_537] {strides = array<i32>} : memref<128x64xf32, #tpu.memory_space<vmem>>, vector<16xf32>,
        %parallel_loop3A_539 = arith.addf %parallel_loop3A_538, %get3A_264 : vector<16xf32>
        tpu.vector_store_idx %arg13[%shift_right_logical3A_21, %and3A_44, %parallel_loop3A_527], %parallel_loop3A_539 : memref<8x8x129xf32, #tpu.memory_space<vmem>>[vector<16xi32>, vector<16xi32>, vector<16xi32>], vector<16xf32>,
        %parallel_loop3A_540 = arith.index_cast %parallel_loop3A_523 : i32 to index
        %parallel_loop3A_541 = arith.constant 48 : index
        %parallel_loop3A_542 = tpu.vector_load %arg9[%parallel_loop3A_540, %parallel_loop3A_541] {strides = array<i32>} : memref<128x64xf32, #tpu.memory_space<vmem>>, vector<16xf32>,
        %parallel_loop3A_543 = arith.addf %parallel_loop3A_542, %get3A_270 : vector<16xf32>
        tpu.vector_store_idx %arg13[%shift_right_logical3A_27, %and3A_50, %parallel_loop3A_527], %parallel_loop3A_543 : memref<8x8x129xf32, #tpu.memory_space<vmem>>[vector<16xi32>, vector<16xi32>, vector<16xi32>], vector<16xf32>,
        %parallel_loop3A_544 = arith.constant 4 : i32
        %parallel_loop3A_545 = arith.addi %parallel_loop3A_455, %parallel_loop3A_544 : i32
        %parallel_loop3A_546 = arith.constant 0 : i32
        %parallel_loop3A_547 = vector.broadcast %parallel_loop3A_546 : i32 to vector<16xi32>
        %parallel_loop3A_548 = vector.broadcast %parallel_loop3A_545 : i32 to vector<16xi32>
        %parallel_loop3A_549 = arith.addi %parallel_loop3A_547, %parallel_loop3A_548 : vector<16xi32>
        %parallel_loop3A_550 = arith.index_cast %parallel_loop3A_545 : i32 to index
        %parallel_loop3A_551 = arith.constant 0 : index
        %parallel_loop3A_552 = tpu.vector_load %arg9[%parallel_loop3A_550, %parallel_loop3A_551] {strides = array<i32>} : memref<128x64xf32, #tpu.memory_space<vmem>>, vector<16xf32>,
        %parallel_loop3A_553 = arith.addf %parallel_loop3A_552, %get3A_252 : vector<16xf32>
        tpu.vector_store_idx %arg13[%shift_right_logical3A_9, %and3A_32, %parallel_loop3A_549], %parallel_loop3A_553 : memref<8x8x129xf32, #tpu.memory_space<vmem>>[vector<16xi32>, vector<16xi32>, vector<16xi32>], vector<16xf32>,
        %parallel_loop3A_554 = arith.index_cast %parallel_loop3A_545 : i32 to index
        %parallel_loop3A_555 = arith.constant 16 : index
        %parallel_loop3A_556 = tpu.vector_load %arg9[%parallel_loop3A_554, %parallel_loop3A_555] {strides = array<i32>} : memref<128x64xf32, #tpu.memory_space<vmem>>, vector<16xf32>,
        %parallel_loop3A_557 = arith.addf %parallel_loop3A_556, %get3A_258 : vector<16xf32>
        tpu.vector_store_idx %arg13[%shift_right_logical3A_15, %and3A_38, %parallel_loop3A_549], %parallel_loop3A_557 : memref<8x8x129xf32, #tpu.memory_space<vmem>>[vector<16xi32>, vector<16xi32>, vector<16xi32>], vector<16xf32>,
        %parallel_loop3A_558 = arith.index_cast %parallel_loop3A_545 : i32 to index
        %parallel_loop3A_559 = arith.constant 32 : index
        %parallel_loop3A_560 = tpu.vector_load %arg9[%parallel_loop3A_558, %parallel_loop3A_559] {strides = array<i32>} : memref<128x64xf32, #tpu.memory_space<vmem>>, vector<16xf32>,
        %parallel_loop3A_561 = arith.addf %parallel_loop3A_560, %get3A_264 : vector<16xf32>
        tpu.vector_store_idx %arg13[%shift_right_logical3A_21, %and3A_44, %parallel_loop3A_549], %parallel_loop3A_561 : memref<8x8x129xf32, #tpu.memory_space<vmem>>[vector<16xi32>, vector<16xi32>, vector<16xi32>], vector<16xf32>,
        %parallel_loop3A_562 = arith.index_cast %parallel_loop3A_545 : i32 to index
        %parallel_loop3A_563 = arith.constant 48 : index
        %parallel_loop3A_564 = tpu.vector_load %arg9[%parallel_loop3A_562, %parallel_loop3A_563] {strides = array<i32>} : memref<128x64xf32, #tpu.memory_space<vmem>>, vector<16xf32>,
        %parallel_loop3A_565 = arith.addf %parallel_loop3A_564, %get3A_270 : vector<16xf32>
        tpu.vector_store_idx %arg13[%shift_right_logical3A_27, %and3A_50, %parallel_loop3A_549], %parallel_loop3A_565 : memref<8x8x129xf32, #tpu.memory_space<vmem>>[vector<16xi32>, vector<16xi32>, vector<16xi32>], vector<16xf32>,
        %parallel_loop3A_566 = arith.constant 5 : i32
        %parallel_loop3A_567 = arith.addi %parallel_loop3A_455, %parallel_loop3A_566 : i32
        %parallel_loop3A_568 = arith.constant 0 : i32
        %parallel_loop3A_569 = vector.broadcast %parallel_loop3A_568 : i32 to vector<16xi32>
        %parallel_loop3A_570 = vector.broadcast %parallel_loop3A_567 : i32 to vector<16xi32>
        %parallel_loop3A_571 = arith.addi %parallel_loop3A_569, %parallel_loop3A_570 : vector<16xi32>
        %parallel_loop3A_572 = arith.index_cast %parallel_loop3A_567 : i32 to index
        %parallel_loop3A_573 = arith.constant 0 : index
        %parallel_loop3A_574 = tpu.vector_load %arg9[%parallel_loop3A_572, %parallel_loop3A_573] {strides = array<i32>} : memref<128x64xf32, #tpu.memory_space<vmem>>, vector<16xf32>,
        %parallel_loop3A_575 = arith.addf %parallel_loop3A_574, %get3A_252 : vector<16xf32>
        tpu.vector_store_idx %arg13[%shift_right_logical3A_9, %and3A_32, %parallel_loop3A_571], %parallel_loop3A_575 : memref<8x8x129xf32, #tpu.memory_space<vmem>>[vector<16xi32>, vector<16xi32>, vector<16xi32>], vector<16xf32>,
        %parallel_loop3A_576 = arith.index_cast %parallel_loop3A_567 : i32 to index
        %parallel_loop3A_577 = arith.constant 16 : index
        %parallel_loop3A_578 = tpu.vector_load %arg9[%parallel_loop3A_576, %parallel_loop3A_577] {strides = array<i32>} : memref<128x64xf32, #tpu.memory_space<vmem>>, vector<16xf32>,
        %parallel_loop3A_579 = arith.addf %parallel_loop3A_578, %get3A_258 : vector<16xf32>
        tpu.vector_store_idx %arg13[%shift_right_logical3A_15, %and3A_38, %parallel_loop3A_571], %parallel_loop3A_579 : memref<8x8x129xf32, #tpu.memory_space<vmem>>[vector<16xi32>, vector<16xi32>, vector<16xi32>], vector<16xf32>,
        %parallel_loop3A_580 = arith.index_cast %parallel_loop3A_567 : i32 to index
        %parallel_loop3A_581 = arith.constant 32 : index
        %parallel_loop3A_582 = tpu.vector_load %arg9[%parallel_loop3A_580, %parallel_loop3A_581] {strides = array<i32>} : memref<128x64xf32, #tpu.memory_space<vmem>>, vector<16xf32>,
        %parallel_loop3A_583 = arith.addf %parallel_loop3A_582, %get3A_264 : vector<16xf32>
        tpu.vector_store_idx %arg13[%shift_right_logical3A_21, %and3A_44, %parallel_loop3A_571], %parallel_loop3A_583 : memref<8x8x129xf32, #tpu.memory_space<vmem>>[vector<16xi32>, vector<16xi32>, vector<16xi32>], vector<16xf32>,
        %parallel_loop3A_584 = arith.index_cast %parallel_loop3A_567 : i32 to index
        %parallel_loop3A_585 = arith.constant 48 : index
        %parallel_loop3A_586 = tpu.vector_load %arg9[%parallel_loop3A_584, %parallel_loop3A_585] {strides = array<i32>} : memref<128x64xf32, #tpu.memory_space<vmem>>, vector<16xf32>,
        %parallel_loop3A_587 = arith.addf %parallel_loop3A_586, %get3A_270 : vector<16xf32>
        tpu.vector_store_idx %arg13[%shift_right_logical3A_27, %and3A_50, %parallel_loop3A_571], %parallel_loop3A_587 : memref<8x8x129xf32, #tpu.memory_space<vmem>>[vector<16xi32>, vector<16xi32>, vector<16xi32>], vector<16xf32>,
        %parallel_loop3A_588 = arith.constant 6 : i32
        %parallel_loop3A_589 = arith.addi %parallel_loop3A_455, %parallel_loop3A_588 : i32
        %parallel_loop3A_590 = arith.constant 0 : i32
        %parallel_loop3A_591 = vector.broadcast %parallel_loop3A_590 : i32 to vector<16xi32>
        %parallel_loop3A_592 = vector.broadcast %parallel_loop3A_589 : i32 to vector<16xi32>
        %parallel_loop3A_593 = arith.addi %parallel_loop3A_591, %parallel_loop3A_592 : vector<16xi32>
        %parallel_loop3A_594 = arith.index_cast %parallel_loop3A_589 : i32 to index
        %parallel_loop3A_595 = arith.constant 0 : index
        %parallel_loop3A_596 = tpu.vector_load %arg9[%parallel_loop3A_594, %parallel_loop3A_595] {strides = array<i32>} : memref<128x64xf32, #tpu.memory_space<vmem>>, vector<16xf32>,
        %parallel_loop3A_597 = arith.addf %parallel_loop3A_596, %get3A_252 : vector<16xf32>
        tpu.vector_store_idx %arg13[%shift_right_logical3A_9, %and3A_32, %parallel_loop3A_593], %parallel_loop3A_597 : memref<8x8x129xf32, #tpu.memory_space<vmem>>[vector<16xi32>, vector<16xi32>, vector<16xi32>], vector<16xf32>,
        %parallel_loop3A_598 = arith.index_cast %parallel_loop3A_589 : i32 to index
        %parallel_loop3A_599 = arith.constant 16 : index
        %parallel_loop3A_600 = tpu.vector_load %arg9[%parallel_loop3A_598, %parallel_loop3A_599] {strides = array<i32>} : memref<128x64xf32, #tpu.memory_space<vmem>>, vector<16xf32>,
        %parallel_loop3A_601 = arith.addf %parallel_loop3A_600, %get3A_258 : vector<16xf32>
        tpu.vector_store_idx %arg13[%shift_right_logical3A_15, %and3A_38, %parallel_loop3A_593], %parallel_loop3A_601 : memref<8x8x129xf32, #tpu.memory_space<vmem>>[vector<16xi32>, vector<16xi32>, vector<16xi32>], vector<16xf32>,
        %parallel_loop3A_602 = arith.index_cast %parallel_loop3A_589 : i32 to index
        %parallel_loop3A_603 = arith.constant 32 : index
        %parallel_loop3A_604 = tpu.vector_load %arg9[%parallel_loop3A_602, %parallel_loop3A_603] {strides = array<i32>} : memref<128x64xf32, #tpu.memory_space<vmem>>, vector<16xf32>,
        %parallel_loop3A_605 = arith.addf %parallel_loop3A_604, %get3A_264 : vector<16xf32>
        tpu.vector_store_idx %arg13[%shift_right_logical3A_21, %and3A_44, %parallel_loop3A_593], %parallel_loop3A_605 : memref<8x8x129xf32, #tpu.memory_space<vmem>>[vector<16xi32>, vector<16xi32>, vector<16xi32>], vector<16xf32>,
        %parallel_loop3A_606 = arith.index_cast %parallel_loop3A_589 : i32 to index
        %parallel_loop3A_607 = arith.constant 48 : index
        %parallel_loop3A_608 = tpu.vector_load %arg9[%parallel_loop3A_606, %parallel_loop3A_607] {strides = array<i32>} : memref<128x64xf32, #tpu.memory_space<vmem>>, vector<16xf32>,
        %parallel_loop3A_609 = arith.addf %parallel_loop3A_608, %get3A_270 : vector<16xf32>
        tpu.vector_store_idx %arg13[%shift_right_logical3A_27, %and3A_50, %parallel_loop3A_593], %parallel_loop3A_609 : memref<8x8x129xf32, #tpu.memory_space<vmem>>[vector<16xi32>, vector<16xi32>, vector<16xi32>], vector<16xf32>,
        %parallel_loop3A_610 = arith.constant 7 : i32
        %parallel_loop3A_611 = arith.addi %parallel_loop3A_455, %parallel_loop3A_610 : i32
        %parallel_loop3A_612 = arith.constant 0 : i32
        %parallel_loop3A_613 = vector.broadcast %parallel_loop3A_612 : i32 to vector<16xi32>
        %parallel_loop3A_614 = vector.broadcast %parallel_loop3A_611 : i32 to vector<16xi32>
        %parallel_loop3A_615 = arith.addi %parallel_loop3A_613, %parallel_loop3A_614 : vector<16xi32>
        %parallel_loop3A_616 = arith.index_cast %parallel_loop3A_611 : i32 to index
        %parallel_loop3A_617 = arith.constant 0 : index
        %parallel_loop3A_618 = tpu.vector_load %arg9[%parallel_loop3A_616, %parallel_loop3A_617] {strides = array<i32>} : memref<128x64xf32, #tpu.memory_space<vmem>>, vector<16xf32>,
        %parallel_loop3A_619 = arith.addf %parallel_loop3A_618, %get3A_252 : vector<16xf32>
        tpu.vector_store_idx %arg13[%shift_right_logical3A_9, %and3A_32, %parallel_loop3A_615], %parallel_loop3A_619 : memref<8x8x129xf32, #tpu.memory_space<vmem>>[vector<16xi32>, vector<16xi32>, vector<16xi32>], vector<16xf32>,
        %parallel_loop3A_620 = arith.index_cast %parallel_loop3A_611 : i32 to index
        %parallel_loop3A_621 = arith.constant 16 : index
        %parallel_loop3A_622 = tpu.vector_load %arg9[%parallel_loop3A_620, %parallel_loop3A_621] {strides = array<i32>} : memref<128x64xf32, #tpu.memory_space<vmem>>, vector<16xf32>,
        %parallel_loop3A_623 = arith.addf %parallel_loop3A_622, %get3A_258 : vector<16xf32>
        tpu.vector_store_idx %arg13[%shift_right_logical3A_15, %and3A_38, %parallel_loop3A_615], %parallel_loop3A_623 : memref<8x8x129xf32, #tpu.memory_space<vmem>>[vector<16xi32>, vector<16xi32>, vector<16xi32>], vector<16xf32>,
        %parallel_loop3A_624 = arith.index_cast %parallel_loop3A_611 : i32 to index
        %parallel_loop3A_625 = arith.constant 32 : index
        %parallel_loop3A_626 = tpu.vector_load %arg9[%parallel_loop3A_624, %parallel_loop3A_625] {strides = array<i32>} : memref<128x64xf32, #tpu.memory_space<vmem>>, vector<16xf32>,
        %parallel_loop3A_627 = arith.addf %parallel_loop3A_626, %get3A_264 : vector<16xf32>
        tpu.vector_store_idx %arg13[%shift_right_logical3A_21, %and3A_44, %parallel_loop3A_615], %parallel_loop3A_627 : memref<8x8x129xf32, #tpu.memory_space<vmem>>[vector<16xi32>, vector<16xi32>, vector<16xi32>], vector<16xf32>,
        %parallel_loop3A_628 = arith.index_cast %parallel_loop3A_611 : i32 to index
        %parallel_loop3A_629 = arith.constant 48 : index
        %parallel_loop3A_630 = tpu.vector_load %arg9[%parallel_loop3A_628, %parallel_loop3A_629] {strides = array<i32>} : memref<128x64xf32, #tpu.memory_space<vmem>>, vector<16xf32>,
        %parallel_loop3A_631 = arith.addf %parallel_loop3A_630, %get3A_270 : vector<16xf32>
        tpu.vector_store_idx %arg13[%shift_right_logical3A_27, %and3A_50, %parallel_loop3A_615], %parallel_loop3A_631 : memref<8x8x129xf32, #tpu.memory_space<vmem>>[vector<16xi32>, vector<16xi32>, vector<16xi32>], vector<16xf32>,
      } {sc.loop_unroll_factor = 1 : i64, sc.parallel_access}
      %add3A_279 = arith.addi %mul3A_2, %add3A_237 : i32
      %shift_right_logical3A_280 = arith.constant 5 : i32
      %shift_right_logical3A_281 = arith.shrui %add3A_279, %shift_right_logical3A_280 : i32
      %and3A_282 = arith.constant 31 : i32
      %and3A_283 = arith.andi %add3A_279, %and3A_282 : i32
      %dma_start3A_284 = arith.constant 0 : i32
      %dma_start3A_285 = arith.constant 0 : i32
      %dma_start3A_286 = arith.constant 0 : i32
      %dma_start3A_287 = tpu.memref_slice %arg13[%dma_start3A_284, %dma_start3A_285, %dma_start3A_286] : memref<8x8x129xf32, #tpu.memory_space<vmem>> -> memref<8x8x128xf32, #tpu.memory_space<vmem>>
      %dma_start3A_288 = arith.constant 0 : i32
      %dma_start3A_289 = arith.constant 0 : i32
      %dma_start3A_290 = arith.constant 0 : i32
      %dma_start3A_291 = tpu.memref_slice %arg5[%shift_right_logical3A_281, %dma_start3A_288, %and3A_283, %dma_start3A_289, %dma_start3A_290] : memref<200x8x32x8x128xf32, #tpu.memory_space<hbm>> -> memref<1x8x1x8x128xf32, #tpu.memory_space<hbm>>
      %dma_start3A_292 = tpu.memref_squeeze %dma_start3A_291 : memref<1x8x1x8x128xf32, #tpu.memory_space<hbm>> -> memref<8x8x128xf32, #tpu.memory_space<hbm>>
      %dma_start3A_293 = arith.constant 0 : i32
      %dma_start3A_294 = arith.constant 0 : i32
      %dma_start3A_295 = arith.constant 0 : i32
      %dma_start3A_296 = tpu.memref_slice %arg5[%shift_right_logical3A_281, %dma_start3A_293, %and3A_283, %dma_start3A_294, %dma_start3A_295] : memref<200x8x32x8x128xf32, #tpu.memory_space<hbm>> -> memref<1x8x1x8x128xf32, #tpu.memory_space<hbm>>
      %dma_start3A_297 = tpu.memref_squeeze %dma_start3A_296 : memref<1x8x1x8x128xf32, #tpu.memory_space<hbm>> -> memref<8x8x128xf32, #tpu.memory_space<hbm>>
      %dma_start3A_298 = arith.constant 0 : i32
      %dma_start3A_299 = arith.constant 0 : i32
      %dma_start3A_300 = arith.constant 0 : i32
      %dma_start3A_301 = tpu.memref_slice %arg13[%dma_start3A_298, %dma_start3A_299, %dma_start3A_300] : memref<8x8x129xf32, #tpu.memory_space<vmem>> -> memref<8x8x128xf32, #tpu.memory_space<vmem>>
      tpu.enqueue_dma source(%dma_start3A_301 : memref<8x8x128xf32, #tpu.memory_space<vmem>>) target(%dma_start3A_297 : memref<8x8x128xf32, #tpu.memory_space<hbm>>) target_semaphore(%arg21 : memref<!tpu.dma_semaphore, #tpu.memory_space<semaphore_mem>>)
      %add3A_302 = arith.constant 3 : i32
      %add3A_303 = arith.addi %add3A_237, %add3A_302 : i32
      %lt3A_304 = arith.constant 200 : i32
      %lt3A_305 = arith.cmpi slt, %add3A_303, %lt3A_304 : i32
      %convert_element_type3A_306 = arith.extui %lt3A_305 : i1 to i32
      %cond3A_307 = arith.constant 0 : i32
      %cond3A_308 = arith.cmpi ne, %convert_element_type3A_306, %cond3A_307 : i32
      scf.if %cond3A_308 {
        %mul3A_455 = arith.constant 128 : i32
        %mul3A_456 = arith.muli %add3A_303, %mul3A_455 : i32
        %dma_start3A_457 = tpu.memref_slice %arg6[%mul3A_456] : memref<25600xi32, #tpu.memory_space<vmem>> -> memref<128xi32, #tpu.memory_space<vmem>>
        %dma_start3A_458 = arith.constant 0 : i32
        %dma_start3A_459 = arith.constant 0 : i32
        %dma_start3A_460 = tpu.memref_slice %arg2[%dma_start3A_458, %dma_start3A_459] : memref<100000x64xf32, #tpu.memory_space<hbm>> -> memref<100000x64xf32, #tpu.memory_space<hbm>>
        tpu.enqueue_indirect_dma source(%dma_start3A_460 : memref<100000x64xf32, #tpu.memory_space<hbm>>) target(%arg8 : memref<128x64xf32, #tpu.memory_space<vmem>>) offsets(%dma_start3A_457 : memref<128xi32, #tpu.memory_space<vmem>>) semaphore(%arg16 : memref<!tpu.dma_semaphore, #tpu.memory_space<semaphore_mem>>)
      } else {
      }
      %add3A_309 = arith.constant 2 : i32
      %add3A_310 = arith.addi %add3A_168, %add3A_309 : i32
      %mul3A_311 = arith.constant 128 : i32
      %mul3A_312 = arith.muli %add3A_310, %mul3A_311 : i32
      %dma_wait3A_313 = tpu.memref_slice %arg6[%mul3A_312] : memref<25600xi32, #tpu.memory_space<vmem>> -> memref<128xi32, #tpu.memory_space<vmem>>
      %dma_wait3A_314 = arith.constant 0 : i32
      %dma_wait3A_315 = arith.constant 0 : i32
      %dma_wait3A_316 = tpu.memref_slice %arg2[%dma_wait3A_314, %dma_wait3A_315] : memref<100000x64xf32, #tpu.memory_space<hbm>> -> memref<100000x64xf32, #tpu.memory_space<hbm>>
      tpu.wait_indirect_dma semaphore(%arg18 : memref<!tpu.dma_semaphore, #tpu.memory_space<semaphore_mem>>) src(%dma_wait3A_316 : memref<100000x64xf32, #tpu.memory_space<hbm>>) dst(%arg10 : memref<128x64xf32, #tpu.memory_space<vmem>>)
      %add3A_317 = arith.addi %mul3A_2, %add3A_310 : i32
      %shift_right_logical3A_318 = arith.constant 5 : i32
      %shift_right_logical3A_319 = arith.shrui %add3A_317, %shift_right_logical3A_318 : i32
      %mul3A_320 = arith.constant 64 : i32
      %mul3A_321 = arith.muli %shift_right_logical3A_319, %mul3A_320 : i32
      %add3A_322 = arith.constant 0 : i32
      %add3A_323 = arith.addi %mul3A_321, %add3A_322 : i32
      %get3A_324 = arith.index_cast %add3A_323 : i32 to index
      %get3A_325 = tpu.vector_load %arg7[%get3A_324] {strides = array<i32>} : memref<12800xf32, #tpu.memory_space<vmem>>, vector<16xf32>,
      %mul3A_326 = arith.constant 64 : i32
      %mul3A_327 = arith.muli %shift_right_logical3A_319, %mul3A_326 : i32
      %add3A_328 = arith.constant 16 : i32
      %add3A_329 = arith.addi %mul3A_327, %add3A_328 : i32
      %get3A_330 = arith.index_cast %add3A_329 : i32 to index
      %get3A_331 = tpu.vector_load %arg7[%get3A_330] {strides = array<i32>} : memref<12800xf32, #tpu.memory_space<vmem>>, vector<16xf32>,
      %mul3A_332 = arith.constant 64 : i32
      %mul3A_333 = arith.muli %shift_right_logical3A_319, %mul3A_332 : i32
      %add3A_334 = arith.constant 32 : i32
      %add3A_335 = arith.addi %mul3A_333, %add3A_334 : i32
      %get3A_336 = arith.index_cast %add3A_335 : i32 to index
      %get3A_337 = tpu.vector_load %arg7[%get3A_336] {strides = array<i32>} : memref<12800xf32, #tpu.memory_space<vmem>>, vector<16xf32>,
      %mul3A_338 = arith.constant 64 : i32
      %mul3A_339 = arith.muli %shift_right_logical3A_319, %mul3A_338 : i32
      %add3A_340 = arith.constant 48 : i32
      %add3A_341 = arith.addi %mul3A_339, %add3A_340 : i32
      %get3A_342 = arith.index_cast %add3A_341 : i32 to index
      %get3A_343 = tpu.vector_load %arg7[%get3A_342] {strides = array<i32>} : memref<12800xf32, #tpu.memory_space<vmem>>, vector<16xf32>,
      %ge3A_344 = arith.constant 4 : i32
      %ge3A_345 = arith.cmpi sge, %add3A_310, %ge3A_344 : i32
      %convert_element_type3A_346 = arith.extui %ge3A_345 : i1 to i32
      %cond3A_347 = arith.constant 0 : i32
      %cond3A_348 = arith.cmpi ne, %convert_element_type3A_346, %cond3A_347 : i32
      scf.if %cond3A_348 {
        %sub3A = arith.constant 4 : i32
        %sub3A_455 = arith.subi %add3A_310, %sub3A : i32
        %add3A_456 = arith.addi %mul3A_2, %sub3A_455 : i32
        %shift_right_logical3A_457 = arith.constant 5 : i32
        %shift_right_logical3A_458 = arith.shrui %add3A_456, %shift_right_logical3A_457 : i32
        %and3A_459 = arith.constant 31 : i32
        %and3A_460 = arith.andi %add3A_456, %and3A_459 : i32
        %dma_wait3A_461 = arith.constant 0 : i32
        %dma_wait3A_462 = arith.constant 0 : i32
        %dma_wait3A_463 = arith.constant 0 : i32
        %dma_wait3A_464 = tpu.memref_slice %arg14[%dma_wait3A_461, %dma_wait3A_462, %dma_wait3A_463] : memref<8x8x129xf32, #tpu.memory_space<vmem>> -> memref<8x8x128xf32, #tpu.memory_space<vmem>>
        %dma_wait3A_465 = arith.constant 0 : i32
        %dma_wait3A_466 = arith.constant 0 : i32
        %dma_wait3A_467 = arith.constant 0 : i32
        %dma_wait3A_468 = tpu.memref_slice %arg5[%shift_right_logical3A_458, %dma_wait3A_465, %and3A_460, %dma_wait3A_466, %dma_wait3A_467] : memref<200x8x32x8x128xf32, #tpu.memory_space<hbm>> -> memref<1x8x1x8x128xf32, #tpu.memory_space<hbm>>
        %dma_wait3A_469 = tpu.memref_squeeze %dma_wait3A_468 : memref<1x8x1x8x128xf32, #tpu.memory_space<hbm>> -> memref<8x8x128xf32, #tpu.memory_space<hbm>>
        %dma_wait3A_470 = arith.constant 0 : i32
        %dma_wait3A_471 = arith.constant 0 : i32
        %dma_wait3A_472 = arith.constant 0 : i32
        %dma_wait3A_473 = tpu.memref_slice %arg5[%shift_right_logical3A_458, %dma_wait3A_470, %and3A_460, %dma_wait3A_471, %dma_wait3A_472] : memref<200x8x32x8x128xf32, #tpu.memory_space<hbm>> -> memref<1x8x1x8x128xf32, #tpu.memory_space<hbm>>
        %dma_wait3A_474 = tpu.memref_squeeze %dma_wait3A_473 : memref<1x8x1x8x128xf32, #tpu.memory_space<hbm>> -> memref<8x8x128xf32, #tpu.memory_space<hbm>>
        %dma_wait3A_475 = arith.constant 0 : i32
        %dma_wait3A_476 = arith.constant 0 : i32
        %dma_wait3A_477 = arith.constant 0 : i32
        %dma_wait3A_478 = tpu.memref_slice %arg14[%dma_wait3A_475, %dma_wait3A_476, %dma_wait3A_477] : memref<8x8x129xf32, #tpu.memory_space<vmem>> -> memref<8x8x128xf32, #tpu.memory_space<vmem>>
        tpu.wait_dma2 semaphore(%arg22 : memref<!tpu.dma_semaphore, #tpu.memory_space<semaphore_mem>>) src(%dma_wait3A_478 : memref<8x8x128xf32, #tpu.memory_space<vmem>>) dst(%dma_wait3A_474 : memref<8x8x128xf32, #tpu.memory_space<hbm>>)
      } else {
      }
      %parallel_loop3A_349 = arith.constant 0 : i32
      %parallel_loop3A_350 = arith.constant 128 : i32
      %parallel_loop3A_351 = arith.constant 8 : i32
      scf.for %parallel_loop3A_455 = %parallel_loop3A_349 to %parallel_loop3A_350 step %parallel_loop3A_351  : i32 {
        %parallel_loop3A_456 = arith.constant 0 : i32
        %parallel_loop3A_457 = arith.addi %parallel_loop3A_455, %parallel_loop3A_456 : i32
        %parallel_loop3A_458 = arith.constant 0 : i32
        %parallel_loop3A_459 = vector.broadcast %parallel_loop3A_458 : i32 to vector<16xi32>
        %parallel_loop3A_460 = vector.broadcast %parallel_loop3A_457 : i32 to vector<16xi32>
        %parallel_loop3A_461 = arith.addi %parallel_loop3A_459, %parallel_loop3A_460 : vector<16xi32>
        %parallel_loop3A_462 = arith.index_cast %parallel_loop3A_457 : i32 to index
        %parallel_loop3A_463 = arith.constant 0 : index
        %parallel_loop3A_464 = tpu.vector_load %arg10[%parallel_loop3A_462, %parallel_loop3A_463] {strides = array<i32>} : memref<128x64xf32, #tpu.memory_space<vmem>>, vector<16xf32>,
        %parallel_loop3A_465 = arith.addf %parallel_loop3A_464, %get3A_325 : vector<16xf32>
        tpu.vector_store_idx %arg14[%shift_right_logical3A_9, %and3A_32, %parallel_loop3A_461], %parallel_loop3A_465 : memref<8x8x129xf32, #tpu.memory_space<vmem>>[vector<16xi32>, vector<16xi32>, vector<16xi32>], vector<16xf32>,
        %parallel_loop3A_466 = arith.index_cast %parallel_loop3A_457 : i32 to index
        %parallel_loop3A_467 = arith.constant 16 : index
        %parallel_loop3A_468 = tpu.vector_load %arg10[%parallel_loop3A_466, %parallel_loop3A_467] {strides = array<i32>} : memref<128x64xf32, #tpu.memory_space<vmem>>, vector<16xf32>,
        %parallel_loop3A_469 = arith.addf %parallel_loop3A_468, %get3A_331 : vector<16xf32>
        tpu.vector_store_idx %arg14[%shift_right_logical3A_15, %and3A_38, %parallel_loop3A_461], %parallel_loop3A_469 : memref<8x8x129xf32, #tpu.memory_space<vmem>>[vector<16xi32>, vector<16xi32>, vector<16xi32>], vector<16xf32>,
        %parallel_loop3A_470 = arith.index_cast %parallel_loop3A_457 : i32 to index
        %parallel_loop3A_471 = arith.constant 32 : index
        %parallel_loop3A_472 = tpu.vector_load %arg10[%parallel_loop3A_470, %parallel_loop3A_471] {strides = array<i32>} : memref<128x64xf32, #tpu.memory_space<vmem>>, vector<16xf32>,
        %parallel_loop3A_473 = arith.addf %parallel_loop3A_472, %get3A_337 : vector<16xf32>
        tpu.vector_store_idx %arg14[%shift_right_logical3A_21, %and3A_44, %parallel_loop3A_461], %parallel_loop3A_473 : memref<8x8x129xf32, #tpu.memory_space<vmem>>[vector<16xi32>, vector<16xi32>, vector<16xi32>], vector<16xf32>,
        %parallel_loop3A_474 = arith.index_cast %parallel_loop3A_457 : i32 to index
        %parallel_loop3A_475 = arith.constant 48 : index
        %parallel_loop3A_476 = tpu.vector_load %arg10[%parallel_loop3A_474, %parallel_loop3A_475] {strides = array<i32>} : memref<128x64xf32, #tpu.memory_space<vmem>>, vector<16xf32>,
        %parallel_loop3A_477 = arith.addf %parallel_loop3A_476, %get3A_343 : vector<16xf32>
        tpu.vector_store_idx %arg14[%shift_right_logical3A_27, %and3A_50, %parallel_loop3A_461], %parallel_loop3A_477 : memref<8x8x129xf32, #tpu.memory_space<vmem>>[vector<16xi32>, vector<16xi32>, vector<16xi32>], vector<16xf32>,
        %parallel_loop3A_478 = arith.constant 1 : i32
        %parallel_loop3A_479 = arith.addi %parallel_loop3A_455, %parallel_loop3A_478 : i32
        %parallel_loop3A_480 = arith.constant 0 : i32
        %parallel_loop3A_481 = vector.broadcast %parallel_loop3A_480 : i32 to vector<16xi32>
        %parallel_loop3A_482 = vector.broadcast %parallel_loop3A_479 : i32 to vector<16xi32>
        %parallel_loop3A_483 = arith.addi %parallel_loop3A_481, %parallel_loop3A_482 : vector<16xi32>
        %parallel_loop3A_484 = arith.index_cast %parallel_loop3A_479 : i32 to index
        %parallel_loop3A_485 = arith.constant 0 : index
        %parallel_loop3A_486 = tpu.vector_load %arg10[%parallel_loop3A_484, %parallel_loop3A_485] {strides = array<i32>} : memref<128x64xf32, #tpu.memory_space<vmem>>, vector<16xf32>,
        %parallel_loop3A_487 = arith.addf %parallel_loop3A_486, %get3A_325 : vector<16xf32>
        tpu.vector_store_idx %arg14[%shift_right_logical3A_9, %and3A_32, %parallel_loop3A_483], %parallel_loop3A_487 : memref<8x8x129xf32, #tpu.memory_space<vmem>>[vector<16xi32>, vector<16xi32>, vector<16xi32>], vector<16xf32>,
        %parallel_loop3A_488 = arith.index_cast %parallel_loop3A_479 : i32 to index
        %parallel_loop3A_489 = arith.constant 16 : index
        %parallel_loop3A_490 = tpu.vector_load %arg10[%parallel_loop3A_488, %parallel_loop3A_489] {strides = array<i32>} : memref<128x64xf32, #tpu.memory_space<vmem>>, vector<16xf32>,
        %parallel_loop3A_491 = arith.addf %parallel_loop3A_490, %get3A_331 : vector<16xf32>
        tpu.vector_store_idx %arg14[%shift_right_logical3A_15, %and3A_38, %parallel_loop3A_483], %parallel_loop3A_491 : memref<8x8x129xf32, #tpu.memory_space<vmem>>[vector<16xi32>, vector<16xi32>, vector<16xi32>], vector<16xf32>,
        %parallel_loop3A_492 = arith.index_cast %parallel_loop3A_479 : i32 to index
        %parallel_loop3A_493 = arith.constant 32 : index
        %parallel_loop3A_494 = tpu.vector_load %arg10[%parallel_loop3A_492, %parallel_loop3A_493] {strides = array<i32>} : memref<128x64xf32, #tpu.memory_space<vmem>>, vector<16xf32>,
        %parallel_loop3A_495 = arith.addf %parallel_loop3A_494, %get3A_337 : vector<16xf32>
        tpu.vector_store_idx %arg14[%shift_right_logical3A_21, %and3A_44, %parallel_loop3A_483], %parallel_loop3A_495 : memref<8x8x129xf32, #tpu.memory_space<vmem>>[vector<16xi32>, vector<16xi32>, vector<16xi32>], vector<16xf32>,
        %parallel_loop3A_496 = arith.index_cast %parallel_loop3A_479 : i32 to index
        %parallel_loop3A_497 = arith.constant 48 : index
        %parallel_loop3A_498 = tpu.vector_load %arg10[%parallel_loop3A_496, %parallel_loop3A_497] {strides = array<i32>} : memref<128x64xf32, #tpu.memory_space<vmem>>, vector<16xf32>,
        %parallel_loop3A_499 = arith.addf %parallel_loop3A_498, %get3A_343 : vector<16xf32>
        tpu.vector_store_idx %arg14[%shift_right_logical3A_27, %and3A_50, %parallel_loop3A_483], %parallel_loop3A_499 : memref<8x8x129xf32, #tpu.memory_space<vmem>>[vector<16xi32>, vector<16xi32>, vector<16xi32>], vector<16xf32>,
        %parallel_loop3A_500 = arith.constant 2 : i32
        %parallel_loop3A_501 = arith.addi %parallel_loop3A_455, %parallel_loop3A_500 : i32
        %parallel_loop3A_502 = arith.constant 0 : i32
        %parallel_loop3A_503 = vector.broadcast %parallel_loop3A_502 : i32 to vector<16xi32>
        %parallel_loop3A_504 = vector.broadcast %parallel_loop3A_501 : i32 to vector<16xi32>
        %parallel_loop3A_505 = arith.addi %parallel_loop3A_503, %parallel_loop3A_504 : vector<16xi32>
        %parallel_loop3A_506 = arith.index_cast %parallel_loop3A_501 : i32 to index
        %parallel_loop3A_507 = arith.constant 0 : index
        %parallel_loop3A_508 = tpu.vector_load %arg10[%parallel_loop3A_506, %parallel_loop3A_507] {strides = array<i32>} : memref<128x64xf32, #tpu.memory_space<vmem>>, vector<16xf32>,
        %parallel_loop3A_509 = arith.addf %parallel_loop3A_508, %get3A_325 : vector<16xf32>
        tpu.vector_store_idx %arg14[%shift_right_logical3A_9, %and3A_32, %parallel_loop3A_505], %parallel_loop3A_509 : memref<8x8x129xf32, #tpu.memory_space<vmem>>[vector<16xi32>, vector<16xi32>, vector<16xi32>], vector<16xf32>,
        %parallel_loop3A_510 = arith.index_cast %parallel_loop3A_501 : i32 to index
        %parallel_loop3A_511 = arith.constant 16 : index
        %parallel_loop3A_512 = tpu.vector_load %arg10[%parallel_loop3A_510, %parallel_loop3A_511] {strides = array<i32>} : memref<128x64xf32, #tpu.memory_space<vmem>>, vector<16xf32>,
        %parallel_loop3A_513 = arith.addf %parallel_loop3A_512, %get3A_331 : vector<16xf32>
        tpu.vector_store_idx %arg14[%shift_right_logical3A_15, %and3A_38, %parallel_loop3A_505], %parallel_loop3A_513 : memref<8x8x129xf32, #tpu.memory_space<vmem>>[vector<16xi32>, vector<16xi32>, vector<16xi32>], vector<16xf32>,
        %parallel_loop3A_514 = arith.index_cast %parallel_loop3A_501 : i32 to index
        %parallel_loop3A_515 = arith.constant 32 : index
        %parallel_loop3A_516 = tpu.vector_load %arg10[%parallel_loop3A_514, %parallel_loop3A_515] {strides = array<i32>} : memref<128x64xf32, #tpu.memory_space<vmem>>, vector<16xf32>,
        %parallel_loop3A_517 = arith.addf %parallel_loop3A_516, %get3A_337 : vector<16xf32>
        tpu.vector_store_idx %arg14[%shift_right_logical3A_21, %and3A_44, %parallel_loop3A_505], %parallel_loop3A_517 : memref<8x8x129xf32, #tpu.memory_space<vmem>>[vector<16xi32>, vector<16xi32>, vector<16xi32>], vector<16xf32>,
        %parallel_loop3A_518 = arith.index_cast %parallel_loop3A_501 : i32 to index
        %parallel_loop3A_519 = arith.constant 48 : index
        %parallel_loop3A_520 = tpu.vector_load %arg10[%parallel_loop3A_518, %parallel_loop3A_519] {strides = array<i32>} : memref<128x64xf32, #tpu.memory_space<vmem>>, vector<16xf32>,
        %parallel_loop3A_521 = arith.addf %parallel_loop3A_520, %get3A_343 : vector<16xf32>
        tpu.vector_store_idx %arg14[%shift_right_logical3A_27, %and3A_50, %parallel_loop3A_505], %parallel_loop3A_521 : memref<8x8x129xf32, #tpu.memory_space<vmem>>[vector<16xi32>, vector<16xi32>, vector<16xi32>], vector<16xf32>,
        %parallel_loop3A_522 = arith.constant 3 : i32
        %parallel_loop3A_523 = arith.addi %parallel_loop3A_455, %parallel_loop3A_522 : i32
        %parallel_loop3A_524 = arith.constant 0 : i32
        %parallel_loop3A_525 = vector.broadcast %parallel_loop3A_524 : i32 to vector<16xi32>
        %parallel_loop3A_526 = vector.broadcast %parallel_loop3A_523 : i32 to vector<16xi32>
        %parallel_loop3A_527 = arith.addi %parallel_loop3A_525, %parallel_loop3A_526 : vector<16xi32>
        %parallel_loop3A_528 = arith.index_cast %parallel_loop3A_523 : i32 to index
        %parallel_loop3A_529 = arith.constant 0 : index
        %parallel_loop3A_530 = tpu.vector_load %arg10[%parallel_loop3A_528, %parallel_loop3A_529] {strides = array<i32>} : memref<128x64xf32, #tpu.memory_space<vmem>>, vector<16xf32>,
        %parallel_loop3A_531 = arith.addf %parallel_loop3A_530, %get3A_325 : vector<16xf32>
        tpu.vector_store_idx %arg14[%shift_right_logical3A_9, %and3A_32, %parallel_loop3A_527], %parallel_loop3A_531 : memref<8x8x129xf32, #tpu.memory_space<vmem>>[vector<16xi32>, vector<16xi32>, vector<16xi32>], vector<16xf32>,
        %parallel_loop3A_532 = arith.index_cast %parallel_loop3A_523 : i32 to index
        %parallel_loop3A_533 = arith.constant 16 : index
        %parallel_loop3A_534 = tpu.vector_load %arg10[%parallel_loop3A_532, %parallel_loop3A_533] {strides = array<i32>} : memref<128x64xf32, #tpu.memory_space<vmem>>, vector<16xf32>,
        %parallel_loop3A_535 = arith.addf %parallel_loop3A_534, %get3A_331 : vector<16xf32>
        tpu.vector_store_idx %arg14[%shift_right_logical3A_15, %and3A_38, %parallel_loop3A_527], %parallel_loop3A_535 : memref<8x8x129xf32, #tpu.memory_space<vmem>>[vector<16xi32>, vector<16xi32>, vector<16xi32>], vector<16xf32>,
        %parallel_loop3A_536 = arith.index_cast %parallel_loop3A_523 : i32 to index
        %parallel_loop3A_537 = arith.constant 32 : index
        %parallel_loop3A_538 = tpu.vector_load %arg10[%parallel_loop3A_536, %parallel_loop3A_537] {strides = array<i32>} : memref<128x64xf32, #tpu.memory_space<vmem>>, vector<16xf32>,
        %parallel_loop3A_539 = arith.addf %parallel_loop3A_538, %get3A_337 : vector<16xf32>
        tpu.vector_store_idx %arg14[%shift_right_logical3A_21, %and3A_44, %parallel_loop3A_527], %parallel_loop3A_539 : memref<8x8x129xf32, #tpu.memory_space<vmem>>[vector<16xi32>, vector<16xi32>, vector<16xi32>], vector<16xf32>,
        %parallel_loop3A_540 = arith.index_cast %parallel_loop3A_523 : i32 to index
        %parallel_loop3A_541 = arith.constant 48 : index
        %parallel_loop3A_542 = tpu.vector_load %arg10[%parallel_loop3A_540, %parallel_loop3A_541] {strides = array<i32>} : memref<128x64xf32, #tpu.memory_space<vmem>>, vector<16xf32>,
        %parallel_loop3A_543 = arith.addf %parallel_loop3A_542, %get3A_343 : vector<16xf32>
        tpu.vector_store_idx %arg14[%shift_right_logical3A_27, %and3A_50, %parallel_loop3A_527], %parallel_loop3A_543 : memref<8x8x129xf32, #tpu.memory_space<vmem>>[vector<16xi32>, vector<16xi32>, vector<16xi32>], vector<16xf32>,
        %parallel_loop3A_544 = arith.constant 4 : i32
        %parallel_loop3A_545 = arith.addi %parallel_loop3A_455, %parallel_loop3A_544 : i32
        %parallel_loop3A_546 = arith.constant 0 : i32
        %parallel_loop3A_547 = vector.broadcast %parallel_loop3A_546 : i32 to vector<16xi32>
        %parallel_loop3A_548 = vector.broadcast %parallel_loop3A_545 : i32 to vector<16xi32>
        %parallel_loop3A_549 = arith.addi %parallel_loop3A_547, %parallel_loop3A_548 : vector<16xi32>
        %parallel_loop3A_550 = arith.index_cast %parallel_loop3A_545 : i32 to index
        %parallel_loop3A_551 = arith.constant 0 : index
        %parallel_loop3A_552 = tpu.vector_load %arg10[%parallel_loop3A_550, %parallel_loop3A_551] {strides = array<i32>} : memref<128x64xf32, #tpu.memory_space<vmem>>, vector<16xf32>,
        %parallel_loop3A_553 = arith.addf %parallel_loop3A_552, %get3A_325 : vector<16xf32>
        tpu.vector_store_idx %arg14[%shift_right_logical3A_9, %and3A_32, %parallel_loop3A_549], %parallel_loop3A_553 : memref<8x8x129xf32, #tpu.memory_space<vmem>>[vector<16xi32>, vector<16xi32>, vector<16xi32>], vector<16xf32>,
        %parallel_loop3A_554 = arith.index_cast %parallel_loop3A_545 : i32 to index
        %parallel_loop3A_555 = arith.constant 16 : index
        %parallel_loop3A_556 = tpu.vector_load %arg10[%parallel_loop3A_554, %parallel_loop3A_555] {strides = array<i32>} : memref<128x64xf32, #tpu.memory_space<vmem>>, vector<16xf32>,
        %parallel_loop3A_557 = arith.addf %parallel_loop3A_556, %get3A_331 : vector<16xf32>
        tpu.vector_store_idx %arg14[%shift_right_logical3A_15, %and3A_38, %parallel_loop3A_549], %parallel_loop3A_557 : memref<8x8x129xf32, #tpu.memory_space<vmem>>[vector<16xi32>, vector<16xi32>, vector<16xi32>], vector<16xf32>,
        %parallel_loop3A_558 = arith.index_cast %parallel_loop3A_545 : i32 to index
        %parallel_loop3A_559 = arith.constant 32 : index
        %parallel_loop3A_560 = tpu.vector_load %arg10[%parallel_loop3A_558, %parallel_loop3A_559] {strides = array<i32>} : memref<128x64xf32, #tpu.memory_space<vmem>>, vector<16xf32>,
        %parallel_loop3A_561 = arith.addf %parallel_loop3A_560, %get3A_337 : vector<16xf32>
        tpu.vector_store_idx %arg14[%shift_right_logical3A_21, %and3A_44, %parallel_loop3A_549], %parallel_loop3A_561 : memref<8x8x129xf32, #tpu.memory_space<vmem>>[vector<16xi32>, vector<16xi32>, vector<16xi32>], vector<16xf32>,
        %parallel_loop3A_562 = arith.index_cast %parallel_loop3A_545 : i32 to index
        %parallel_loop3A_563 = arith.constant 48 : index
        %parallel_loop3A_564 = tpu.vector_load %arg10[%parallel_loop3A_562, %parallel_loop3A_563] {strides = array<i32>} : memref<128x64xf32, #tpu.memory_space<vmem>>, vector<16xf32>,
        %parallel_loop3A_565 = arith.addf %parallel_loop3A_564, %get3A_343 : vector<16xf32>
        tpu.vector_store_idx %arg14[%shift_right_logical3A_27, %and3A_50, %parallel_loop3A_549], %parallel_loop3A_565 : memref<8x8x129xf32, #tpu.memory_space<vmem>>[vector<16xi32>, vector<16xi32>, vector<16xi32>], vector<16xf32>,
        %parallel_loop3A_566 = arith.constant 5 : i32
        %parallel_loop3A_567 = arith.addi %parallel_loop3A_455, %parallel_loop3A_566 : i32
        %parallel_loop3A_568 = arith.constant 0 : i32
        %parallel_loop3A_569 = vector.broadcast %parallel_loop3A_568 : i32 to vector<16xi32>
        %parallel_loop3A_570 = vector.broadcast %parallel_loop3A_567 : i32 to vector<16xi32>
        %parallel_loop3A_571 = arith.addi %parallel_loop3A_569, %parallel_loop3A_570 : vector<16xi32>
        %parallel_loop3A_572 = arith.index_cast %parallel_loop3A_567 : i32 to index
        %parallel_loop3A_573 = arith.constant 0 : index
        %parallel_loop3A_574 = tpu.vector_load %arg10[%parallel_loop3A_572, %parallel_loop3A_573] {strides = array<i32>} : memref<128x64xf32, #tpu.memory_space<vmem>>, vector<16xf32>,
        %parallel_loop3A_575 = arith.addf %parallel_loop3A_574, %get3A_325 : vector<16xf32>
        tpu.vector_store_idx %arg14[%shift_right_logical3A_9, %and3A_32, %parallel_loop3A_571], %parallel_loop3A_575 : memref<8x8x129xf32, #tpu.memory_space<vmem>>[vector<16xi32>, vector<16xi32>, vector<16xi32>], vector<16xf32>,
        %parallel_loop3A_576 = arith.index_cast %parallel_loop3A_567 : i32 to index
        %parallel_loop3A_577 = arith.constant 16 : index
        %parallel_loop3A_578 = tpu.vector_load %arg10[%parallel_loop3A_576, %parallel_loop3A_577] {strides = array<i32>} : memref<128x64xf32, #tpu.memory_space<vmem>>, vector<16xf32>,
        %parallel_loop3A_579 = arith.addf %parallel_loop3A_578, %get3A_331 : vector<16xf32>
        tpu.vector_store_idx %arg14[%shift_right_logical3A_15, %and3A_38, %parallel_loop3A_571], %parallel_loop3A_579 : memref<8x8x129xf32, #tpu.memory_space<vmem>>[vector<16xi32>, vector<16xi32>, vector<16xi32>], vector<16xf32>,
        %parallel_loop3A_580 = arith.index_cast %parallel_loop3A_567 : i32 to index
        %parallel_loop3A_581 = arith.constant 32 : index
        %parallel_loop3A_582 = tpu.vector_load %arg10[%parallel_loop3A_580, %parallel_loop3A_581] {strides = array<i32>} : memref<128x64xf32, #tpu.memory_space<vmem>>, vector<16xf32>,
        %parallel_loop3A_583 = arith.addf %parallel_loop3A_582, %get3A_337 : vector<16xf32>
        tpu.vector_store_idx %arg14[%shift_right_logical3A_21, %and3A_44, %parallel_loop3A_571], %parallel_loop3A_583 : memref<8x8x129xf32, #tpu.memory_space<vmem>>[vector<16xi32>, vector<16xi32>, vector<16xi32>], vector<16xf32>,
        %parallel_loop3A_584 = arith.index_cast %parallel_loop3A_567 : i32 to index
        %parallel_loop3A_585 = arith.constant 48 : index
        %parallel_loop3A_586 = tpu.vector_load %arg10[%parallel_loop3A_584, %parallel_loop3A_585] {strides = array<i32>} : memref<128x64xf32, #tpu.memory_space<vmem>>, vector<16xf32>,
        %parallel_loop3A_587 = arith.addf %parallel_loop3A_586, %get3A_343 : vector<16xf32>
        tpu.vector_store_idx %arg14[%shift_right_logical3A_27, %and3A_50, %parallel_loop3A_571], %parallel_loop3A_587 : memref<8x8x129xf32, #tpu.memory_space<vmem>>[vector<16xi32>, vector<16xi32>, vector<16xi32>], vector<16xf32>,
        %parallel_loop3A_588 = arith.constant 6 : i32
        %parallel_loop3A_589 = arith.addi %parallel_loop3A_455, %parallel_loop3A_588 : i32
        %parallel_loop3A_590 = arith.constant 0 : i32
        %parallel_loop3A_591 = vector.broadcast %parallel_loop3A_590 : i32 to vector<16xi32>
        %parallel_loop3A_592 = vector.broadcast %parallel_loop3A_589 : i32 to vector<16xi32>
        %parallel_loop3A_593 = arith.addi %parallel_loop3A_591, %parallel_loop3A_592 : vector<16xi32>
        %parallel_loop3A_594 = arith.index_cast %parallel_loop3A_589 : i32 to index
        %parallel_loop3A_595 = arith.constant 0 : index
        %parallel_loop3A_596 = tpu.vector_load %arg10[%parallel_loop3A_594, %parallel_loop3A_595] {strides = array<i32>} : memref<128x64xf32, #tpu.memory_space<vmem>>, vector<16xf32>,
        %parallel_loop3A_597 = arith.addf %parallel_loop3A_596, %get3A_325 : vector<16xf32>
        tpu.vector_store_idx %arg14[%shift_right_logical3A_9, %and3A_32, %parallel_loop3A_593], %parallel_loop3A_597 : memref<8x8x129xf32, #tpu.memory_space<vmem>>[vector<16xi32>, vector<16xi32>, vector<16xi32>], vector<16xf32>,
        %parallel_loop3A_598 = arith.index_cast %parallel_loop3A_589 : i32 to index
        %parallel_loop3A_599 = arith.constant 16 : index
        %parallel_loop3A_600 = tpu.vector_load %arg10[%parallel_loop3A_598, %parallel_loop3A_599] {strides = array<i32>} : memref<128x64xf32, #tpu.memory_space<vmem>>, vector<16xf32>,
        %parallel_loop3A_601 = arith.addf %parallel_loop3A_600, %get3A_331 : vector<16xf32>
        tpu.vector_store_idx %arg14[%shift_right_logical3A_15, %and3A_38, %parallel_loop3A_593], %parallel_loop3A_601 : memref<8x8x129xf32, #tpu.memory_space<vmem>>[vector<16xi32>, vector<16xi32>, vector<16xi32>], vector<16xf32>,
        %parallel_loop3A_602 = arith.index_cast %parallel_loop3A_589 : i32 to index
        %parallel_loop3A_603 = arith.constant 32 : index
        %parallel_loop3A_604 = tpu.vector_load %arg10[%parallel_loop3A_602, %parallel_loop3A_603] {strides = array<i32>} : memref<128x64xf32, #tpu.memory_space<vmem>>, vector<16xf32>,
        %parallel_loop3A_605 = arith.addf %parallel_loop3A_604, %get3A_337 : vector<16xf32>
        tpu.vector_store_idx %arg14[%shift_right_logical3A_21, %and3A_44, %parallel_loop3A_593], %parallel_loop3A_605 : memref<8x8x129xf32, #tpu.memory_space<vmem>>[vector<16xi32>, vector<16xi32>, vector<16xi32>], vector<16xf32>,
        %parallel_loop3A_606 = arith.index_cast %parallel_loop3A_589 : i32 to index
        %parallel_loop3A_607 = arith.constant 48 : index
        %parallel_loop3A_608 = tpu.vector_load %arg10[%parallel_loop3A_606, %parallel_loop3A_607] {strides = array<i32>} : memref<128x64xf32, #tpu.memory_space<vmem>>, vector<16xf32>,
        %parallel_loop3A_609 = arith.addf %parallel_loop3A_608, %get3A_343 : vector<16xf32>
        tpu.vector_store_idx %arg14[%shift_right_logical3A_27, %and3A_50, %parallel_loop3A_593], %parallel_loop3A_609 : memref<8x8x129xf32, #tpu.memory_space<vmem>>[vector<16xi32>, vector<16xi32>, vector<16xi32>], vector<16xf32>,
        %parallel_loop3A_610 = arith.constant 7 : i32
        %parallel_loop3A_611 = arith.addi %parallel_loop3A_455, %parallel_loop3A_610 : i32
        %parallel_loop3A_612 = arith.constant 0 : i32
        %parallel_loop3A_613 = vector.broadcast %parallel_loop3A_612 : i32 to vector<16xi32>
        %parallel_loop3A_614 = vector.broadcast %parallel_loop3A_611 : i32 to vector<16xi32>
        %parallel_loop3A_615 = arith.addi %parallel_loop3A_613, %parallel_loop3A_614 : vector<16xi32>
        %parallel_loop3A_616 = arith.index_cast %parallel_loop3A_611 : i32 to index
        %parallel_loop3A_617 = arith.constant 0 : index
        %parallel_loop3A_618 = tpu.vector_load %arg10[%parallel_loop3A_616, %parallel_loop3A_617] {strides = array<i32>} : memref<128x64xf32, #tpu.memory_space<vmem>>, vector<16xf32>,
        %parallel_loop3A_619 = arith.addf %parallel_loop3A_618, %get3A_325 : vector<16xf32>
        tpu.vector_store_idx %arg14[%shift_right_logical3A_9, %and3A_32, %parallel_loop3A_615], %parallel_loop3A_619 : memref<8x8x129xf32, #tpu.memory_space<vmem>>[vector<16xi32>, vector<16xi32>, vector<16xi32>], vector<16xf32>,
        %parallel_loop3A_620 = arith.index_cast %parallel_loop3A_611 : i32 to index
        %parallel_loop3A_621 = arith.constant 16 : index
        %parallel_loop3A_622 = tpu.vector_load %arg10[%parallel_loop3A_620, %parallel_loop3A_621] {strides = array<i32>} : memref<128x64xf32, #tpu.memory_space<vmem>>, vector<16xf32>,
        %parallel_loop3A_623 = arith.addf %parallel_loop3A_622, %get3A_331 : vector<16xf32>
        tpu.vector_store_idx %arg14[%shift_right_logical3A_15, %and3A_38, %parallel_loop3A_615], %parallel_loop3A_623 : memref<8x8x129xf32, #tpu.memory_space<vmem>>[vector<16xi32>, vector<16xi32>, vector<16xi32>], vector<16xf32>,
        %parallel_loop3A_624 = arith.index_cast %parallel_loop3A_611 : i32 to index
        %parallel_loop3A_625 = arith.constant 32 : index
        %parallel_loop3A_626 = tpu.vector_load %arg10[%parallel_loop3A_624, %parallel_loop3A_625] {strides = array<i32>} : memref<128x64xf32, #tpu.memory_space<vmem>>, vector<16xf32>,
        %parallel_loop3A_627 = arith.addf %parallel_loop3A_626, %get3A_337 : vector<16xf32>
        tpu.vector_store_idx %arg14[%shift_right_logical3A_21, %and3A_44, %parallel_loop3A_615], %parallel_loop3A_627 : memref<8x8x129xf32, #tpu.memory_space<vmem>>[vector<16xi32>, vector<16xi32>, vector<16xi32>], vector<16xf32>,
        %parallel_loop3A_628 = arith.index_cast %parallel_loop3A_611 : i32 to index
        %parallel_loop3A_629 = arith.constant 48 : index
        %parallel_loop3A_630 = tpu.vector_load %arg10[%parallel_loop3A_628, %parallel_loop3A_629] {strides = array<i32>} : memref<128x64xf32, #tpu.memory_space<vmem>>, vector<16xf32>,
        %parallel_loop3A_631 = arith.addf %parallel_loop3A_630, %get3A_343 : vector<16xf32>
        tpu.vector_store_idx %arg14[%shift_right_logical3A_27, %and3A_50, %parallel_loop3A_615], %parallel_loop3A_631 : memref<8x8x129xf32, #tpu.memory_space<vmem>>[vector<16xi32>, vector<16xi32>, vector<16xi32>], vector<16xf32>,
      } {sc.loop_unroll_factor = 1 : i64, sc.parallel_access}
      %add3A_352 = arith.addi %mul3A_2, %add3A_310 : i32
      %shift_right_logical3A_353 = arith.constant 5 : i32
      %shift_right_logical3A_354 = arith.shrui %add3A_352, %shift_right_logical3A_353 : i32
      %and3A_355 = arith.constant 31 : i32
      %and3A_356 = arith.andi %add3A_352, %and3A_355 : i32
      %dma_start3A_357 = arith.constant 0 : i32
      %dma_start3A_358 = arith.constant 0 : i32
      %dma_start3A_359 = arith.constant 0 : i32
      %dma_start3A_360 = tpu.memref_slice %arg14[%dma_start3A_357, %dma_start3A_358, %dma_start3A_359] : memref<8x8x129xf32, #tpu.memory_space<vmem>> -> memref<8x8x128xf32, #tpu.memory_space<vmem>>
      %dma_start3A_361 = arith.constant 0 : i32
      %dma_start3A_362 = arith.constant 0 : i32
      %dma_start3A_363 = arith.constant 0 : i32
      %dma_start3A_364 = tpu.memref_slice %arg5[%shift_right_logical3A_354, %dma_start3A_361, %and3A_356, %dma_start3A_362, %dma_start3A_363] : memref<200x8x32x8x128xf32, #tpu.memory_space<hbm>> -> memref<1x8x1x8x128xf32, #tpu.memory_space<hbm>>
      %dma_start3A_365 = tpu.memref_squeeze %dma_start3A_364 : memref<1x8x1x8x128xf32, #tpu.memory_space<hbm>> -> memref<8x8x128xf32, #tpu.memory_space<hbm>>
      %dma_start3A_366 = arith.constant 0 : i32
      %dma_start3A_367 = arith.constant 0 : i32
      %dma_start3A_368 = arith.constant 0 : i32
      %dma_start3A_369 = tpu.memref_slice %arg5[%shift_right_logical3A_354, %dma_start3A_366, %and3A_356, %dma_start3A_367, %dma_start3A_368] : memref<200x8x32x8x128xf32, #tpu.memory_space<hbm>> -> memref<1x8x1x8x128xf32, #tpu.memory_space<hbm>>
      %dma_start3A_370 = tpu.memref_squeeze %dma_start3A_369 : memref<1x8x1x8x128xf32, #tpu.memory_space<hbm>> -> memref<8x8x128xf32, #tpu.memory_space<hbm>>
      %dma_start3A_371 = arith.constant 0 : i32
      %dma_start3A_372 = arith.constant 0 : i32
      %dma_start3A_373 = arith.constant 0 : i32
      %dma_start3A_374 = tpu.memref_slice %arg14[%dma_start3A_371, %dma_start3A_372, %dma_start3A_373] : memref<8x8x129xf32, #tpu.memory_space<vmem>> -> memref<8x8x128xf32, #tpu.memory_space<vmem>>
      tpu.enqueue_dma source(%dma_start3A_374 : memref<8x8x128xf32, #tpu.memory_space<vmem>>) target(%dma_start3A_370 : memref<8x8x128xf32, #tpu.memory_space<hbm>>) target_semaphore(%arg22 : memref<!tpu.dma_semaphore, #tpu.memory_space<semaphore_mem>>)
      %add3A_375 = arith.constant 3 : i32
      %add3A_376 = arith.addi %add3A_310, %add3A_375 : i32
      %lt3A_377 = arith.constant 200 : i32
      %lt3A_378 = arith.cmpi slt, %add3A_376, %lt3A_377 : i32
      %convert_element_type3A_379 = arith.extui %lt3A_378 : i1 to i32
      %cond3A_380 = arith.constant 0 : i32
      %cond3A_381 = arith.cmpi ne, %convert_element_type3A_379, %cond3A_380 : i32
      scf.if %cond3A_381 {
        %mul3A_455 = arith.constant 128 : i32
        %mul3A_456 = arith.muli %add3A_376, %mul3A_455 : i32
        %dma_start3A_457 = tpu.memref_slice %arg6[%mul3A_456] : memref<25600xi32, #tpu.memory_space<vmem>> -> memref<128xi32, #tpu.memory_space<vmem>>
        %dma_start3A_458 = arith.constant 0 : i32
        %dma_start3A_459 = arith.constant 0 : i32
        %dma_start3A_460 = tpu.memref_slice %arg2[%dma_start3A_458, %dma_start3A_459] : memref<100000x64xf32, #tpu.memory_space<hbm>> -> memref<100000x64xf32, #tpu.memory_space<hbm>>
        tpu.enqueue_indirect_dma source(%dma_start3A_460 : memref<100000x64xf32, #tpu.memory_space<hbm>>) target(%arg9 : memref<128x64xf32, #tpu.memory_space<vmem>>) offsets(%dma_start3A_457 : memref<128xi32, #tpu.memory_space<vmem>>) semaphore(%arg17 : memref<!tpu.dma_semaphore, #tpu.memory_space<semaphore_mem>>)
      } else {
      }
      %add3A_382 = arith.constant 3 : i32
      %add3A_383 = arith.addi %add3A_168, %add3A_382 : i32
      %mul3A_384 = arith.constant 128 : i32
      %mul3A_385 = arith.muli %add3A_383, %mul3A_384 : i32
      %dma_wait3A_386 = tpu.memref_slice %arg6[%mul3A_385] : memref<25600xi32, #tpu.memory_space<vmem>> -> memref<128xi32, #tpu.memory_space<vmem>>
      %dma_wait3A_387 = arith.constant 0 : i32
      %dma_wait3A_388 = arith.constant 0 : i32
      %dma_wait3A_389 = tpu.memref_slice %arg2[%dma_wait3A_387, %dma_wait3A_388] : memref<100000x64xf32, #tpu.memory_space<hbm>> -> memref<100000x64xf32, #tpu.memory_space<hbm>>
      tpu.wait_indirect_dma semaphore(%arg19 : memref<!tpu.dma_semaphore, #tpu.memory_space<semaphore_mem>>) src(%dma_wait3A_389 : memref<100000x64xf32, #tpu.memory_space<hbm>>) dst(%arg11 : memref<128x64xf32, #tpu.memory_space<vmem>>)
      %add3A_390 = arith.addi %mul3A_2, %add3A_383 : i32
      %shift_right_logical3A_391 = arith.constant 5 : i32
      %shift_right_logical3A_392 = arith.shrui %add3A_390, %shift_right_logical3A_391 : i32
      %mul3A_393 = arith.constant 64 : i32
      %mul3A_394 = arith.muli %shift_right_logical3A_392, %mul3A_393 : i32
      %add3A_395 = arith.constant 0 : i32
      %add3A_396 = arith.addi %mul3A_394, %add3A_395 : i32
      %get3A_397 = arith.index_cast %add3A_396 : i32 to index
      %get3A_398 = tpu.vector_load %arg7[%get3A_397] {strides = array<i32>} : memref<12800xf32, #tpu.memory_space<vmem>>, vector<16xf32>,
      %mul3A_399 = arith.constant 64 : i32
      %mul3A_400 = arith.muli %shift_right_logical3A_392, %mul3A_399 : i32
      %add3A_401 = arith.constant 16 : i32
      %add3A_402 = arith.addi %mul3A_400, %add3A_401 : i32
      %get3A_403 = arith.index_cast %add3A_402 : i32 to index
      %get3A_404 = tpu.vector_load %arg7[%get3A_403] {strides = array<i32>} : memref<12800xf32, #tpu.memory_space<vmem>>, vector<16xf32>,
      %mul3A_405 = arith.constant 64 : i32
      %mul3A_406 = arith.muli %shift_right_logical3A_392, %mul3A_405 : i32
      %add3A_407 = arith.constant 32 : i32
      %add3A_408 = arith.addi %mul3A_406, %add3A_407 : i32
      %get3A_409 = arith.index_cast %add3A_408 : i32 to index
      %get3A_410 = tpu.vector_load %arg7[%get3A_409] {strides = array<i32>} : memref<12800xf32, #tpu.memory_space<vmem>>, vector<16xf32>,
      %mul3A_411 = arith.constant 64 : i32
      %mul3A_412 = arith.muli %shift_right_logical3A_392, %mul3A_411 : i32
      %add3A_413 = arith.constant 48 : i32
      %add3A_414 = arith.addi %mul3A_412, %add3A_413 : i32
      %get3A_415 = arith.index_cast %add3A_414 : i32 to index
      %get3A_416 = tpu.vector_load %arg7[%get3A_415] {strides = array<i32>} : memref<12800xf32, #tpu.memory_space<vmem>>, vector<16xf32>,
      %ge3A_417 = arith.constant 4 : i32
      %ge3A_418 = arith.cmpi sge, %add3A_383, %ge3A_417 : i32
      %convert_element_type3A_419 = arith.extui %ge3A_418 : i1 to i32
      %cond3A_420 = arith.constant 0 : i32
      %cond3A_421 = arith.cmpi ne, %convert_element_type3A_419, %cond3A_420 : i32
      scf.if %cond3A_421 {
        %sub3A = arith.constant 4 : i32
        %sub3A_455 = arith.subi %add3A_383, %sub3A : i32
        %add3A_456 = arith.addi %mul3A_2, %sub3A_455 : i32
        %shift_right_logical3A_457 = arith.constant 5 : i32
        %shift_right_logical3A_458 = arith.shrui %add3A_456, %shift_right_logical3A_457 : i32
        %and3A_459 = arith.constant 31 : i32
        %and3A_460 = arith.andi %add3A_456, %and3A_459 : i32
        %dma_wait3A_461 = arith.constant 0 : i32
        %dma_wait3A_462 = arith.constant 0 : i32
        %dma_wait3A_463 = arith.constant 0 : i32
        %dma_wait3A_464 = tpu.memref_slice %arg15[%dma_wait3A_461, %dma_wait3A_462, %dma_wait3A_463] : memref<8x8x129xf32, #tpu.memory_space<vmem>> -> memref<8x8x128xf32, #tpu.memory_space<vmem>>
        %dma_wait3A_465 = arith.constant 0 : i32
        %dma_wait3A_466 = arith.constant 0 : i32
        %dma_wait3A_467 = arith.constant 0 : i32
        %dma_wait3A_468 = tpu.memref_slice %arg5[%shift_right_logical3A_458, %dma_wait3A_465, %and3A_460, %dma_wait3A_466, %dma_wait3A_467] : memref<200x8x32x8x128xf32, #tpu.memory_space<hbm>> -> memref<1x8x1x8x128xf32, #tpu.memory_space<hbm>>
        %dma_wait3A_469 = tpu.memref_squeeze %dma_wait3A_468 : memref<1x8x1x8x128xf32, #tpu.memory_space<hbm>> -> memref<8x8x128xf32, #tpu.memory_space<hbm>>
        %dma_wait3A_470 = arith.constant 0 : i32
        %dma_wait3A_471 = arith.constant 0 : i32
        %dma_wait3A_472 = arith.constant 0 : i32
        %dma_wait3A_473 = tpu.memref_slice %arg5[%shift_right_logical3A_458, %dma_wait3A_470, %and3A_460, %dma_wait3A_471, %dma_wait3A_472] : memref<200x8x32x8x128xf32, #tpu.memory_space<hbm>> -> memref<1x8x1x8x128xf32, #tpu.memory_space<hbm>>
        %dma_wait3A_474 = tpu.memref_squeeze %dma_wait3A_473 : memref<1x8x1x8x128xf32, #tpu.memory_space<hbm>> -> memref<8x8x128xf32, #tpu.memory_space<hbm>>
        %dma_wait3A_475 = arith.constant 0 : i32
        %dma_wait3A_476 = arith.constant 0 : i32
        %dma_wait3A_477 = arith.constant 0 : i32
        %dma_wait3A_478 = tpu.memref_slice %arg15[%dma_wait3A_475, %dma_wait3A_476, %dma_wait3A_477] : memref<8x8x129xf32, #tpu.memory_space<vmem>> -> memref<8x8x128xf32, #tpu.memory_space<vmem>>
        tpu.wait_dma2 semaphore(%arg23 : memref<!tpu.dma_semaphore, #tpu.memory_space<semaphore_mem>>) src(%dma_wait3A_478 : memref<8x8x128xf32, #tpu.memory_space<vmem>>) dst(%dma_wait3A_474 : memref<8x8x128xf32, #tpu.memory_space<hbm>>)
      } else {
      }
      %parallel_loop3A_422 = arith.constant 0 : i32
      %parallel_loop3A_423 = arith.constant 128 : i32
      %parallel_loop3A_424 = arith.constant 8 : i32
      scf.for %parallel_loop3A_455 = %parallel_loop3A_422 to %parallel_loop3A_423 step %parallel_loop3A_424  : i32 {
        %parallel_loop3A_456 = arith.constant 0 : i32
        %parallel_loop3A_457 = arith.addi %parallel_loop3A_455, %parallel_loop3A_456 : i32
        %parallel_loop3A_458 = arith.constant 0 : i32
        %parallel_loop3A_459 = vector.broadcast %parallel_loop3A_458 : i32 to vector<16xi32>
        %parallel_loop3A_460 = vector.broadcast %parallel_loop3A_457 : i32 to vector<16xi32>
        %parallel_loop3A_461 = arith.addi %parallel_loop3A_459, %parallel_loop3A_460 : vector<16xi32>
        %parallel_loop3A_462 = arith.index_cast %parallel_loop3A_457 : i32 to index
        %parallel_loop3A_463 = arith.constant 0 : index
        %parallel_loop3A_464 = tpu.vector_load %arg11[%parallel_loop3A_462, %parallel_loop3A_463] {strides = array<i32>} : memref<128x64xf32, #tpu.memory_space<vmem>>, vector<16xf32>,
        %parallel_loop3A_465 = arith.addf %parallel_loop3A_464, %get3A_398 : vector<16xf32>
        tpu.vector_store_idx %arg15[%shift_right_logical3A_9, %and3A_32, %parallel_loop3A_461], %parallel_loop3A_465 : memref<8x8x129xf32, #tpu.memory_space<vmem>>[vector<16xi32>, vector<16xi32>, vector<16xi32>], vector<16xf32>,
        %parallel_loop3A_466 = arith.index_cast %parallel_loop3A_457 : i32 to index
        %parallel_loop3A_467 = arith.constant 16 : index
        %parallel_loop3A_468 = tpu.vector_load %arg11[%parallel_loop3A_466, %parallel_loop3A_467] {strides = array<i32>} : memref<128x64xf32, #tpu.memory_space<vmem>>, vector<16xf32>,
        %parallel_loop3A_469 = arith.addf %parallel_loop3A_468, %get3A_404 : vector<16xf32>
        tpu.vector_store_idx %arg15[%shift_right_logical3A_15, %and3A_38, %parallel_loop3A_461], %parallel_loop3A_469 : memref<8x8x129xf32, #tpu.memory_space<vmem>>[vector<16xi32>, vector<16xi32>, vector<16xi32>], vector<16xf32>,
        %parallel_loop3A_470 = arith.index_cast %parallel_loop3A_457 : i32 to index
        %parallel_loop3A_471 = arith.constant 32 : index
        %parallel_loop3A_472 = tpu.vector_load %arg11[%parallel_loop3A_470, %parallel_loop3A_471] {strides = array<i32>} : memref<128x64xf32, #tpu.memory_space<vmem>>, vector<16xf32>,
        %parallel_loop3A_473 = arith.addf %parallel_loop3A_472, %get3A_410 : vector<16xf32>
        tpu.vector_store_idx %arg15[%shift_right_logical3A_21, %and3A_44, %parallel_loop3A_461], %parallel_loop3A_473 : memref<8x8x129xf32, #tpu.memory_space<vmem>>[vector<16xi32>, vector<16xi32>, vector<16xi32>], vector<16xf32>,
        %parallel_loop3A_474 = arith.index_cast %parallel_loop3A_457 : i32 to index
        %parallel_loop3A_475 = arith.constant 48 : index
        %parallel_loop3A_476 = tpu.vector_load %arg11[%parallel_loop3A_474, %parallel_loop3A_475] {strides = array<i32>} : memref<128x64xf32, #tpu.memory_space<vmem>>, vector<16xf32>,
        %parallel_loop3A_477 = arith.addf %parallel_loop3A_476, %get3A_416 : vector<16xf32>
        tpu.vector_store_idx %arg15[%shift_right_logical3A_27, %and3A_50, %parallel_loop3A_461], %parallel_loop3A_477 : memref<8x8x129xf32, #tpu.memory_space<vmem>>[vector<16xi32>, vector<16xi32>, vector<16xi32>], vector<16xf32>,
        %parallel_loop3A_478 = arith.constant 1 : i32
        %parallel_loop3A_479 = arith.addi %parallel_loop3A_455, %parallel_loop3A_478 : i32
        %parallel_loop3A_480 = arith.constant 0 : i32
        %parallel_loop3A_481 = vector.broadcast %parallel_loop3A_480 : i32 to vector<16xi32>
        %parallel_loop3A_482 = vector.broadcast %parallel_loop3A_479 : i32 to vector<16xi32>
        %parallel_loop3A_483 = arith.addi %parallel_loop3A_481, %parallel_loop3A_482 : vector<16xi32>
        %parallel_loop3A_484 = arith.index_cast %parallel_loop3A_479 : i32 to index
        %parallel_loop3A_485 = arith.constant 0 : index
        %parallel_loop3A_486 = tpu.vector_load %arg11[%parallel_loop3A_484, %parallel_loop3A_485] {strides = array<i32>} : memref<128x64xf32, #tpu.memory_space<vmem>>, vector<16xf32>,
        %parallel_loop3A_487 = arith.addf %parallel_loop3A_486, %get3A_398 : vector<16xf32>
        tpu.vector_store_idx %arg15[%shift_right_logical3A_9, %and3A_32, %parallel_loop3A_483], %parallel_loop3A_487 : memref<8x8x129xf32, #tpu.memory_space<vmem>>[vector<16xi32>, vector<16xi32>, vector<16xi32>], vector<16xf32>,
        %parallel_loop3A_488 = arith.index_cast %parallel_loop3A_479 : i32 to index
        %parallel_loop3A_489 = arith.constant 16 : index
        %parallel_loop3A_490 = tpu.vector_load %arg11[%parallel_loop3A_488, %parallel_loop3A_489] {strides = array<i32>} : memref<128x64xf32, #tpu.memory_space<vmem>>, vector<16xf32>,
        %parallel_loop3A_491 = arith.addf %parallel_loop3A_490, %get3A_404 : vector<16xf32>
        tpu.vector_store_idx %arg15[%shift_right_logical3A_15, %and3A_38, %parallel_loop3A_483], %parallel_loop3A_491 : memref<8x8x129xf32, #tpu.memory_space<vmem>>[vector<16xi32>, vector<16xi32>, vector<16xi32>], vector<16xf32>,
        %parallel_loop3A_492 = arith.index_cast %parallel_loop3A_479 : i32 to index
        %parallel_loop3A_493 = arith.constant 32 : index
        %parallel_loop3A_494 = tpu.vector_load %arg11[%parallel_loop3A_492, %parallel_loop3A_493] {strides = array<i32>} : memref<128x64xf32, #tpu.memory_space<vmem>>, vector<16xf32>,
        %parallel_loop3A_495 = arith.addf %parallel_loop3A_494, %get3A_410 : vector<16xf32>
        tpu.vector_store_idx %arg15[%shift_right_logical3A_21, %and3A_44, %parallel_loop3A_483], %parallel_loop3A_495 : memref<8x8x129xf32, #tpu.memory_space<vmem>>[vector<16xi32>, vector<16xi32>, vector<16xi32>], vector<16xf32>,
        %parallel_loop3A_496 = arith.index_cast %parallel_loop3A_479 : i32 to index
        %parallel_loop3A_497 = arith.constant 48 : index
        %parallel_loop3A_498 = tpu.vector_load %arg11[%parallel_loop3A_496, %parallel_loop3A_497] {strides = array<i32>} : memref<128x64xf32, #tpu.memory_space<vmem>>, vector<16xf32>,
        %parallel_loop3A_499 = arith.addf %parallel_loop3A_498, %get3A_416 : vector<16xf32>
        tpu.vector_store_idx %arg15[%shift_right_logical3A_27, %and3A_50, %parallel_loop3A_483], %parallel_loop3A_499 : memref<8x8x129xf32, #tpu.memory_space<vmem>>[vector<16xi32>, vector<16xi32>, vector<16xi32>], vector<16xf32>,
        %parallel_loop3A_500 = arith.constant 2 : i32
        %parallel_loop3A_501 = arith.addi %parallel_loop3A_455, %parallel_loop3A_500 : i32
        %parallel_loop3A_502 = arith.constant 0 : i32
        %parallel_loop3A_503 = vector.broadcast %parallel_loop3A_502 : i32 to vector<16xi32>
        %parallel_loop3A_504 = vector.broadcast %parallel_loop3A_501 : i32 to vector<16xi32>
        %parallel_loop3A_505 = arith.addi %parallel_loop3A_503, %parallel_loop3A_504 : vector<16xi32>
        %parallel_loop3A_506 = arith.index_cast %parallel_loop3A_501 : i32 to index
        %parallel_loop3A_507 = arith.constant 0 : index
        %parallel_loop3A_508 = tpu.vector_load %arg11[%parallel_loop3A_506, %parallel_loop3A_507] {strides = array<i32>} : memref<128x64xf32, #tpu.memory_space<vmem>>, vector<16xf32>,
        %parallel_loop3A_509 = arith.addf %parallel_loop3A_508, %get3A_398 : vector<16xf32>
        tpu.vector_store_idx %arg15[%shift_right_logical3A_9, %and3A_32, %parallel_loop3A_505], %parallel_loop3A_509 : memref<8x8x129xf32, #tpu.memory_space<vmem>>[vector<16xi32>, vector<16xi32>, vector<16xi32>], vector<16xf32>,
        %parallel_loop3A_510 = arith.index_cast %parallel_loop3A_501 : i32 to index
        %parallel_loop3A_511 = arith.constant 16 : index
        %parallel_loop3A_512 = tpu.vector_load %arg11[%parallel_loop3A_510, %parallel_loop3A_511] {strides = array<i32>} : memref<128x64xf32, #tpu.memory_space<vmem>>, vector<16xf32>,
        %parallel_loop3A_513 = arith.addf %parallel_loop3A_512, %get3A_404 : vector<16xf32>
        tpu.vector_store_idx %arg15[%shift_right_logical3A_15, %and3A_38, %parallel_loop3A_505], %parallel_loop3A_513 : memref<8x8x129xf32, #tpu.memory_space<vmem>>[vector<16xi32>, vector<16xi32>, vector<16xi32>], vector<16xf32>,
        %parallel_loop3A_514 = arith.index_cast %parallel_loop3A_501 : i32 to index
        %parallel_loop3A_515 = arith.constant 32 : index
        %parallel_loop3A_516 = tpu.vector_load %arg11[%parallel_loop3A_514, %parallel_loop3A_515] {strides = array<i32>} : memref<128x64xf32, #tpu.memory_space<vmem>>, vector<16xf32>,
        %parallel_loop3A_517 = arith.addf %parallel_loop3A_516, %get3A_410 : vector<16xf32>
        tpu.vector_store_idx %arg15[%shift_right_logical3A_21, %and3A_44, %parallel_loop3A_505], %parallel_loop3A_517 : memref<8x8x129xf32, #tpu.memory_space<vmem>>[vector<16xi32>, vector<16xi32>, vector<16xi32>], vector<16xf32>,
        %parallel_loop3A_518 = arith.index_cast %parallel_loop3A_501 : i32 to index
        %parallel_loop3A_519 = arith.constant 48 : index
        %parallel_loop3A_520 = tpu.vector_load %arg11[%parallel_loop3A_518, %parallel_loop3A_519] {strides = array<i32>} : memref<128x64xf32, #tpu.memory_space<vmem>>, vector<16xf32>,
        %parallel_loop3A_521 = arith.addf %parallel_loop3A_520, %get3A_416 : vector<16xf32>
        tpu.vector_store_idx %arg15[%shift_right_logical3A_27, %and3A_50, %parallel_loop3A_505], %parallel_loop3A_521 : memref<8x8x129xf32, #tpu.memory_space<vmem>>[vector<16xi32>, vector<16xi32>, vector<16xi32>], vector<16xf32>,
        %parallel_loop3A_522 = arith.constant 3 : i32
        %parallel_loop3A_523 = arith.addi %parallel_loop3A_455, %parallel_loop3A_522 : i32
        %parallel_loop3A_524 = arith.constant 0 : i32
        %parallel_loop3A_525 = vector.broadcast %parallel_loop3A_524 : i32 to vector<16xi32>
        %parallel_loop3A_526 = vector.broadcast %parallel_loop3A_523 : i32 to vector<16xi32>
        %parallel_loop3A_527 = arith.addi %parallel_loop3A_525, %parallel_loop3A_526 : vector<16xi32>
        %parallel_loop3A_528 = arith.index_cast %parallel_loop3A_523 : i32 to index
        %parallel_loop3A_529 = arith.constant 0 : index
        %parallel_loop3A_530 = tpu.vector_load %arg11[%parallel_loop3A_528, %parallel_loop3A_529] {strides = array<i32>} : memref<128x64xf32, #tpu.memory_space<vmem>>, vector<16xf32>,
        %parallel_loop3A_531 = arith.addf %parallel_loop3A_530, %get3A_398 : vector<16xf32>
        tpu.vector_store_idx %arg15[%shift_right_logical3A_9, %and3A_32, %parallel_loop3A_527], %parallel_loop3A_531 : memref<8x8x129xf32, #tpu.memory_space<vmem>>[vector<16xi32>, vector<16xi32>, vector<16xi32>], vector<16xf32>,
        %parallel_loop3A_532 = arith.index_cast %parallel_loop3A_523 : i32 to index
        %parallel_loop3A_533 = arith.constant 16 : index
        %parallel_loop3A_534 = tpu.vector_load %arg11[%parallel_loop3A_532, %parallel_loop3A_533] {strides = array<i32>} : memref<128x64xf32, #tpu.memory_space<vmem>>, vector<16xf32>,
        %parallel_loop3A_535 = arith.addf %parallel_loop3A_534, %get3A_404 : vector<16xf32>
        tpu.vector_store_idx %arg15[%shift_right_logical3A_15, %and3A_38, %parallel_loop3A_527], %parallel_loop3A_535 : memref<8x8x129xf32, #tpu.memory_space<vmem>>[vector<16xi32>, vector<16xi32>, vector<16xi32>], vector<16xf32>,
        %parallel_loop3A_536 = arith.index_cast %parallel_loop3A_523 : i32 to index
        %parallel_loop3A_537 = arith.constant 32 : index
        %parallel_loop3A_538 = tpu.vector_load %arg11[%parallel_loop3A_536, %parallel_loop3A_537] {strides = array<i32>} : memref<128x64xf32, #tpu.memory_space<vmem>>, vector<16xf32>,
        %parallel_loop3A_539 = arith.addf %parallel_loop3A_538, %get3A_410 : vector<16xf32>
        tpu.vector_store_idx %arg15[%shift_right_logical3A_21, %and3A_44, %parallel_loop3A_527], %parallel_loop3A_539 : memref<8x8x129xf32, #tpu.memory_space<vmem>>[vector<16xi32>, vector<16xi32>, vector<16xi32>], vector<16xf32>,
        %parallel_loop3A_540 = arith.index_cast %parallel_loop3A_523 : i32 to index
        %parallel_loop3A_541 = arith.constant 48 : index
        %parallel_loop3A_542 = tpu.vector_load %arg11[%parallel_loop3A_540, %parallel_loop3A_541] {strides = array<i32>} : memref<128x64xf32, #tpu.memory_space<vmem>>, vector<16xf32>,
        %parallel_loop3A_543 = arith.addf %parallel_loop3A_542, %get3A_416 : vector<16xf32>
        tpu.vector_store_idx %arg15[%shift_right_logical3A_27, %and3A_50, %parallel_loop3A_527], %parallel_loop3A_543 : memref<8x8x129xf32, #tpu.memory_space<vmem>>[vector<16xi32>, vector<16xi32>, vector<16xi32>], vector<16xf32>,
        %parallel_loop3A_544 = arith.constant 4 : i32
        %parallel_loop3A_545 = arith.addi %parallel_loop3A_455, %parallel_loop3A_544 : i32
        %parallel_loop3A_546 = arith.constant 0 : i32
        %parallel_loop3A_547 = vector.broadcast %parallel_loop3A_546 : i32 to vector<16xi32>
        %parallel_loop3A_548 = vector.broadcast %parallel_loop3A_545 : i32 to vector<16xi32>
        %parallel_loop3A_549 = arith.addi %parallel_loop3A_547, %parallel_loop3A_548 : vector<16xi32>
        %parallel_loop3A_550 = arith.index_cast %parallel_loop3A_545 : i32 to index
        %parallel_loop3A_551 = arith.constant 0 : index
        %parallel_loop3A_552 = tpu.vector_load %arg11[%parallel_loop3A_550, %parallel_loop3A_551] {strides = array<i32>} : memref<128x64xf32, #tpu.memory_space<vmem>>, vector<16xf32>,
        %parallel_loop3A_553 = arith.addf %parallel_loop3A_552, %get3A_398 : vector<16xf32>
        tpu.vector_store_idx %arg15[%shift_right_logical3A_9, %and3A_32, %parallel_loop3A_549], %parallel_loop3A_553 : memref<8x8x129xf32, #tpu.memory_space<vmem>>[vector<16xi32>, vector<16xi32>, vector<16xi32>], vector<16xf32>,
        %parallel_loop3A_554 = arith.index_cast %parallel_loop3A_545 : i32 to index
        %parallel_loop3A_555 = arith.constant 16 : index
        %parallel_loop3A_556 = tpu.vector_load %arg11[%parallel_loop3A_554, %parallel_loop3A_555] {strides = array<i32>} : memref<128x64xf32, #tpu.memory_space<vmem>>, vector<16xf32>,
        %parallel_loop3A_557 = arith.addf %parallel_loop3A_556, %get3A_404 : vector<16xf32>
        tpu.vector_store_idx %arg15[%shift_right_logical3A_15, %and3A_38, %parallel_loop3A_549], %parallel_loop3A_557 : memref<8x8x129xf32, #tpu.memory_space<vmem>>[vector<16xi32>, vector<16xi32>, vector<16xi32>], vector<16xf32>,
        %parallel_loop3A_558 = arith.index_cast %parallel_loop3A_545 : i32 to index
        %parallel_loop3A_559 = arith.constant 32 : index
        %parallel_loop3A_560 = tpu.vector_load %arg11[%parallel_loop3A_558, %parallel_loop3A_559] {strides = array<i32>} : memref<128x64xf32, #tpu.memory_space<vmem>>, vector<16xf32>,
        %parallel_loop3A_561 = arith.addf %parallel_loop3A_560, %get3A_410 : vector<16xf32>
        tpu.vector_store_idx %arg15[%shift_right_logical3A_21, %and3A_44, %parallel_loop3A_549], %parallel_loop3A_561 : memref<8x8x129xf32, #tpu.memory_space<vmem>>[vector<16xi32>, vector<16xi32>, vector<16xi32>], vector<16xf32>,
        %parallel_loop3A_562 = arith.index_cast %parallel_loop3A_545 : i32 to index
        %parallel_loop3A_563 = arith.constant 48 : index
        %parallel_loop3A_564 = tpu.vector_load %arg11[%parallel_loop3A_562, %parallel_loop3A_563] {strides = array<i32>} : memref<128x64xf32, #tpu.memory_space<vmem>>, vector<16xf32>,
        %parallel_loop3A_565 = arith.addf %parallel_loop3A_564, %get3A_416 : vector<16xf32>
        tpu.vector_store_idx %arg15[%shift_right_logical3A_27, %and3A_50, %parallel_loop3A_549], %parallel_loop3A_565 : memref<8x8x129xf32, #tpu.memory_space<vmem>>[vector<16xi32>, vector<16xi32>, vector<16xi32>], vector<16xf32>,
        %parallel_loop3A_566 = arith.constant 5 : i32
        %parallel_loop3A_567 = arith.addi %parallel_loop3A_455, %parallel_loop3A_566 : i32
        %parallel_loop3A_568 = arith.constant 0 : i32
        %parallel_loop3A_569 = vector.broadcast %parallel_loop3A_568 : i32 to vector<16xi32>
        %parallel_loop3A_570 = vector.broadcast %parallel_loop3A_567 : i32 to vector<16xi32>
        %parallel_loop3A_571 = arith.addi %parallel_loop3A_569, %parallel_loop3A_570 : vector<16xi32>
        %parallel_loop3A_572 = arith.index_cast %parallel_loop3A_567 : i32 to index
        %parallel_loop3A_573 = arith.constant 0 : index
        %parallel_loop3A_574 = tpu.vector_load %arg11[%parallel_loop3A_572, %parallel_loop3A_573] {strides = array<i32>} : memref<128x64xf32, #tpu.memory_space<vmem>>, vector<16xf32>,
        %parallel_loop3A_575 = arith.addf %parallel_loop3A_574, %get3A_398 : vector<16xf32>
        tpu.vector_store_idx %arg15[%shift_right_logical3A_9, %and3A_32, %parallel_loop3A_571], %parallel_loop3A_575 : memref<8x8x129xf32, #tpu.memory_space<vmem>>[vector<16xi32>, vector<16xi32>, vector<16xi32>], vector<16xf32>,
        %parallel_loop3A_576 = arith.index_cast %parallel_loop3A_567 : i32 to index
        %parallel_loop3A_577 = arith.constant 16 : index
        %parallel_loop3A_578 = tpu.vector_load %arg11[%parallel_loop3A_576, %parallel_loop3A_577] {strides = array<i32>} : memref<128x64xf32, #tpu.memory_space<vmem>>, vector<16xf32>,
        %parallel_loop3A_579 = arith.addf %parallel_loop3A_578, %get3A_404 : vector<16xf32>
        tpu.vector_store_idx %arg15[%shift_right_logical3A_15, %and3A_38, %parallel_loop3A_571], %parallel_loop3A_579 : memref<8x8x129xf32, #tpu.memory_space<vmem>>[vector<16xi32>, vector<16xi32>, vector<16xi32>], vector<16xf32>,
        %parallel_loop3A_580 = arith.index_cast %parallel_loop3A_567 : i32 to index
        %parallel_loop3A_581 = arith.constant 32 : index
        %parallel_loop3A_582 = tpu.vector_load %arg11[%parallel_loop3A_580, %parallel_loop3A_581] {strides = array<i32>} : memref<128x64xf32, #tpu.memory_space<vmem>>, vector<16xf32>,
        %parallel_loop3A_583 = arith.addf %parallel_loop3A_582, %get3A_410 : vector<16xf32>
        tpu.vector_store_idx %arg15[%shift_right_logical3A_21, %and3A_44, %parallel_loop3A_571], %parallel_loop3A_583 : memref<8x8x129xf32, #tpu.memory_space<vmem>>[vector<16xi32>, vector<16xi32>, vector<16xi32>], vector<16xf32>,
        %parallel_loop3A_584 = arith.index_cast %parallel_loop3A_567 : i32 to index
        %parallel_loop3A_585 = arith.constant 48 : index
        %parallel_loop3A_586 = tpu.vector_load %arg11[%parallel_loop3A_584, %parallel_loop3A_585] {strides = array<i32>} : memref<128x64xf32, #tpu.memory_space<vmem>>, vector<16xf32>,
        %parallel_loop3A_587 = arith.addf %parallel_loop3A_586, %get3A_416 : vector<16xf32>
        tpu.vector_store_idx %arg15[%shift_right_logical3A_27, %and3A_50, %parallel_loop3A_571], %parallel_loop3A_587 : memref<8x8x129xf32, #tpu.memory_space<vmem>>[vector<16xi32>, vector<16xi32>, vector<16xi32>], vector<16xf32>,
        %parallel_loop3A_588 = arith.constant 6 : i32
        %parallel_loop3A_589 = arith.addi %parallel_loop3A_455, %parallel_loop3A_588 : i32
        %parallel_loop3A_590 = arith.constant 0 : i32
        %parallel_loop3A_591 = vector.broadcast %parallel_loop3A_590 : i32 to vector<16xi32>
        %parallel_loop3A_592 = vector.broadcast %parallel_loop3A_589 : i32 to vector<16xi32>
        %parallel_loop3A_593 = arith.addi %parallel_loop3A_591, %parallel_loop3A_592 : vector<16xi32>
        %parallel_loop3A_594 = arith.index_cast %parallel_loop3A_589 : i32 to index
        %parallel_loop3A_595 = arith.constant 0 : index
        %parallel_loop3A_596 = tpu.vector_load %arg11[%parallel_loop3A_594, %parallel_loop3A_595] {strides = array<i32>} : memref<128x64xf32, #tpu.memory_space<vmem>>, vector<16xf32>,
        %parallel_loop3A_597 = arith.addf %parallel_loop3A_596, %get3A_398 : vector<16xf32>
        tpu.vector_store_idx %arg15[%shift_right_logical3A_9, %and3A_32, %parallel_loop3A_593], %parallel_loop3A_597 : memref<8x8x129xf32, #tpu.memory_space<vmem>>[vector<16xi32>, vector<16xi32>, vector<16xi32>], vector<16xf32>,
        %parallel_loop3A_598 = arith.index_cast %parallel_loop3A_589 : i32 to index
        %parallel_loop3A_599 = arith.constant 16 : index
        %parallel_loop3A_600 = tpu.vector_load %arg11[%parallel_loop3A_598, %parallel_loop3A_599] {strides = array<i32>} : memref<128x64xf32, #tpu.memory_space<vmem>>, vector<16xf32>,
        %parallel_loop3A_601 = arith.addf %parallel_loop3A_600, %get3A_404 : vector<16xf32>
        tpu.vector_store_idx %arg15[%shift_right_logical3A_15, %and3A_38, %parallel_loop3A_593], %parallel_loop3A_601 : memref<8x8x129xf32, #tpu.memory_space<vmem>>[vector<16xi32>, vector<16xi32>, vector<16xi32>], vector<16xf32>,
        %parallel_loop3A_602 = arith.index_cast %parallel_loop3A_589 : i32 to index
        %parallel_loop3A_603 = arith.constant 32 : index
        %parallel_loop3A_604 = tpu.vector_load %arg11[%parallel_loop3A_602, %parallel_loop3A_603] {strides = array<i32>} : memref<128x64xf32, #tpu.memory_space<vmem>>, vector<16xf32>,
        %parallel_loop3A_605 = arith.addf %parallel_loop3A_604, %get3A_410 : vector<16xf32>
        tpu.vector_store_idx %arg15[%shift_right_logical3A_21, %and3A_44, %parallel_loop3A_593], %parallel_loop3A_605 : memref<8x8x129xf32, #tpu.memory_space<vmem>>[vector<16xi32>, vector<16xi32>, vector<16xi32>], vector<16xf32>,
        %parallel_loop3A_606 = arith.index_cast %parallel_loop3A_589 : i32 to index
        %parallel_loop3A_607 = arith.constant 48 : index
        %parallel_loop3A_608 = tpu.vector_load %arg11[%parallel_loop3A_606, %parallel_loop3A_607] {strides = array<i32>} : memref<128x64xf32, #tpu.memory_space<vmem>>, vector<16xf32>,
        %parallel_loop3A_609 = arith.addf %parallel_loop3A_608, %get3A_416 : vector<16xf32>
        tpu.vector_store_idx %arg15[%shift_right_logical3A_27, %and3A_50, %parallel_loop3A_593], %parallel_loop3A_609 : memref<8x8x129xf32, #tpu.memory_space<vmem>>[vector<16xi32>, vector<16xi32>, vector<16xi32>], vector<16xf32>,
        %parallel_loop3A_610 = arith.constant 7 : i32
        %parallel_loop3A_611 = arith.addi %parallel_loop3A_455, %parallel_loop3A_610 : i32
        %parallel_loop3A_612 = arith.constant 0 : i32
        %parallel_loop3A_613 = vector.broadcast %parallel_loop3A_612 : i32 to vector<16xi32>
        %parallel_loop3A_614 = vector.broadcast %parallel_loop3A_611 : i32 to vector<16xi32>
        %parallel_loop3A_615 = arith.addi %parallel_loop3A_613, %parallel_loop3A_614 : vector<16xi32>
        %parallel_loop3A_616 = arith.index_cast %parallel_loop3A_611 : i32 to index
        %parallel_loop3A_617 = arith.constant 0 : index
        %parallel_loop3A_618 = tpu.vector_load %arg11[%parallel_loop3A_616, %parallel_loop3A_617] {strides = array<i32>} : memref<128x64xf32, #tpu.memory_space<vmem>>, vector<16xf32>,
        %parallel_loop3A_619 = arith.addf %parallel_loop3A_618, %get3A_398 : vector<16xf32>
        tpu.vector_store_idx %arg15[%shift_right_logical3A_9, %and3A_32, %parallel_loop3A_615], %parallel_loop3A_619 : memref<8x8x129xf32, #tpu.memory_space<vmem>>[vector<16xi32>, vector<16xi32>, vector<16xi32>], vector<16xf32>,
        %parallel_loop3A_620 = arith.index_cast %parallel_loop3A_611 : i32 to index
        %parallel_loop3A_621 = arith.constant 16 : index
        %parallel_loop3A_622 = tpu.vector_load %arg11[%parallel_loop3A_620, %parallel_loop3A_621] {strides = array<i32>} : memref<128x64xf32, #tpu.memory_space<vmem>>, vector<16xf32>,
        %parallel_loop3A_623 = arith.addf %parallel_loop3A_622, %get3A_404 : vector<16xf32>
        tpu.vector_store_idx %arg15[%shift_right_logical3A_15, %and3A_38, %parallel_loop3A_615], %parallel_loop3A_623 : memref<8x8x129xf32, #tpu.memory_space<vmem>>[vector<16xi32>, vector<16xi32>, vector<16xi32>], vector<16xf32>,
        %parallel_loop3A_624 = arith.index_cast %parallel_loop3A_611 : i32 to index
        %parallel_loop3A_625 = arith.constant 32 : index
        %parallel_loop3A_626 = tpu.vector_load %arg11[%parallel_loop3A_624, %parallel_loop3A_625] {strides = array<i32>} : memref<128x64xf32, #tpu.memory_space<vmem>>, vector<16xf32>,
        %parallel_loop3A_627 = arith.addf %parallel_loop3A_626, %get3A_410 : vector<16xf32>
        tpu.vector_store_idx %arg15[%shift_right_logical3A_21, %and3A_44, %parallel_loop3A_615], %parallel_loop3A_627 : memref<8x8x129xf32, #tpu.memory_space<vmem>>[vector<16xi32>, vector<16xi32>, vector<16xi32>], vector<16xf32>,
        %parallel_loop3A_628 = arith.index_cast %parallel_loop3A_611 : i32 to index
        %parallel_loop3A_629 = arith.constant 48 : index
        %parallel_loop3A_630 = tpu.vector_load %arg11[%parallel_loop3A_628, %parallel_loop3A_629] {strides = array<i32>} : memref<128x64xf32, #tpu.memory_space<vmem>>, vector<16xf32>,
        %parallel_loop3A_631 = arith.addf %parallel_loop3A_630, %get3A_416 : vector<16xf32>
        tpu.vector_store_idx %arg15[%shift_right_logical3A_27, %and3A_50, %parallel_loop3A_615], %parallel_loop3A_631 : memref<8x8x129xf32, #tpu.memory_space<vmem>>[vector<16xi32>, vector<16xi32>, vector<16xi32>], vector<16xf32>,
      } {sc.loop_unroll_factor = 1 : i64, sc.parallel_access}
      %add3A_425 = arith.addi %mul3A_2, %add3A_383 : i32
      %shift_right_logical3A_426 = arith.constant 5 : i32
      %shift_right_logical3A_427 = arith.shrui %add3A_425, %shift_right_logical3A_426 : i32
      %and3A_428 = arith.constant 31 : i32
      %and3A_429 = arith.andi %add3A_425, %and3A_428 : i32
      %dma_start3A_430 = arith.constant 0 : i32
      %dma_start3A_431 = arith.constant 0 : i32
      %dma_start3A_432 = arith.constant 0 : i32
      %dma_start3A_433 = tpu.memref_slice %arg15[%dma_start3A_430, %dma_start3A_431, %dma_start3A_432] : memref<8x8x129xf32, #tpu.memory_space<vmem>> -> memref<8x8x128xf32, #tpu.memory_space<vmem>>
      %dma_start3A_434 = arith.constant 0 : i32
      %dma_start3A_435 = arith.constant 0 : i32
      %dma_start3A_436 = arith.constant 0 : i32
      %dma_start3A_437 = tpu.memref_slice %arg5[%shift_right_logical3A_427, %dma_start3A_434, %and3A_429, %dma_start3A_435, %dma_start3A_436] : memref<200x8x32x8x128xf32, #tpu.memory_space<hbm>> -> memref<1x8x1x8x128xf32, #tpu.memory_space<hbm>>
      %dma_start3A_438 = tpu.memref_squeeze %dma_start3A_437 : memref<1x8x1x8x128xf32, #tpu.memory_space<hbm>> -> memref<8x8x128xf32, #tpu.memory_space<hbm>>
      %dma_start3A_439 = arith.constant 0 : i32
      %dma_start3A_440 = arith.constant 0 : i32
      %dma_start3A_441 = arith.constant 0 : i32
      %dma_start3A_442 = tpu.memref_slice %arg5[%shift_right_logical3A_427, %dma_start3A_439, %and3A_429, %dma_start3A_440, %dma_start3A_441] : memref<200x8x32x8x128xf32, #tpu.memory_space<hbm>> -> memref<1x8x1x8x128xf32, #tpu.memory_space<hbm>>
      %dma_start3A_443 = tpu.memref_squeeze %dma_start3A_442 : memref<1x8x1x8x128xf32, #tpu.memory_space<hbm>> -> memref<8x8x128xf32, #tpu.memory_space<hbm>>
      %dma_start3A_444 = arith.constant 0 : i32
      %dma_start3A_445 = arith.constant 0 : i32
      %dma_start3A_446 = arith.constant 0 : i32
      %dma_start3A_447 = tpu.memref_slice %arg15[%dma_start3A_444, %dma_start3A_445, %dma_start3A_446] : memref<8x8x129xf32, #tpu.memory_space<vmem>> -> memref<8x8x128xf32, #tpu.memory_space<vmem>>
      tpu.enqueue_dma source(%dma_start3A_447 : memref<8x8x128xf32, #tpu.memory_space<vmem>>) target(%dma_start3A_443 : memref<8x8x128xf32, #tpu.memory_space<hbm>>) target_semaphore(%arg23 : memref<!tpu.dma_semaphore, #tpu.memory_space<semaphore_mem>>)
      %add3A_448 = arith.constant 3 : i32
      %add3A_449 = arith.addi %add3A_383, %add3A_448 : i32
      %lt3A_450 = arith.constant 200 : i32
      %lt3A_451 = arith.cmpi slt, %add3A_449, %lt3A_450 : i32
      %convert_element_type3A_452 = arith.extui %lt3A_451 : i1 to i32
      %cond3A_453 = arith.constant 0 : i32
      %cond3A_454 = arith.cmpi ne, %convert_element_type3A_452, %cond3A_453 : i32
      scf.if %cond3A_454 {
        %mul3A_455 = arith.constant 128 : i32
        %mul3A_456 = arith.muli %add3A_449, %mul3A_455 : i32
        %dma_start3A_457 = tpu.memref_slice %arg6[%mul3A_456] : memref<25600xi32, #tpu.memory_space<vmem>> -> memref<128xi32, #tpu.memory_space<vmem>>
        %dma_start3A_458 = arith.constant 0 : i32
        %dma_start3A_459 = arith.constant 0 : i32
        %dma_start3A_460 = tpu.memref_slice %arg2[%dma_start3A_458, %dma_start3A_459] : memref<100000x64xf32, #tpu.memory_space<hbm>> -> memref<100000x64xf32, #tpu.memory_space<hbm>>
        tpu.enqueue_indirect_dma source(%dma_start3A_460 : memref<100000x64xf32, #tpu.memory_space<hbm>>) target(%arg10 : memref<128x64xf32, #tpu.memory_space<vmem>>) offsets(%dma_start3A_457 : memref<128xi32, #tpu.memory_space<vmem>>) semaphore(%arg18 : memref<!tpu.dma_semaphore, #tpu.memory_space<semaphore_mem>>)
      } else {
      }
    }
    %scan3A_68 = arith.constant 50 : i32
    %add3A_69 = arith.constant 196 : i32
    %add3A_70 = arith.addi %mul3A_2, %add3A_69 : i32
    %shift_right_logical3A_71 = arith.constant 5 : i32
    %shift_right_logical3A_72 = arith.shrui %add3A_70, %shift_right_logical3A_71 : i32
    %and3A_73 = arith.constant 31 : i32
    %and3A_74 = arith.andi %add3A_70, %and3A_73 : i32
    %dma_wait3A = arith.constant 0 : i32
    %dma_wait3A_75 = arith.constant 0 : i32
    %dma_wait3A_76 = arith.constant 0 : i32
    %dma_wait3A_77 = tpu.memref_slice %arg12[%dma_wait3A, %dma_wait3A_75, %dma_wait3A_76] : memref<8x8x129xf32, #tpu.memory_space<vmem>> -> memref<8x8x128xf32, #tpu.memory_space<vmem>>
    %dma_wait3A_78 = arith.constant 0 : i32
    %dma_wait3A_79 = arith.constant 0 : i32
    %dma_wait3A_80 = arith.constant 0 : i32
    %dma_wait3A_81 = tpu.memref_slice %arg5[%shift_right_logical3A_72, %dma_wait3A_78, %and3A_74, %dma_wait3A_79, %dma_wait3A_80] : memref<200x8x32x8x128xf32, #tpu.memory_space<hbm>> -> memref<1x8x1x8x128xf32, #tpu.memory_space<hbm>>
    %dma_wait3A_82 = tpu.memref_squeeze %dma_wait3A_81 : memref<1x8x1x8x128xf32, #tpu.memory_space<hbm>> -> memref<8x8x128xf32, #tpu.memory_space<hbm>>
    %dma_wait3A_83 = arith.constant 0 : i32
    %dma_wait3A_84 = arith.constant 0 : i32
    %dma_wait3A_85 = arith.constant 0 : i32
    %dma_wait3A_86 = tpu.memref_slice %arg5[%shift_right_logical3A_72, %dma_wait3A_83, %and3A_74, %dma_wait3A_84, %dma_wait3A_85] : memref<200x8x32x8x128xf32, #tpu.memory_space<hbm>> -> memref<1x8x1x8x128xf32, #tpu.memory_space<hbm>>
    %dma_wait3A_87 = tpu.memref_squeeze %dma_wait3A_86 : memref<1x8x1x8x128xf32, #tpu.memory_space<hbm>> -> memref<8x8x128xf32, #tpu.memory_space<hbm>>
    %dma_wait3A_88 = arith.constant 0 : i32
    %dma_wait3A_89 = arith.constant 0 : i32
    %dma_wait3A_90 = arith.constant 0 : i32
    %dma_wait3A_91 = tpu.memref_slice %arg12[%dma_wait3A_88, %dma_wait3A_89, %dma_wait3A_90] : memref<8x8x129xf32, #tpu.memory_space<vmem>> -> memref<8x8x128xf32, #tpu.memory_space<vmem>>
    tpu.wait_dma2 semaphore(%arg20 : memref<!tpu.dma_semaphore, #tpu.memory_space<semaphore_mem>>) src(%dma_wait3A_91 : memref<8x8x128xf32, #tpu.memory_space<vmem>>) dst(%dma_wait3A_87 : memref<8x8x128xf32, #tpu.memory_space<hbm>>)
    %add3A_92 = arith.constant 197 : i32
    %add3A_93 = arith.addi %mul3A_2, %add3A_92 : i32
    %shift_right_logical3A_94 = arith.constant 5 : i32
    %shift_right_logical3A_95 = arith.shrui %add3A_93, %shift_right_logical3A_94 : i32
    %and3A_96 = arith.constant 31 : i32
    %and3A_97 = arith.andi %add3A_93, %and3A_96 : i32
    %dma_wait3A_98 = arith.constant 0 : i32
    %dma_wait3A_99 = arith.constant 0 : i32
    %dma_wait3A_100 = arith.constant 0 : i32
    %dma_wait3A_101 = tpu.memref_slice %arg13[%dma_wait3A_98, %dma_wait3A_99, %dma_wait3A_100] : memref<8x8x129xf32, #tpu.memory_space<vmem>> -> memref<8x8x128xf32, #tpu.memory_space<vmem>>
    %dma_wait3A_102 = arith.constant 0 : i32
    %dma_wait3A_103 = arith.constant 0 : i32
    %dma_wait3A_104 = arith.constant 0 : i32
    %dma_wait3A_105 = tpu.memref_slice %arg5[%shift_right_logical3A_95, %dma_wait3A_102, %and3A_97, %dma_wait3A_103, %dma_wait3A_104] : memref<200x8x32x8x128xf32, #tpu.memory_space<hbm>> -> memref<1x8x1x8x128xf32, #tpu.memory_space<hbm>>
    %dma_wait3A_106 = tpu.memref_squeeze %dma_wait3A_105 : memref<1x8x1x8x128xf32, #tpu.memory_space<hbm>> -> memref<8x8x128xf32, #tpu.memory_space<hbm>>
    %dma_wait3A_107 = arith.constant 0 : i32
    %dma_wait3A_108 = arith.constant 0 : i32
    %dma_wait3A_109 = arith.constant 0 : i32
    %dma_wait3A_110 = tpu.memref_slice %arg5[%shift_right_logical3A_95, %dma_wait3A_107, %and3A_97, %dma_wait3A_108, %dma_wait3A_109] : memref<200x8x32x8x128xf32, #tpu.memory_space<hbm>> -> memref<1x8x1x8x128xf32, #tpu.memory_space<hbm>>
    %dma_wait3A_111 = tpu.memref_squeeze %dma_wait3A_110 : memref<1x8x1x8x128xf32, #tpu.memory_space<hbm>> -> memref<8x8x128xf32, #tpu.memory_space<hbm>>
    %dma_wait3A_112 = arith.constant 0 : i32
    %dma_wait3A_113 = arith.constant 0 : i32
    %dma_wait3A_114 = arith.constant 0 : i32
    %dma_wait3A_115 = tpu.memref_slice %arg13[%dma_wait3A_112, %dma_wait3A_113, %dma_wait3A_114] : memref<8x8x129xf32, #tpu.memory_space<vmem>> -> memref<8x8x128xf32, #tpu.memory_space<vmem>>
    tpu.wait_dma2 semaphore(%arg21 : memref<!tpu.dma_semaphore, #tpu.memory_space<semaphore_mem>>) src(%dma_wait3A_115 : memref<8x8x128xf32, #tpu.memory_space<vmem>>) dst(%dma_wait3A_111 : memref<8x8x128xf32, #tpu.memory_space<hbm>>)
    %add3A_116 = arith.constant 198 : i32
    %add3A_117 = arith.addi %mul3A_2, %add3A_116 : i32
    %shift_right_logical3A_118 = arith.constant 5 : i32
    %shift_right_logical3A_119 = arith.shrui %add3A_117, %shift_right_logical3A_118 : i32
    %and3A_120 = arith.constant 31 : i32
    %and3A_121 = arith.andi %add3A_117, %and3A_120 : i32
    %dma_wait3A_122 = arith.constant 0 : i32
    %dma_wait3A_123 = arith.constant 0 : i32
    %dma_wait3A_124 = arith.constant 0 : i32
    %dma_wait3A_125 = tpu.memref_slice %arg14[%dma_wait3A_122, %dma_wait3A_123, %dma_wait3A_124] : memref<8x8x129xf32, #tpu.memory_space<vmem>> -> memref<8x8x128xf32, #tpu.memory_space<vmem>>
    %dma_wait3A_126 = arith.constant 0 : i32
    %dma_wait3A_127 = arith.constant 0 : i32
    %dma_wait3A_128 = arith.constant 0 : i32
    %dma_wait3A_129 = tpu.memref_slice %arg5[%shift_right_logical3A_119, %dma_wait3A_126, %and3A_121, %dma_wait3A_127, %dma_wait3A_128] : memref<200x8x32x8x128xf32, #tpu.memory_space<hbm>> -> memref<1x8x1x8x128xf32, #tpu.memory_space<hbm>>
    %dma_wait3A_130 = tpu.memref_squeeze %dma_wait3A_129 : memref<1x8x1x8x128xf32, #tpu.memory_space<hbm>> -> memref<8x8x128xf32, #tpu.memory_space<hbm>>
    %dma_wait3A_131 = arith.constant 0 : i32
    %dma_wait3A_132 = arith.constant 0 : i32
    %dma_wait3A_133 = arith.constant 0 : i32
    %dma_wait3A_134 = tpu.memref_slice %arg5[%shift_right_logical3A_119, %dma_wait3A_131, %and3A_121, %dma_wait3A_132, %dma_wait3A_133] : memref<200x8x32x8x128xf32, #tpu.memory_space<hbm>> -> memref<1x8x1x8x128xf32, #tpu.memory_space<hbm>>
    %dma_wait3A_135 = tpu.memref_squeeze %dma_wait3A_134 : memref<1x8x1x8x128xf32, #tpu.memory_space<hbm>> -> memref<8x8x128xf32, #tpu.memory_space<hbm>>
    %dma_wait3A_136 = arith.constant 0 : i32
    %dma_wait3A_137 = arith.constant 0 : i32
    %dma_wait3A_138 = arith.constant 0 : i32
    %dma_wait3A_139 = tpu.memref_slice %arg14[%dma_wait3A_136, %dma_wait3A_137, %dma_wait3A_138] : memref<8x8x129xf32, #tpu.memory_space<vmem>> -> memref<8x8x128xf32, #tpu.memory_space<vmem>>
    tpu.wait_dma2 semaphore(%arg22 : memref<!tpu.dma_semaphore, #tpu.memory_space<semaphore_mem>>) src(%dma_wait3A_139 : memref<8x8x128xf32, #tpu.memory_space<vmem>>) dst(%dma_wait3A_135 : memref<8x8x128xf32, #tpu.memory_space<hbm>>)
    %add3A_140 = arith.constant 199 : i32
    %add3A_141 = arith.addi %mul3A_2, %add3A_140 : i32
    %shift_right_logical3A_142 = arith.constant 5 : i32
    %shift_right_logical3A_143 = arith.shrui %add3A_141, %shift_right_logical3A_142 : i32
    %and3A_144 = arith.constant 31 : i32
    %and3A_145 = arith.andi %add3A_141, %and3A_144 : i32
    %dma_wait3A_146 = arith.constant 0 : i32
    %dma_wait3A_147 = arith.constant 0 : i32
    %dma_wait3A_148 = arith.constant 0 : i32
    %dma_wait3A_149 = tpu.memref_slice %arg15[%dma_wait3A_146, %dma_wait3A_147, %dma_wait3A_148] : memref<8x8x129xf32, #tpu.memory_space<vmem>> -> memref<8x8x128xf32, #tpu.memory_space<vmem>>
    %dma_wait3A_150 = arith.constant 0 : i32
    %dma_wait3A_151 = arith.constant 0 : i32
    %dma_wait3A_152 = arith.constant 0 : i32
    %dma_wait3A_153 = tpu.memref_slice %arg5[%shift_right_logical3A_143, %dma_wait3A_150, %and3A_145, %dma_wait3A_151, %dma_wait3A_152] : memref<200x8x32x8x128xf32, #tpu.memory_space<hbm>> -> memref<1x8x1x8x128xf32, #tpu.memory_space<hbm>>
    %dma_wait3A_154 = tpu.memref_squeeze %dma_wait3A_153 : memref<1x8x1x8x128xf32, #tpu.memory_space<hbm>> -> memref<8x8x128xf32, #tpu.memory_space<hbm>>
    %dma_wait3A_155 = arith.constant 0 : i32
    %dma_wait3A_156 = arith.constant 0 : i32
    %dma_wait3A_157 = arith.constant 0 : i32
    %dma_wait3A_158 = tpu.memref_slice %arg5[%shift_right_logical3A_143, %dma_wait3A_155, %and3A_145, %dma_wait3A_156, %dma_wait3A_157] : memref<200x8x32x8x128xf32, #tpu.memory_space<hbm>> -> memref<1x8x1x8x128xf32, #tpu.memory_space<hbm>>
    %dma_wait3A_159 = tpu.memref_squeeze %dma_wait3A_158 : memref<1x8x1x8x128xf32, #tpu.memory_space<hbm>> -> memref<8x8x128xf32, #tpu.memory_space<hbm>>
    %dma_wait3A_160 = arith.constant 0 : i32
    %dma_wait3A_161 = arith.constant 0 : i32
    %dma_wait3A_162 = arith.constant 0 : i32
    %dma_wait3A_163 = tpu.memref_slice %arg15[%dma_wait3A_160, %dma_wait3A_161, %dma_wait3A_162] : memref<8x8x129xf32, #tpu.memory_space<vmem>> -> memref<8x8x128xf32, #tpu.memory_space<vmem>>
    tpu.wait_dma2 semaphore(%arg23 : memref<!tpu.dma_semaphore, #tpu.memory_space<semaphore_mem>>) src(%dma_wait3A_163 : memref<8x8x128xf32, #tpu.memory_space<vmem>>) dst(%dma_wait3A_159 : memref<8x8x128xf32, #tpu.memory_space<hbm>>)
    return
  }
}

</mosaic_0001>

<sc_bundles>
// kernel: kernel.3.cloned.1.call-start
scs
__scs_entry_jumppad:
0x0: {  	(pc) =	sbr.rel $0x88, $3  }
0x1: {  	(tag) =	ssettag $0x0;
	lr =	simm.s32 $0x1  }
0x2: {  	[smem:$0x3F9F] =	sst lr;
	_ =	strace $0xD0000000  }
0x3: {  	_ = 	snop  }
0x4: {  	_ = 	snop  }
0x5: {  	_ = 	snop  }
0x6: {  	_ = 	snop  }
0x7: {  	_ = 	snop  }
__scs_overlays_trampoline_lowered:
0x8: {  	[smem:$0x3FAE] =	sst s0  }
0x9: {  	[smem:$0x3FAF] =	sst s1  }
0xa: {  	[smem:$0x3FB0] =	sst s2  }
0xb: {  	[smem:$0x3FB1] =	sst s3  }
0xc: {  	[smem:$0x3FB2] =	sst s4  }
0xd: {  	[smem:$0x3FB3] =	sst s5  }
0xe: {  	[smem:$0x3FB4] =	sst s6  }
0xf: {  	[smem:$0x3FB5] =	sst s7  }
0x10: {  	[smem:$0x3FB6] =	sst s8  }
0x11: {  	[smem:$0x3FB7] =	sst s9;
	s0 =	simm.s32 @!p0 $0x0  }
0x12: {  	s1 =	sld [smem:$0x3F9D];
	s0 =	simm.s32 @p0 $0x1  }
0x13: {  	[smem:$0x3FB8] =	sst s0;
	s0 =	simm.s32 @!p1 $0x0  }
0x14: {  	s2 =	sld [smem:$0x3F9C];
	s0 =	simm.s32 @p1 $0x1  }
0x15: {  	[smem:$0x3FB9] =	sst s0;
	s0 =	simm.s32 @!p2 $0x0  }
0x16: {  	s3 =	sld [smem:$0x3FDB];
	s0 =	simm.s32 @p2 $0x1  }
0x17: {  	s4 =	simm.s32 $0x1BF5;
	[smem:$0x3FBB] =	sst s0  }
0x18: {  	s0 =	sld [smem:$0x3F9E];
	_ =	swait.ge [sflag:s4], $0x0  }
0x19: {  	s7 =	sld [smem:$0x3F9F]  }
0x1a: {  	s8 =	sadd.s32 $0xFFFFE003, lr  }
0x1b: {  	s9 =	sadd.s32 $0xFFFFFEF7, lr;
	s5 =	simm.s32 $0xFFFFFFFF;
	p2 =	slt.u32 s8, $0xFFFFF086  }
0x1c: {  	p1 =	slt.u32 s9, $0xF7A;
	s5 =	simm.s32 @!p2 $0x0  }
0x1d: {  	s5 =	simm.s32 @p1 $0x1;
	p0 =	seq.s32 s7, s2  }
0x1e: {  	s7 =	smul.u32 @!p0 $0xF7A, s2;
	p2 =	seq.s32 @!p0 s5, $0x0  }
0x1f: {  	s9 =	smul.u32 $0xF7A, s1;
	s8 =	simm.s32 @!p0 $0x1BF5;
	p2 =	por !p2, p0  }
0x20: {  	[sflag:s8] =	ssyncset.s32 @!p0 $0xFFFFF086;
	s6 =	sadd.s32 @!p0 s3, s7;
	s7 =	simm.s32 @!p0 $0x108  }
0x21: {  	s3 =	sadd.s32 s3, s9;
	s6 =	sadd.s32 @!p0 $0x88, s6;
	s7 =	simm.s32 @p2 $0x1082  }
0x22: {  	[simem:s7], [sflag:s8] =	dma.local @!p0 [hbm:s6], $0xF7A  }
0x23: {  	s9 =	sor.u32 $0xD0000000, s2;
	s6 =	simm.s32 $0x108;
	_ =	swait.ge @!p0 [sflag:s8], $0x0  }
0x24: {  	s3 =	sadd.s32 $0x88, s3;
	s6 =	simm.s32 @!p1 $0x1082;
	[sflag:s4] =	ssyncset.s32 $0xFFFFF086  }
0x25: {  	[simem:s6], [sflag:s4] =	dma.local [hbm:s3], $0xF7A  }
0x26: {  	[smem:$0x3F9F] =	sst s1;
	(tag) =	ssettag s2;
	_ =	strace s9  }
0x27: {  	s1 =	sld [smem:$0x3FAF]  }
0x28: {  	s2 =	sld [smem:$0x3FB0]  }
0x29: {  	s4 =	sld [smem:$0x3FB2]  }
0x2a: {  	p0 =	seq.s32 s5, $0x0;
	s5 =	sld [smem:$0x3FB3]  }
0x2b: {  	s6 =	sld [smem:$0x3FB4]  }
0x2c: {  	s7 =	sld [smem:$0x3FB5]  }
0x2d: {  	s3 =	simm.s32 $0x108;
	s8 =	sld [smem:$0x3FB6]  }
0x2e: {  	s3 =	simm.s32 @!p0 $0x1082;
	s9 =	sld [smem:$0x3FB7]  }
0x2f: {  	lr =	sadd.s32 s0, s3;
	s0 =	sld [smem:$0x3FAE]  }
0x30: {  	s3 =	sld [smem:$0x3FB1]  }
0x31: {  	[smem:$0x3FBA] =	sst s10  }
0x32: {  	s10 =	sld [smem:$0x3FB8];
	_ =	sdelay $0x3  }
0x33: {  	p0 =	seq.s32 s10, $0x1;
	s10 =	sld [smem:$0x3FBA];
	_ =	sdelay $0x3  }
0x34: {  	[smem:$0x3FBA] =	sst s10  }
0x35: {  	s10 =	sld [smem:$0x3FB9];
	_ =	sdelay $0x3  }
0x36: {  	p1 =	seq.s32 s10, $0x1;
	s10 =	sld [smem:$0x3FBA];
	_ =	sdelay $0x3  }
0x37: {  	[smem:$0x3FBA] =	sst s10  }
0x38: {  	s10 =	sld [smem:$0x3FBB]  }
0x39: {  	_ = 	snop;
	(pc) =	sbr.ind lr, $3  }
0x3a: {  	_ = 	snop  }
0x3b: {  	_ = 	snop  }
0x3c: {  	p2 =	seq.s32 s10, $0x1;
	s10 =	sld [smem:$0x3FBA]  }
0x3d: {  	_ =	shalt  }
0x3e: {  	_ =	shalt  }
0x3f: {  	_ =	shalt  }
0x40: {  	_ =	shalt  }
0x41: {  	_ =	shalt  }
0x42: {  	_ =	shalt  }
0x43: {  	_ =	shalt  }
0x44: {  	_ =	shalt  }
0x45: {  	_ =	shalt  }
0x46: {  	_ =	shalt  }
0x47: {  	_ =	shalt  }
0x48: {  	_ =	shalt  }
0x49: {  	_ =	shalt  }
0x4a: {  	_ =	shalt  }
0x4b: {  	_ =	shalt  }
0x4c: {  	_ =	shalt  }
0x4d: {  	_ =	shalt  }
0x4e: {  	_ =	shalt  }
0x4f: {  	_ =	shalt  }
0x50: {  	_ =	shalt  }
0x51: {  	_ =	shalt  }
0x52: {  	_ =	shalt  }
0x53: {  	_ =	shalt  }
0x54: {  	_ =	shalt  }
0x55: {  	_ =	shalt  }
0x56: {  	_ =	shalt  }
0x57: {  	_ =	shalt  }
0x58: {  	_ =	shalt  }
0x59: {  	_ =	shalt  }
0x5a: {  	_ =	shalt  }
0x5b: {  	_ =	shalt  }
0x5c: {  	_ =	shalt  }
0x5d: {  	_ =	shalt  }
0x5e: {  	_ =	shalt  }
0x5f: {  	_ =	shalt  }
0x60: {  	_ =	shalt  }
0x61: {  	_ =	shalt  }
0x62: {  	_ =	shalt  }
0x63: {  	_ =	shalt  }
0x64: {  	_ =	shalt  }
0x65: {  	_ =	shalt  }
0x66: {  	_ =	shalt  }
0x67: {  	_ =	shalt  }
0x68: {  	_ =	shalt  }
0x69: {  	_ =	shalt  }
0x6a: {  	_ =	shalt  }
0x6b: {  	_ =	shalt  }
0x6c: {  	_ =	shalt  }
0x6d: {  	_ =	shalt  }
0x6e: {  	_ =	shalt  }
0x6f: {  	_ =	shalt  }
0x70: {  	_ =	shalt  }
0x71: {  	_ =	shalt  }
0x72: {  	_ =	shalt  }
0x73: {  	_ =	shalt  }
0x74: {  	_ =	shalt  }
0x75: {  	_ =	shalt  }
0x76: {  	_ =	shalt  }
0x77: {  	_ =	shalt  }
0x78: {  	_ =	shalt  }
0x79: {  	_ =	shalt  }
0x7a: {  	_ =	shalt  }
0x7b: {  	_ =	shalt  }
0x7c: {  	_ =	shalt  }
0x7d: {  	_ =	shalt  }
0x7e: {  	_ =	shalt  }
0x7f: {  	_ =	shalt  }
0x80: {  	_ =	shalt  }
0x81: {  	_ =	shalt  }
0x82: {  	_ =	shalt  }
0x83: {  	_ =	shalt  }
0x84: {  	_ =	shalt  }
0x85: {  	_ =	shalt  }
0x86: {  	_ =	shalt  }
0x87: {  	_ =	shalt  }
.Lfunc_end0:
.L_simem_size_0:
called_computation_lowered:
.L_overlay_start_0:
0x88: {  	s2 =	sld [smem:$0x3FD9]  }
0x89: {  	s3 =	sld [smem:$0x3FFE];
	_ =	sdelay $0x1  }
0x8a: {  	s1 =	srdreg.scid  }
0x8b: {  	s0 =	sand.u32 $0x1, s1  }
0x8c: {  	s17 =	sshll.u32 s0, $0xA;
	s2 =	sadd.s32 s3, s2  }
0x8d: {  	s2 =	sadd.s32 s2, s17  }
0x8e: {  	[smem:$0x3FC6] =	sst s2  }
0x8f: {  	_ = 	snop  }
0x90: {  	s2 =	sld [smem:$0x3FD0];
	(tm) =	ssettm $0x1  }
0x91: {  	s18 =	sld [smem:$0x3FFB];
	_ =	sdelay $0x3  }
0x92: {  	_ =	strace s18  }
0x93: {  	s3 =	sld [smem:$0x3FFC];
	_ =	sdelay $0x3  }
0x94: {  	_ =	strace s3  }
0x95: {  	s3 =	sld [smem:$0x3FFD];
	_ =	sdelay $0x3  }
0x96: {  	_ =	strace s3  }
0x97: {  	_ =	strace $0x8FFFFFFF  }
0x98: {  	s19 =	sld [smem:$0x3FDB];
	_ =	sdelay $0x1  }
0x99: {  	s4 =	simm.s32 $_scs_section_size  }
0x9a: {  	s5 =	simm.s32 $_size__tile_overlayer_lowered;
	s6 =	simm.s32 $_tile_overlayer_lowered  }
0x9b: {  	s22 =	simm.s32 $0x1BFF;
	s21 =	sshll.u32 s6, $0x1;
	s3 =	sadd.s32 s4, s19  }
0x9c: {  	s7 =	simm.s32 $0x0;
	s20 =	sshll.u32 s5, $0x1;
	s5 =	sadd.s32 s21, s3  }
0x9d: {  	[timem:s7], [sflag:s22] =	dma.local [hbm:s5], s20  }
0x9e: {  	_ =	swait.ge [sflag:s22], s20  }
0x9f: {  	s4 =	ssub.s32 $0x0, s20;
	[sflag:s22] =	ssyncset.done $0x0  }
0xa0: {  	[sflag:s22] =	ssyncadd.s32 s4;
	_ =	sdelay $0x1  }
0xa1: {  	s23 =	simm.s32 $0x1B8B  }
0xa2: {  	_ =	swait.ge [sflag:s23], $0x1  }
0xa3: {  	[sflag:s23] =	ssyncset.done $0x0  }
0xa4: {  	s25 =	simm.s32 $0x1B8E;
	s24 =	sld [smem:$0x3FFE];
	[sflag:s23] =	ssyncadd.s32 $0xFFFFFFFF  }
0xa5: {  	s26 =	simm.s32 $execute0_lowered;
	[smem:$0x3FD2] =	sst s25  }
0xa6: {  	s5 =	sshll.u32 s26, $0x1;
	_ =	strace $0x80000046;
	[dreg:$0x1] =	wrdreg $0xFFFFFFFF  }
0xa7: {  	s28 =	simm.s32 $_size_execute0_lowered;
	s3 =	sadd.s32 s3, s5;
	[dreg:$0x0] =	wrdreg $0x0  }
0xa8: {  	s5 =	sshll.u32 s28, $0x1;
	[dreg:$0x2] =	wrdreg s3  }
0xa9: {  	[dreg:$0x3] =	wrdreg s5  }
0xaa: {  	[dreg:$0x4] =	wrdreg $0xC0  }
0xab: {  	_ =	task [dreg:s7], $0x5FFFF  }
0xac: {  	[dreg:$0x1] =	wrdreg $0xFFFFFFFF  }
0xad: {  	[dreg:$0x0] =	wrdreg $0x60  }
0xae: {  	[dreg:$0x2] =	wrdreg s24  }
0xaf: {  	[dreg:$0x3] =	wrdreg s2  }
0xb0: {  	[dreg:$0x4] =	wrdreg $0x9  }
0xb1: {  	_ =	task.clear_ibuf [dreg:s7], $0x5FFFF;
	_ =	strace $0x90000046  }
0xb2: {  	s29 =	simm.s32 $0x9;
	_ =	strace $0x80000048  }
0xb3: {  	_ =	swait.ge [sflag:s29], $0x1  }
0xb4: {  	[sflag:s29] =	ssyncadd.s32 $0xFFFFFFFF  }
0xb5: {  	_ =	strace $0x90000048  }
0xb6: {  	_ =	sfence  }
0xb7: {  	s30 =	sld [smem:$0x0];
	_ =	sdelay $0x2  }
0xb8: {  	s31 =	sshll.u32 s1, $0xD;
	s1 =	sshrl.u32 s1, $0x2  }
0xb9: {  	s3 =	sand.u32 $0x4000, s31;
	s1 =	sadd.s32 s1, s30  }
0xba: {  	s0 =	sor.u32 s3, s0;
	s1 =	sshll.u32 s1, $0x11  }
0xbb: {  	s0 =	sor.u32 s1, s0  }
0xbc: {  	s0 =	sadd.s32 $0x8F2B, s0  }
0xbd: {  	[sflag:s0] =	ssyncadd.remote.s32 $0x1  }
0xbe: {  	_ =	sfence.sel $0xFFFF  }
0xbf: {  	[dreg:$0x0] =	wrdreg $0xFFFFFFFF;
	(pc) =	sbr.abs _section_cstart, $3  }
0xc0: {  	[dreg:$0x1] =	wrdreg $0xFFFFFFFF  }
0xc1: {  	_ =	task.clear_ibuf [dreg:s7], $0x2FFFF;
	_ =	strace $0x9FFFFFFF  }
0xc2: {  	(tm) =	ssettm $0x7FFFFFFF  }
0xc3: {  	_ =	shalt  }
tec
execute0_lowered:
.L_overlay_start_1:
0x0: {  	(tag) =	ssettag $0x1  }
0x1: {  	v0 =	vlaneseq.u32  }
0x2: {  	v0 =	vmul.u32 $0x88, v0  }
0x3: {  	v1 =	vimm.s32 $0x0;
	vm0 =	vcmask $0x300  }
0x4: {  	s0 =	rddreg [dreg:$0x0];
	s1 =	srdreg.scid;
	v1 =	vsel vm0, $0x3, v1;
	v2 =	vadd.s32 $0x880, v0  }
0x5: {  	s3 =	stileid.u32;
	s2 =	rddreg [dreg:$0x1];
	v3 =	vadd.s32 $0x1100, v0;
	v4 =	vadd.s32 $0x1980, v0;
	v5 =	vor.u32 $0x1, v0  }
0x6: {  	s21 =	simm.s32 $0x80;
	s17 =	simm.s32 $0x11600;
	s20 =	simm.s32 $0x13800;
	v6 =	vadd.s32 $0x881, v0;
	v7 =	vadd.s32 $0x1101, v0;
	v8 =	vadd.s32 $0x1981, v0  }
0x7: {  	s22 =	simm.s32 $0x15A00;
	s1 =	sand.u32 $0x1, s1;
	s4 =	sshll.u32 s3, $0x1;
	v9 =	vor.u32 $0x2, v0;
	v10 =	vadd.s32 $0x882, v0;
	v11 =	vadd.s32 $0x1102, v0  }
0x8: {  	s23 =	simm.s32 $0x4;
	s3 =	simm.s32 $0x0;
	s5 =	sor.u32 s1, s4;
	v12 =	vadd.s32 $0x1982, v0;
	v13 =	vor.u32 $0x3, v0;
	v14 =	vadd.s32 $0x883, v0  }
0x9: {  	[smem:$0x7FF] =	sst s3;
	s4 =	sadd.s32 $0x19E00, s0;
	s6 =	smul.u32 $0xC80, s5;
	v15 =	vadd.s32 $0x1103, v0;
	v16 =	vadd.s32 $0x1983, v0;
	v17 =	vor.u32 $0x4, v0  }
.Ltmp0:
0xa: {  	s1 =	ssub.s32 $0x2, s1;
	_ =	strace $0x80000047;
	v18 =	vadd.s32 $0x884, v0;
	v19 =	vadd.s32 $0x1104, v0;
	v20 =	vadd.s32 $0x1984, v0;
	(pc) =	sbr.rel .LBB2_1-.Ltmp0, $4  }
0xb: {  	s7 =	sshrl.u32 s1, $0x1;
	v21 =	vor.u32 $0x5, v0;
	v22 =	vadd.s32 $0x885, v0;
	v23 =	vadd.s32 $0x1105, v0;
	s8 =	sadd.s32 s6, s0;
	s0 =	sadd.s32 $0x600, s0  }
0xc: {  	v24 =	vadd.s32 $0x1985, v0;
	v25 =	vor.u32 $0x6, v0;
	v26 =	vadd.s32 $0x886, v0;
	s30 =	ssub.s32 s1, s7;
	[dreg:$0x3] =	wrdreg s0;
	s31 =	sadd.s32 $0xE00, s8  }
0xd: {  	s24 =	simm.s32 $0x17C00;
	v27 =	vadd.s32 $0x1106, v0;
	v28 =	vadd.s32 $0x1986, v0;
	v29 =	vor.u32 $0x7, v0;
	s0 =	smax.u32 s30, $0x1;
	[dreg:$0x4] =	wrdreg s31  }
0xe: {  	v30 =	vadd.s32 $0x887, v0;
	v31 =	vadd.s32 $0x1107, v0;
	v32 =	vadd.s32 $0x1987, v0;
	s6 =	smul.u32 $0xC8, s5;
	s5 =	simm.s32 $0x0;
	[dreg:$0x5] =	wrdreg s0  }
.LBB2_20:
0xf: {  	s0 =	simm.s32 $0x5  }
0x10: {  	_ =	swait.ge [sflag:s0], $0x2000  }
0x11: {  	[sflag:s0] =	ssyncset.done $0x0  }
0x12: {  	s29 =	simm.s32 $0x6;
	[sflag:s0] =	ssyncadd.s32 $0xFFFFE000  }
0x13: {  	_ =	swait.ge [sflag:s29], $0x2000  }
0x14: {  	[sflag:s29] =	ssyncset.done $0x0  }
0x15: {  	s30 =	simm.s32 $0x7;
	[sflag:s29] =	ssyncadd.s32 $0xFFFFE000  }
0x16: {  	_ =	swait.ge [sflag:s30], $0x2000  }
0x17: {  	[sflag:s30] =	ssyncset.done $0x0  }
0x18: {  	s1 =	simm.s32 $0x8;
	[sflag:s30] =	ssyncadd.s32 $0xFFFFE000  }
0x19: {  	_ =	swait.ge [sflag:s1], $0x2000  }
0x1a: {  	s5 =	rddreg [dreg:$0x6]  }
0x1b: {  	s31 =	rddreg [dreg:$0x5];
	s5 =	sadd.s32 $0x1, s5  }
0x1c: {  	p0 =	sne.s32 s5, s31  }
.Ltmp1:
0x1d: {  	_ = 	snop;
	(pc) =	sbr.rel @!p0 .LBB2_21-.Ltmp1, $3  }
0x1e: {  	_ =	sdelay $0x1  }
0x1f: {  	[sflag:s1] =	ssyncset.done $0x0  }
0x20: {  	[sflag:s1] =	ssyncadd.s32 $0xFFFFE000  }
.LBB2_1:
0x21: {  	[dreg:$0x6] =	wrdreg s5  }
0x22: {  	s0 =	rddreg [dreg:$0x4];
	s1 =	simm.s32 $0x9  }
0x23: {  	[tilespmem:s3], [sflag:$0x9] =	stream.linear.gather [hbm4b:s0+s3], $0x6400, $0x38;
	[tilespmem:$0x19E00] =	vst v63  }
0x24: {  	_ =	swait.ge [sflag:s1], $0x6400  }
0x25: {  	[sflag:s1] =	ssyncset.done $0x0  }
0x26: {  	s25 =	simm.s32 $0x6400;
	s19 =	rddreg [dreg:$0x3];
	[sflag:s1] =	ssyncadd.s32 $0xFFFF9C00  }
0x27: {  	[tilespmem:s25], [sflag:$0x9] =	stream.linear.gather [hbm4b:s19+s3], $0x3200, $0x38;
	[tilespmem:$0x19E00] =	vst v63  }
0x28: {  	_ =	swait.ge [sflag:s1], $0x3200  }
0x29: {  	[sflag:s1] =	ssyncset.done $0x0  }
0x2a: {  	s26 =	simm.s32 $0x9600;
	[sflag:s1] =	ssyncadd.s32 $0xFFFFCE00  }
0x2b: {  	[tilespmem:s26], [sflag:$0x1] =	stream.indirect.gather [hbm4b:s4+s21], $0x40, s3, s21, $0xb8;
	[tilespmem:$0x19E00] =	vst v63  }
0x2c: {  	s28 =	simm.s32 $0xB600  }
0x2d: {  	[tilespmem:s28], [sflag:$0x2] =	stream.indirect.gather [hbm4b:s4+s21], $0x40, s21, s21, $0xb8;
	[tilespmem:$0x19E00] =	vst v63  }
0x2e: {  	s29 =	simm.s32 $0x100;
	s30 =	simm.s32 $0xD600;
	s31 =	simm.s32 $0x0  }
0x2f: {  	[tilespmem:s30], [sflag:$0x3] =	stream.indirect.gather [hbm4b:s4+s21], $0x40, s29, s21, $0xb8;
	[tilespmem:$0x19E00] =	vst v63  }
.LBB2_2:
0x30: {  	s0 =	sshll.u32 s31, $0x2;
	s7 =	simm.s32 $0x1  }
0x31: {  	_ =	swait.ge [sflag:s7], $0x2000;
	s1 =	sadd.s32 s6, s0  }
0x32: {  	[sflag:s7] =	ssyncset.done $0x0;
	s5 =	sshll.u32 s1, $0x1  }
0x33: {  	[sflag:s7] =	ssyncadd.s32 $0xFFFFE000;
	s5 =	sand.u32 $0x3FFFFFC0, s5  }
0x34: {  	v36 =	vld [tilespmem:s5+$0x6400]  }
0x35: {  	v35 =	vld [tilespmem:s5+$0x6410]  }
0x36: {  	p0 =	seq.s32 s31, $0x0;
	v34 =	vld [tilespmem:s5+$0x6420]  }
0x37: {  	s15 =	simm.s32 $0x0;
	v33 =	vld [tilespmem:s5+$0x6430];
	s5 =	simm.s32 @!p0 $0x5  }
0x38: {  	v37 =	vmov s15;
	_ =	swait.ge @!p0 [sflag:s5], $0x2000  }
0x39: {  	v37 =	vshrl.u32 v37, $0x3;
	[sflag:s5] =	ssyncset.done @!p0 $0x0  }
0x3a: {  	s10 =	simm.s32 $0x9700;
	v37 =	vshll.u32 v37, v1;
	[sflag:s5] =	ssyncadd.s32 @!p0 $0xFFFFE000  }
0x3b: {  	v37 =	vbroadcast v37, $0x0;
	v38 =	vld [tilespmem:s10+$0xFFFFFF00];
	_ =	sdelay $0x1  }
0x3c: {  	v39 =	vadd.s32 v0, v37;
	_ =	sdelay $0x2  }
0x3d: {  	v38 =	vadd.f32 v38, v36;
	_ =	sdelay $0x1  }
0x3e: {  	[tilespmem:v39+s17+$0x0] =	vst.idx.msk $0xffff, v38  }
0x3f: {  	v38 =	vld [tilespmem:s10+$0xFFFFFF10];
	_ =	sdelay $0x1  }
0x40: {  	v46 =	vadd.s32 v2, v37;
	_ =	sdelay $0x2  }
0x41: {  	v38 =	vadd.f32 v38, v35;
	_ =	sdelay $0x1  }
0x42: {  	[tilespmem:v46+s17+$0x0] =	vst.idx.msk $0xffff, v38  }
0x43: {  	v38 =	vld [tilespmem:s10+$0xFFFFFF20];
	_ =	sdelay $0x1  }
0x44: {  	v47 =	vadd.s32 v3, v37;
	_ =	sdelay $0x2  }
0x45: {  	v38 =	vadd.f32 v38, v34;
	_ =	sdelay $0x1  }
0x46: {  	[tilespmem:v47+s17+$0x0] =	vst.idx.msk $0xffff, v38  }
0x47: {  	v38 =	vld [tilespmem:s10+$0xFFFFFF30];
	_ =	sdelay $0x1  }
0x48: {  	v37 =	vadd.s32 v4, v37;
	_ =	sdelay $0x1  }
0x49: {  	s16 =	simm.s32 $0x1  }
0x4a: {  	v48 =	vmov s16;
	v38 =	vadd.f32 v38, v33  }
0x4b: {  	v39 =	vshrl.u32 v48, $0x3  }
0x4c: {  	s18 =	simm.s32 $0x8;
	v39 =	vshll.u32 v39, v1;
	[tilespmem:v37+s17+$0x0] =	vst.idx.msk $0xffff, v38  }
0x4d: {  	v49 =	vmov s18;
	v39 =	vbroadcast v39, $0x0;
	v38 =	vld [tilespmem:s10+$0xFFFFFF40]  }
0x4e: {  	v37 =	vshrl.u32 v49, $0x3  }
0x4f: {  	s12 =	simm.s32 $0x9900;
	v40 =	vadd.s32 v5, v39;
	v37 =	vshll.u32 v37, v1  }
0x50: {  	v41 =	vld [tilespmem:s12+$0xFFFFFF00];
	v37 =	vbroadcast v37, $0x0;
	_ =	sdelay $0x1  }
0x51: {  	v42 =	vadd.s32 v0, v37;
	v38 =	vadd.f32 v38, v36;
	_ =	sdelay $0x1  }
0x52: {  	[tilespmem:v40+s17+$0x0] =	vst.idx.msk $0xffff, v38  }
0x53: {  	v50 =	vadd.f32 v41, v36;
	v40 =	vld [tilespmem:s10+$0xFFFFFF50];
	_ =	sdelay $0x1  }
0x54: {  	v51 =	vadd.s32 v6, v39;
	[tilespmem:v42+s17+$0x0] =	vst.idx.msk $0xffff, v50  }
0x55: {  	v52 =	vld [tilespmem:s12+$0xFFFFFF10];
	_ =	sdelay $0x1  }
0x56: {  	v53 =	vadd.s32 v2, v37;
	v40 =	vadd.f32 v40, v35;
	_ =	sdelay $0x1  }
0x57: {  	[tilespmem:v51+s17+$0x0] =	vst.idx.msk $0xffff, v40  }
0x58: {  	v54 =	vadd.f32 v52, v35;
	v40 =	vld [tilespmem:s10+$0xFFFFFF60];
	_ =	sdelay $0x1  }
0x59: {  	v55 =	vadd.s32 v7, v39;
	[tilespmem:v53+s17+$0x0] =	vst.idx.msk $0xffff, v54  }
0x5a: {  	v56 =	vld [tilespmem:s12+$0xFFFFFF20];
	_ =	sdelay $0x1  }
0x5b: {  	v57 =	vadd.s32 v3, v37;
	v40 =	vadd.f32 v40, v34;
	_ =	sdelay $0x1  }
0x5c: {  	[tilespmem:v55+s17+$0x0] =	vst.idx.msk $0xffff, v40  }
0x5d: {  	v58 =	vadd.f32 v56, v34;
	v40 =	vld [tilespmem:s10+$0xFFFFFF70];
	_ =	sdelay $0x1  }
0x5e: {  	v59 =	vadd.s32 v8, v39;
	[tilespmem:v57+s17+$0x0] =	vst.idx.msk $0xffff, v58  }
0x5f: {  	v60 =	vld [tilespmem:s12+$0xFFFFFF30]  }
0x60: {  	s19 =	simm.s32 $0x2  }
0x61: {  	v61 =	vmov s19;
	v37 =	vadd.s32 v4, v37;
	v40 =	vadd.f32 v40, v33  }
0x62: {  	v41 =	vshrl.u32 v61, $0x3  }
0x63: {  	s25 =	simm.s32 $0x9;
	v41 =	vshll.u32 v41, v1;
	[tilespmem:v59+s17+$0x0] =	vst.idx.msk $0xffff, v40  }
0x64: {  	v62 =	vmov s25;
	v41 =	vbroadcast v41, $0x0;
	v39 =	vadd.f32 v60, v33;
	v40 =	vld [tilespmem:s10+$0xFFFFFF80]  }
0x65: {  	v38 =	vshrl.u32 v62, $0x3  }
0x66: {  	s5 =	simm.s32 $0x10;
	v63 =	vadd.s32 v9, v41;
	v38 =	vshll.u32 v38, v1;
	[tilespmem:v37+s17+$0x0] =	vst.idx.msk $0xffff, v39  }
0x67: {  	v48 =	vmov s5;
	v38 =	vbroadcast v38, $0x0;
	v42 =	vld [tilespmem:s12+$0xFFFFFF40]  }
0x68: {  	v39 =	vshrl.u32 v48, $0x3  }
0x69: {  	s13 =	simm.s32 $0x9B00;
	v43 =	vadd.s32 v5, v38;
	v39 =	vshll.u32 v39, v1;
	v40 =	vadd.f32 v40, v36  }
0x6a: {  	v44 =	vld [tilespmem:s13+$0xFFFFFF00];
	v39 =	vbroadcast v39, $0x0  }
0x6b: {  	[tilespmem:v63+s17+$0x0] =	vst.idx.msk $0xffff, v40  }
0x6c: {  	v49 =	vadd.s32 v0, v39;
	v50 =	vadd.f32 v42, v36;
	v51 =	vld [tilespmem:s10+$0xFFFFFF90];
	_ =	sdelay $0x1  }
0x6d: {  	v52 =	vadd.s32 v10, v41;
	[tilespmem:v43+s17+$0x0] =	vst.idx.msk $0xffff, v50  }
0x6e: {  	v53 =	vadd.f32 v44, v36;
	v54 =	vld [tilespmem:s12+$0xFFFFFF50];
	_ =	sdelay $0x1  }
0x6f: {  	v55 =	vadd.s32 v6, v38;
	[tilespmem:v49+s17+$0x0] =	vst.idx.msk $0xffff, v53;
	v42 =	vadd.f32 v51, v35  }
0x70: {  	v43 =	vld [tilespmem:s13+$0xFFFFFF10]  }
0x71: {  	[tilespmem:v52+s17+$0x0] =	vst.idx.msk $0xffff, v42  }
0x72: {  	v56 =	vadd.s32 v2, v39;
	v57 =	vadd.f32 v54, v35;
	v58 =	vld [tilespmem:s10+$0xFFFFFFA0];
	_ =	sdelay $0x1  }
0x73: {  	v59 =	vadd.s32 v11, v41;
	[tilespmem:v55+s17+$0x0] =	vst.idx.msk $0xffff, v57  }
0x74: {  	v60 =	vadd.f32 v43, v35;
	v61 =	vld [tilespmem:s12+$0xFFFFFF60];
	_ =	sdelay $0x1  }
0x75: {  	v62 =	vadd.s32 v7, v38;
	[tilespmem:v56+s17+$0x0] =	vst.idx.msk $0xffff, v60;
	v63 =	vadd.f32 v58, v34  }
0x76: {  	v48 =	vld [tilespmem:s13+$0xFFFFFF20]  }
0x77: {  	[tilespmem:v59+s17+$0x0] =	vst.idx.msk $0xffff, v63  }
0x78: {  	v49 =	vadd.s32 v3, v39;
	v50 =	vadd.f32 v61, v34;
	v51 =	vld [tilespmem:s10+$0xFFFFFFB0];
	_ =	sdelay $0x1  }
0x79: {  	v52 =	vadd.s32 v12, v41;
	[tilespmem:v62+s17+$0x0] =	vst.idx.msk $0xffff, v50  }
0x7a: {  	v53 =	vadd.f32 v48, v34;
	v42 =	vld [tilespmem:s12+$0xFFFFFF70]  }
0x7b: {  	s26 =	simm.s32 $0x3  }
0x7c: {  	v54 =	vmov s26;
	v55 =	vadd.s32 v8, v38;
	[tilespmem:v49+s17+$0x0] =	vst.idx.msk $0xffff, v53;
	v56 =	vadd.f32 v51, v33  }
0x7d: {  	v57 =	vshrl.u32 v54, $0x3;
	v58 =	vld [tilespmem:s13+$0xFFFFFF30]  }
0x7e: {  	s8 =	simm.s32 $0xA;
	v41 =	vshll.u32 v57, v1;
	v60 =	vadd.s32 v4, v39;
	[tilespmem:v52+s17+$0x0] =	vst.idx.msk $0xffff, v56  }
0x7f: {  	v41 =	vbroadcast v41, $0x0;
	v59 =	vmov s8;
	v61 =	vadd.f32 v42, v33;
	v40 =	vld [tilespmem:s10+$0xFFFFFFC0]  }
0x80: {  	s9 =	simm.s32 $0x11;
	v62 =	vshrl.u32 v59, $0x3  }
0x81: {  	v63 =	vmov s9;
	v48 =	vadd.s32 v13, v41;
	v42 =	vshll.u32 v62, v1;
	[tilespmem:v55+s17+$0x0] =	vst.idx.msk $0xffff, v61  }
0x82: {  	v49 =	vshrl.u32 v63, $0x3;
	v43 =	vadd.f32 v58, v33;
	v42 =	vbroadcast v42, $0x0;
	v50 =	vld [tilespmem:s12+$0xFFFFFF80]  }
0x83: {  	v39 =	vshll.u32 v49, v1  }
0x84: {  	s8 =	simm.s32 $0x18;
	[tilespmem:v60+s17+$0x0] =	vst.idx.msk $0xffff, v43;
	v51 =	vadd.s32 v9, v42;
	v40 =	vadd.f32 v40, v36  }
0x85: {  	v39 =	vbroadcast v39, $0x0;
	v52 =	vmov s8;
	v45 =	vld [tilespmem:s13+$0xFFFFFF40]  }
0x86: {  	v43 =	vshrl.u32 v52, $0x3;
	[tilespmem:v48+s17+$0x0] =	vst.idx.msk $0xffff, v40  }
0x87: {  	s14 =	simm.s32 $0x9D00;
	v54 =	vadd.s32 v5, v39;
	v53 =	vshll.u32 v43, v1;
	v55 =	vadd.f32 v50, v36;
	v56 =	vld [tilespmem:s10+$0xFFFFFFD0]  }
0x88: {  	v46 =	vld [tilespmem:s14+$0xFFFFFF00];
	v37 =	vbroadcast v53, $0x0  }
0x89: {  	v57 =	vadd.s32 v14, v41;
	[tilespmem:v51+s17+$0x0] =	vst.idx.msk $0xffff, v55  }
0x8a: {  	v58 =	vadd.s32 v0, v37;
	v45 =	vadd.f32 v45, v36;
	v47 =	vld [tilespmem:s12+$0xFFFFFF90];
	_ =	sdelay $0x1  }
0x8b: {  	v59 =	vadd.s32 v10, v42;
	[tilespmem:v54+s17+$0x0] =	vst.idx.msk $0xffff, v45;
	v44 =	vadd.f32 v56, v35  }
0x8c: {  	v60 =	vadd.f32 v46, v36;
	v61 =	vld [tilespmem:s13+$0xFFFFFF50]  }
0x8d: {  	[tilespmem:v57+s17+$0x0] =	vst.idx.msk $0xffff, v44  }
0x8e: {  	v62 =	vadd.s32 v6, v39;
	[tilespmem:v58+s17+$0x0] =	vst.idx.msk $0xffff, v60;
	v63 =	vadd.f32 v47, v35;
	v44 =	vld [tilespmem:s10+$0xFFFFFFE0]  }
0x8f: {  	v45 =	vld [tilespmem:s14+$0xFFFFFF10]  }
0x90: {  	v48 =	vadd.s32 v15, v41;
	[tilespmem:v59+s17+$0x0] =	vst.idx.msk $0xffff, v63  }
0x91: {  	v49 =	vadd.s32 v2, v37;
	v46 =	vadd.f32 v61, v35;
	v50 =	vld [tilespmem:s12+$0xFFFFFFA0];
	_ =	sdelay $0x1  }
0x92: {  	v51 =	vadd.s32 v11, v42;
	[tilespmem:v62+s17+$0x0] =	vst.idx.msk $0xffff, v46;
	v44 =	vadd.f32 v44, v34  }
0x93: {  	v45 =	vadd.f32 v45, v35;
	v46 =	vld [tilespmem:s13+$0xFFFFFF60]  }
0x94: {  	[tilespmem:v48+s17+$0x0] =	vst.idx.msk $0xffff, v44  }
0x95: {  	v52 =	vadd.s32 v7, v39;
	[tilespmem:v49+s17+$0x0] =	vst.idx.msk $0xffff, v45;
	v53 =	vadd.f32 v50, v34;
	v44 =	vld [tilespmem:s10+$0xFFFFFFF0]  }
0x96: {  	v45 =	vld [tilespmem:s14+$0xFFFFFF20]  }
0x97: {  	v54 =	vadd.s32 v16, v41;
	[tilespmem:v51+s17+$0x0] =	vst.idx.msk $0xffff, v53  }
0x98: {  	s11 =	simm.s32 $0x4;
	v55 =	vadd.s32 v3, v37;
	v56 =	vadd.f32 v46, v34;
	v57 =	vld [tilespmem:s12+$0xFFFFFFB0]  }
0x99: {  	v58 =	vmov s11  }
0x9a: {  	v61 =	vshrl.u32 v58, $0x3;
	v59 =	vadd.s32 v12, v42;
	[tilespmem:v52+s17+$0x0] =	vst.idx.msk $0xffff, v56;
	v60 =	vadd.f32 v44, v33  }
0x9b: {  	v43 =	vshll.u32 v61, v1;
	v62 =	vadd.f32 v45, v34;
	v63 =	vld [tilespmem:s13+$0xFFFFFF70]  }
0x9c: {  	s15 =	simm.s32 $0xB;
	v42 =	vbroadcast v43, $0x0;
	[tilespmem:v54+s17+$0x0] =	vst.idx.msk $0xffff, v60  }
0x9d: {  	v49 =	vadd.s32 v8, v39;
	v48 =	vmov s15;
	[tilespmem:v55+s17+$0x0] =	vst.idx.msk $0xffff, v62;
	v50 =	vadd.f32 v57, v33;
	v51 =	vld [tilespmem:s10+$0x0]  }
0x9e: {  	s16 =	simm.s32 $0x12;
	v37 =	vadd.s32 v4, v37;
	v52 =	vshrl.u32 v48, $0x3;
	v54 =	vld [tilespmem:s14+$0xFFFFFF30]  }
0x9f: {  	v53 =	vmov s16;
	v43 =	vshll.u32 v52, v1;
	v55 =	vadd.s32 v17, v42;
	[tilespmem:v59+s17+$0x0] =	vst.idx.msk $0xffff, v50  }
0xa0: {  	v43 =	vbroadcast v43, $0x0;
	v44 =	vshrl.u32 v53, $0x3;
	v56 =	vadd.f32 v63, v33;
	v57 =	vld [tilespmem:s12+$0xFFFFFFC0]  }
0xa1: {  	s18 =	simm.s32 $0x19;
	v44 =	vshll.u32 v44, v1  }
0xa2: {  	v58 =	vmov s18;
	v59 =	vadd.s32 v13, v43;
	[tilespmem:v49+s17+$0x0] =	vst.idx.msk $0xffff, v56;
	v60 =	vadd.f32 v51, v36  }
0xa3: {  	v61 =	vshrl.u32 v58, $0x3;
	v44 =	vbroadcast v44, $0x0;
	v62 =	vld [tilespmem:s13+$0xFFFFFF80];
	v46 =	vadd.f32 v54, v33  }
0xa4: {  	v41 =	vshll.u32 v61, v1;
	[tilespmem:v55+s17+$0x0] =	vst.idx.msk $0xffff, v60  }
0xa5: {  	s26 =	simm.s32 $0x20;
	v63 =	vadd.s32 v9, v44;
	[tilespmem:v37+s17+$0x0] =	vst.idx.msk $0xffff, v46;
	v50 =	vadd.f32 v57, v36;
	v40 =	vld [tilespmem:s10+$0x10]  }
0xa6: {  	v41 =	vbroadcast v41, $0x0;
	v51 =	vmov s26;
	v46 =	vld [tilespmem:s14+$0xFFFFFF40]  }
0xa7: {  	v52 =	vadd.s32 v18, v42;
	v45 =	vshrl.u32 v51, $0x3;
	[tilespmem:v59+s17+$0x0] =	vst.idx.msk $0xffff, v50  }
0xa8: {  	s7 =	simm.s32 $0x9F00;
	v54 =	vadd.s32 v5, v41;
	v53 =	vshll.u32 v45, v1;
	v47 =	vadd.f32 v62, v36;
	v48 =	vld [tilespmem:s12+$0xFFFFFFD0]  }
0xa9: {  	v49 =	vld [tilespmem:s7+$0xFFFFFF00];
	v39 =	vbroadcast v53, $0x0  }
0xaa: {  	v55 =	vadd.s32 v14, v43;
	[tilespmem:v63+s17+$0x0] =	vst.idx.msk $0xffff, v47;
	v40 =	vadd.f32 v40, v35  }
0xab: {  	v56 =	vadd.s32 v0, v39;
	v50 =	vld [tilespmem:s13+$0xFFFFFF90];
	v46 =	vadd.f32 v46, v36  }
0xac: {  	[tilespmem:v52+s17+$0x0] =	vst.idx.msk $0xffff, v40  }
0xad: {  	v57 =	vadd.s32 v10, v44;
	[tilespmem:v54+s17+$0x0] =	vst.idx.msk $0xffff, v46;
	v58 =	vadd.f32 v48, v35;
	v59 =	vld [tilespmem:s10+$0x20]  }
0xae: {  	v60 =	vadd.f32 v49, v36;
	v61 =	vld [tilespmem:s14+$0xFFFFFF50]  }
0xaf: {  	v62 =	vadd.s32 v19, v42;
	[tilespmem:v55+s17+$0x0] =	vst.idx.msk $0xffff, v58  }
0xb0: {  	v63 =	vadd.s32 v6, v41;
	[tilespmem:v56+s17+$0x0] =	vst.idx.msk $0xffff, v60;
	v52 =	vadd.f32 v50, v35;
	v53 =	vld [tilespmem:s12+$0xFFFFFFE0]  }
0xb1: {  	v54 =	vld [tilespmem:s7+$0xFFFFFF10]  }
0xb2: {  	v55 =	vadd.s32 v15, v43;
	[tilespmem:v57+s17+$0x0] =	vst.idx.msk $0xffff, v52;
	v45 =	vadd.f32 v59, v34  }
0xb3: {  	v56 =	vadd.s32 v2, v39;
	v57 =	vld [tilespmem:s13+$0xFFFFFFA0];
	v48 =	vadd.f32 v61, v35  }
0xb4: {  	[tilespmem:v62+s17+$0x0] =	vst.idx.msk $0xffff, v45  }
0xb5: {  	v58 =	vadd.s32 v11, v44;
	[tilespmem:v63+s17+$0x0] =	vst.idx.msk $0xffff, v48;
	v59 =	vadd.f32 v53, v34;
	v45 =	vld [tilespmem:s10+$0x30]  }
0xb6: {  	v60 =	vadd.f32 v54, v35;
	v48 =	vld [tilespmem:s14+$0xFFFFFF60]  }
0xb7: {  	v61 =	vadd.s32 v20, v42;
	[tilespmem:v55+s17+$0x0] =	vst.idx.msk $0xffff, v59  }
0xb8: {  	[tilespmem:v56+s17+$0x0] =	vst.idx.msk $0xffff, v60;
	v62 =	vadd.s32 v7, v41;
	v63 =	vadd.f32 v57, v34;
	v52 =	vld [tilespmem:s12+$0xFFFFFFF0]  }
0xb9: {  	s9 =	simm.s32 $0x5;
	v47 =	vld [tilespmem:s7+$0xFFFFFF20]  }
0xba: {  	v54 =	vadd.s32 v16, v43;
	v53 =	vmov s9;
	[tilespmem:v58+s17+$0x0] =	vst.idx.msk $0xffff, v63;
	v55 =	vadd.f32 v45, v33  }
0xbb: {  	v56 =	vshrl.u32 v53, $0x3;
	v57 =	vadd.s32 v3, v39;
	v58 =	vld [tilespmem:s13+$0xFFFFFFB0];
	v48 =	vadd.f32 v48, v34  }
0xbc: {  	s19 =	simm.s32 $0xC;
	v60 =	vadd.s32 v12, v44;
	v43 =	vshll.u32 v56, v1;
	[tilespmem:v61+s17+$0x0] =	vst.idx.msk $0xffff, v55  }
0xbd: {  	v59 =	vmov s19;
	v43 =	vbroadcast v43, $0x0;
	[tilespmem:v62+s17+$0x0] =	vst.idx.msk $0xffff, v48;
	v61 =	vadd.f32 v52, v33;
	v42 =	vld [tilespmem:s10+$0x40]  }
0xbe: {  	s25 =	simm.s32 $0x13;
	v53 =	vadd.s32 v8, v41;
	v63 =	vshrl.u32 v59, $0x3;
	v47 =	vadd.f32 v47, v34;
	v48 =	vld [tilespmem:s14+$0xFFFFFF70]  }
0xbf: {  	v46 =	vshll.u32 v63, v1;
	v62 =	vmov s25;
	v52 =	vadd.s32 v21, v43;
	[tilespmem:v54+s17+$0x0] =	vst.idx.msk $0xffff, v61  }
0xc0: {  	v46 =	vbroadcast v46, $0x0;
	v44 =	vshrl.u32 v62, $0x3;
	[tilespmem:v57+s17+$0x0] =	vst.idx.msk $0xffff, v47;
	v54 =	vadd.f32 v58, v33;
	v55 =	vld [tilespmem:s12+$0x0]  }
0xc1: {  	s11 =	simm.s32 $0x1A;
	v39 =	vadd.s32 v4, v39;
	v44 =	vshll.u32 v44, v1;
	v57 =	vld [tilespmem:s7+$0xFFFFFF30]  }
0xc2: {  	v56 =	vmov s11;
	v58 =	vadd.s32 v17, v46;
	[tilespmem:v60+s17+$0x0] =	vst.idx.msk $0xffff, v54;
	v59 =	vadd.f32 v42, v36  }
0xc3: {  	v47 =	vshrl.u32 v56, $0x3;
	v44 =	vbroadcast v44, $0x0;
	v60 =	vadd.f32 v48, v33;
	v61 =	vld [tilespmem:s13+$0xFFFFFFC0]  }
0xc4: {  	s15 =	simm.s32 $0x21;
	v47 =	vshll.u32 v47, v1;
	[tilespmem:v52+s17+$0x0] =	vst.idx.msk $0xffff, v59  }
0xc5: {  	v62 =	vmov s15;
	v63 =	vadd.s32 v13, v44;
	[tilespmem:v53+s17+$0x0] =	vst.idx.msk $0xffff, v60;
	v52 =	vadd.f32 v55, v36;
	v53 =	vld [tilespmem:s10+$0x50]  }
0xc6: {  	v37 =	vshrl.u32 v62, $0x3;
	v47 =	vbroadcast v47, $0x0;
	v54 =	vadd.f32 v57, v33;
	v55 =	vld [tilespmem:s14+$0xFFFFFF80]  }
0xc7: {  	v38 =	vadd.s32 v22, v43;
	v37 =	vshll.u32 v37, v1;
	[tilespmem:v58+s17+$0x0] =	vst.idx.msk $0xffff, v52  }
0xc8: {  	s28 =	simm.s32 $0x28;
	[tilespmem:v39+s17+$0x0] =	vst.idx.msk $0xffff, v54;
	v39 =	vadd.s32 v9, v47;
	v56 =	vadd.f32 v61, v36;
	v57 =	vld [tilespmem:s12+$0x10]  }
0xc9: {  	v37 =	vbroadcast v37, $0x0;
	v59 =	vld [tilespmem:s7+$0xFFFFFF40];
	v58 =	vmov s28  }
0xca: {  	v60 =	vadd.s32 v18, v46;
	v48 =	vshrl.u32 v58, $0x3;
	[tilespmem:v63+s17+$0x0] =	vst.idx.msk $0xffff, v56;
	v61 =	vadd.f32 v53, v35  }
0xcb: {  	s25 =	simm.s32 $0xA100;
	v62 =	vshll.u32 v48, v1;
	v63 =	vadd.s32 v5, v37;
	v49 =	vadd.f32 v55, v36;
	v51 =	vld [tilespmem:s13+$0xFFFFFFD0]  }
0xcc: {  	v52 =	vld [tilespmem:s25+$0xFFFFFF00];
	v42 =	vbroadcast v62, $0x0;
	[tilespmem:v38+s17+$0x0] =	vst.idx.msk $0xffff, v61  }
0xcd: {  	[tilespmem:v39+s17+$0x0] =	vst.idx.msk $0xffff, v49;
	v38 =	vadd.s32 v14, v44;
	v55 =	vadd.f32 v57, v35;
	v41 =	vld [tilespmem:s10+$0x60]  }
0xce: {  	v56 =	vadd.s32 v0, v42;
	v57 =	vadd.f32 v59, v36;
	v58 =	vld [tilespmem:s14+$0xFFFFFF90]  }
0xcf: {  	v39 =	vadd.s32 v23, v43;
	[tilespmem:v60+s17+$0x0] =	vst.idx.msk $0xffff, v55  }
0xd0: {  	v59 =	vadd.s32 v10, v47;
	[tilespmem:v63+s17+$0x0] =	vst.idx.msk $0xffff, v57;
	v60 =	vadd.f32 v51, v35;
	v61 =	vld [tilespmem:s12+$0x20]  }
0xd1: {  	v62 =	vadd.f32 v52, v36;
	v63 =	vld [tilespmem:s7+$0xFFFFFF50]  }
0xd2: {  	[tilespmem:v38+s17+$0x0] =	vst.idx.msk $0xffff, v60;
	v38 =	vadd.s32 v19, v46;
	v41 =	vadd.f32 v41, v34  }
0xd3: {  	[tilespmem:v56+s17+$0x0] =	vst.idx.msk $0xffff, v62;
	v56 =	vadd.s32 v6, v37;
	v57 =	vadd.f32 v58, v35;
	v58 =	vld [tilespmem:s13+$0xFFFFFFE0]  }
0xd4: {  	v51 =	vld [tilespmem:s25+$0xFFFFFF10];
	[tilespmem:v39+s17+$0x0] =	vst.idx.msk $0xffff, v41  }
0xd5: {  	[tilespmem:v59+s17+$0x0] =	vst.idx.msk $0xffff, v57;
	v59 =	vadd.s32 v15, v44;
	v60 =	vadd.f32 v61, v34;
	v41 =	vld [tilespmem:s10+$0x70]  }
0xd6: {  	v61 =	vadd.s32 v2, v42;
	v62 =	vadd.f32 v63, v35;
	v63 =	vld [tilespmem:s14+$0xFFFFFFA0]  }
0xd7: {  	[tilespmem:v38+s17+$0x0] =	vst.idx.msk $0xffff, v60;
	v38 =	vadd.s32 v24, v43  }
0xd8: {  	v40 =	vadd.s32 v11, v47;
	[tilespmem:v56+s17+$0x0] =	vst.idx.msk $0xffff, v62;
	v55 =	vadd.f32 v58, v34;
	v56 =	vld [tilespmem:s12+$0x30]  }
0xd9: {  	s16 =	simm.s32 $0x6;
	v57 =	vadd.f32 v51, v35;
	v50 =	vld [tilespmem:s7+$0xFFFFFF60]  }
0xda: {  	v39 =	vadd.s32 v20, v46;
	v58 =	vmov s16;
	[tilespmem:v59+s17+$0x0] =	vst.idx.msk $0xffff, v55;
	v41 =	vadd.f32 v41, v33  }
0xdb: {  	s18 =	simm.s32 $0xD;
	v46 =	vadd.s32 v7, v37;
	v59 =	vshrl.u32 v58, $0x3;
	[tilespmem:v61+s17+$0x0] =	vst.idx.msk $0xffff, v57;
	v60 =	vadd.f32 v63, v34;
	v61 =	vld [tilespmem:s13+$0xFFFFFFF0]  }
0xdc: {  	v45 =	vadd.s32 v3, v42;
	v62 =	vmov s18;
	v43 =	vshll.u32 v59, v1;
	v53 =	vld [tilespmem:s25+$0xFFFFFF20];
	[tilespmem:v38+s17+$0x0] =	vst.idx.msk $0xffff, v41  }
0xdd: {  	s11 =	simm.s32 $0x14;
	[tilespmem:v40+s17+$0x0] =	vst.idx.msk $0xffff, v60;
	v43 =	vbroadcast v43, $0x0;
	v38 =	vadd.s32 v16, v44;
	v56 =	vadd.f32 v56, v33;
	v41 =	vld [tilespmem:s10+$0x80]  }
0xde: {  	v63 =	vmov s11;
	v57 =	vshrl.u32 v62, $0x3;
	v58 =	vadd.f32 v50, v34;
	v59 =	vld [tilespmem:s14+$0xFFFFFFB0]  }
0xdf: {  	v60 =	vshrl.u32 v63, $0x3;
	v44 =	vshll.u32 v57, v1;
	[tilespmem:v39+s17+$0x0] =	vst.idx.msk $0xffff, v56;
	v39 =	vadd.s32 v25, v43  }
0xe0: {  	v40 =	vadd.s32 v12, v47;
	v44 =	vbroadcast v44, $0x0;
	[tilespmem:v46+s17+$0x0] =	vst.idx.msk $0xffff, v58;
	v61 =	vadd.f32 v61, v33;
	v62 =	vld [tilespmem:s12+$0x40]  }
0xe1: {  	s19 =	simm.s32 $0x1B;
	v37 =	vadd.s32 v8, v37;
	v56 =	vshll.u32 v60, v1;
	v57 =	vadd.f32 v53, v34;
	v58 =	vld [tilespmem:s7+$0xFFFFFF70]  }
0xe2: {  	v63 =	vmov s19;
	[tilespmem:v38+s17+$0x0] =	vst.idx.msk $0xffff, v61;
	v38 =	vadd.s32 v21, v44;
	v41 =	vadd.f32 v41, v36  }
0xe3: {  	s11 =	simm.s32 $0x22;
	v48 =	vshrl.u32 v63, $0x3;
	v49 =	vbroadcast v56, $0x0;
	[tilespmem:v45+s17+$0x0] =	vst.idx.msk $0xffff, v57;
	v59 =	vadd.f32 v59, v33;
	v46 =	vld [tilespmem:s13+$0x0]  }
0xe4: {  	v48 =	vshll.u32 v48, v1;
	v60 =	vmov s11;
	v51 =	vld [tilespmem:s25+$0xFFFFFF30];
	[tilespmem:v39+s17+$0x0] =	vst.idx.msk $0xffff, v41  }
0xe5: {  	v48 =	vbroadcast v48, $0x0;
	[tilespmem:v40+s17+$0x0] =	vst.idx.msk $0xffff, v59;
	v40 =	vadd.s32 v17, v49;
	v62 =	vadd.f32 v62, v36;
	v63 =	vld [tilespmem:s10+$0x90]  }
0xe6: {  	s15 =	simm.s32 $0x29;
	v42 =	vadd.s32 v4, v42;
	v61 =	vshrl.u32 v60, $0x3;
	v56 =	vadd.f32 v58, v33;
	v57 =	vld [tilespmem:s14+$0xFFFFFFC0]  }
0xe7: {  	v60 =	vadd.s32 v13, v48;
	v58 =	vmov s15;
	[tilespmem:v38+s17+$0x0] =	vst.idx.msk $0xffff, v62;
	v38 =	vadd.s32 v26, v43  }
0xe8: {  	v39 =	vshll.u32 v61, v1;
	v59 =	vshrl.u32 v58, $0x3;
	[tilespmem:v37+s17+$0x0] =	vst.idx.msk $0xffff, v56;
	v46 =	vadd.f32 v46, v36;
	v61 =	vld [tilespmem:s12+$0x50]  }
0xe9: {  	v39 =	vbroadcast v39, $0x0;
	v41 =	vshll.u32 v59, v1;
	v51 =	vadd.f32 v51, v33;
	v62 =	vld [tilespmem:s7+$0xFFFFFF80]  }
0xea: {  	[tilespmem:v40+s17+$0x0] =	vst.idx.msk $0xffff, v46;
	v40 =	vadd.s32 v22, v44;
	v45 =	vadd.f32 v63, v35  }
0xeb: {  	s29 =	simm.s32 $0x30;
	[tilespmem:v42+s17+$0x0] =	vst.idx.msk $0xffff, v51;
	v42 =	vadd.s32 v9, v39;
	v63 =	vadd.f32 v57, v36;
	v50 =	vld [tilespmem:s13+$0x10]  }
0xec: {  	v54 =	vbroadcast v41, $0x0;
	v57 =	vmov s29;
	v58 =	vld [tilespmem:s25+$0xFFFFFF40];
	[tilespmem:v38+s17+$0x0] =	vst.idx.msk $0xffff, v45  }
0xed: {  	v37 =	vadd.s32 v18, v49;
	v59 =	vshrl.u32 v57, $0x3;
	[tilespmem:v60+s17+$0x0] =	vst.idx.msk $0xffff, v63;
	v60 =	vadd.f32 v61, v35;
	v45 =	vld [tilespmem:s10+$0xA0]  }
0xee: {  	s11 =	simm.s32 $0xA300;
	v46 =	vadd.s32 v5, v54;
	v38 =	vshll.u32 v59, v1;
	v61 =	vadd.f32 v62, v36;
	v62 =	vld [tilespmem:s14+$0xFFFFFFD0]  }
0xef: {  	v63 =	vld [tilespmem:s11+$0xFFFFFF00];
	v55 =	vbroadcast v38, $0x0;
	v38 =	vadd.s32 v27, v43;
	[tilespmem:v40+s17+$0x0] =	vst.idx.msk $0xffff, v60  }
0xf0: {  	[tilespmem:v42+s17+$0x0] =	vst.idx.msk $0xffff, v61;
	v40 =	vadd.s32 v14, v48;
	v57 =	vadd.f32 v50, v35;
	v42 =	vld [tilespmem:s12+$0x60]  }
0xf1: {  	v47 =	vadd.s32 v0, v55;
	v58 =	vadd.f32 v58, v36;
	v59 =	vld [tilespmem:s7+$0xFFFFFF90]  }
0xf2: {  	[tilespmem:v37+s17+$0x0] =	vst.idx.msk $0xffff, v57;
	v37 =	vadd.s32 v23, v44;
	v60 =	vadd.f32 v45, v34  }
0xf3: {  	[tilespmem:v46+s17+$0x0] =	vst.idx.msk $0xffff, v58;
	v45 =	vadd.s32 v10, v39;
	v61 =	vadd.f32 v62, v35;
	v62 =	vld [tilespmem:s13+$0x20]  }
0xf4: {  	v41 =	vadd.s32 v15, v48;
	v63 =	vadd.f32 v63, v36;
	v56 =	vld [tilespmem:s25+$0xFFFFFF50];
	[tilespmem:v38+s17+$0x0] =	vst.idx.msk $0xffff, v60  }
0xf5: {  	s16 =	simm.s32 $0x7;
	[tilespmem:v40+s17+$0x0] =	vst.idx.msk $0xffff, v61;
	v40 =	vadd.s32 v19, v49;
	v58 =	vadd.f32 v42, v34;
	v42 =	vld [tilespmem:s10+$0xB0]  }
0xf6: {  	v57 =	vmov s16;
	v46 =	vadd.s32 v6, v54;
	[tilespmem:v47+s17+$0x0] =	vst.idx.msk $0xffff, v63;
	v59 =	vadd.f32 v59, v35;
	v60 =	vld [tilespmem:s14+$0xFFFFFFE0]  }
0xf7: {  	s15 =	simm.s32 $0x15;
	v38 =	vshrl.u32 v57, $0x3;
	v63 =	vadd.s32 v2, v55;
	v53 =	vld [tilespmem:s11+$0xFFFFFF10];
	[tilespmem:v37+s17+$0x0] =	vst.idx.msk $0xffff, v58;
	v37 =	vadd.s32 v28, v43  }
0xf8: {  	s19 =	simm.s32 $0x1C;
	v57 =	vmov s15;
	v38 =	vshll.u32 v38, v1;
	[tilespmem:v45+s17+$0x0] =	vst.idx.msk $0xffff, v59;
	v61 =	vadd.f32 v62, v34;
	v45 =	vld [tilespmem:s12+$0x70]  }
0xf9: {  	s18 =	simm.s32 $0xE;
	v58 =	vmov s19;
	v43 =	vadd.s32 v11, v39;
	v52 =	vadd.f32 v56, v35;
	v56 =	vld [tilespmem:s7+$0xFFFFFFA0]  }
0xfa: {  	v62 =	vmov s18;
	[tilespmem:v40+s17+$0x0] =	vst.idx.msk $0xffff, v61;
	v40 =	vadd.s32 v24, v44;
	v42 =	vadd.f32 v42, v33  }
0xfb: {  	s15 =	simm.s32 $0x23;
	v39 =	vadd.s32 v12, v39;
	v47 =	vshrl.u32 v62, $0x3;
	[tilespmem:v46+s17+$0x0] =	vst.idx.msk $0xffff, v52;
	v60 =	vadd.f32 v60, v34;
	v46 =	vld [tilespmem:s13+$0x30]  }
0xfc: {  	v47 =	vshll.u32 v47, v1;
	v61 =	vadd.f32 v53, v35;
	v52 =	vld [tilespmem:s25+$0xFFFFFF60];
	v53 =	vmov s15;
	[tilespmem:v37+s17+$0x0] =	vst.idx.msk $0xffff, v42  }
0xfd: {  	[tilespmem:v41+s17+$0x0] =	vst.idx.msk $0xffff, v60;
	v41 =	vadd.s32 v20, v49;
	v62 =	vadd.f32 v45, v33;
	v37 =	vbroadcast v38, $0x0;
	v44 =	vld [tilespmem:s10+$0xC0]  }
0xfe: {  	[tilespmem:v63+s17+$0x0] =	vst.idx.msk $0xffff, v61;
	v45 =	vadd.s32 v7, v54;
	v60 =	vshrl.u32 v57, $0x3;
	v63 =	vadd.f32 v56, v34;
	v49 =	vld [tilespmem:s14+$0xFFFFFFF0]  }
0xff: {  	v61 =	vshrl.u32 v58, $0x3;
	v42 =	vadd.s32 v16, v48;
	v51 =	vld [tilespmem:s11+$0xFFFFFF20];
	[tilespmem:v40+s17+$0x0] =	vst.idx.msk $0xffff, v62;
	v40 =	vadd.s32 v29, v37  }
0x100: {  	v38 =	vbroadcast v47, $0x0;
	v47 =	vadd.s32 v3, v55;
	[tilespmem:v43+s17+$0x0] =	vst.idx.msk $0xffff, v63;
	v62 =	vadd.f32 v46, v33;
	v46 =	vld [tilespmem:s12+$0x80]  }
0x101: {  	s16 =	simm.s32 $0x2A;
	v50 =	vshll.u32 v60, v1;
	v56 =	vshll.u32 v61, v1;
	v63 =	vadd.f32 v52, v34;
	v60 =	vld [tilespmem:s7+$0xFFFFFFB0]  }
0x102: {  	v58 =	vmov s16;
	v57 =	vadd.s32 v25, v38;
	[tilespmem:v41+s17+$0x0] =	vst.idx.msk $0xffff, v62;
	v61 =	vadd.f32 v44, v36  }
0x103: {  	v55 =	vadd.s32 v4, v55;
	[tilespmem:v45+s17+$0x0] =	vst.idx.msk $0xffff, v63;
	v41 =	vbroadcast v50, $0x0;
	v62 =	vadd.f32 v49, v33;
	v45 =	vld [tilespmem:s13+$0x40]  }
0x104: {  	v59 =	vshrl.u32 v58, $0x3;
	v58 =	vadd.s32 v26, v38;
	v63 =	vadd.f32 v51, v34;
	v49 =	vld [tilespmem:s25+$0xFFFFFF70];
	[tilespmem:v40+s17+$0x0] =	vst.idx.msk $0xffff, v61  }
0x105: {  	v53 =	vshrl.u32 v53, $0x3;
	[tilespmem:v42+s17+$0x0] =	vst.idx.msk $0xffff, v62;
	v42 =	vadd.s32 v21, v41;
	v62 =	vadd.f32 v46, v36;
	v46 =	vld [tilespmem:s10+$0xD0]  }
0x106: {  	v43 =	vbroadcast v56, $0x0;
	[tilespmem:v47+s17+$0x0] =	vst.idx.msk $0xffff, v63;
	v47 =	vadd.s32 v8, v54;
	v63 =	vadd.f32 v60, v33;
	v60 =	vld [tilespmem:s14+$0x0]  }
0x107: {  	v51 =	vshll.u32 v53, v1;
	v54 =	vadd.s32 v30, v37;
	v61 =	vld [tilespmem:s11+$0xFFFFFF30];
	[tilespmem:v57+s17+$0x0] =	vst.idx.msk $0xffff, v62  }
0x108: {  	s15 =	simm.s32 $0x38;
	[tilespmem:v39+s17+$0x0] =	vst.idx.msk $0xffff, v63;
	v39 =	vadd.s32 v17, v43;
	v45 =	vadd.f32 v45, v36;
	v48 =	vld [tilespmem:s12+$0x90]  }
0x109: {  	s18 =	simm.s32 $0x31;
	v56 =	vmov s15;
	v44 =	vbroadcast v51, $0x0;
	v49 =	vadd.f32 v49, v33;
	v57 =	vld [tilespmem:s7+$0xFFFFFFC0]  }
0x10a: {  	v40 =	vshll.u32 v59, v1;
	v62 =	vmov s18;
	[tilespmem:v42+s17+$0x0] =	vst.idx.msk $0xffff, v45;
	v63 =	vadd.f32 v46, v35  }
0x10b: {  	v50 =	vadd.s32 v13, v44;
	v59 =	vshrl.u32 v62, $0x3;
	[tilespmem:v47+s17+$0x0] =	vst.idx.msk $0xffff, v49;
	v60 =	vadd.f32 v60, v36;
	v46 =	vld [tilespmem:s13+$0x50]  }
0x10c: {  	s19 =	simm.s32 $0xF;
	v59 =	vshll.u32 v59, v1;
	v47 =	vbroadcast v40, $0x0;
	v61 =	vadd.f32 v61, v33;
	v52 =	vld [tilespmem:s25+$0xFFFFFF80];
	[tilespmem:v54+s17+$0x0] =	vst.idx.msk $0xffff, v63  }
0x10d: {  	v45 =	vadd.s32 v22, v41;
	v42 =	vmov s19;
	[tilespmem:v39+s17+$0x0] =	vst.idx.msk $0xffff, v60;
	v62 =	vadd.f32 v48, v35;
	v39 =	vld [tilespmem:s10+$0xE0]  }
0x10e: {  	v53 =	vadd.s32 v9, v47;
	v63 =	vshrl.u32 v56, $0x3;
	[tilespmem:v55+s17+$0x0] =	vst.idx.msk $0xffff, v61;
	v51 =	vadd.f32 v57, v36;
	v48 =	vld [tilespmem:s14+$0x10]  }
0x10f: {  	s30 =	simm.s32 $0xA300;
	s9 =	sshrl.u32 s1, $0x5;
	s18 =	simm.s32 $0x40;
	v49 =	vbroadcast v59, $0x0;
	v40 =	vadd.s32 v31, v37;
	v55 =	vshll.u32 v63, v1;
	v54 =	vld [tilespmem:s11+$0xFFFFFF40];
	[tilespmem:v58+s17+$0x0] =	vst.idx.msk $0xffff, v62  }
.LBB2_3:
0x110: {  	p1 =	slt.u32 s18, $0x78;
	[tilespmem:v50+s17+$0x0] =	vst.idx.msk $0xffff, v51;
	v50 =	vadd.s32 v18, v43;
	v46 =	vadd.f32 v46, v35;
	v51 =	vld [tilespmem:s12+$0xA0];
	v42 =	vshrl.u32 v42, $0x3  }
0x111: {  	s11 =	sadd.s32 $0x200, s11;
	v56 =	vadd.s32 v5, v49;
	v52 =	vadd.f32 v52, v36;
	v57 =	vld [tilespmem:s7+$0xFFFFFFD0];
	v58 =	vshll.u32 v42, v1  }
0x112: {  	v42 =	vbroadcast v55, $0x0;
	v59 =	vld [tilespmem:s11+$0xFFFFFF00];
	[tilespmem:v45+s17+$0x0] =	vst.idx.msk $0xffff, v46;
	v45 =	vadd.s32 v27, v38;
	v39 =	vadd.f32 v39, v34  }
0x113: {  	v46 =	vadd.s32 v14, v44;
	[tilespmem:v53+s17+$0x0] =	vst.idx.msk $0xffff, v52;
	v48 =	vadd.f32 v48, v35;
	v52 =	vld [tilespmem:s13+$0x60]  }
0x114: {  	v53 =	vadd.s32 v0, v42;
	v54 =	vadd.f32 v54, v36;
	v55 =	vld [tilespmem:s25+$0xFFFFFF90];
	[tilespmem:v40+s17+$0x0] =	vst.idx.msk $0xffff, v39  }
0x115: {  	v39 =	vadd.s32 v23, v41;
	[tilespmem:v50+s17+$0x0] =	vst.idx.msk $0xffff, v48;
	v40 =	vadd.f32 v51, v34;
	v48 =	vld [tilespmem:s10+$0xF0];
	s10 =	smov.u32 s12;
	s12 =	smov.u32 s13;
	s13 =	smov.u32 s14  }
0x116: {  	v50 =	vadd.s32 v10, v47;
	s14 =	smov.u32 s7;
	s7 =	smov.u32 s25;
	s25 =	smov.u32 s30;
	[tilespmem:v56+s17+$0x0] =	vst.idx.msk $0xffff, v54;
	v51 =	vadd.f32 v57, v35;
	v54 =	vld [tilespmem:s13+$0x20]  }
0x117: {  	v37 =	vadd.s32 v32, v37;
	s30 =	smov.u32 s11;
	v56 =	vadd.f32 v59, v36;
	v57 =	vld [tilespmem:s25+$0xFFFFFF50];
	[tilespmem:v45+s17+$0x0] =	vst.idx.msk $0xffff, v40  }
0x118: {  	v40 =	vadd.s32 v19, v43;
	[tilespmem:v46+s17+$0x0] =	vst.idx.msk $0xffff, v51;
	v45 =	vadd.f32 v52, v34;
	v46 =	vld [tilespmem:s10+$0xB0]  }
0x119: {  	v51 =	vadd.s32 v6, v49;
	[tilespmem:v53+s17+$0x0] =	vst.idx.msk $0xffff, v56;
	v52 =	vadd.f32 v55, v35;
	v53 =	vld [tilespmem:s14+$0xFFFFFFE0]  }
0x11a: {  	s16 =	sadd.s32 $0x6, s5;
	v38 =	vadd.s32 v28, v38;
	v55 =	vld [tilespmem:s11+$0xFFFFFF10];
	[tilespmem:v39+s17+$0x0] =	vst.idx.msk $0xffff, v45;
	v39 =	vadd.f32 v48, v33  }
0x11b: {  	s19 =	sadd.s32 $0x5, s8;
	v45 =	vadd.s32 v15, v44;
	[tilespmem:v50+s17+$0x0] =	vst.idx.msk $0xffff, v52;
	v48 =	vadd.f32 v54, v34;
	v50 =	vld [tilespmem:s12+$0x70];
	v52 =	vmov s16  }
0x11c: {  	v59 =	vmov s19;
	v54 =	vadd.s32 v2, v42;
	s16 =	sadd.s32 $0x4, s26;
	v56 =	vadd.f32 v57, v35;
	v57 =	vld [tilespmem:s7+$0xFFFFFFA0];
	[tilespmem:v37+s17+$0x0] =	vst.idx.msk $0xffff, v39  }
0x11d: {  	v39 =	vmov s16;
	[tilespmem:v40+s17+$0x0] =	vst.idx.msk $0xffff, v48;
	v40 =	vadd.s32 v24, v41;
	v37 =	vadd.f32 v46, v33  }
0x11e: {  	s16 =	sadd.s32 $0x3, s28;
	v41 =	vadd.s32 v11, v47;
	[tilespmem:v51+s17+$0x0] =	vst.idx.msk $0xffff, v56;
	v46 =	vadd.f32 v53, v34;
	v48 =	vld [tilespmem:s13+$0x30];
	v51 =	vshrl.u32 v52, $0x3  }
0x11f: {  	v52 =	vadd.f32 v55, v35;
	v53 =	vld [tilespmem:s25+$0xFFFFFF60];
	v55 =	vmov s16;
	v51 =	vshll.u32 v51, v1;
	[tilespmem:v38+s17+$0x0] =	vst.idx.msk $0xffff, v37  }
0x120: {  	v43 =	vadd.s32 v20, v43;
	v37 =	vbroadcast v58, $0x0;
	[tilespmem:v45+s17+$0x0] =	vst.idx.msk $0xffff, v46;
	v38 =	vadd.f32 v50, v33;
	v45 =	vld [tilespmem:s10+$0xC0]  }
0x121: {  	v46 =	vadd.s32 v7, v49;
	[tilespmem:v54+s17+$0x0] =	vst.idx.msk $0xffff, v52;
	v50 =	vadd.f32 v57, v34;
	v52 =	vld [tilespmem:s14+$0xFFFFFFF0];
	v54 =	vshrl.u32 v59, $0x3  }
0x122: {  	v39 =	vshrl.u32 v39, $0x3;
	v56 =	vld [tilespmem:s11+$0xFFFFFF20];
	v54 =	vshll.u32 v54, v1;
	[tilespmem:v40+s17+$0x0] =	vst.idx.msk $0xffff, v38;
	v40 =	vadd.s32 v29, v37  }
0x123: {  	v44 =	vadd.s32 v16, v44;
	v38 =	vbroadcast v51, $0x0;
	[tilespmem:v41+s17+$0x0] =	vst.idx.msk $0xffff, v50;
	v41 =	vadd.f32 v48, v33;
	v48 =	vld [tilespmem:s12+$0x80]  }
0x124: {  	v39 =	vshll.u32 v39, v1;
	v50 =	vadd.s32 v3, v42;
	v51 =	vadd.f32 v53, v34;
	v53 =	vld [tilespmem:s7+$0xFFFFFFB0]  }
0x125: {  	v55 =	vshrl.u32 v55, $0x3;
	v57 =	vadd.s32 v25, v38;
	[tilespmem:v43+s17+$0x0] =	vst.idx.msk $0xffff, v41;
	v43 =	vadd.f32 v45, v36  }
0x126: {  	s16 =	sadd.s32 $0x2, s29;
	v45 =	vadd.s32 v12, v47;
	v41 =	vbroadcast v54, $0x0;
	[tilespmem:v46+s17+$0x0] =	vst.idx.msk $0xffff, v51;
	v46 =	vadd.f32 v52, v33;
	v47 =	vld [tilespmem:s13+$0x40]  }
0x127: {  	v55 =	vshll.u32 v55, v1;
	v54 =	vmov s16;
	v51 =	vadd.f32 v56, v34;
	v52 =	vld [tilespmem:s25+$0xFFFFFF70];
	[tilespmem:v40+s17+$0x0] =	vst.idx.msk $0xffff, v43  }
0x128: {  	v40 =	vshrl.u32 v54, $0x3;
	[tilespmem:v44+s17+$0x0] =	vst.idx.msk $0xffff, v46;
	v46 =	vadd.s32 v21, v41;
	v44 =	vadd.f32 v48, v36;
	v48 =	vld [tilespmem:s10+$0xD0]  }
0x129: {  	v49 =	vadd.s32 v8, v49;
	v43 =	vbroadcast v39, $0x0;
	[tilespmem:v50+s17+$0x0] =	vst.idx.msk $0xffff, v51;
	v50 =	vadd.f32 v53, v33;
	v51 =	vld [tilespmem:s14+$0x0]  }
0x12a: {  	v40 =	vshll.u32 v40, v1;
	v53 =	vadd.s32 v30, v37;
	v39 =	vld [tilespmem:s11+$0xFFFFFF30];
	[tilespmem:v57+s17+$0x0] =	vst.idx.msk $0xffff, v44  }
0x12b: {  	v54 =	vmov s18;
	[tilespmem:v45+s17+$0x0] =	vst.idx.msk $0xffff, v50;
	v45 =	vadd.s32 v17, v43;
	v47 =	vadd.f32 v47, v36;
	v56 =	vld [tilespmem:s12+$0x90]  }
0x12c: {  	s16 =	sadd.s32 $0x1, s15;
	v57 =	vadd.s32 v4, v42;
	v44 =	vbroadcast v55, $0x0;
	v42 =	vadd.f32 v52, v33;
	v58 =	vld [tilespmem:s7+$0xFFFFFFC0]  }
0x12d: {  	v59 =	vadd.s32 v26, v38;
	v50 =	vmov s16;
	[tilespmem:v46+s17+$0x0] =	vst.idx.msk $0xffff, v47;
	v48 =	vadd.f32 v48, v35  }
.Ltmp2:
0x12e: {  	v47 =	vshrl.u32 v50, $0x3;
	v50 =	vadd.s32 v13, v44;
	[tilespmem:v49+s17+$0x0] =	vst.idx.msk $0xffff, v42;
	v42 =	vadd.f32 v51, v36;
	v46 =	vld [tilespmem:s13+$0x50];
	(pc) =	sbr.rel @p1 .LBB2_3-.Ltmp2, $4  }
0x12f: {  	s16 =	sadd.s32 $0x7, s5;
	s5 =	smov.u32 s8;
	s8 =	smov.u32 s26;
	v60 =	vshll.u32 v47, v1;
	v47 =	vbroadcast v40, $0x0;
	v49 =	vadd.f32 v39, v33;
	v52 =	vld [tilespmem:s25+$0xFFFFFF80];
	[tilespmem:v53+s17+$0x0] =	vst.idx.msk $0xffff, v48  }
0x130: {  	s26 =	smov.u32 s28;
	s28 =	smov.u32 s29;
	s29 =	smov.u32 s15;
	[tilespmem:v45+s17+$0x0] =	vst.idx.msk $0xffff, v42;
	v45 =	vadd.s32 v22, v41;
	v40 =	vadd.f32 v56, v35;
	v42 =	vmov s16;
	v39 =	vld [tilespmem:s10+$0xE0]  }
0x131: {  	v54 =	vshrl.u32 v54, $0x3;
	s15 =	smov.u32 s18;
	v53 =	vadd.s32 v9, v47;
	[tilespmem:v57+s17+$0x0] =	vst.idx.msk $0xffff, v49;
	v51 =	vadd.f32 v58, v36;
	v48 =	vld [tilespmem:s14+$0x10]  }
0x132: {  	v55 =	vshll.u32 v54, v1;
	s18 =	sadd.s32 $0x8, s18;
	v49 =	vbroadcast v60, $0x0;
	v54 =	vld [tilespmem:s11+$0xFFFFFF40];
	[tilespmem:v59+s17+$0x0] =	vst.idx.msk $0xffff, v40;
	v40 =	vadd.s32 v31, v37  }
0x133: {  	s18 =	sadd.s32 $0x200, s11  }
0x134: {  	v55 =	vbroadcast v55, $0x0;
	v56 =	vld [tilespmem:s18+$0xFFFFFF00];
	_ =	sdelay $0x1  }
0x135: {  	v57 =	vadd.s32 v0, v55;
	_ =	sdelay $0x2  }
0x136: {  	v56 =	vadd.f32 v56, v36;
	_ =	sdelay $0x1  }
0x137: {  	[tilespmem:v57+s17+$0x0] =	vst.idx.msk $0xffff, v56  }
0x138: {  	v56 =	vld [tilespmem:s18+$0xFFFFFF10];
	_ =	sdelay $0x1  }
0x139: {  	v62 =	vadd.s32 v2, v55;
	_ =	sdelay $0x2  }
0x13a: {  	v56 =	vadd.f32 v56, v35;
	_ =	sdelay $0x1  }
0x13b: {  	[tilespmem:v62+s17+$0x0] =	vst.idx.msk $0xffff, v56  }
0x13c: {  	v56 =	vld [tilespmem:s18+$0xFFFFFF20];
	_ =	sdelay $0x1  }
0x13d: {  	v63 =	vadd.s32 v3, v55;
	_ =	sdelay $0x2  }
0x13e: {  	v56 =	vadd.f32 v56, v34;
	_ =	sdelay $0x1  }
0x13f: {  	[tilespmem:v63+s17+$0x0] =	vst.idx.msk $0xffff, v56  }
0x140: {  	v56 =	vld [tilespmem:s18+$0xFFFFFF30];
	_ =	sdelay $0x1  }
0x141: {  	v55 =	vadd.s32 v4, v55;
	_ =	sdelay $0x1  }
0x142: {  	s19 =	sadd.s32 $0x1, s15  }
0x143: {  	v60 =	vmov s19;
	v56 =	vadd.f32 v56, v33  }
0x144: {  	v57 =	vshrl.u32 v60, $0x3  }
0x145: {  	v57 =	vshll.u32 v57, v1;
	[tilespmem:v55+s17+$0x0] =	vst.idx.msk $0xffff, v56  }
0x146: {  	v56 =	vbroadcast v57, $0x0;
	v55 =	vld [tilespmem:s18+$0xFFFFFF40]  }
0x147: {  	v61 =	vadd.s32 v5, v49  }
0x148: {  	v58 =	vadd.s32 v5, v56;
	_ =	sdelay $0x1  }
0x149: {  	v54 =	vadd.f32 v54, v36  }
0x14a: {  	v55 =	vadd.f32 v55, v36  }
0x14b: {  	[tilespmem:v61+s17+$0x0] =	vst.idx.msk $0xffff, v54  }
0x14c: {  	v54 =	vld [tilespmem:s30+$0xFFFFFF50];
	[tilespmem:v58+s17+$0x0] =	vst.idx.msk $0xffff, v55  }
0x14d: {  	v55 =	vld [tilespmem:s18+$0xFFFFFF50]  }
0x14e: {  	v62 =	vadd.s32 v6, v49  }
0x14f: {  	v63 =	vadd.s32 v6, v56;
	_ =	sdelay $0x1  }
0x150: {  	v54 =	vadd.f32 v54, v35  }
0x151: {  	v55 =	vadd.f32 v55, v35  }
0x152: {  	[tilespmem:v62+s17+$0x0] =	vst.idx.msk $0xffff, v54  }
0x153: {  	v54 =	vld [tilespmem:s30+$0xFFFFFF60];
	[tilespmem:v63+s17+$0x0] =	vst.idx.msk $0xffff, v55  }
0x154: {  	v55 =	vld [tilespmem:s18+$0xFFFFFF60]  }
0x155: {  	v60 =	vadd.s32 v7, v49  }
0x156: {  	v61 =	vadd.s32 v7, v56;
	_ =	sdelay $0x1  }
0x157: {  	v54 =	vadd.f32 v54, v34  }
0x158: {  	v55 =	vadd.f32 v55, v34  }
0x159: {  	[tilespmem:v60+s17+$0x0] =	vst.idx.msk $0xffff, v54  }
0x15a: {  	v54 =	vld [tilespmem:s30+$0xFFFFFF70];
	[tilespmem:v61+s17+$0x0] =	vst.idx.msk $0xffff, v55  }
0x15b: {  	v55 =	vld [tilespmem:s18+$0xFFFFFF70]  }
0x15c: {  	v62 =	vadd.s32 v8, v49  }
0x15d: {  	v56 =	vadd.s32 v8, v56  }
0x15e: {  	s16 =	sadd.s32 $0x2, s29  }
0x15f: {  	s19 =	sadd.s32 $0x2, s15;
	v54 =	vadd.f32 v54, v33;
	v63 =	vmov s16  }
0x160: {  	v60 =	vmov s19;
	v57 =	vshrl.u32 v63, $0x3;
	v55 =	vadd.f32 v55, v33  }
0x161: {  	[tilespmem:v62+s17+$0x0] =	vst.idx.msk $0xffff, v54;
	v57 =	vshll.u32 v57, v1;
	v61 =	vshrl.u32 v60, $0x3  }
0x162: {  	v54 =	vld [tilespmem:s30+$0xFFFFFF80];
	v57 =	vbroadcast v57, $0x0;
	v49 =	vshll.u32 v61, v1;
	[tilespmem:v56+s17+$0x0] =	vst.idx.msk $0xffff, v55  }
0x163: {  	v49 =	vbroadcast v49, $0x0;
	v55 =	vld [tilespmem:s18+$0xFFFFFF80]  }
0x164: {  	v62 =	vadd.s32 v9, v57  }
0x165: {  	v52 =	vadd.f32 v52, v36;
	v63 =	vadd.s32 v9, v49;
	_ =	sdelay $0x1  }
0x166: {  	[tilespmem:v53+s17+$0x0] =	vst.idx.msk $0xffff, v52;
	v54 =	vadd.f32 v54, v36  }
0x167: {  	v53 =	vld [tilespmem:s25+$0xFFFFFF90];
	v59 =	vadd.f32 v55, v36  }
0x168: {  	[tilespmem:v62+s17+$0x0] =	vst.idx.msk $0xffff, v54  }
0x169: {  	v60 =	vadd.s32 v10, v47;
	v54 =	vld [tilespmem:s30+$0xFFFFFF90];
	[tilespmem:v63+s17+$0x0] =	vst.idx.msk $0xffff, v59  }
0x16a: {  	v61 =	vld [tilespmem:s18+$0xFFFFFF90]  }
0x16b: {  	v62 =	vadd.s32 v10, v57  }
0x16c: {  	v53 =	vadd.f32 v53, v35;
	v63 =	vadd.s32 v10, v49;
	_ =	sdelay $0x1  }
0x16d: {  	[tilespmem:v60+s17+$0x0] =	vst.idx.msk $0xffff, v53;
	v54 =	vadd.f32 v54, v35  }
0x16e: {  	v53 =	vld [tilespmem:s25+$0xFFFFFFA0];
	v59 =	vadd.f32 v61, v35  }
0x16f: {  	[tilespmem:v62+s17+$0x0] =	vst.idx.msk $0xffff, v54  }
0x170: {  	v60 =	vadd.s32 v11, v47;
	v54 =	vld [tilespmem:s30+$0xFFFFFFA0];
	[tilespmem:v63+s17+$0x0] =	vst.idx.msk $0xffff, v59  }
0x171: {  	v61 =	vld [tilespmem:s18+$0xFFFFFFA0]  }
0x172: {  	v62 =	vadd.s32 v11, v57  }
0x173: {  	v53 =	vadd.f32 v53, v34;
	v63 =	vadd.s32 v11, v49;
	_ =	sdelay $0x1  }
0x174: {  	[tilespmem:v60+s17+$0x0] =	vst.idx.msk $0xffff, v53;
	v54 =	vadd.f32 v54, v34  }
0x175: {  	v53 =	vld [tilespmem:s25+$0xFFFFFFB0];
	v59 =	vadd.f32 v61, v34  }
0x176: {  	[tilespmem:v62+s17+$0x0] =	vst.idx.msk $0xffff, v54  }
0x177: {  	v60 =	vadd.s32 v12, v47;
	v54 =	vld [tilespmem:s30+$0xFFFFFFB0];
	[tilespmem:v63+s17+$0x0] =	vst.idx.msk $0xffff, v59  }
0x178: {  	v52 =	vld [tilespmem:s18+$0xFFFFFFB0]  }
0x179: {  	v55 =	vadd.s32 v12, v57  }
0x17a: {  	s19 =	sadd.s32 $0x3, s29;
	s16 =	sadd.s32 $0x3, s28;
	v53 =	vadd.f32 v53, v33;
	v49 =	vadd.s32 v12, v49  }
0x17b: {  	v62 =	vmov s19;
	v61 =	vmov s16;
	s16 =	sadd.s32 $0x3, s15  }
0x17c: {  	[tilespmem:v60+s17+$0x0] =	vst.idx.msk $0xffff, v53;
	v54 =	vadd.f32 v54, v33;
	v56 =	vshrl.u32 v61, $0x3;
	v60 =	vmov s16  }
0x17d: {  	v56 =	vshll.u32 v56, v1;
	v63 =	vshrl.u32 v62, $0x3;
	v52 =	vadd.f32 v52, v33  }
0x17e: {  	[tilespmem:v55+s17+$0x0] =	vst.idx.msk $0xffff, v54;
	v61 =	vld [tilespmem:s25+$0xFFFFFFC0];
	v53 =	vshrl.u32 v60, $0x3;
	v56 =	vbroadcast v56, $0x0;
	v47 =	vshll.u32 v63, v1  }
0x17f: {  	v54 =	vld [tilespmem:s30+$0xFFFFFFC0];
	v53 =	vshll.u32 v53, v1;
	v47 =	vbroadcast v47, $0x0;
	[tilespmem:v49+s17+$0x0] =	vst.idx.msk $0xffff, v52  }
0x180: {  	v53 =	vbroadcast v53, $0x0;
	v62 =	vadd.s32 v13, v56;
	v52 =	vld [tilespmem:s18+$0xFFFFFFC0]  }
0x181: {  	v63 =	vadd.s32 v13, v47  }
0x182: {  	v60 =	vadd.s32 v13, v53  }
0x183: {  	[tilespmem:v50+s17+$0x0] =	vst.idx.msk $0xffff, v51;
	v57 =	vadd.f32 v61, v36  }
0x184: {  	v51 =	vld [tilespmem:s7+$0xFFFFFFD0];
	v61 =	vadd.f32 v54, v36  }
0x185: {  	[tilespmem:v62+s17+$0x0] =	vst.idx.msk $0xffff, v57;
	v62 =	vadd.f32 v52, v36  }
0x186: {  	v50 =	vadd.s32 v14, v44;
	[tilespmem:v63+s17+$0x0] =	vst.idx.msk $0xffff, v61;
	v52 =	vld [tilespmem:s25+$0xFFFFFFD0]  }
0x187: {  	v63 =	vld [tilespmem:s30+$0xFFFFFFD0];
	[tilespmem:v60+s17+$0x0] =	vst.idx.msk $0xffff, v62  }
0x188: {  	v49 =	vadd.s32 v14, v56;
	v60 =	vld [tilespmem:s18+$0xFFFFFFD0]  }
0x189: {  	v51 =	vadd.f32 v51, v35;
	v61 =	vadd.s32 v14, v47  }
0x18a: {  	v62 =	vadd.s32 v14, v53  }
0x18b: {  	[tilespmem:v50+s17+$0x0] =	vst.idx.msk $0xffff, v51;
	v52 =	vadd.f32 v52, v35  }
0x18c: {  	v51 =	vld [tilespmem:s7+$0xFFFFFFE0];
	v63 =	vadd.f32 v63, v35  }
0x18d: {  	[tilespmem:v49+s17+$0x0] =	vst.idx.msk $0xffff, v52;
	v59 =	vadd.f32 v60, v35  }
0x18e: {  	v50 =	vadd.s32 v15, v44;
	[tilespmem:v61+s17+$0x0] =	vst.idx.msk $0xffff, v63;
	v52 =	vld [tilespmem:s25+$0xFFFFFFE0]  }
0x18f: {  	v60 =	vld [tilespmem:s30+$0xFFFFFFE0];
	[tilespmem:v62+s17+$0x0] =	vst.idx.msk $0xffff, v59  }
0x190: {  	v61 =	vadd.s32 v15, v56;
	v62 =	vld [tilespmem:s18+$0xFFFFFFE0]  }
0x191: {  	v51 =	vadd.f32 v51, v34;
	v63 =	vadd.s32 v15, v47  }
0x192: {  	v58 =	vadd.s32 v15, v53  }
0x193: {  	[tilespmem:v50+s17+$0x0] =	vst.idx.msk $0xffff, v51;
	v52 =	vadd.f32 v52, v34  }
0x194: {  	v51 =	vld [tilespmem:s7+$0xFFFFFFF0];
	v60 =	vadd.f32 v60, v34  }
0x195: {  	[tilespmem:v61+s17+$0x0] =	vst.idx.msk $0xffff, v52;
	v61 =	vadd.f32 v62, v34  }
0x196: {  	[tilespmem:v63+s17+$0x0] =	vst.idx.msk $0xffff, v60;
	v52 =	vld [tilespmem:s25+$0xFFFFFFF0]  }
0x197: {  	s19 =	sadd.s32 $0x4, s26;
	v63 =	vadd.s32 v16, v44;
	v54 =	vld [tilespmem:s30+$0xFFFFFFF0];
	[tilespmem:v58+s17+$0x0] =	vst.idx.msk $0xffff, v61  }
0x198: {  	v60 =	vadd.s32 v16, v56;
	v62 =	vmov s19;
	v55 =	vld [tilespmem:s18+$0xFFFFFFF0]  }
0x199: {  	v51 =	vadd.f32 v51, v33;
	s16 =	sadd.s32 $0x4, s28;
	v47 =	vadd.s32 v16, v47;
	v59 =	vshrl.u32 v62, $0x3  }
0x19a: {  	v53 =	vadd.s32 v16, v53;
	v49 =	vshll.u32 v59, v1;
	v61 =	vmov s16  }
0x19b: {  	s19 =	sadd.s32 $0x4, s29;
	v49 =	vbroadcast v49, $0x0;
	v56 =	vshrl.u32 v61, $0x3;
	v52 =	vadd.f32 v52, v33  }
0x19c: {  	s16 =	sadd.s32 $0x4, s15;
	[tilespmem:v63+s17+$0x0] =	vst.idx.msk $0xffff, v51;
	v62 =	vshll.u32 v56, v1;
	v63 =	vmov s19;
	v54 =	vadd.f32 v54, v33  }
0x19d: {  	v56 =	vld [tilespmem:s7+$0x0];
	v59 =	vshrl.u32 v63, $0x3;
	[tilespmem:v60+s17+$0x0] =	vst.idx.msk $0xffff, v52;
	v60 =	vmov s16;
	v61 =	vadd.f32 v55, v33  }
0x19e: {  	v44 =	vbroadcast v62, $0x0;
	v50 =	vshll.u32 v59, v1;
	[tilespmem:v47+s17+$0x0] =	vst.idx.msk $0xffff, v54;
	v55 =	vld [tilespmem:s25+$0x0];
	v62 =	vshrl.u32 v60, $0x3  }
0x19f: {  	v63 =	vadd.s32 v17, v49;
	v50 =	vbroadcast v50, $0x0;
	v54 =	vld [tilespmem:s30+$0x0];
	v47 =	vshll.u32 v62, v1;
	[tilespmem:v53+s17+$0x0] =	vst.idx.msk $0xffff, v61  }
0x1a0: {  	v60 =	vadd.s32 v17, v44;
	v47 =	vbroadcast v47, $0x0;
	v53 =	vld [tilespmem:s18+$0x0]  }
0x1a1: {  	v61 =	vadd.s32 v17, v50  }
0x1a2: {  	v56 =	vadd.f32 v56, v36;
	v62 =	vadd.s32 v17, v47  }
0x1a3: {  	v55 =	vadd.f32 v55, v36  }
0x1a4: {  	[tilespmem:v63+s17+$0x0] =	vst.idx.msk $0xffff, v56;
	v63 =	vadd.f32 v54, v36  }
0x1a5: {  	v54 =	vadd.s32 v18, v43;
	v56 =	vld [tilespmem:s7+$0x10];
	[tilespmem:v60+s17+$0x0] =	vst.idx.msk $0xffff, v55;
	v60 =	vadd.f32 v53, v36  }
0x1a6: {  	[tilespmem:v61+s17+$0x0] =	vst.idx.msk $0xffff, v63;
	v53 =	vld [tilespmem:s25+$0x10]  }
0x1a7: {  	v51 =	vadd.s32 v18, v49;
	v61 =	vld [tilespmem:s30+$0x10];
	[tilespmem:v62+s17+$0x0] =	vst.idx.msk $0xffff, v60  }
0x1a8: {  	v48 =	vadd.f32 v48, v35;
	v52 =	vadd.s32 v18, v44;
	v62 =	vld [tilespmem:s18+$0x10]  }
0x1a9: {  	v63 =	vadd.s32 v18, v50  }
0x1aa: {  	[tilespmem:v54+s17+$0x0] =	vst.idx.msk $0xffff, v48;
	v60 =	vadd.f32 v56, v35;
	v54 =	vadd.s32 v18, v47  }
0x1ab: {  	v56 =	vld [tilespmem:s14+$0x20];
	v53 =	vadd.f32 v53, v35  }
0x1ac: {  	[tilespmem:v51+s17+$0x0] =	vst.idx.msk $0xffff, v60;
	v61 =	vadd.f32 v61, v35  }
0x1ad: {  	v51 =	vadd.s32 v19, v43;
	v55 =	vld [tilespmem:s7+$0x20];
	[tilespmem:v52+s17+$0x0] =	vst.idx.msk $0xffff, v53;
	v62 =	vadd.f32 v62, v35  }
0x1ae: {  	[tilespmem:v63+s17+$0x0] =	vst.idx.msk $0xffff, v61;
	v53 =	vld [tilespmem:s25+$0x20]  }
0x1af: {  	v63 =	vadd.s32 v19, v49;
	v60 =	vld [tilespmem:s30+$0x20];
	[tilespmem:v54+s17+$0x0] =	vst.idx.msk $0xffff, v62  }
0x1b0: {  	v61 =	vadd.f32 v56, v34;
	v54 =	vadd.s32 v19, v44;
	v56 =	vld [tilespmem:s18+$0x20]  }
0x1b1: {  	v58 =	vadd.s32 v19, v50  }
0x1b2: {  	v52 =	vadd.s32 v19, v47;
	[tilespmem:v51+s17+$0x0] =	vst.idx.msk $0xffff, v61;
	v62 =	vadd.f32 v55, v34  }
0x1b3: {  	s19 =	sadd.s32 $0x5, s8;
	v55 =	vld [tilespmem:s14+$0x30];
	v53 =	vadd.f32 v53, v34  }
0x1b4: {  	v46 =	vadd.f32 v46, v35;
	v59 =	vmov s19;
	[tilespmem:v63+s17+$0x0] =	vst.idx.msk $0xffff, v62;
	v63 =	vadd.f32 v60, v34  }
0x1b5: {  	v43 =	vadd.s32 v20, v43;
	v60 =	vshrl.u32 v59, $0x3;
	v61 =	vld [tilespmem:s7+$0x30];
	[tilespmem:v54+s17+$0x0] =	vst.idx.msk $0xffff, v53;
	v62 =	vadd.f32 v56, v34  }
0x1b6: {  	v50 =	vadd.s32 v20, v50;
	v51 =	vshll.u32 v60, v1;
	[tilespmem:v58+s17+$0x0] =	vst.idx.msk $0xffff, v63;
	v56 =	vld [tilespmem:s25+$0x30]  }
0x1b7: {  	s16 =	sadd.s32 $0x5, s26;
	v49 =	vadd.s32 v20, v49;
	v47 =	vadd.s32 v20, v47;
	v48 =	vbroadcast v51, $0x0;
	v58 =	vld [tilespmem:s30+$0x30];
	[tilespmem:v52+s17+$0x0] =	vst.idx.msk $0xffff, v62  }
0x1b8: {  	v44 =	vadd.s32 v20, v44;
	v63 =	vmov s16;
	v59 =	vadd.f32 v55, v33;
	v53 =	vld [tilespmem:s18+$0x30]  }
0x1b9: {  	s19 =	sadd.s32 $0x5, s28;
	v54 =	vadd.s32 v23, v41;
	v51 =	vshrl.u32 v63, $0x3;
	v55 =	vadd.s32 v21, v48  }
0x1ba: {  	v51 =	vshll.u32 v51, v1;
	[tilespmem:v43+s17+$0x0] =	vst.idx.msk $0xffff, v59;
	v60 =	vadd.f32 v61, v33;
	v61 =	vmov s19  }
0x1bb: {  	[tilespmem:v45+s17+$0x0] =	vst.idx.msk $0xffff, v46;
	s16 =	sadd.s32 $0x5, s29;
	v46 =	vbroadcast v51, $0x0;
	v45 =	vld [tilespmem:s14+$0x40];
	v62 =	vshrl.u32 v61, $0x3;
	v63 =	vadd.f32 v56, v33  }
0x1bc: {  	s19 =	sadd.s32 $0x5, s15;
	[tilespmem:v49+s17+$0x0] =	vst.idx.msk $0xffff, v60;
	v43 =	vshll.u32 v62, v1;
	v60 =	vmov s16;
	v56 =	vld [tilespmem:s13+$0x60];
	v51 =	vadd.f32 v58, v33  }
0x1bd: {  	v62 =	vmov s19;
	v57 =	vld [tilespmem:s7+$0x40];
	v61 =	vshrl.u32 v60, $0x3;
	[tilespmem:v44+s17+$0x0] =	vst.idx.msk $0xffff, v63;
	v63 =	vadd.f32 v53, v33  }
0x1be: {  	v58 =	vbroadcast v43, $0x0;
	v60 =	vshll.u32 v61, v1;
	v61 =	vshrl.u32 v62, $0x3;
	[tilespmem:v50+s17+$0x0] =	vst.idx.msk $0xffff, v51;
	v53 =	vld [tilespmem:s25+$0x40]  }
0x1bf: {  	v49 =	vadd.s32 v21, v46;
	v51 =	vbroadcast v60, $0x0;
	v62 =	vshll.u32 v61, v1;
	v50 =	vld [tilespmem:s30+$0x40];
	[tilespmem:v47+s17+$0x0] =	vst.idx.msk $0xffff, v63  }
0x1c0: {  	v52 =	vbroadcast v62, $0x0;
	v63 =	vadd.f32 v45, v36;
	v45 =	vadd.s32 v21, v58;
	v47 =	vld [tilespmem:s18+$0x40]  }
0x1c1: {  	v61 =	vadd.s32 v21, v51;
	v60 =	vadd.f32 v56, v34  }
0x1c2: {  	v62 =	vadd.f32 v57, v36;
	[tilespmem:v55+s17+$0x0] =	vst.idx.msk $0xffff, v63;
	v55 =	vadd.s32 v21, v52  }
0x1c3: {  	[tilespmem:v54+s17+$0x0] =	vst.idx.msk $0xffff, v60;
	v63 =	vld [tilespmem:s14+$0x50];
	v53 =	vadd.f32 v53, v36  }
0x1c4: {  	[tilespmem:v49+s17+$0x0] =	vst.idx.msk $0xffff, v62;
	v54 =	vld [tilespmem:s13+$0x70];
	v57 =	vadd.f32 v50, v36  }
0x1c5: {  	v49 =	vadd.s32 v22, v48;
	v50 =	vld [tilespmem:s7+$0x50];
	[tilespmem:v45+s17+$0x0] =	vst.idx.msk $0xffff, v53;
	v59 =	vadd.f32 v47, v36  }
0x1c6: {  	v41 =	vadd.s32 v24, v41;
	[tilespmem:v61+s17+$0x0] =	vst.idx.msk $0xffff, v57;
	v60 =	vld [tilespmem:s25+$0x50]  }
0x1c7: {  	v61 =	vadd.s32 v22, v46;
	v62 =	vld [tilespmem:s30+$0x50];
	[tilespmem:v55+s17+$0x0] =	vst.idx.msk $0xffff, v59  }
0x1c8: {  	v43 =	vadd.f32 v63, v35;
	v63 =	vadd.s32 v22, v58;
	v55 =	vld [tilespmem:s18+$0x50]  }
0x1c9: {  	v56 =	vadd.s32 v22, v51;
	v54 =	vadd.f32 v54, v33  }
0x1ca: {  	v59 =	vadd.f32 v50, v35;
	[tilespmem:v49+s17+$0x0] =	vst.idx.msk $0xffff, v43;
	v49 =	vadd.s32 v22, v52  }
0x1cb: {  	[tilespmem:v41+s17+$0x0] =	vst.idx.msk $0xffff, v54;
	v41 =	vld [tilespmem:s14+$0x60];
	v47 =	vadd.f32 v60, v35  }
0x1cc: {  	v57 =	vld [tilespmem:s12+$0xA0];
	[tilespmem:v61+s17+$0x0] =	vst.idx.msk $0xffff, v59;
	v60 =	vadd.f32 v62, v35  }
0x1cd: {  	s16 =	sadd.s32 $0x6, s5;
	v44 =	vadd.s32 v23, v48;
	v61 =	vld [tilespmem:s7+$0x60];
	[tilespmem:v63+s17+$0x0] =	vst.idx.msk $0xffff, v47;
	v62 =	vadd.f32 v55, v35  }
0x1ce: {  	v63 =	vmov s16;
	[tilespmem:v56+s17+$0x0] =	vst.idx.msk $0xffff, v60;
	v54 =	vld [tilespmem:s25+$0x60]  }
0x1cf: {  	v47 =	vadd.s32 v23, v46;
	v59 =	vshrl.u32 v63, $0x3;
	v55 =	vld [tilespmem:s30+$0x60];
	[tilespmem:v49+s17+$0x0] =	vst.idx.msk $0xffff, v62  }
0x1d0: {  	v43 =	vshll.u32 v59, v1;
	v60 =	vadd.f32 v41, v34;
	v49 =	vadd.s32 v23, v58;
	v56 =	vld [tilespmem:s18+$0x60]  }
0x1d1: {  	v48 =	vadd.s32 v24, v48;
	v50 =	vld [tilespmem:s13+$0x80];
	v41 =	vbroadcast v43, $0x0;
	v43 =	vadd.s32 v23, v51  }
0x1d2: {  	v45 =	vadd.s32 v23, v52;
	[tilespmem:v44+s17+$0x0] =	vst.idx.msk $0xffff, v60;
	v44 =	vadd.f32 v61, v34  }
0x1d3: {  	v53 =	vadd.f32 v57, v34;
	v52 =	vadd.s32 v24, v52;
	v60 =	vld [tilespmem:s14+$0x70];
	v54 =	vadd.f32 v54, v34  }
0x1d4: {  	s19 =	sadd.s32 $0x6, s8;
	v46 =	vadd.s32 v24, v46;
	v62 =	vadd.f32 v55, v34;
	[tilespmem:v47+s17+$0x0] =	vst.idx.msk $0xffff, v44  }
0x1d5: {  	v59 =	vadd.s32 v27, v38;
	v61 =	vmov s19;
	v55 =	vld [tilespmem:s7+$0x70];
	[tilespmem:v49+s17+$0x0] =	vst.idx.msk $0xffff, v54;
	v63 =	vadd.f32 v56, v34  }
0x1d6: {  	s16 =	sadd.s32 $0x6, s26;
	v50 =	vadd.f32 v50, v36;
	v57 =	vadd.s32 v25, v41;
	v44 =	vshrl.u32 v61, $0x3;
	[tilespmem:v43+s17+$0x0] =	vst.idx.msk $0xffff, v62;
	v56 =	vld [tilespmem:s25+$0x70]  }
0x1d7: {  	v61 =	vmov s16;
	v44 =	vshll.u32 v44, v1;
	v49 =	vadd.s32 v24, v58;
	v47 =	vld [tilespmem:s30+$0x70];
	[tilespmem:v45+s17+$0x0] =	vst.idx.msk $0xffff, v63  }
0x1d8: {  	v43 =	vbroadcast v44, $0x0;
	v44 =	vshrl.u32 v61, $0x3;
	v45 =	vadd.f32 v60, v33;
	v58 =	vld [tilespmem:s18+$0x70]  }
0x1d9: {  	v51 =	vadd.s32 v24, v51;
	s19 =	sadd.s32 $0x6, s28;
	v54 =	vadd.s32 v26, v41;
	v44 =	vshll.u32 v44, v1  }
0x1da: {  	v60 =	vadd.s32 v25, v43;
	v63 =	vmov s19;
	[tilespmem:v48+s17+$0x0] =	vst.idx.msk $0xffff, v45;
	v62 =	vadd.f32 v55, v33  }
0x1db: {  	s16 =	sadd.s32 $0x6, s29;
	[tilespmem:v57+s17+$0x0] =	vst.idx.msk $0xffff, v50;
	v44 =	vbroadcast v44, $0x0;
	s19 =	sadd.s32 $0x6, s15;
	v48 =	vshrl.u32 v63, $0x3;
	v50 =	vld [tilespmem:s14+$0x80];
	v61 =	vadd.f32 v56, v33  }
0x1dc: {  	v63 =	vmov s19;
	v56 =	vld [tilespmem:s13+$0x90];
	v47 =	vadd.f32 v47, v33;
	[tilespmem:v46+s17+$0x0] =	vst.idx.msk $0xffff, v62;
	v62 =	vmov s16  }
0x1dd: {  	v45 =	vshll.u32 v48, v1;
	v48 =	vld [tilespmem:s7+$0x80];
	[tilespmem:v49+s17+$0x0] =	vst.idx.msk $0xffff, v61;
	v46 =	vshrl.u32 v62, $0x3;
	v61 =	vadd.f32 v58, v33  }
0x1de: {  	v45 =	vbroadcast v45, $0x0;
	[tilespmem:v51+s17+$0x0] =	vst.idx.msk $0xffff, v47;
	v62 =	vshrl.u32 v63, $0x3;
	v57 =	vld [tilespmem:s25+$0x80];
	v46 =	vshll.u32 v46, v1  }
0x1df: {  	v49 =	vadd.s32 v25, v44;
	v51 =	vld [tilespmem:s30+$0x80];
	v47 =	vshll.u32 v62, v1;
	v46 =	vbroadcast v46, $0x0;
	[tilespmem:v52+s17+$0x0] =	vst.idx.msk $0xffff, v61  }
0x1e0: {  	v47 =	vbroadcast v47, $0x0;
	v50 =	vadd.f32 v50, v36;
	v52 =	vadd.s32 v25, v45;
	v55 =	vld [tilespmem:s18+$0x80]  }
0x1e1: {  	[tilespmem:v59+s17+$0x0] =	vst.idx.msk $0xffff, v53;
	v63 =	vadd.f32 v56, v35;
	v56 =	vadd.s32 v25, v46  }
0x1e2: {  	v61 =	vld [tilespmem:s12+$0xB0];
	[tilespmem:v60+s17+$0x0] =	vst.idx.msk $0xffff, v50;
	v48 =	vadd.f32 v48, v36;
	v50 =	vadd.s32 v25, v47  }
0x1e3: {  	[tilespmem:v54+s17+$0x0] =	vst.idx.msk $0xffff, v63;
	v53 =	vld [tilespmem:s14+$0x90];
	v62 =	vadd.f32 v57, v36  }
0x1e4: {  	v38 =	vadd.s32 v28, v38;
	v63 =	vld [tilespmem:s13+$0xA0];
	v59 =	vadd.f32 v51, v36;
	[tilespmem:v49+s17+$0x0] =	vst.idx.msk $0xffff, v48  }
0x1e5: {  	v49 =	vadd.s32 v26, v43;
	v51 =	vld [tilespmem:s7+$0x90];
	[tilespmem:v52+s17+$0x0] =	vst.idx.msk $0xffff, v62;
	v60 =	vadd.f32 v55, v36  }
0x1e6: {  	v54 =	vadd.s32 v27, v41;
	v55 =	vld [tilespmem:s25+$0x90];
	[tilespmem:v56+s17+$0x0] =	vst.idx.msk $0xffff, v59  }
0x1e7: {  	v61 =	vadd.f32 v61, v33;
	v56 =	vadd.s32 v26, v44;
	v58 =	vld [tilespmem:s30+$0x90];
	[tilespmem:v50+s17+$0x0] =	vst.idx.msk $0xffff, v60  }
0x1e8: {  	v52 =	vadd.s32 v26, v45;
	v62 =	vadd.f32 v53, v35;
	v53 =	vld [tilespmem:s18+$0x90]  }
0x1e9: {  	v48 =	vadd.s32 v26, v46;
	[tilespmem:v38+s17+$0x0] =	vst.idx.msk $0xffff, v61;
	v63 =	vadd.f32 v63, v34  }
0x1ea: {  	v50 =	vadd.s32 v26, v47;
	[tilespmem:v49+s17+$0x0] =	vst.idx.msk $0xffff, v62;
	v60 =	vadd.f32 v51, v35  }
0x1eb: {  	[tilespmem:v54+s17+$0x0] =	vst.idx.msk $0xffff, v63;
	v51 =	vld [tilespmem:s14+$0xA0];
	v61 =	vadd.f32 v55, v35  }
0x1ec: {  	v57 =	vld [tilespmem:s12+$0xC0];
	[tilespmem:v56+s17+$0x0] =	vst.idx.msk $0xffff, v60;
	v63 =	vadd.f32 v58, v35  }
0x1ed: {  	v42 =	vshrl.u32 v42, $0x3;
	v55 =	vadd.s32 v27, v43;
	v56 =	vld [tilespmem:s7+$0xA0];
	[tilespmem:v52+s17+$0x0] =	vst.idx.msk $0xffff, v61;
	v60 =	vadd.f32 v53, v35  }
0x1ee: {  	v62 =	vshll.u32 v42, v1;
	v53 =	vld [tilespmem:s25+$0xA0];
	[tilespmem:v48+s17+$0x0] =	vst.idx.msk $0xffff, v63  }
0x1ef: {  	v38 =	vbroadcast v62, $0x0;
	v62 =	vadd.s32 v27, v44;
	v58 =	vld [tilespmem:s30+$0xA0];
	[tilespmem:v50+s17+$0x0] =	vst.idx.msk $0xffff, v60  }
0x1f0: {  	s16 =	sadd.s32 $0x7, s5;
	v59 =	vadd.s32 v27, v46;
	v63 =	vadd.f32 v51, v34;
	v60 =	vadd.s32 v27, v45;
	v52 =	vld [tilespmem:s18+$0xA0]  }
0x1f1: {  	v46 =	vadd.s32 v28, v46;
	v42 =	vld [tilespmem:s13+$0xB0];
	v43 =	vadd.s32 v28, v43;
	v61 =	vmov s16  }
0x1f2: {  	v49 =	vshrl.u32 v61, $0x3;
	[tilespmem:v55+s17+$0x0] =	vst.idx.msk $0xffff, v63;
	v61 =	vadd.f32 v56, v34;
	v55 =	vadd.s32 v27, v47  }
0x1f3: {  	v44 =	vadd.s32 v28, v44;
	v49 =	vshll.u32 v49, v1;
	v53 =	vadd.f32 v53, v34  }
0x1f4: {  	s19 =	sadd.s32 $0x7, s8;
	v56 =	vadd.s32 v28, v41;
	v41 =	vbroadcast v49, $0x0;
	v49 =	vld [tilespmem:s14+$0xB0];
	[tilespmem:v62+s17+$0x0] =	vst.idx.msk $0xffff, v61;
	v63 =	vadd.f32 v58, v34  }
0x1f5: {  	v57 =	vadd.f32 v57, v36;
	v62 =	vmov s19;
	[tilespmem:v60+s17+$0x0] =	vst.idx.msk $0xffff, v53;
	v60 =	vld [tilespmem:s7+$0xB0];
	v52 =	vadd.f32 v52, v34  }
0x1f6: {  	s26 =	sadd.s32 $0x7, s26;
	v48 =	vadd.s32 v29, v38;
	v42 =	vadd.f32 v42, v33;
	v50 =	vshrl.u32 v62, $0x3;
	v53 =	vld [tilespmem:s25+$0xB0];
	[tilespmem:v59+s17+$0x0] =	vst.idx.msk $0xffff, v63  }
0x1f7: {  	v45 =	vadd.s32 v28, v45;
	v61 =	vmov s26;
	v50 =	vshll.u32 v50, v1;
	v59 =	vld [tilespmem:s30+$0xB0];
	[tilespmem:v55+s17+$0x0] =	vst.idx.msk $0xffff, v52  }
0x1f8: {  	v47 =	vadd.s32 v28, v47;
	v62 =	vshrl.u32 v61, $0x3;
	v50 =	vbroadcast v50, $0x0;
	v54 =	vld [tilespmem:s18+$0xB0]  }
0x1f9: {  	s28 =	sadd.s32 $0x7, s28;
	v58 =	vadd.s32 v29, v41;
	v49 =	vadd.f32 v49, v33;
	v52 =	vshll.u32 v62, v1  }
0x1fa: {  	[tilespmem:v56+s17+$0x0] =	vst.idx.msk $0xffff, v42;
	v55 =	vadd.s32 v29, v50;
	v63 =	vadd.f32 v60, v33;
	v60 =	vmov s28  }
0x1fb: {  	s29 =	sadd.s32 $0x7, s29;
	v56 =	vld [tilespmem:s13+$0xC0];
	[tilespmem:v43+s17+$0x0] =	vst.idx.msk $0xffff, v49;
	v43 =	vbroadcast v52, $0x0;
	v61 =	vshrl.u32 v60, $0x3;
	v62 =	vadd.f32 v53, v33  }
0x1fc: {  	s8 =	sadd.s32 $0x7, s15;
	v52 =	vld [tilespmem:s14+$0xC0];
	[tilespmem:v44+s17+$0x0] =	vst.idx.msk $0xffff, v63;
	v42 =	vshll.u32 v61, v1;
	v63 =	vmov s29;
	v60 =	vadd.f32 v59, v33  }
0x1fd: {  	v61 =	vmov s8;
	v53 =	vld [tilespmem:s7+$0xC0];
	[tilespmem:v45+s17+$0x0] =	vst.idx.msk $0xffff, v62;
	v44 =	vshrl.u32 v63, $0x3;
	v62 =	vadd.f32 v54, v33  }
0x1fe: {  	v42 =	vbroadcast v42, $0x0;
	v45 =	vshrl.u32 v61, $0x3;
	v54 =	vld [tilespmem:s25+$0xC0];
	v44 =	vshll.u32 v44, v1;
	[tilespmem:v46+s17+$0x0] =	vst.idx.msk $0xffff, v60  }
0x1ff: {  	v46 =	vadd.s32 v29, v43;
	v45 =	vshll.u32 v45, v1;
	v49 =	vld [tilespmem:s30+$0xC0];
	v44 =	vbroadcast v44, $0x0;
	[tilespmem:v47+s17+$0x0] =	vst.idx.msk $0xffff, v62  }
0x200: {  	v63 =	vadd.f32 v56, v36;
	v51 =	vadd.s32 v29, v42;
	v45 =	vbroadcast v45, $0x0;
	v56 =	vld [tilespmem:s18+$0xC0]  }
0x201: {  	[tilespmem:v48+s17+$0x0] =	vst.idx.msk $0xffff, v57;
	v60 =	vadd.f32 v52, v36;
	v52 =	vadd.s32 v29, v44  }
0x202: {  	v57 =	vld [tilespmem:s12+$0xD0];
	[tilespmem:v58+s17+$0x0] =	vst.idx.msk $0xffff, v63;
	v62 =	vadd.s32 v29, v45;
	v61 =	vadd.f32 v53, v36  }
0x203: {  	v58 =	vld [tilespmem:s13+$0xD0];
	[tilespmem:v55+s17+$0x0] =	vst.idx.msk $0xffff, v60;
	v63 =	vadd.f32 v54, v36  }
0x204: {  	v54 =	vadd.s32 v30, v38;
	v55 =	vld [tilespmem:s14+$0xD0];
	[tilespmem:v46+s17+$0x0] =	vst.idx.msk $0xffff, v61;
	v59 =	vadd.f32 v49, v36  }
0x205: {  	v47 =	vadd.s32 v30, v41;
	v49 =	vld [tilespmem:s7+$0xD0];
	[tilespmem:v51+s17+$0x0] =	vst.idx.msk $0xffff, v63;
	v60 =	vadd.f32 v56, v36  }
0x206: {  	v48 =	vadd.s32 v30, v50;
	v51 =	vld [tilespmem:s25+$0xD0];
	[tilespmem:v52+s17+$0x0] =	vst.idx.msk $0xffff, v59  }
0x207: {  	v61 =	vadd.f32 v57, v35;
	v52 =	vadd.s32 v30, v43;
	v56 =	vld [tilespmem:s30+$0xD0];
	[tilespmem:v62+s17+$0x0] =	vst.idx.msk $0xffff, v60  }
0x208: {  	v53 =	vadd.s32 v30, v42;
	v62 =	vadd.f32 v58, v35;
	v63 =	vld [tilespmem:s18+$0xD0]  }
0x209: {  	[tilespmem:v54+s17+$0x0] =	vst.idx.msk $0xffff, v61;
	v58 =	vadd.f32 v55, v35;
	v54 =	vadd.s32 v30, v44  }
0x20a: {  	v55 =	vld [tilespmem:s12+$0xE0];
	[tilespmem:v47+s17+$0x0] =	vst.idx.msk $0xffff, v62;
	v59 =	vadd.f32 v49, v35;
	v47 =	vadd.s32 v30, v45  }
0x20b: {  	[tilespmem:v48+s17+$0x0] =	vst.idx.msk $0xffff, v58;
	v60 =	vld [tilespmem:s13+$0xE0];
	v61 =	vadd.f32 v51, v35  }
0x20c: {  	v48 =	vadd.s32 v31, v38;
	v51 =	vld [tilespmem:s14+$0xE0];
	[tilespmem:v52+s17+$0x0] =	vst.idx.msk $0xffff, v59;
	v62 =	vadd.f32 v56, v35  }
0x20d: {  	v52 =	vadd.s32 v31, v41;
	v56 =	vld [tilespmem:s7+$0xE0];
	[tilespmem:v53+s17+$0x0] =	vst.idx.msk $0xffff, v61;
	v63 =	vadd.f32 v63, v35  }
0x20e: {  	v39 =	vadd.f32 v39, v34;
	v46 =	vadd.s32 v31, v50;
	v53 =	vld [tilespmem:s25+$0xE0];
	[tilespmem:v54+s17+$0x0] =	vst.idx.msk $0xffff, v62  }
0x20f: {  	v57 =	vadd.f32 v55, v34;
	v54 =	vadd.s32 v31, v43;
	v58 =	vld [tilespmem:s30+$0xE0];
	[tilespmem:v47+s17+$0x0] =	vst.idx.msk $0xffff, v63  }
0x210: {  	[tilespmem:v40+s17+$0x0] =	vst.idx.msk $0xffff, v39;
	v39 =	vadd.s32 v31, v42;
	v59 =	vadd.f32 v60, v34;
	v60 =	vld [tilespmem:s18+$0xE0]  }
0x211: {  	v61 =	vld [tilespmem:s10+$0xF0];
	[tilespmem:v48+s17+$0x0] =	vst.idx.msk $0xffff, v57;
	v62 =	vadd.f32 v51, v34;
	v48 =	vadd.s32 v31, v44  }
0x212: {  	v49 =	vld [tilespmem:s12+$0xF0];
	[tilespmem:v52+s17+$0x0] =	vst.idx.msk $0xffff, v59;
	v63 =	vadd.f32 v56, v34;
	v56 =	vadd.s32 v31, v45  }
0x213: {  	v37 =	vadd.s32 v32, v37;
	[tilespmem:v46+s17+$0x0] =	vst.idx.msk $0xffff, v62;
	v52 =	vld [tilespmem:s13+$0xF0];
	v57 =	vadd.f32 v53, v34  }
0x214: {  	v38 =	vadd.s32 v32, v38;
	v46 =	vld [tilespmem:s14+$0xF0];
	[tilespmem:v54+s17+$0x0] =	vst.idx.msk $0xffff, v63;
	v58 =	vadd.f32 v58, v34  }
0x215: {  	v41 =	vadd.s32 v32, v41;
	v59 =	vld [tilespmem:s7+$0xF0];
	[tilespmem:v39+s17+$0x0] =	vst.idx.msk $0xffff, v57;
	v60 =	vadd.f32 v60, v34  }
0x216: {  	v61 =	vadd.f32 v61, v33;
	v62 =	vadd.s32 v32, v50;
	v63 =	vld [tilespmem:s25+$0xF0];
	[tilespmem:v48+s17+$0x0] =	vst.idx.msk $0xffff, v58  }
0x217: {  	v43 =	vadd.s32 v32, v43;
	v49 =	vadd.f32 v49, v33;
	v50 =	vld [tilespmem:s30+$0xF0];
	[tilespmem:v56+s17+$0x0] =	vst.idx.msk $0xffff, v60  }
0x218: {  	v55 =	vadd.s32 v32, v42;
	[tilespmem:v37+s17+$0x0] =	vst.idx.msk $0xffff, v61;
	v54 =	vadd.f32 v52, v33;
	v56 =	vld [tilespmem:s18+$0xF0]  }
0x219: {  	v58 =	vadd.s32 v32, v44;
	[tilespmem:v38+s17+$0x0] =	vst.idx.msk $0xffff, v49;
	v57 =	vadd.f32 v46, v33  }
0x21a: {  	v60 =	vadd.s32 v32, v45;
	[tilespmem:v41+s17+$0x0] =	vst.idx.msk $0xffff, v54;
	v59 =	vadd.f32 v59, v33  }
0x21b: {  	[tilespmem:v62+s17+$0x0] =	vst.idx.msk $0xffff, v57;
	v61 =	vadd.f32 v63, v33  }
0x21c: {  	s1 =	sshll.u32 s1, $0x7;
	[tilespmem:v43+s17+$0x0] =	vst.idx.msk $0xffff, v59;
	v62 =	vadd.f32 v50, v33  }
0x21d: {  	s1 =	sand.u32 $0xE00, s1;
	[tilespmem:v55+s17+$0x0] =	vst.idx.msk $0xffff, v61;
	v63 =	vadd.f32 v56, v33  }
0x21e: {  	s1 =	sadd.s32 s2, s1;
	s10 =	sshll.u32 s9, $0xF;
	[tilespmem:v58+s17+$0x0] =	vst.idx.msk $0xffff, v62  }
0x21f: {  	s11 =	simm.s32 $0x11600;
	s5 =	sadd.s32 s10, s1;
	[tilespmem:v60+s17+$0x0] =	vst.idx.msk $0xffff, v63  }
0x220: {  	[hbm4b:s5+s3] =	stream.linear.scatter [tilespmem:s11], [sflag:$0x5], $0x80, $0x38;
	[tilespmem:$0x19E00] =	vst v63  }
0x221: {  	s12 =	simm.s32 $0x11688;
	s13 =	sadd.s32 $0x10, s5  }
0x222: {  	[hbm4b:s13+s3] =	stream.linear.scatter [tilespmem:s12], [sflag:$0x5], $0x80, $0x38;
	[tilespmem:$0x19E00] =	vst v63  }
0x223: {  	s16 =	simm.s32 $0x11798;
	s15 =	sadd.s32 $0x20, s5;
	s14 =	simm.s32 $0x11710  }
0x224: {  	[hbm4b:s15+s3] =	stream.linear.scatter [tilespmem:s14], [sflag:$0x5], $0x80, $0x38;
	[tilespmem:$0x19E00] =	vst v63  }
0x225: {  	s19 =	simm.s32 $0x11820;
	s26 =	simm.s32 $0x118A8;
	s18 =	sadd.s32 $0x30, s5  }
0x226: {  	[hbm4b:s18+s3] =	stream.linear.scatter [tilespmem:s16], [sflag:$0x5], $0x80, $0x38;
	[tilespmem:$0x19E00] =	vst v63  }
0x227: {  	s29 =	simm.s32 $0x11930;
	s8 =	simm.s32 $0x119B8;
	s25 =	sadd.s32 $0x40, s5  }
0x228: {  	[hbm4b:s25+s3] =	stream.linear.scatter [tilespmem:s19], [sflag:$0x5], $0x80, $0x38;
	[tilespmem:$0x19E00] =	vst v63  }
0x229: {  	s1 =	simm.s32 $0x440;
	s28 =	sadd.s32 $0x50, s5;
	s9 =	sadd.s32 $0x70, s5  }
0x22a: {  	[hbm4b:s28+s3] =	stream.linear.scatter [tilespmem:s26], [sflag:$0x5], $0x80, $0x38;
	[tilespmem:$0x19E00] =	vst v63  }
0x22b: {  	s7 =	simm.s32 $0x2200;
	s30 =	sadd.s32 $0x60, s5;
	s5 =	sadd.s32 $0x1000, s5  }
0x22c: {  	[hbm4b:s30+s3] =	stream.linear.scatter [tilespmem:s29], [sflag:$0x5], $0x80, $0x38;
	[tilespmem:$0x19E00] =	vst v63  }
.LBB2_5:
0x22d: {  	[hbm4b:s9+s3] =	stream.linear.scatter [tilespmem:s8], [sflag:$0x5], $0x80, $0x38;
	[tilespmem:$0x19E00] =	vst v63  }
0x22e: {  	s8 =	smov.u32 s1;
	s1 =	smov.u32 s7  }
0x22f: {  	s10 =	sadd.s32 $0x1100, s7;
	s1 =	sshra.s32 s1, $0x2;
	s9 =	sadd.s32 $0x11600, s8  }
0x230: {  	[hbm4b:s5+s3] =	stream.linear.scatter [tilespmem:s9], [sflag:$0x5], $0x80, $0x38;
	[tilespmem:$0x19E00] =	vst v63  }
0x231: {  	p1 =	sne.s32 s7, $0x7700;
	s7 =	sadd.s32 $0x11688, s8;
	s9 =	sadd.s32 $0x10, s5  }
0x232: {  	[hbm4b:s9+s3] =	stream.linear.scatter [tilespmem:s7], [sflag:$0x5], $0x80, $0x38;
	[tilespmem:$0x19E00] =	vst v63  }
0x233: {  	s7 =	sadd.s32 $0x11710, s8;
	s9 =	sadd.s32 $0x20, s5  }
0x234: {  	[hbm4b:s9+s3] =	stream.linear.scatter [tilespmem:s7], [sflag:$0x5], $0x80, $0x38;
	[tilespmem:$0x19E00] =	vst v63  }
0x235: {  	s7 =	sadd.s32 $0x11798, s8;
	s9 =	sadd.s32 $0x30, s5  }
0x236: {  	[hbm4b:s9+s3] =	stream.linear.scatter [tilespmem:s7], [sflag:$0x5], $0x80, $0x38;
	[tilespmem:$0x19E00] =	vst v63  }
0x237: {  	s7 =	sadd.s32 $0x11820, s8;
	s9 =	sadd.s32 $0x40, s5  }
0x238: {  	[hbm4b:s9+s3] =	stream.linear.scatter [tilespmem:s7], [sflag:$0x5], $0x80, $0x38;
	[tilespmem:$0x19E00] =	vst v63  }
.Ltmp3:
0x239: {  	s7 =	sadd.s32 $0x118A8, s8;
	s9 =	sadd.s32 $0x50, s5;
	(pc) =	sbr.rel @p1 .LBB2_5-.Ltmp3, $4  }
0x23a: {  	[hbm4b:s9+s3] =	stream.linear.scatter [tilespmem:s7], [sflag:$0x5], $0x80, $0x38;
	[tilespmem:$0x19E00] =	vst v63  }
0x23b: {  	s7 =	sadd.s32 $0x11930, s8;
	s9 =	sadd.s32 $0x60, s5;
	s8 =	sadd.s32 $0x119B8, s8  }
0x23c: {  	[hbm4b:s9+s3] =	stream.linear.scatter [tilespmem:s7], [sflag:$0x5], $0x80, $0x38;
	[tilespmem:$0x19E00] =	vst v63  }
0x23d: {  	s9 =	sadd.s32 $0x70, s5;
	s5 =	sadd.s32 $0x1000, s5;
	s7 =	smov.u32 s10  }
0x23e: {  	[hbm4b:s9+s3] =	stream.linear.scatter [tilespmem:s8], [sflag:$0x5], $0x80, $0x38;
	[tilespmem:$0x19E00] =	vst v63  }
0x23f: {  	s7 =	sadd.s32 $0x11600, s1  }
0x240: {  	[hbm4b:s5+s3] =	stream.linear.scatter [tilespmem:s7], [sflag:$0x5], $0x80, $0x38;
	[tilespmem:$0x19E00] =	vst v63  }
0x241: {  	s13 =	sadd.s32 $0x11688, s1;
	s14 =	sadd.s32 $0x10, s5  }
0x242: {  	[hbm4b:s14+s3] =	stream.linear.scatter [tilespmem:s13], [sflag:$0x5], $0x80, $0x38;
	[tilespmem:$0x19E00] =	vst v63  }
0x243: {  	s15 =	sadd.s32 $0x11710, s1;
	s16 =	sadd.s32 $0x20, s5  }
0x244: {  	[hbm4b:s16+s3] =	stream.linear.scatter [tilespmem:s15], [sflag:$0x5], $0x80, $0x38;
	[tilespmem:$0x19E00] =	vst v63  }
0x245: {  	s18 =	sadd.s32 $0x11798, s1;
	s19 =	sadd.s32 $0x30, s5  }
0x246: {  	[hbm4b:s19+s3] =	stream.linear.scatter [tilespmem:s18], [sflag:$0x5], $0x80, $0x38;
	[tilespmem:$0x19E00] =	vst v63  }
0x247: {  	s25 =	sadd.s32 $0x11820, s1;
	s26 =	sadd.s32 $0x40, s5  }
0x248: {  	[hbm4b:s26+s3] =	stream.linear.scatter [tilespmem:s25], [sflag:$0x5], $0x80, $0x38;
	[tilespmem:$0x19E00] =	vst v63  }
0x249: {  	s9 =	sadd.s32 $0x118A8, s1;
	s10 =	sadd.s32 $0x50, s5;
	s11 =	sadd.s32 $0x11930, s1  }
0x24a: {  	[hbm4b:s10+s3] =	stream.linear.scatter [tilespmem:s9], [sflag:$0x5], $0x80, $0x38;
	[tilespmem:$0x19E00] =	vst v63  }
0x24b: {  	s12 =	sadd.s32 $0x60, s5;
	s13 =	sadd.s32 $0x119B8, s1;
	s1 =	sor.u32 $0x3, s0  }
0x24c: {  	[hbm4b:s12+s3] =	stream.linear.scatter [tilespmem:s11], [sflag:$0x5], $0x80, $0x38;
	[tilespmem:$0x19E00] =	vst v63  }
0x24d: {  	s14 =	sadd.s32 $0x70, s5;
	s0 =	sadd.s32 s0, s6;
	s15 =	sshll.u32 s1, $0x7  }
0x24e: {  	[hbm4b:s14+s3] =	stream.linear.scatter [tilespmem:s13], [sflag:$0x5], $0x80, $0x38;
	[tilespmem:$0x19E00] =	vst v63  }
0x24f: {  	s16 =	simm.s32 $0xF600;
	s5 =	sand.u32 $0x3FFFFF80, s15;
	s18 =	simm.s32 $0x2  }
0x250: {  	[tilespmem:s16], [sflag:$0x4] =	stream.indirect.gather [hbm4b:s4+s21], $0x40, s5, s21, $0xb8;
	[tilespmem:$0x19E00] =	vst v63  }
0x251: {  	s10 =	sadd.s32 $0x1, s0;
	_ =	swait.ge [sflag:s18], $0x2000  }
0x252: {  	s19 =	sshll.u32 s10, $0x1;
	[sflag:s18] =	ssyncset.done $0x0  }
0x253: {  	s5 =	sand.u32 $0x3FFFFFC0, s19;
	[sflag:s18] =	ssyncadd.s32 $0xFFFFE000  }
0x254: {  	v36 =	vld [tilespmem:s5+$0x6400]  }
0x255: {  	v35 =	vld [tilespmem:s5+$0x6410]  }
0x256: {  	v34 =	vld [tilespmem:s5+$0x6420]  }
0x257: {  	s21 =	simm.s32 $0x0;
	v33 =	vld [tilespmem:s5+$0x6430];
	s5 =	simm.s32 @!p0 $0x6  }
0x258: {  	v37 =	vmov s21;
	_ =	swait.ge @!p0 [sflag:s5], $0x2000  }
0x259: {  	v37 =	vshrl.u32 v37, $0x3;
	[sflag:s5] =	ssyncset.done @!p0 $0x0  }
0x25a: {  	s12 =	simm.s32 $0xB700;
	v37 =	vshll.u32 v37, v1;
	[sflag:s5] =	ssyncadd.s32 @!p0 $0xFFFFE000  }
0x25b: {  	v37 =	vbroadcast v37, $0x0;
	v38 =	vld [tilespmem:s12+$0xFFFFFF00];
	_ =	sdelay $0x1  }
0x25c: {  	v39 =	vadd.s32 v0, v37;
	_ =	sdelay $0x2  }
0x25d: {  	v38 =	vadd.f32 v38, v36;
	_ =	sdelay $0x1  }
0x25e: {  	[tilespmem:v39+s20+$0x0] =	vst.idx.msk $0xffff, v38  }
0x25f: {  	v38 =	vld [tilespmem:s12+$0xFFFFFF10];
	_ =	sdelay $0x1  }
0x260: {  	v46 =	vadd.s32 v2, v37;
	_ =	sdelay $0x2  }
0x261: {  	v38 =	vadd.f32 v38, v35;
	_ =	sdelay $0x1  }
0x262: {  	[tilespmem:v46+s20+$0x0] =	vst.idx.msk $0xffff, v38  }
0x263: {  	v38 =	vld [tilespmem:s12+$0xFFFFFF20];
	_ =	sdelay $0x1  }
0x264: {  	v47 =	vadd.s32 v3, v37;
	_ =	sdelay $0x2  }
0x265: {  	v38 =	vadd.f32 v38, v34;
	_ =	sdelay $0x1  }
0x266: {  	[tilespmem:v47+s20+$0x0] =	vst.idx.msk $0xffff, v38  }
0x267: {  	v38 =	vld [tilespmem:s12+$0xFFFFFF30];
	_ =	sdelay $0x1  }
0x268: {  	v37 =	vadd.s32 v4, v37;
	_ =	sdelay $0x1  }
0x269: {  	s25 =	simm.s32 $0x1  }
0x26a: {  	v48 =	vmov s25;
	v38 =	vadd.f32 v38, v33  }
0x26b: {  	v39 =	vshrl.u32 v48, $0x3  }
0x26c: {  	s26 =	simm.s32 $0x8;
	v39 =	vshll.u32 v39, v1;
	[tilespmem:v37+s20+$0x0] =	vst.idx.msk $0xffff, v38  }
0x26d: {  	v49 =	vmov s26;
	v39 =	vbroadcast v39, $0x0;
	v38 =	vld [tilespmem:s12+$0xFFFFFF40]  }
0x26e: {  	v37 =	vshrl.u32 v49, $0x3  }
0x26f: {  	s13 =	simm.s32 $0xB900;
	v40 =	vadd.s32 v5, v39;
	v37 =	vshll.u32 v37, v1  }
0x270: {  	v41 =	vld [tilespmem:s13+$0xFFFFFF00];
	v37 =	vbroadcast v37, $0x0;
	_ =	sdelay $0x1  }
0x271: {  	v42 =	vadd.s32 v0, v37;
	v38 =	vadd.f32 v38, v36;
	_ =	sdelay $0x1  }
0x272: {  	[tilespmem:v40+s20+$0x0] =	vst.idx.msk $0xffff, v38  }
0x273: {  	v50 =	vadd.f32 v41, v36;
	v40 =	vld [tilespmem:s12+$0xFFFFFF50];
	_ =	sdelay $0x1  }
0x274: {  	v51 =	vadd.s32 v6, v39;
	[tilespmem:v42+s20+$0x0] =	vst.idx.msk $0xffff, v50  }
0x275: {  	v52 =	vld [tilespmem:s13+$0xFFFFFF10];
	_ =	sdelay $0x1  }
0x276: {  	v53 =	vadd.s32 v2, v37;
	v40 =	vadd.f32 v40, v35;
	_ =	sdelay $0x1  }
0x277: {  	[tilespmem:v51+s20+$0x0] =	vst.idx.msk $0xffff, v40  }
0x278: {  	v54 =	vadd.f32 v52, v35;
	v40 =	vld [tilespmem:s12+$0xFFFFFF60];
	_ =	sdelay $0x1  }
0x279: {  	v55 =	vadd.s32 v7, v39;
	[tilespmem:v53+s20+$0x0] =	vst.idx.msk $0xffff, v54  }
0x27a: {  	v56 =	vld [tilespmem:s13+$0xFFFFFF20];
	_ =	sdelay $0x1  }
0x27b: {  	v57 =	vadd.s32 v3, v37;
	v40 =	vadd.f32 v40, v34;
	_ =	sdelay $0x1  }
0x27c: {  	[tilespmem:v55+s20+$0x0] =	vst.idx.msk $0xffff, v40  }
0x27d: {  	v58 =	vadd.f32 v56, v34;
	v40 =	vld [tilespmem:s12+$0xFFFFFF70];
	_ =	sdelay $0x1  }
0x27e: {  	v59 =	vadd.s32 v8, v39;
	[tilespmem:v57+s20+$0x0] =	vst.idx.msk $0xffff, v58  }
0x27f: {  	v60 =	vld [tilespmem:s13+$0xFFFFFF30]  }
0x280: {  	s7 =	simm.s32 $0x2  }
0x281: {  	v61 =	vmov s7;
	v37 =	vadd.s32 v4, v37;
	v40 =	vadd.f32 v40, v33  }
0x282: {  	v41 =	vshrl.u32 v61, $0x3  }
0x283: {  	s8 =	simm.s32 $0x9;
	v41 =	vshll.u32 v41, v1;
	[tilespmem:v59+s20+$0x0] =	vst.idx.msk $0xffff, v40  }
0x284: {  	v62 =	vmov s8;
	v41 =	vbroadcast v41, $0x0;
	v39 =	vadd.f32 v60, v33;
	v40 =	vld [tilespmem:s12+$0xFFFFFF80]  }
0x285: {  	v38 =	vshrl.u32 v62, $0x3  }
0x286: {  	s7 =	simm.s32 $0x10;
	v63 =	vadd.s32 v9, v41;
	v38 =	vshll.u32 v38, v1;
	[tilespmem:v37+s20+$0x0] =	vst.idx.msk $0xffff, v39  }
0x287: {  	v48 =	vmov s7;
	v38 =	vbroadcast v38, $0x0;
	v42 =	vld [tilespmem:s13+$0xFFFFFF40]  }
0x288: {  	v39 =	vshrl.u32 v48, $0x3  }
0x289: {  	s14 =	simm.s32 $0xBB00;
	v43 =	vadd.s32 v5, v38;
	v39 =	vshll.u32 v39, v1;
	v40 =	vadd.f32 v40, v36  }
0x28a: {  	v44 =	vld [tilespmem:s14+$0xFFFFFF00];
	v39 =	vbroadcast v39, $0x0  }
0x28b: {  	[tilespmem:v63+s20+$0x0] =	vst.idx.msk $0xffff, v40  }
0x28c: {  	v49 =	vadd.s32 v0, v39;
	v50 =	vadd.f32 v42, v36;
	v51 =	vld [tilespmem:s12+$0xFFFFFF90];
	_ =	sdelay $0x1  }
0x28d: {  	v52 =	vadd.s32 v10, v41;
	[tilespmem:v43+s20+$0x0] =	vst.idx.msk $0xffff, v50  }
0x28e: {  	v53 =	vadd.f32 v44, v36;
	v54 =	vld [tilespmem:s13+$0xFFFFFF50];
	_ =	sdelay $0x1  }
0x28f: {  	v55 =	vadd.s32 v6, v38;
	[tilespmem:v49+s20+$0x0] =	vst.idx.msk $0xffff, v53;
	v42 =	vadd.f32 v51, v35  }
0x290: {  	v43 =	vld [tilespmem:s14+$0xFFFFFF10]  }
0x291: {  	[tilespmem:v52+s20+$0x0] =	vst.idx.msk $0xffff, v42  }
0x292: {  	v56 =	vadd.s32 v2, v39;
	v57 =	vadd.f32 v54, v35;
	v58 =	vld [tilespmem:s12+$0xFFFFFFA0];
	_ =	sdelay $0x1  }
0x293: {  	v59 =	vadd.s32 v11, v41;
	[tilespmem:v55+s20+$0x0] =	vst.idx.msk $0xffff, v57  }
0x294: {  	v60 =	vadd.f32 v43, v35;
	v61 =	vld [tilespmem:s13+$0xFFFFFF60];
	_ =	sdelay $0x1  }
0x295: {  	v62 =	vadd.s32 v7, v38;
	[tilespmem:v56+s20+$0x0] =	vst.idx.msk $0xffff, v60;
	v63 =	vadd.f32 v58, v34  }
0x296: {  	v48 =	vld [tilespmem:s14+$0xFFFFFF20]  }
0x297: {  	[tilespmem:v59+s20+$0x0] =	vst.idx.msk $0xffff, v63  }
0x298: {  	v49 =	vadd.s32 v3, v39;
	v50 =	vadd.f32 v61, v34;
	v51 =	vld [tilespmem:s12+$0xFFFFFFB0];
	_ =	sdelay $0x1  }
0x299: {  	v52 =	vadd.s32 v12, v41;
	[tilespmem:v62+s20+$0x0] =	vst.idx.msk $0xffff, v50  }
0x29a: {  	v53 =	vadd.f32 v48, v34;
	v42 =	vld [tilespmem:s13+$0xFFFFFF70]  }
0x29b: {  	s9 =	simm.s32 $0x3  }
0x29c: {  	v54 =	vmov s9;
	v55 =	vadd.s32 v8, v38;
	[tilespmem:v49+s20+$0x0] =	vst.idx.msk $0xffff, v53;
	v56 =	vadd.f32 v51, v33  }
0x29d: {  	v57 =	vshrl.u32 v54, $0x3;
	v58 =	vld [tilespmem:s14+$0xFFFFFF30]  }
0x29e: {  	s11 =	simm.s32 $0xA;
	v41 =	vshll.u32 v57, v1;
	v60 =	vadd.s32 v4, v39;
	[tilespmem:v52+s20+$0x0] =	vst.idx.msk $0xffff, v56  }
0x29f: {  	v41 =	vbroadcast v41, $0x0;
	v59 =	vmov s11;
	v61 =	vadd.f32 v42, v33;
	v40 =	vld [tilespmem:s12+$0xFFFFFFC0]  }
0x2a0: {  	s15 =	simm.s32 $0x11;
	v62 =	vshrl.u32 v59, $0x3  }
0x2a1: {  	v63 =	vmov s15;
	v48 =	vadd.s32 v13, v41;
	v42 =	vshll.u32 v62, v1;
	[tilespmem:v55+s20+$0x0] =	vst.idx.msk $0xffff, v61  }
0x2a2: {  	v49 =	vshrl.u32 v63, $0x3;
	v43 =	vadd.f32 v58, v33;
	v42 =	vbroadcast v42, $0x0;
	v50 =	vld [tilespmem:s13+$0xFFFFFF80]  }
0x2a3: {  	v39 =	vshll.u32 v49, v1  }
0x2a4: {  	s25 =	simm.s32 $0x18;
	[tilespmem:v60+s20+$0x0] =	vst.idx.msk $0xffff, v43;
	v51 =	vadd.s32 v9, v42;
	v40 =	vadd.f32 v40, v36  }
0x2a5: {  	v39 =	vbroadcast v39, $0x0;
	v52 =	vmov s25;
	v45 =	vld [tilespmem:s14+$0xFFFFFF40]  }
0x2a6: {  	v43 =	vshrl.u32 v52, $0x3;
	[tilespmem:v48+s20+$0x0] =	vst.idx.msk $0xffff, v40  }
0x2a7: {  	s5 =	simm.s32 $0xBD00;
	v54 =	vadd.s32 v5, v39;
	v53 =	vshll.u32 v43, v1;
	v55 =	vadd.f32 v50, v36;
	v56 =	vld [tilespmem:s12+$0xFFFFFFD0]  }
0x2a8: {  	v46 =	vld [tilespmem:s5+$0xFFFFFF00];
	v37 =	vbroadcast v53, $0x0  }
0x2a9: {  	v57 =	vadd.s32 v14, v41;
	[tilespmem:v51+s20+$0x0] =	vst.idx.msk $0xffff, v55  }
0x2aa: {  	v58 =	vadd.s32 v0, v37;
	v45 =	vadd.f32 v45, v36;
	v47 =	vld [tilespmem:s13+$0xFFFFFF90];
	_ =	sdelay $0x1  }
0x2ab: {  	v59 =	vadd.s32 v10, v42;
	[tilespmem:v54+s20+$0x0] =	vst.idx.msk $0xffff, v45;
	v44 =	vadd.f32 v56, v35  }
0x2ac: {  	v60 =	vadd.f32 v46, v36;
	v61 =	vld [tilespmem:s14+$0xFFFFFF50]  }
0x2ad: {  	[tilespmem:v57+s20+$0x0] =	vst.idx.msk $0xffff, v44  }
0x2ae: {  	v62 =	vadd.s32 v6, v39;
	[tilespmem:v58+s20+$0x0] =	vst.idx.msk $0xffff, v60;
	v63 =	vadd.f32 v47, v35;
	v44 =	vld [tilespmem:s12+$0xFFFFFFE0]  }
0x2af: {  	v45 =	vld [tilespmem:s5+$0xFFFFFF10]  }
0x2b0: {  	v48 =	vadd.s32 v15, v41;
	[tilespmem:v59+s20+$0x0] =	vst.idx.msk $0xffff, v63  }
0x2b1: {  	v49 =	vadd.s32 v2, v37;
	v46 =	vadd.f32 v61, v35;
	v50 =	vld [tilespmem:s13+$0xFFFFFFA0];
	_ =	sdelay $0x1  }
0x2b2: {  	v51 =	vadd.s32 v11, v42;
	[tilespmem:v62+s20+$0x0] =	vst.idx.msk $0xffff, v46;
	v44 =	vadd.f32 v44, v34  }
0x2b3: {  	v45 =	vadd.f32 v45, v35;
	v46 =	vld [tilespmem:s14+$0xFFFFFF60]  }
0x2b4: {  	[tilespmem:v48+s20+$0x0] =	vst.idx.msk $0xffff, v44  }
0x2b5: {  	v52 =	vadd.s32 v7, v39;
	[tilespmem:v49+s20+$0x0] =	vst.idx.msk $0xffff, v45;
	v53 =	vadd.f32 v50, v34;
	v44 =	vld [tilespmem:s12+$0xFFFFFFF0]  }
0x2b6: {  	v45 =	vld [tilespmem:s5+$0xFFFFFF20]  }
0x2b7: {  	v54 =	vadd.s32 v16, v41;
	[tilespmem:v51+s20+$0x0] =	vst.idx.msk $0xffff, v53  }
0x2b8: {  	s16 =	simm.s32 $0x4;
	v55 =	vadd.s32 v3, v37;
	v56 =	vadd.f32 v46, v34;
	v57 =	vld [tilespmem:s13+$0xFFFFFFB0]  }
0x2b9: {  	v58 =	vmov s16  }
0x2ba: {  	v61 =	vshrl.u32 v58, $0x3;
	v59 =	vadd.s32 v12, v42;
	[tilespmem:v52+s20+$0x0] =	vst.idx.msk $0xffff, v56;
	v60 =	vadd.f32 v44, v33  }
0x2bb: {  	v43 =	vshll.u32 v61, v1;
	v62 =	vadd.f32 v45, v34;
	v63 =	vld [tilespmem:s14+$0xFFFFFF70]  }
0x2bc: {  	s18 =	simm.s32 $0xB;
	v42 =	vbroadcast v43, $0x0;
	[tilespmem:v54+s20+$0x0] =	vst.idx.msk $0xffff, v60  }
0x2bd: {  	v49 =	vadd.s32 v8, v39;
	v48 =	vmov s18;
	[tilespmem:v55+s20+$0x0] =	vst.idx.msk $0xffff, v62;
	v50 =	vadd.f32 v57, v33;
	v51 =	vld [tilespmem:s12+$0x0]  }
0x2be: {  	s19 =	simm.s32 $0x12;
	v37 =	vadd.s32 v4, v37;
	v52 =	vshrl.u32 v48, $0x3;
	v54 =	vld [tilespmem:s5+$0xFFFFFF30]  }
0x2bf: {  	v53 =	vmov s19;
	v43 =	vshll.u32 v52, v1;
	v55 =	vadd.s32 v17, v42;
	[tilespmem:v59+s20+$0x0] =	vst.idx.msk $0xffff, v50  }
0x2c0: {  	v43 =	vbroadcast v43, $0x0;
	v44 =	vshrl.u32 v53, $0x3;
	v56 =	vadd.f32 v63, v33;
	v57 =	vld [tilespmem:s13+$0xFFFFFFC0]  }
0x2c1: {  	s21 =	simm.s32 $0x19;
	v44 =	vshll.u32 v44, v1  }
0x2c2: {  	v58 =	vmov s21;
	v59 =	vadd.s32 v13, v43;
	[tilespmem:v49+s20+$0x0] =	vst.idx.msk $0xffff, v56;
	v60 =	vadd.f32 v51, v36  }
0x2c3: {  	v61 =	vshrl.u32 v58, $0x3;
	v44 =	vbroadcast v44, $0x0;
	v62 =	vld [tilespmem:s14+$0xFFFFFF80];
	v46 =	vadd.f32 v54, v33  }
0x2c4: {  	v41 =	vshll.u32 v61, v1;
	[tilespmem:v55+s20+$0x0] =	vst.idx.msk $0xffff, v60  }
0x2c5: {  	s28 =	simm.s32 $0x20;
	v63 =	vadd.s32 v9, v44;
	[tilespmem:v37+s20+$0x0] =	vst.idx.msk $0xffff, v46;
	v50 =	vadd.f32 v57, v36;
	v40 =	vld [tilespmem:s12+$0x10]  }
0x2c6: {  	v41 =	vbroadcast v41, $0x0;
	v51 =	vmov s28;
	v46 =	vld [tilespmem:s5+$0xFFFFFF40]  }
0x2c7: {  	v52 =	vadd.s32 v18, v42;
	v45 =	vshrl.u32 v51, $0x3;
	[tilespmem:v59+s20+$0x0] =	vst.idx.msk $0xffff, v50  }
0x2c8: {  	s8 =	simm.s32 $0xBF00;
	v54 =	vadd.s32 v5, v41;
	v53 =	vshll.u32 v45, v1;
	v47 =	vadd.f32 v62, v36;
	v48 =	vld [tilespmem:s13+$0xFFFFFFD0]  }
0x2c9: {  	v49 =	vld [tilespmem:s8+$0xFFFFFF00];
	v39 =	vbroadcast v53, $0x0  }
0x2ca: {  	v55 =	vadd.s32 v14, v43;
	[tilespmem:v63+s20+$0x0] =	vst.idx.msk $0xffff, v47;
	v40 =	vadd.f32 v40, v35  }
0x2cb: {  	v56 =	vadd.s32 v0, v39;
	v50 =	vld [tilespmem:s14+$0xFFFFFF90];
	v46 =	vadd.f32 v46, v36  }
0x2cc: {  	[tilespmem:v52+s20+$0x0] =	vst.idx.msk $0xffff, v40  }
0x2cd: {  	v57 =	vadd.s32 v10, v44;
	[tilespmem:v54+s20+$0x0] =	vst.idx.msk $0xffff, v46;
	v58 =	vadd.f32 v48, v35;
	v59 =	vld [tilespmem:s12+$0x20]  }
0x2ce: {  	v60 =	vadd.f32 v49, v36;
	v61 =	vld [tilespmem:s5+$0xFFFFFF50]  }
0x2cf: {  	v62 =	vadd.s32 v19, v42;
	[tilespmem:v55+s20+$0x0] =	vst.idx.msk $0xffff, v58  }
0x2d0: {  	v63 =	vadd.s32 v6, v41;
	[tilespmem:v56+s20+$0x0] =	vst.idx.msk $0xffff, v60;
	v52 =	vadd.f32 v50, v35;
	v53 =	vld [tilespmem:s13+$0xFFFFFFE0]  }
0x2d1: {  	v54 =	vld [tilespmem:s8+$0xFFFFFF10]  }
0x2d2: {  	v55 =	vadd.s32 v15, v43;
	[tilespmem:v57+s20+$0x0] =	vst.idx.msk $0xffff, v52;
	v45 =	vadd.f32 v59, v34  }
0x2d3: {  	v56 =	vadd.s32 v2, v39;
	v57 =	vld [tilespmem:s14+$0xFFFFFFA0];
	v48 =	vadd.f32 v61, v35  }
0x2d4: {  	[tilespmem:v62+s20+$0x0] =	vst.idx.msk $0xffff, v45  }
0x2d5: {  	v58 =	vadd.s32 v11, v44;
	[tilespmem:v63+s20+$0x0] =	vst.idx.msk $0xffff, v48;
	v59 =	vadd.f32 v53, v34;
	v45 =	vld [tilespmem:s12+$0x30]  }
0x2d6: {  	v60 =	vadd.f32 v54, v35;
	v48 =	vld [tilespmem:s5+$0xFFFFFF60]  }
0x2d7: {  	v61 =	vadd.s32 v20, v42;
	[tilespmem:v55+s20+$0x0] =	vst.idx.msk $0xffff, v59  }
0x2d8: {  	[tilespmem:v56+s20+$0x0] =	vst.idx.msk $0xffff, v60;
	v62 =	vadd.s32 v7, v41;
	v63 =	vadd.f32 v57, v34;
	v52 =	vld [tilespmem:s13+$0xFFFFFFF0]  }
0x2d9: {  	s26 =	simm.s32 $0x5;
	v47 =	vld [tilespmem:s8+$0xFFFFFF20]  }
0x2da: {  	v54 =	vadd.s32 v16, v43;
	v53 =	vmov s26;
	[tilespmem:v58+s20+$0x0] =	vst.idx.msk $0xffff, v63;
	v55 =	vadd.f32 v45, v33  }
0x2db: {  	v56 =	vshrl.u32 v53, $0x3;
	v57 =	vadd.s32 v3, v39;
	v58 =	vld [tilespmem:s14+$0xFFFFFFB0];
	v48 =	vadd.f32 v48, v34  }
0x2dc: {  	s11 =	simm.s32 $0xC;
	v60 =	vadd.s32 v12, v44;
	v43 =	vshll.u32 v56, v1;
	[tilespmem:v61+s20+$0x0] =	vst.idx.msk $0xffff, v55  }
0x2dd: {  	v59 =	vmov s11;
	v43 =	vbroadcast v43, $0x0;
	[tilespmem:v62+s20+$0x0] =	vst.idx.msk $0xffff, v48;
	v61 =	vadd.f32 v52, v33;
	v42 =	vld [tilespmem:s12+$0x40]  }
0x2de: {  	s15 =	simm.s32 $0x13;
	v53 =	vadd.s32 v8, v41;
	v63 =	vshrl.u32 v59, $0x3;
	v47 =	vadd.f32 v47, v34;
	v48 =	vld [tilespmem:s5+$0xFFFFFF70]  }
0x2df: {  	v46 =	vshll.u32 v63, v1;
	v62 =	vmov s15;
	v52 =	vadd.s32 v21, v43;
	[tilespmem:v54+s20+$0x0] =	vst.idx.msk $0xffff, v61  }
0x2e0: {  	v46 =	vbroadcast v46, $0x0;
	v44 =	vshrl.u32 v62, $0x3;
	[tilespmem:v57+s20+$0x0] =	vst.idx.msk $0xffff, v47;
	v54 =	vadd.f32 v58, v33;
	v55 =	vld [tilespmem:s13+$0x0]  }
0x2e1: {  	s16 =	simm.s32 $0x1A;
	v39 =	vadd.s32 v4, v39;
	v44 =	vshll.u32 v44, v1;
	v57 =	vld [tilespmem:s8+$0xFFFFFF30]  }
0x2e2: {  	v56 =	vmov s16;
	v58 =	vadd.s32 v17, v46;
	[tilespmem:v60+s20+$0x0] =	vst.idx.msk $0xffff, v54;
	v59 =	vadd.f32 v42, v36  }
0x2e3: {  	v47 =	vshrl.u32 v56, $0x3;
	v44 =	vbroadcast v44, $0x0;
	v60 =	vadd.f32 v48, v33;
	v61 =	vld [tilespmem:s14+$0xFFFFFFC0]  }
0x2e4: {  	s18 =	simm.s32 $0x21;
	v47 =	vshll.u32 v47, v1;
	[tilespmem:v52+s20+$0x0] =	vst.idx.msk $0xffff, v59  }
0x2e5: {  	v62 =	vmov s18;
	v63 =	vadd.s32 v13, v44;
	[tilespmem:v53+s20+$0x0] =	vst.idx.msk $0xffff, v60;
	v52 =	vadd.f32 v55, v36;
	v53 =	vld [tilespmem:s12+$0x50]  }
0x2e6: {  	v37 =	vshrl.u32 v62, $0x3;
	v47 =	vbroadcast v47, $0x0;
	v54 =	vadd.f32 v57, v33;
	v55 =	vld [tilespmem:s5+$0xFFFFFF80]  }
0x2e7: {  	v38 =	vadd.s32 v22, v43;
	v37 =	vshll.u32 v37, v1;
	[tilespmem:v58+s20+$0x0] =	vst.idx.msk $0xffff, v52  }
0x2e8: {  	s29 =	simm.s32 $0x28;
	[tilespmem:v39+s20+$0x0] =	vst.idx.msk $0xffff, v54;
	v39 =	vadd.s32 v9, v47;
	v56 =	vadd.f32 v61, v36;
	v57 =	vld [tilespmem:s13+$0x10]  }
0x2e9: {  	v37 =	vbroadcast v37, $0x0;
	v59 =	vld [tilespmem:s8+$0xFFFFFF40];
	v58 =	vmov s29  }
0x2ea: {  	v60 =	vadd.s32 v18, v46;
	v48 =	vshrl.u32 v58, $0x3;
	[tilespmem:v63+s20+$0x0] =	vst.idx.msk $0xffff, v56;
	v61 =	vadd.f32 v53, v35  }
0x2eb: {  	s26 =	simm.s32 $0xC100;
	v62 =	vshll.u32 v48, v1;
	v63 =	vadd.s32 v5, v37;
	v49 =	vadd.f32 v55, v36;
	v51 =	vld [tilespmem:s14+$0xFFFFFFD0]  }
0x2ec: {  	v52 =	vld [tilespmem:s26+$0xFFFFFF00];
	v42 =	vbroadcast v62, $0x0;
	[tilespmem:v38+s20+$0x0] =	vst.idx.msk $0xffff, v61  }
0x2ed: {  	[tilespmem:v39+s20+$0x0] =	vst.idx.msk $0xffff, v49;
	v38 =	vadd.s32 v14, v44;
	v55 =	vadd.f32 v57, v35;
	v41 =	vld [tilespmem:s12+$0x60]  }
0x2ee: {  	v56 =	vadd.s32 v0, v42;
	v57 =	vadd.f32 v59, v36;
	v58 =	vld [tilespmem:s5+$0xFFFFFF90]  }
0x2ef: {  	v39 =	vadd.s32 v23, v43;
	[tilespmem:v60+s20+$0x0] =	vst.idx.msk $0xffff, v55  }
0x2f0: {  	v59 =	vadd.s32 v10, v47;
	[tilespmem:v63+s20+$0x0] =	vst.idx.msk $0xffff, v57;
	v60 =	vadd.f32 v51, v35;
	v61 =	vld [tilespmem:s13+$0x20]  }
0x2f1: {  	v62 =	vadd.f32 v52, v36;
	v63 =	vld [tilespmem:s8+$0xFFFFFF50]  }
0x2f2: {  	[tilespmem:v38+s20+$0x0] =	vst.idx.msk $0xffff, v60;
	v38 =	vadd.s32 v19, v46;
	v41 =	vadd.f32 v41, v34  }
0x2f3: {  	[tilespmem:v56+s20+$0x0] =	vst.idx.msk $0xffff, v62;
	v56 =	vadd.s32 v6, v37;
	v57 =	vadd.f32 v58, v35;
	v58 =	vld [tilespmem:s14+$0xFFFFFFE0]  }
0x2f4: {  	v51 =	vld [tilespmem:s26+$0xFFFFFF10];
	[tilespmem:v39+s20+$0x0] =	vst.idx.msk $0xffff, v41  }
0x2f5: {  	[tilespmem:v59+s20+$0x0] =	vst.idx.msk $0xffff, v57;
	v59 =	vadd.s32 v15, v44;
	v60 =	vadd.f32 v61, v34;
	v41 =	vld [tilespmem:s12+$0x70]  }
0x2f6: {  	v61 =	vadd.s32 v2, v42;
	v62 =	vadd.f32 v63, v35;
	v63 =	vld [tilespmem:s5+$0xFFFFFFA0]  }
0x2f7: {  	[tilespmem:v38+s20+$0x0] =	vst.idx.msk $0xffff, v60;
	v38 =	vadd.s32 v24, v43  }
0x2f8: {  	v40 =	vadd.s32 v11, v47;
	[tilespmem:v56+s20+$0x0] =	vst.idx.msk $0xffff, v62;
	v55 =	vadd.f32 v58, v34;
	v56 =	vld [tilespmem:s13+$0x30]  }
0x2f9: {  	s19 =	simm.s32 $0x6;
	v57 =	vadd.f32 v51, v35;
	v50 =	vld [tilespmem:s8+$0xFFFFFF60]  }
0x2fa: {  	v39 =	vadd.s32 v20, v46;
	v58 =	vmov s19;
	[tilespmem:v59+s20+$0x0] =	vst.idx.msk $0xffff, v55;
	v41 =	vadd.f32 v41, v33  }
0x2fb: {  	s21 =	simm.s32 $0xD;
	v46 =	vadd.s32 v7, v37;
	v59 =	vshrl.u32 v58, $0x3;
	[tilespmem:v61+s20+$0x0] =	vst.idx.msk $0xffff, v57;
	v60 =	vadd.f32 v63, v34;
	v61 =	vld [tilespmem:s14+$0xFFFFFFF0]  }
0x2fc: {  	v45 =	vadd.s32 v3, v42;
	v62 =	vmov s21;
	v43 =	vshll.u32 v59, v1;
	v53 =	vld [tilespmem:s26+$0xFFFFFF20];
	[tilespmem:v38+s20+$0x0] =	vst.idx.msk $0xffff, v41  }
0x2fd: {  	s11 =	simm.s32 $0x14;
	[tilespmem:v40+s20+$0x0] =	vst.idx.msk $0xffff, v60;
	v43 =	vbroadcast v43, $0x0;
	v38 =	vadd.s32 v16, v44;
	v56 =	vadd.f32 v56, v33;
	v41 =	vld [tilespmem:s12+$0x80]  }
0x2fe: {  	v63 =	vmov s11;
	v57 =	vshrl.u32 v62, $0x3;
	v58 =	vadd.f32 v50, v34;
	v59 =	vld [tilespmem:s5+$0xFFFFFFB0]  }
0x2ff: {  	v60 =	vshrl.u32 v63, $0x3;
	v44 =	vshll.u32 v57, v1;
	[tilespmem:v39+s20+$0x0] =	vst.idx.msk $0xffff, v56;
	v39 =	vadd.s32 v25, v43  }
0x300: {  	v40 =	vadd.s32 v12, v47;
	v44 =	vbroadcast v44, $0x0;
	[tilespmem:v46+s20+$0x0] =	vst.idx.msk $0xffff, v58;
	v61 =	vadd.f32 v61, v33;
	v62 =	vld [tilespmem:s13+$0x40]  }
0x301: {  	s15 =	simm.s32 $0x1B;
	v37 =	vadd.s32 v8, v37;
	v56 =	vshll.u32 v60, v1;
	v57 =	vadd.f32 v53, v34;
	v58 =	vld [tilespmem:s8+$0xFFFFFF70]  }
0x302: {  	v63 =	vmov s15;
	[tilespmem:v38+s20+$0x0] =	vst.idx.msk $0xffff, v61;
	v38 =	vadd.s32 v21, v44;
	v41 =	vadd.f32 v41, v36  }
0x303: {  	s16 =	simm.s32 $0x22;
	v48 =	vshrl.u32 v63, $0x3;
	v49 =	vbroadcast v56, $0x0;
	[tilespmem:v45+s20+$0x0] =	vst.idx.msk $0xffff, v57;
	v59 =	vadd.f32 v59, v33;
	v46 =	vld [tilespmem:s14+$0x0]  }
0x304: {  	v48 =	vshll.u32 v48, v1;
	v60 =	vmov s16;
	v51 =	vld [tilespmem:s26+$0xFFFFFF30];
	[tilespmem:v39+s20+$0x0] =	vst.idx.msk $0xffff, v41  }
0x305: {  	v48 =	vbroadcast v48, $0x0;
	[tilespmem:v40+s20+$0x0] =	vst.idx.msk $0xffff, v59;
	v40 =	vadd.s32 v17, v49;
	v62 =	vadd.f32 v62, v36;
	v63 =	vld [tilespmem:s12+$0x90]  }
0x306: {  	s18 =	simm.s32 $0x29;
	v42 =	vadd.s32 v4, v42;
	v61 =	vshrl.u32 v60, $0x3;
	v56 =	vadd.f32 v58, v33;
	v57 =	vld [tilespmem:s5+$0xFFFFFFC0]  }
0x307: {  	v60 =	vadd.s32 v13, v48;
	v58 =	vmov s18;
	[tilespmem:v38+s20+$0x0] =	vst.idx.msk $0xffff, v62;
	v38 =	vadd.s32 v26, v43  }
0x308: {  	v39 =	vshll.u32 v61, v1;
	v59 =	vshrl.u32 v58, $0x3;
	[tilespmem:v37+s20+$0x0] =	vst.idx.msk $0xffff, v56;
	v46 =	vadd.f32 v46, v36;
	v61 =	vld [tilespmem:s13+$0x50]  }
0x309: {  	v39 =	vbroadcast v39, $0x0;
	v41 =	vshll.u32 v59, v1;
	v51 =	vadd.f32 v51, v33;
	v62 =	vld [tilespmem:s8+$0xFFFFFF80]  }
0x30a: {  	[tilespmem:v40+s20+$0x0] =	vst.idx.msk $0xffff, v46;
	v40 =	vadd.s32 v22, v44;
	v45 =	vadd.f32 v63, v35  }
0x30b: {  	s9 =	simm.s32 $0x30;
	[tilespmem:v42+s20+$0x0] =	vst.idx.msk $0xffff, v51;
	v42 =	vadd.s32 v9, v39;
	v63 =	vadd.f32 v57, v36;
	v50 =	vld [tilespmem:s14+$0x10]  }
0x30c: {  	v54 =	vbroadcast v41, $0x0;
	v57 =	vmov s9;
	v58 =	vld [tilespmem:s26+$0xFFFFFF40];
	[tilespmem:v38+s20+$0x0] =	vst.idx.msk $0xffff, v45  }
0x30d: {  	v37 =	vadd.s32 v18, v49;
	v59 =	vshrl.u32 v57, $0x3;
	[tilespmem:v60+s20+$0x0] =	vst.idx.msk $0xffff, v63;
	v60 =	vadd.f32 v61, v35;
	v45 =	vld [tilespmem:s12+$0xA0]  }
0x30e: {  	s11 =	simm.s32 $0xC300;
	v46 =	vadd.s32 v5, v54;
	v38 =	vshll.u32 v59, v1;
	v61 =	vadd.f32 v62, v36;
	v62 =	vld [tilespmem:s5+$0xFFFFFFD0]  }
0x30f: {  	v63 =	vld [tilespmem:s11+$0xFFFFFF00];
	v55 =	vbroadcast v38, $0x0;
	v38 =	vadd.s32 v27, v43;
	[tilespmem:v40+s20+$0x0] =	vst.idx.msk $0xffff, v60  }
0x310: {  	[tilespmem:v42+s20+$0x0] =	vst.idx.msk $0xffff, v61;
	v40 =	vadd.s32 v14, v48;
	v57 =	vadd.f32 v50, v35;
	v42 =	vld [tilespmem:s13+$0x60]  }
0x311: {  	v47 =	vadd.s32 v0, v55;
	v58 =	vadd.f32 v58, v36;
	v59 =	vld [tilespmem:s8+$0xFFFFFF90]  }
0x312: {  	[tilespmem:v37+s20+$0x0] =	vst.idx.msk $0xffff, v57;
	v37 =	vadd.s32 v23, v44;
	v60 =	vadd.f32 v45, v34  }
0x313: {  	[tilespmem:v46+s20+$0x0] =	vst.idx.msk $0xffff, v58;
	v45 =	vadd.s32 v10, v39;
	v61 =	vadd.f32 v62, v35;
	v62 =	vld [tilespmem:s14+$0x20]  }
0x314: {  	v41 =	vadd.s32 v15, v48;
	v63 =	vadd.f32 v63, v36;
	v56 =	vld [tilespmem:s26+$0xFFFFFF50];
	[tilespmem:v38+s20+$0x0] =	vst.idx.msk $0xffff, v60  }
0x315: {  	s15 =	simm.s32 $0x7;
	[tilespmem:v40+s20+$0x0] =	vst.idx.msk $0xffff, v61;
	v40 =	vadd.s32 v19, v49;
	v58 =	vadd.f32 v42, v34;
	v42 =	vld [tilespmem:s12+$0xB0]  }
0x316: {  	v57 =	vmov s15;
	v46 =	vadd.s32 v6, v54;
	[tilespmem:v47+s20+$0x0] =	vst.idx.msk $0xffff, v63;
	v59 =	vadd.f32 v59, v35;
	v60 =	vld [tilespmem:s5+$0xFFFFFFE0]  }
0x317: {  	s16 =	simm.s32 $0x15;
	v38 =	vshrl.u32 v57, $0x3;
	v63 =	vadd.s32 v2, v55;
	v53 =	vld [tilespmem:s11+$0xFFFFFF10];
	[tilespmem:v37+s20+$0x0] =	vst.idx.msk $0xffff, v58;
	v37 =	vadd.s32 v28, v43  }
0x318: {  	s21 =	simm.s32 $0x1C;
	v57 =	vmov s16;
	v38 =	vshll.u32 v38, v1;
	[tilespmem:v45+s20+$0x0] =	vst.idx.msk $0xffff, v59;
	v61 =	vadd.f32 v62, v34;
	v45 =	vld [tilespmem:s13+$0x70]  }
0x319: {  	s19 =	simm.s32 $0xE;
	v58 =	vmov s21;
	v43 =	vadd.s32 v11, v39;
	v52 =	vadd.f32 v56, v35;
	v56 =	vld [tilespmem:s8+$0xFFFFFFA0]  }
0x31a: {  	v62 =	vmov s19;
	[tilespmem:v40+s20+$0x0] =	vst.idx.msk $0xffff, v61;
	v40 =	vadd.s32 v24, v44;
	v42 =	vadd.f32 v42, v33  }
0x31b: {  	s16 =	simm.s32 $0x23;
	v39 =	vadd.s32 v12, v39;
	v47 =	vshrl.u32 v62, $0x3;
	[tilespmem:v46+s20+$0x0] =	vst.idx.msk $0xffff, v52;
	v60 =	vadd.f32 v60, v34;
	v46 =	vld [tilespmem:s14+$0x30]  }
0x31c: {  	v47 =	vshll.u32 v47, v1;
	v61 =	vadd.f32 v53, v35;
	v52 =	vld [tilespmem:s26+$0xFFFFFF60];
	v53 =	vmov s16;
	[tilespmem:v37+s20+$0x0] =	vst.idx.msk $0xffff, v42  }
0x31d: {  	[tilespmem:v41+s20+$0x0] =	vst.idx.msk $0xffff, v60;
	v41 =	vadd.s32 v20, v49;
	v62 =	vadd.f32 v45, v33;
	v37 =	vbroadcast v38, $0x0;
	v44 =	vld [tilespmem:s12+$0xC0]  }
0x31e: {  	[tilespmem:v63+s20+$0x0] =	vst.idx.msk $0xffff, v61;
	v45 =	vadd.s32 v7, v54;
	v60 =	vshrl.u32 v57, $0x3;
	v63 =	vadd.f32 v56, v34;
	v49 =	vld [tilespmem:s5+$0xFFFFFFF0]  }
0x31f: {  	v61 =	vshrl.u32 v58, $0x3;
	v42 =	vadd.s32 v16, v48;
	v51 =	vld [tilespmem:s11+$0xFFFFFF20];
	[tilespmem:v40+s20+$0x0] =	vst.idx.msk $0xffff, v62;
	v40 =	vadd.s32 v29, v37  }
0x320: {  	v38 =	vbroadcast v47, $0x0;
	v47 =	vadd.s32 v3, v55;
	[tilespmem:v43+s20+$0x0] =	vst.idx.msk $0xffff, v63;
	v62 =	vadd.f32 v46, v33;
	v46 =	vld [tilespmem:s13+$0x80]  }
0x321: {  	s18 =	simm.s32 $0x2A;
	v50 =	vshll.u32 v60, v1;
	v56 =	vshll.u32 v61, v1;
	v63 =	vadd.f32 v52, v34;
	v60 =	vld [tilespmem:s8+$0xFFFFFFB0]  }
0x322: {  	v58 =	vmov s18;
	v57 =	vadd.s32 v25, v38;
	[tilespmem:v41+s20+$0x0] =	vst.idx.msk $0xffff, v62;
	v61 =	vadd.f32 v44, v36  }
0x323: {  	v55 =	vadd.s32 v4, v55;
	[tilespmem:v45+s20+$0x0] =	vst.idx.msk $0xffff, v63;
	v41 =	vbroadcast v50, $0x0;
	v62 =	vadd.f32 v49, v33;
	v45 =	vld [tilespmem:s14+$0x40]  }
0x324: {  	v59 =	vshrl.u32 v58, $0x3;
	v58 =	vadd.s32 v26, v38;
	v63 =	vadd.f32 v51, v34;
	v49 =	vld [tilespmem:s26+$0xFFFFFF70];
	[tilespmem:v40+s20+$0x0] =	vst.idx.msk $0xffff, v61  }
0x325: {  	v53 =	vshrl.u32 v53, $0x3;
	[tilespmem:v42+s20+$0x0] =	vst.idx.msk $0xffff, v62;
	v42 =	vadd.s32 v21, v41;
	v62 =	vadd.f32 v46, v36;
	v46 =	vld [tilespmem:s12+$0xD0]  }
0x326: {  	v43 =	vbroadcast v56, $0x0;
	[tilespmem:v47+s20+$0x0] =	vst.idx.msk $0xffff, v63;
	v47 =	vadd.s32 v8, v54;
	v63 =	vadd.f32 v60, v33;
	v60 =	vld [tilespmem:s5+$0x0]  }
0x327: {  	v51 =	vshll.u32 v53, v1;
	v54 =	vadd.s32 v30, v37;
	v61 =	vld [tilespmem:s11+$0xFFFFFF30];
	[tilespmem:v57+s20+$0x0] =	vst.idx.msk $0xffff, v62  }
0x328: {  	s18 =	simm.s32 $0x38;
	[tilespmem:v39+s20+$0x0] =	vst.idx.msk $0xffff, v63;
	v39 =	vadd.s32 v17, v43;
	v45 =	vadd.f32 v45, v36;
	v48 =	vld [tilespmem:s13+$0x90]  }
0x329: {  	s19 =	simm.s32 $0x31;
	v56 =	vmov s18;
	v44 =	vbroadcast v51, $0x0;
	v49 =	vadd.f32 v49, v33;
	v57 =	vld [tilespmem:s8+$0xFFFFFFC0]  }
0x32a: {  	v40 =	vshll.u32 v59, v1;
	v62 =	vmov s19;
	[tilespmem:v42+s20+$0x0] =	vst.idx.msk $0xffff, v45;
	v63 =	vadd.f32 v46, v35  }
0x32b: {  	v50 =	vadd.s32 v13, v44;
	v59 =	vshrl.u32 v62, $0x3;
	[tilespmem:v47+s20+$0x0] =	vst.idx.msk $0xffff, v49;
	v60 =	vadd.f32 v60, v36;
	v46 =	vld [tilespmem:s14+$0x50]  }
0x32c: {  	s21 =	simm.s32 $0xF;
	v59 =	vshll.u32 v59, v1;
	v47 =	vbroadcast v40, $0x0;
	v61 =	vadd.f32 v61, v33;
	v52 =	vld [tilespmem:s26+$0xFFFFFF80];
	[tilespmem:v54+s20+$0x0] =	vst.idx.msk $0xffff, v63  }
0x32d: {  	v45 =	vadd.s32 v22, v41;
	v42 =	vmov s21;
	[tilespmem:v39+s20+$0x0] =	vst.idx.msk $0xffff, v60;
	v62 =	vadd.f32 v48, v35;
	v39 =	vld [tilespmem:s12+$0xE0]  }
0x32e: {  	v53 =	vadd.s32 v9, v47;
	v63 =	vshrl.u32 v56, $0x3;
	[tilespmem:v55+s20+$0x0] =	vst.idx.msk $0xffff, v61;
	v51 =	vadd.f32 v57, v36;
	v48 =	vld [tilespmem:s5+$0x10]  }
0x32f: {  	s30 =	sshrl.u32 s10, $0x5;
	s15 =	simm.s32 $0xC300;
	s16 =	simm.s32 $0x40;
	v49 =	vbroadcast v59, $0x0;
	v40 =	vadd.s32 v31, v37;
	v55 =	vshll.u32 v63, v1;
	v54 =	vld [tilespmem:s11+$0xFFFFFF40];
	[tilespmem:v58+s20+$0x0] =	vst.idx.msk $0xffff, v62  }
.LBB2_7:
0x330: {  	p1 =	slt.u32 s16, $0x78;
	[tilespmem:v50+s20+$0x0] =	vst.idx.msk $0xffff, v51;
	v50 =	vadd.s32 v18, v43;
	v46 =	vadd.f32 v46, v35;
	v51 =	vld [tilespmem:s13+$0xA0];
	v42 =	vshrl.u32 v42, $0x3  }
0x331: {  	s11 =	sadd.s32 $0x200, s11;
	v56 =	vadd.s32 v5, v49;
	v52 =	vadd.f32 v52, v36;
	v57 =	vld [tilespmem:s8+$0xFFFFFFD0];
	v58 =	vshll.u32 v42, v1  }
0x332: {  	v42 =	vbroadcast v55, $0x0;
	v59 =	vld [tilespmem:s11+$0xFFFFFF00];
	[tilespmem:v45+s20+$0x0] =	vst.idx.msk $0xffff, v46;
	v45 =	vadd.s32 v27, v38;
	v39 =	vadd.f32 v39, v34  }
0x333: {  	v46 =	vadd.s32 v14, v44;
	[tilespmem:v53+s20+$0x0] =	vst.idx.msk $0xffff, v52;
	v48 =	vadd.f32 v48, v35;
	v52 =	vld [tilespmem:s14+$0x60]  }
0x334: {  	v53 =	vadd.s32 v0, v42;
	v54 =	vadd.f32 v54, v36;
	v55 =	vld [tilespmem:s26+$0xFFFFFF90];
	[tilespmem:v40+s20+$0x0] =	vst.idx.msk $0xffff, v39  }
0x335: {  	v39 =	vadd.s32 v23, v41;
	[tilespmem:v50+s20+$0x0] =	vst.idx.msk $0xffff, v48;
	v40 =	vadd.f32 v51, v34;
	v48 =	vld [tilespmem:s12+$0xF0];
	s12 =	smov.u32 s13;
	s13 =	smov.u32 s14;
	s14 =	smov.u32 s5  }
0x336: {  	v50 =	vadd.s32 v10, v47;
	s5 =	smov.u32 s8;
	s8 =	smov.u32 s26;
	s26 =	smov.u32 s15;
	[tilespmem:v56+s20+$0x0] =	vst.idx.msk $0xffff, v54;
	v51 =	vadd.f32 v57, v35;
	v54 =	vld [tilespmem:s14+$0x20]  }
0x337: {  	v37 =	vadd.s32 v32, v37;
	s15 =	smov.u32 s11;
	v56 =	vadd.f32 v59, v36;
	v57 =	vld [tilespmem:s26+$0xFFFFFF50];
	[tilespmem:v45+s20+$0x0] =	vst.idx.msk $0xffff, v40  }
0x338: {  	v40 =	vadd.s32 v19, v43;
	[tilespmem:v46+s20+$0x0] =	vst.idx.msk $0xffff, v51;
	v45 =	vadd.f32 v52, v34;
	v46 =	vld [tilespmem:s12+$0xB0]  }
0x339: {  	v51 =	vadd.s32 v6, v49;
	[tilespmem:v53+s20+$0x0] =	vst.idx.msk $0xffff, v56;
	v52 =	vadd.f32 v55, v35;
	v53 =	vld [tilespmem:s5+$0xFFFFFFE0]  }
0x33a: {  	s19 =	sadd.s32 $0x6, s7;
	v38 =	vadd.s32 v28, v38;
	v55 =	vld [tilespmem:s11+$0xFFFFFF10];
	[tilespmem:v39+s20+$0x0] =	vst.idx.msk $0xffff, v45;
	v39 =	vadd.f32 v48, v33  }
0x33b: {  	s21 =	sadd.s32 $0x5, s25;
	v45 =	vadd.s32 v15, v44;
	[tilespmem:v50+s20+$0x0] =	vst.idx.msk $0xffff, v52;
	v48 =	vadd.f32 v54, v34;
	v50 =	vld [tilespmem:s13+$0x70];
	v52 =	vmov s19  }
0x33c: {  	v59 =	vmov s21;
	v54 =	vadd.s32 v2, v42;
	s19 =	sadd.s32 $0x4, s28;
	v56 =	vadd.f32 v57, v35;
	v57 =	vld [tilespmem:s8+$0xFFFFFFA0];
	[tilespmem:v37+s20+$0x0] =	vst.idx.msk $0xffff, v39  }
0x33d: {  	v39 =	vmov s19;
	[tilespmem:v40+s20+$0x0] =	vst.idx.msk $0xffff, v48;
	v40 =	vadd.s32 v24, v41;
	v37 =	vadd.f32 v46, v33  }
0x33e: {  	s19 =	sadd.s32 $0x3, s29;
	v41 =	vadd.s32 v11, v47;
	[tilespmem:v51+s20+$0x0] =	vst.idx.msk $0xffff, v56;
	v46 =	vadd.f32 v53, v34;
	v48 =	vld [tilespmem:s14+$0x30];
	v51 =	vshrl.u32 v52, $0x3  }
0x33f: {  	v52 =	vadd.f32 v55, v35;
	v53 =	vld [tilespmem:s26+$0xFFFFFF60];
	v55 =	vmov s19;
	v51 =	vshll.u32 v51, v1;
	[tilespmem:v38+s20+$0x0] =	vst.idx.msk $0xffff, v37  }
0x340: {  	v43 =	vadd.s32 v20, v43;
	v37 =	vbroadcast v58, $0x0;
	[tilespmem:v45+s20+$0x0] =	vst.idx.msk $0xffff, v46;
	v38 =	vadd.f32 v50, v33;
	v45 =	vld [tilespmem:s12+$0xC0]  }
0x341: {  	v46 =	vadd.s32 v7, v49;
	[tilespmem:v54+s20+$0x0] =	vst.idx.msk $0xffff, v52;
	v50 =	vadd.f32 v57, v34;
	v52 =	vld [tilespmem:s5+$0xFFFFFFF0];
	v54 =	vshrl.u32 v59, $0x3  }
0x342: {  	v39 =	vshrl.u32 v39, $0x3;
	v56 =	vld [tilespmem:s11+$0xFFFFFF20];
	v54 =	vshll.u32 v54, v1;
	[tilespmem:v40+s20+$0x0] =	vst.idx.msk $0xffff, v38;
	v40 =	vadd.s32 v29, v37  }
0x343: {  	v44 =	vadd.s32 v16, v44;
	v38 =	vbroadcast v51, $0x0;
	[tilespmem:v41+s20+$0x0] =	vst.idx.msk $0xffff, v50;
	v41 =	vadd.f32 v48, v33;
	v48 =	vld [tilespmem:s13+$0x80]  }
0x344: {  	v39 =	vshll.u32 v39, v1;
	v50 =	vadd.s32 v3, v42;
	v51 =	vadd.f32 v53, v34;
	v53 =	vld [tilespmem:s8+$0xFFFFFFB0]  }
0x345: {  	v55 =	vshrl.u32 v55, $0x3;
	v57 =	vadd.s32 v25, v38;
	[tilespmem:v43+s20+$0x0] =	vst.idx.msk $0xffff, v41;
	v43 =	vadd.f32 v45, v36  }
0x346: {  	s19 =	sadd.s32 $0x2, s9;
	v45 =	vadd.s32 v12, v47;
	v41 =	vbroadcast v54, $0x0;
	[tilespmem:v46+s20+$0x0] =	vst.idx.msk $0xffff, v51;
	v46 =	vadd.f32 v52, v33;
	v47 =	vld [tilespmem:s14+$0x40]  }
0x347: {  	v55 =	vshll.u32 v55, v1;
	v54 =	vmov s19;
	v51 =	vadd.f32 v56, v34;
	v52 =	vld [tilespmem:s26+$0xFFFFFF70];
	[tilespmem:v40+s20+$0x0] =	vst.idx.msk $0xffff, v43  }
0x348: {  	v40 =	vshrl.u32 v54, $0x3;
	[tilespmem:v44+s20+$0x0] =	vst.idx.msk $0xffff, v46;
	v46 =	vadd.s32 v21, v41;
	v44 =	vadd.f32 v48, v36;
	v48 =	vld [tilespmem:s12+$0xD0]  }
0x349: {  	v49 =	vadd.s32 v8, v49;
	v43 =	vbroadcast v39, $0x0;
	[tilespmem:v50+s20+$0x0] =	vst.idx.msk $0xffff, v51;
	v50 =	vadd.f32 v53, v33;
	v51 =	vld [tilespmem:s5+$0x0]  }
0x34a: {  	v40 =	vshll.u32 v40, v1;
	v53 =	vadd.s32 v30, v37;
	v39 =	vld [tilespmem:s11+$0xFFFFFF30];
	[tilespmem:v57+s20+$0x0] =	vst.idx.msk $0xffff, v44  }
0x34b: {  	v54 =	vmov s16;
	[tilespmem:v45+s20+$0x0] =	vst.idx.msk $0xffff, v50;
	v45 =	vadd.s32 v17, v43;
	v47 =	vadd.f32 v47, v36;
	v56 =	vld [tilespmem:s13+$0x90]  }
0x34c: {  	s19 =	sadd.s32 $0x1, s18;
	v57 =	vadd.s32 v4, v42;
	v44 =	vbroadcast v55, $0x0;
	v42 =	vadd.f32 v52, v33;
	v58 =	vld [tilespmem:s8+$0xFFFFFFC0]  }
0x34d: {  	v59 =	vadd.s32 v26, v38;
	v50 =	vmov s19;
	[tilespmem:v46+s20+$0x0] =	vst.idx.msk $0xffff, v47;
	v48 =	vadd.f32 v48, v35  }
.Ltmp4:
0x34e: {  	v47 =	vshrl.u32 v50, $0x3;
	v50 =	vadd.s32 v13, v44;
	[tilespmem:v49+s20+$0x0] =	vst.idx.msk $0xffff, v42;
	v42 =	vadd.f32 v51, v36;
	v46 =	vld [tilespmem:s14+$0x50];
	(pc) =	sbr.rel @p1 .LBB2_7-.Ltmp4, $4  }
0x34f: {  	s19 =	sadd.s32 $0x7, s7;
	s7 =	smov.u32 s25;
	s25 =	smov.u32 s28;
	v60 =	vshll.u32 v47, v1;
	v47 =	vbroadcast v40, $0x0;
	v49 =	vadd.f32 v39, v33;
	v52 =	vld [tilespmem:s26+$0xFFFFFF80];
	[tilespmem:v53+s20+$0x0] =	vst.idx.msk $0xffff, v48  }
0x350: {  	s28 =	smov.u32 s29;
	s29 =	smov.u32 s9;
	s9 =	smov.u32 s18;
	[tilespmem:v45+s20+$0x0] =	vst.idx.msk $0xffff, v42;
	v45 =	vadd.s32 v22, v41;
	v40 =	vadd.f32 v56, v35;
	v42 =	vmov s19;
	v39 =	vld [tilespmem:s12+$0xE0]  }
0x351: {  	v54 =	vshrl.u32 v54, $0x3;
	s18 =	smov.u32 s16;
	v53 =	vadd.s32 v9, v47;
	[tilespmem:v57+s20+$0x0] =	vst.idx.msk $0xffff, v49;
	v51 =	vadd.f32 v58, v36;
	v48 =	vld [tilespmem:s5+$0x10]  }
0x352: {  	v55 =	vshll.u32 v54, v1;
	s16 =	sadd.s32 $0x8, s16;
	v49 =	vbroadcast v60, $0x0;
	v54 =	vld [tilespmem:s11+$0xFFFFFF40];
	[tilespmem:v59+s20+$0x0] =	vst.idx.msk $0xffff, v40;
	v40 =	vadd.s32 v31, v37  }
0x353: {  	s11 =	sadd.s32 $0x200, s11  }
0x354: {  	v55 =	vbroadcast v55, $0x0;
	v56 =	vld [tilespmem:s11+$0xFFFFFF00];
	_ =	sdelay $0x1  }
0x355: {  	v57 =	vadd.s32 v0, v55;
	_ =	sdelay $0x2  }
0x356: {  	v56 =	vadd.f32 v56, v36;
	_ =	sdelay $0x1  }
0x357: {  	[tilespmem:v57+s20+$0x0] =	vst.idx.msk $0xffff, v56  }
0x358: {  	v56 =	vld [tilespmem:s11+$0xFFFFFF10];
	_ =	sdelay $0x1  }
0x359: {  	v62 =	vadd.s32 v2, v55;
	_ =	sdelay $0x2  }
0x35a: {  	v56 =	vadd.f32 v56, v35;
	_ =	sdelay $0x1  }
0x35b: {  	[tilespmem:v62+s20+$0x0] =	vst.idx.msk $0xffff, v56  }
0x35c: {  	v56 =	vld [tilespmem:s11+$0xFFFFFF20];
	_ =	sdelay $0x1  }
0x35d: {  	v63 =	vadd.s32 v3, v55;
	_ =	sdelay $0x2  }
0x35e: {  	v56 =	vadd.f32 v56, v34;
	_ =	sdelay $0x1  }
0x35f: {  	[tilespmem:v63+s20+$0x0] =	vst.idx.msk $0xffff, v56  }
0x360: {  	v56 =	vld [tilespmem:s11+$0xFFFFFF30];
	_ =	sdelay $0x1  }
0x361: {  	v55 =	vadd.s32 v4, v55;
	_ =	sdelay $0x1  }
0x362: {  	s16 =	sadd.s32 $0x1, s18  }
0x363: {  	v60 =	vmov s16;
	v56 =	vadd.f32 v56, v33  }
0x364: {  	v57 =	vshrl.u32 v60, $0x3  }
0x365: {  	v57 =	vshll.u32 v57, v1;
	[tilespmem:v55+s20+$0x0] =	vst.idx.msk $0xffff, v56  }
0x366: {  	v56 =	vbroadcast v57, $0x0;
	v55 =	vld [tilespmem:s11+$0xFFFFFF40]  }
0x367: {  	v61 =	vadd.s32 v5, v49  }
0x368: {  	v58 =	vadd.s32 v5, v56;
	_ =	sdelay $0x1  }
0x369: {  	v54 =	vadd.f32 v54, v36  }
0x36a: {  	v55 =	vadd.f32 v55, v36  }
0x36b: {  	[tilespmem:v61+s20+$0x0] =	vst.idx.msk $0xffff, v54  }
0x36c: {  	v54 =	vld [tilespmem:s15+$0xFFFFFF50];
	[tilespmem:v58+s20+$0x0] =	vst.idx.msk $0xffff, v55  }
0x36d: {  	v55 =	vld [tilespmem:s11+$0xFFFFFF50]  }
0x36e: {  	v62 =	vadd.s32 v6, v49  }
0x36f: {  	v63 =	vadd.s32 v6, v56;
	_ =	sdelay $0x1  }
0x370: {  	v54 =	vadd.f32 v54, v35  }
0x371: {  	v55 =	vadd.f32 v55, v35  }
0x372: {  	[tilespmem:v62+s20+$0x0] =	vst.idx.msk $0xffff, v54  }
0x373: {  	v54 =	vld [tilespmem:s15+$0xFFFFFF60];
	[tilespmem:v63+s20+$0x0] =	vst.idx.msk $0xffff, v55  }
0x374: {  	v55 =	vld [tilespmem:s11+$0xFFFFFF60]  }
0x375: {  	v60 =	vadd.s32 v7, v49  }
0x376: {  	v61 =	vadd.s32 v7, v56;
	_ =	sdelay $0x1  }
0x377: {  	v54 =	vadd.f32 v54, v34  }
0x378: {  	v55 =	vadd.f32 v55, v34  }
0x379: {  	[tilespmem:v60+s20+$0x0] =	vst.idx.msk $0xffff, v54  }
0x37a: {  	v54 =	vld [tilespmem:s15+$0xFFFFFF70];
	[tilespmem:v61+s20+$0x0] =	vst.idx.msk $0xffff, v55  }
0x37b: {  	v55 =	vld [tilespmem:s11+$0xFFFFFF70]  }
0x37c: {  	v62 =	vadd.s32 v8, v49  }
0x37d: {  	v56 =	vadd.s32 v8, v56  }
0x37e: {  	s19 =	sadd.s32 $0x2, s9  }
0x37f: {  	s21 =	sadd.s32 $0x2, s18;
	v54 =	vadd.f32 v54, v33;
	v63 =	vmov s19  }
0x380: {  	v60 =	vmov s21;
	v57 =	vshrl.u32 v63, $0x3;
	v55 =	vadd.f32 v55, v33  }
0x381: {  	[tilespmem:v62+s20+$0x0] =	vst.idx.msk $0xffff, v54;
	v57 =	vshll.u32 v57, v1;
	v61 =	vshrl.u32 v60, $0x3  }
0x382: {  	v54 =	vld [tilespmem:s15+$0xFFFFFF80];
	v57 =	vbroadcast v57, $0x0;
	v49 =	vshll.u32 v61, v1;
	[tilespmem:v56+s20+$0x0] =	vst.idx.msk $0xffff, v55  }
0x383: {  	v49 =	vbroadcast v49, $0x0;
	v55 =	vld [tilespmem:s11+$0xFFFFFF80]  }
0x384: {  	v62 =	vadd.s32 v9, v57  }
0x385: {  	v52 =	vadd.f32 v52, v36;
	v63 =	vadd.s32 v9, v49;
	_ =	sdelay $0x1  }
0x386: {  	[tilespmem:v53+s20+$0x0] =	vst.idx.msk $0xffff, v52;
	v54 =	vadd.f32 v54, v36  }
0x387: {  	v53 =	vld [tilespmem:s26+$0xFFFFFF90];
	v59 =	vadd.f32 v55, v36  }
0x388: {  	[tilespmem:v62+s20+$0x0] =	vst.idx.msk $0xffff, v54  }
0x389: {  	v60 =	vadd.s32 v10, v47;
	v54 =	vld [tilespmem:s15+$0xFFFFFF90];
	[tilespmem:v63+s20+$0x0] =	vst.idx.msk $0xffff, v59  }
0x38a: {  	v61 =	vld [tilespmem:s11+$0xFFFFFF90]  }
0x38b: {  	v62 =	vadd.s32 v10, v57  }
0x38c: {  	v53 =	vadd.f32 v53, v35;
	v63 =	vadd.s32 v10, v49;
	_ =	sdelay $0x1  }
0x38d: {  	[tilespmem:v60+s20+$0x0] =	vst.idx.msk $0xffff, v53;
	v54 =	vadd.f32 v54, v35  }
0x38e: {  	v53 =	vld [tilespmem:s26+$0xFFFFFFA0];
	v59 =	vadd.f32 v61, v35  }
0x38f: {  	[tilespmem:v62+s20+$0x0] =	vst.idx.msk $0xffff, v54  }
0x390: {  	v60 =	vadd.s32 v11, v47;
	v54 =	vld [tilespmem:s15+$0xFFFFFFA0];
	[tilespmem:v63+s20+$0x0] =	vst.idx.msk $0xffff, v59  }
0x391: {  	v61 =	vld [tilespmem:s11+$0xFFFFFFA0]  }
0x392: {  	v62 =	vadd.s32 v11, v57  }
0x393: {  	v53 =	vadd.f32 v53, v34;
	v63 =	vadd.s32 v11, v49;
	_ =	sdelay $0x1  }
0x394: {  	[tilespmem:v60+s20+$0x0] =	vst.idx.msk $0xffff, v53;
	v54 =	vadd.f32 v54, v34  }
0x395: {  	v53 =	vld [tilespmem:s26+$0xFFFFFFB0];
	v59 =	vadd.f32 v61, v34  }
0x396: {  	[tilespmem:v62+s20+$0x0] =	vst.idx.msk $0xffff, v54  }
0x397: {  	v60 =	vadd.s32 v12, v47;
	v54 =	vld [tilespmem:s15+$0xFFFFFFB0];
	[tilespmem:v63+s20+$0x0] =	vst.idx.msk $0xffff, v59  }
0x398: {  	v52 =	vld [tilespmem:s11+$0xFFFFFFB0]  }
0x399: {  	v55 =	vadd.s32 v12, v57  }
0x39a: {  	s21 =	sadd.s32 $0x3, s9;
	s19 =	sadd.s32 $0x3, s29;
	v53 =	vadd.f32 v53, v33;
	v49 =	vadd.s32 v12, v49  }
0x39b: {  	v62 =	vmov s21;
	v61 =	vmov s19;
	s19 =	sadd.s32 $0x3, s18  }
0x39c: {  	[tilespmem:v60+s20+$0x0] =	vst.idx.msk $0xffff, v53;
	v54 =	vadd.f32 v54, v33;
	v56 =	vshrl.u32 v61, $0x3;
	v60 =	vmov s19  }
0x39d: {  	v56 =	vshll.u32 v56, v1;
	v63 =	vshrl.u32 v62, $0x3;
	v52 =	vadd.f32 v52, v33  }
0x39e: {  	[tilespmem:v55+s20+$0x0] =	vst.idx.msk $0xffff, v54;
	v61 =	vld [tilespmem:s26+$0xFFFFFFC0];
	v53 =	vshrl.u32 v60, $0x3;
	v56 =	vbroadcast v56, $0x0;
	v47 =	vshll.u32 v63, v1  }
0x39f: {  	v54 =	vld [tilespmem:s15+$0xFFFFFFC0];
	v53 =	vshll.u32 v53, v1;
	v47 =	vbroadcast v47, $0x0;
	[tilespmem:v49+s20+$0x0] =	vst.idx.msk $0xffff, v52  }
0x3a0: {  	v53 =	vbroadcast v53, $0x0;
	v62 =	vadd.s32 v13, v56;
	v52 =	vld [tilespmem:s11+$0xFFFFFFC0]  }
0x3a1: {  	v63 =	vadd.s32 v13, v47  }
0x3a2: {  	v60 =	vadd.s32 v13, v53  }
0x3a3: {  	[tilespmem:v50+s20+$0x0] =	vst.idx.msk $0xffff, v51;
	v57 =	vadd.f32 v61, v36  }
0x3a4: {  	v51 =	vld [tilespmem:s8+$0xFFFFFFD0];
	v61 =	vadd.f32 v54, v36  }
0x3a5: {  	[tilespmem:v62+s20+$0x0] =	vst.idx.msk $0xffff, v57;
	v62 =	vadd.f32 v52, v36  }
0x3a6: {  	v50 =	vadd.s32 v14, v44;
	[tilespmem:v63+s20+$0x0] =	vst.idx.msk $0xffff, v61;
	v52 =	vld [tilespmem:s26+$0xFFFFFFD0]  }
0x3a7: {  	v63 =	vld [tilespmem:s15+$0xFFFFFFD0];
	[tilespmem:v60+s20+$0x0] =	vst.idx.msk $0xffff, v62  }
0x3a8: {  	v49 =	vadd.s32 v14, v56;
	v60 =	vld [tilespmem:s11+$0xFFFFFFD0]  }
0x3a9: {  	v51 =	vadd.f32 v51, v35;
	v61 =	vadd.s32 v14, v47  }
0x3aa: {  	v62 =	vadd.s32 v14, v53  }
0x3ab: {  	[tilespmem:v50+s20+$0x0] =	vst.idx.msk $0xffff, v51;
	v52 =	vadd.f32 v52, v35  }
0x3ac: {  	v51 =	vld [tilespmem:s8+$0xFFFFFFE0];
	v63 =	vadd.f32 v63, v35  }
0x3ad: {  	[tilespmem:v49+s20+$0x0] =	vst.idx.msk $0xffff, v52;
	v59 =	vadd.f32 v60, v35  }
0x3ae: {  	v50 =	vadd.s32 v15, v44;
	[tilespmem:v61+s20+$0x0] =	vst.idx.msk $0xffff, v63;
	v52 =	vld [tilespmem:s26+$0xFFFFFFE0]  }
0x3af: {  	v60 =	vld [tilespmem:s15+$0xFFFFFFE0];
	[tilespmem:v62+s20+$0x0] =	vst.idx.msk $0xffff, v59  }
0x3b0: {  	v61 =	vadd.s32 v15, v56;
	v62 =	vld [tilespmem:s11+$0xFFFFFFE0]  }
0x3b1: {  	v51 =	vadd.f32 v51, v34;
	v63 =	vadd.s32 v15, v47  }
0x3b2: {  	v58 =	vadd.s32 v15, v53  }
0x3b3: {  	[tilespmem:v50+s20+$0x0] =	vst.idx.msk $0xffff, v51;
	v52 =	vadd.f32 v52, v34  }
0x3b4: {  	v51 =	vld [tilespmem:s8+$0xFFFFFFF0];
	v60 =	vadd.f32 v60, v34  }
0x3b5: {  	[tilespmem:v61+s20+$0x0] =	vst.idx.msk $0xffff, v52;
	v61 =	vadd.f32 v62, v34  }
0x3b6: {  	[tilespmem:v63+s20+$0x0] =	vst.idx.msk $0xffff, v60;
	v52 =	vld [tilespmem:s26+$0xFFFFFFF0]  }
0x3b7: {  	s21 =	sadd.s32 $0x4, s28;
	v63 =	vadd.s32 v16, v44;
	v54 =	vld [tilespmem:s15+$0xFFFFFFF0];
	[tilespmem:v58+s20+$0x0] =	vst.idx.msk $0xffff, v61  }
0x3b8: {  	v60 =	vadd.s32 v16, v56;
	v62 =	vmov s21;
	v55 =	vld [tilespmem:s11+$0xFFFFFFF0]  }
0x3b9: {  	v51 =	vadd.f32 v51, v33;
	s19 =	sadd.s32 $0x4, s29;
	v47 =	vadd.s32 v16, v47;
	v59 =	vshrl.u32 v62, $0x3  }
0x3ba: {  	v53 =	vadd.s32 v16, v53;
	v49 =	vshll.u32 v59, v1;
	v61 =	vmov s19  }
0x3bb: {  	s21 =	sadd.s32 $0x4, s9;
	v49 =	vbroadcast v49, $0x0;
	v56 =	vshrl.u32 v61, $0x3;
	v52 =	vadd.f32 v52, v33  }
0x3bc: {  	s19 =	sadd.s32 $0x4, s18;
	[tilespmem:v63+s20+$0x0] =	vst.idx.msk $0xffff, v51;
	v62 =	vshll.u32 v56, v1;
	v63 =	vmov s21;
	v54 =	vadd.f32 v54, v33  }
0x3bd: {  	v56 =	vld [tilespmem:s8+$0x0];
	v59 =	vshrl.u32 v63, $0x3;
	[tilespmem:v60+s20+$0x0] =	vst.idx.msk $0xffff, v52;
	v60 =	vmov s19;
	v61 =	vadd.f32 v55, v33  }
0x3be: {  	v44 =	vbroadcast v62, $0x0;
	v50 =	vshll.u32 v59, v1;
	[tilespmem:v47+s20+$0x0] =	vst.idx.msk $0xffff, v54;
	v55 =	vld [tilespmem:s26+$0x0];
	v62 =	vshrl.u32 v60, $0x3  }
0x3bf: {  	v63 =	vadd.s32 v17, v49;
	v50 =	vbroadcast v50, $0x0;
	v54 =	vld [tilespmem:s15+$0x0];
	v47 =	vshll.u32 v62, v1;
	[tilespmem:v53+s20+$0x0] =	vst.idx.msk $0xffff, v61  }
0x3c0: {  	v60 =	vadd.s32 v17, v44;
	v47 =	vbroadcast v47, $0x0;
	v53 =	vld [tilespmem:s11+$0x0]  }
0x3c1: {  	v61 =	vadd.s32 v17, v50  }
0x3c2: {  	v56 =	vadd.f32 v56, v36;
	v62 =	vadd.s32 v17, v47  }
0x3c3: {  	v55 =	vadd.f32 v55, v36  }
0x3c4: {  	[tilespmem:v63+s20+$0x0] =	vst.idx.msk $0xffff, v56;
	v63 =	vadd.f32 v54, v36  }
0x3c5: {  	v54 =	vadd.s32 v18, v43;
	v56 =	vld [tilespmem:s8+$0x10];
	[tilespmem:v60+s20+$0x0] =	vst.idx.msk $0xffff, v55;
	v60 =	vadd.f32 v53, v36  }
0x3c6: {  	[tilespmem:v61+s20+$0x0] =	vst.idx.msk $0xffff, v63;
	v53 =	vld [tilespmem:s26+$0x10]  }
0x3c7: {  	v51 =	vadd.s32 v18, v49;
	v61 =	vld [tilespmem:s15+$0x10];
	[tilespmem:v62+s20+$0x0] =	vst.idx.msk $0xffff, v60  }
0x3c8: {  	v48 =	vadd.f32 v48, v35;
	v52 =	vadd.s32 v18, v44;
	v62 =	vld [tilespmem:s11+$0x10]  }
0x3c9: {  	v63 =	vadd.s32 v18, v50  }
0x3ca: {  	[tilespmem:v54+s20+$0x0] =	vst.idx.msk $0xffff, v48;
	v60 =	vadd.f32 v56, v35;
	v54 =	vadd.s32 v18, v47  }
0x3cb: {  	v56 =	vld [tilespmem:s5+$0x20];
	v53 =	vadd.f32 v53, v35  }
0x3cc: {  	[tilespmem:v51+s20+$0x0] =	vst.idx.msk $0xffff, v60;
	v61 =	vadd.f32 v61, v35  }
0x3cd: {  	v51 =	vadd.s32 v19, v43;
	v55 =	vld [tilespmem:s8+$0x20];
	[tilespmem:v52+s20+$0x0] =	vst.idx.msk $0xffff, v53;
	v62 =	vadd.f32 v62, v35  }
0x3ce: {  	[tilespmem:v63+s20+$0x0] =	vst.idx.msk $0xffff, v61;
	v53 =	vld [tilespmem:s26+$0x20]  }
0x3cf: {  	v63 =	vadd.s32 v19, v49;
	v60 =	vld [tilespmem:s15+$0x20];
	[tilespmem:v54+s20+$0x0] =	vst.idx.msk $0xffff, v62  }
0x3d0: {  	v61 =	vadd.f32 v56, v34;
	v54 =	vadd.s32 v19, v44;
	v56 =	vld [tilespmem:s11+$0x20]  }
0x3d1: {  	v58 =	vadd.s32 v19, v50  }
0x3d2: {  	v52 =	vadd.s32 v19, v47;
	[tilespmem:v51+s20+$0x0] =	vst.idx.msk $0xffff, v61;
	v62 =	vadd.f32 v55, v34  }
0x3d3: {  	s21 =	sadd.s32 $0x5, s25;
	v55 =	vld [tilespmem:s5+$0x30];
	v53 =	vadd.f32 v53, v34  }
0x3d4: {  	v46 =	vadd.f32 v46, v35;
	v59 =	vmov s21;
	[tilespmem:v63+s20+$0x0] =	vst.idx.msk $0xffff, v62;
	v63 =	vadd.f32 v60, v34  }
0x3d5: {  	v43 =	vadd.s32 v20, v43;
	v60 =	vshrl.u32 v59, $0x3;
	v61 =	vld [tilespmem:s8+$0x30];
	[tilespmem:v54+s20+$0x0] =	vst.idx.msk $0xffff, v53;
	v62 =	vadd.f32 v56, v34  }
0x3d6: {  	v50 =	vadd.s32 v20, v50;
	v51 =	vshll.u32 v60, v1;
	[tilespmem:v58+s20+$0x0] =	vst.idx.msk $0xffff, v63;
	v56 =	vld [tilespmem:s26+$0x30]  }
0x3d7: {  	s19 =	sadd.s32 $0x5, s28;
	v49 =	vadd.s32 v20, v49;
	v47 =	vadd.s32 v20, v47;
	v48 =	vbroadcast v51, $0x0;
	v58 =	vld [tilespmem:s15+$0x30];
	[tilespmem:v52+s20+$0x0] =	vst.idx.msk $0xffff, v62  }
0x3d8: {  	v44 =	vadd.s32 v20, v44;
	v63 =	vmov s19;
	v59 =	vadd.f32 v55, v33;
	v53 =	vld [tilespmem:s11+$0x30]  }
0x3d9: {  	s21 =	sadd.s32 $0x5, s29;
	v54 =	vadd.s32 v23, v41;
	v51 =	vshrl.u32 v63, $0x3;
	v55 =	vadd.s32 v21, v48  }
0x3da: {  	v51 =	vshll.u32 v51, v1;
	[tilespmem:v43+s20+$0x0] =	vst.idx.msk $0xffff, v59;
	v60 =	vadd.f32 v61, v33;
	v61 =	vmov s21  }
0x3db: {  	[tilespmem:v45+s20+$0x0] =	vst.idx.msk $0xffff, v46;
	s19 =	sadd.s32 $0x5, s9;
	v46 =	vbroadcast v51, $0x0;
	v45 =	vld [tilespmem:s5+$0x40];
	v62 =	vshrl.u32 v61, $0x3;
	v63 =	vadd.f32 v56, v33  }
0x3dc: {  	s21 =	sadd.s32 $0x5, s18;
	[tilespmem:v49+s20+$0x0] =	vst.idx.msk $0xffff, v60;
	v43 =	vshll.u32 v62, v1;
	v60 =	vmov s19;
	v56 =	vld [tilespmem:s14+$0x60];
	v51 =	vadd.f32 v58, v33  }
0x3dd: {  	v62 =	vmov s21;
	v57 =	vld [tilespmem:s8+$0x40];
	v61 =	vshrl.u32 v60, $0x3;
	[tilespmem:v44+s20+$0x0] =	vst.idx.msk $0xffff, v63;
	v63 =	vadd.f32 v53, v33  }
0x3de: {  	v58 =	vbroadcast v43, $0x0;
	v60 =	vshll.u32 v61, v1;
	v61 =	vshrl.u32 v62, $0x3;
	[tilespmem:v50+s20+$0x0] =	vst.idx.msk $0xffff, v51;
	v53 =	vld [tilespmem:s26+$0x40]  }
0x3df: {  	v49 =	vadd.s32 v21, v46;
	v51 =	vbroadcast v60, $0x0;
	v62 =	vshll.u32 v61, v1;
	v50 =	vld [tilespmem:s15+$0x40];
	[tilespmem:v47+s20+$0x0] =	vst.idx.msk $0xffff, v63  }
0x3e0: {  	v52 =	vbroadcast v62, $0x0;
	v63 =	vadd.f32 v45, v36;
	v45 =	vadd.s32 v21, v58;
	v47 =	vld [tilespmem:s11+$0x40]  }
0x3e1: {  	v61 =	vadd.s32 v21, v51;
	v60 =	vadd.f32 v56, v34  }
0x3e2: {  	v62 =	vadd.f32 v57, v36;
	[tilespmem:v55+s20+$0x0] =	vst.idx.msk $0xffff, v63;
	v55 =	vadd.s32 v21, v52  }
0x3e3: {  	[tilespmem:v54+s20+$0x0] =	vst.idx.msk $0xffff, v60;
	v63 =	vld [tilespmem:s5+$0x50];
	v53 =	vadd.f32 v53, v36  }
0x3e4: {  	[tilespmem:v49+s20+$0x0] =	vst.idx.msk $0xffff, v62;
	v54 =	vld [tilespmem:s14+$0x70];
	v57 =	vadd.f32 v50, v36  }
0x3e5: {  	v49 =	vadd.s32 v22, v48;
	v50 =	vld [tilespmem:s8+$0x50];
	[tilespmem:v45+s20+$0x0] =	vst.idx.msk $0xffff, v53;
	v59 =	vadd.f32 v47, v36  }
0x3e6: {  	v41 =	vadd.s32 v24, v41;
	[tilespmem:v61+s20+$0x0] =	vst.idx.msk $0xffff, v57;
	v60 =	vld [tilespmem:s26+$0x50]  }
0x3e7: {  	v61 =	vadd.s32 v22, v46;
	v62 =	vld [tilespmem:s15+$0x50];
	[tilespmem:v55+s20+$0x0] =	vst.idx.msk $0xffff, v59  }
0x3e8: {  	v43 =	vadd.f32 v63, v35;
	v63 =	vadd.s32 v22, v58;
	v55 =	vld [tilespmem:s11+$0x50]  }
0x3e9: {  	v56 =	vadd.s32 v22, v51;
	v54 =	vadd.f32 v54, v33  }
0x3ea: {  	v59 =	vadd.f32 v50, v35;
	[tilespmem:v49+s20+$0x0] =	vst.idx.msk $0xffff, v43;
	v49 =	vadd.s32 v22, v52  }
0x3eb: {  	[tilespmem:v41+s20+$0x0] =	vst.idx.msk $0xffff, v54;
	v41 =	vld [tilespmem:s5+$0x60];
	v47 =	vadd.f32 v60, v35  }
0x3ec: {  	v57 =	vld [tilespmem:s13+$0xA0];
	[tilespmem:v61+s20+$0x0] =	vst.idx.msk $0xffff, v59;
	v60 =	vadd.f32 v62, v35  }
0x3ed: {  	s19 =	sadd.s32 $0x6, s7;
	v44 =	vadd.s32 v23, v48;
	v61 =	vld [tilespmem:s8+$0x60];
	[tilespmem:v63+s20+$0x0] =	vst.idx.msk $0xffff, v47;
	v62 =	vadd.f32 v55, v35  }
0x3ee: {  	v63 =	vmov s19;
	[tilespmem:v56+s20+$0x0] =	vst.idx.msk $0xffff, v60;
	v54 =	vld [tilespmem:s26+$0x60]  }
0x3ef: {  	v47 =	vadd.s32 v23, v46;
	v59 =	vshrl.u32 v63, $0x3;
	v55 =	vld [tilespmem:s15+$0x60];
	[tilespmem:v49+s20+$0x0] =	vst.idx.msk $0xffff, v62  }
0x3f0: {  	v43 =	vshll.u32 v59, v1;
	v60 =	vadd.f32 v41, v34;
	v49 =	vadd.s32 v23, v58;
	v56 =	vld [tilespmem:s11+$0x60]  }
0x3f1: {  	v48 =	vadd.s32 v24, v48;
	v50 =	vld [tilespmem:s14+$0x80];
	v41 =	vbroadcast v43, $0x0;
	v43 =	vadd.s32 v23, v51  }
0x3f2: {  	v45 =	vadd.s32 v23, v52;
	[tilespmem:v44+s20+$0x0] =	vst.idx.msk $0xffff, v60;
	v44 =	vadd.f32 v61, v34  }
0x3f3: {  	v53 =	vadd.f32 v57, v34;
	v52 =	vadd.s32 v24, v52;
	v60 =	vld [tilespmem:s5+$0x70];
	v54 =	vadd.f32 v54, v34  }
0x3f4: {  	s21 =	sadd.s32 $0x6, s25;
	v46 =	vadd.s32 v24, v46;
	v62 =	vadd.f32 v55, v34;
	[tilespmem:v47+s20+$0x0] =	vst.idx.msk $0xffff, v44  }
0x3f5: {  	v59 =	vadd.s32 v27, v38;
	v61 =	vmov s21;
	v55 =	vld [tilespmem:s8+$0x70];
	[tilespmem:v49+s20+$0x0] =	vst.idx.msk $0xffff, v54;
	v63 =	vadd.f32 v56, v34  }
0x3f6: {  	s19 =	sadd.s32 $0x6, s28;
	v50 =	vadd.f32 v50, v36;
	v57 =	vadd.s32 v25, v41;
	v44 =	vshrl.u32 v61, $0x3;
	[tilespmem:v43+s20+$0x0] =	vst.idx.msk $0xffff, v62;
	v56 =	vld [tilespmem:s26+$0x70]  }
0x3f7: {  	v61 =	vmov s19;
	v44 =	vshll.u32 v44, v1;
	v49 =	vadd.s32 v24, v58;
	v47 =	vld [tilespmem:s15+$0x70];
	[tilespmem:v45+s20+$0x0] =	vst.idx.msk $0xffff, v63  }
0x3f8: {  	v43 =	vbroadcast v44, $0x0;
	v44 =	vshrl.u32 v61, $0x3;
	v45 =	vadd.f32 v60, v33;
	v58 =	vld [tilespmem:s11+$0x70]  }
0x3f9: {  	v51 =	vadd.s32 v24, v51;
	s21 =	sadd.s32 $0x6, s29;
	v54 =	vadd.s32 v26, v41;
	v44 =	vshll.u32 v44, v1  }
0x3fa: {  	v60 =	vadd.s32 v25, v43;
	v63 =	vmov s21;
	[tilespmem:v48+s20+$0x0] =	vst.idx.msk $0xffff, v45;
	v62 =	vadd.f32 v55, v33  }
0x3fb: {  	s19 =	sadd.s32 $0x6, s9;
	[tilespmem:v57+s20+$0x0] =	vst.idx.msk $0xffff, v50;
	v44 =	vbroadcast v44, $0x0;
	s21 =	sadd.s32 $0x6, s18;
	v48 =	vshrl.u32 v63, $0x3;
	v50 =	vld [tilespmem:s5+$0x80];
	v61 =	vadd.f32 v56, v33  }
0x3fc: {  	v63 =	vmov s21;
	v56 =	vld [tilespmem:s14+$0x90];
	v47 =	vadd.f32 v47, v33;
	[tilespmem:v46+s20+$0x0] =	vst.idx.msk $0xffff, v62;
	v62 =	vmov s19  }
0x3fd: {  	v45 =	vshll.u32 v48, v1;
	v48 =	vld [tilespmem:s8+$0x80];
	[tilespmem:v49+s20+$0x0] =	vst.idx.msk $0xffff, v61;
	v46 =	vshrl.u32 v62, $0x3;
	v61 =	vadd.f32 v58, v33  }
0x3fe: {  	v45 =	vbroadcast v45, $0x0;
	[tilespmem:v51+s20+$0x0] =	vst.idx.msk $0xffff, v47;
	v62 =	vshrl.u32 v63, $0x3;
	v57 =	vld [tilespmem:s26+$0x80];
	v46 =	vshll.u32 v46, v1  }
0x3ff: {  	v49 =	vadd.s32 v25, v44;
	v51 =	vld [tilespmem:s15+$0x80];
	v47 =	vshll.u32 v62, v1;
	v46 =	vbroadcast v46, $0x0;
	[tilespmem:v52+s20+$0x0] =	vst.idx.msk $0xffff, v61  }
0x400: {  	v47 =	vbroadcast v47, $0x0;
	v50 =	vadd.f32 v50, v36;
	v52 =	vadd.s32 v25, v45;
	v55 =	vld [tilespmem:s11+$0x80]  }
0x401: {  	[tilespmem:v59+s20+$0x0] =	vst.idx.msk $0xffff, v53;
	v63 =	vadd.f32 v56, v35;
	v56 =	vadd.s32 v25, v46  }
0x402: {  	v61 =	vld [tilespmem:s13+$0xB0];
	[tilespmem:v60+s20+$0x0] =	vst.idx.msk $0xffff, v50;
	v48 =	vadd.f32 v48, v36;
	v50 =	vadd.s32 v25, v47  }
0x403: {  	[tilespmem:v54+s20+$0x0] =	vst.idx.msk $0xffff, v63;
	v53 =	vld [tilespmem:s5+$0x90];
	v62 =	vadd.f32 v57, v36  }
0x404: {  	v38 =	vadd.s32 v28, v38;
	v63 =	vld [tilespmem:s14+$0xA0];
	v59 =	vadd.f32 v51, v36;
	[tilespmem:v49+s20+$0x0] =	vst.idx.msk $0xffff, v48  }
0x405: {  	v49 =	vadd.s32 v26, v43;
	v51 =	vld [tilespmem:s8+$0x90];
	[tilespmem:v52+s20+$0x0] =	vst.idx.msk $0xffff, v62;
	v60 =	vadd.f32 v55, v36  }
0x406: {  	v54 =	vadd.s32 v27, v41;
	v55 =	vld [tilespmem:s26+$0x90];
	[tilespmem:v56+s20+$0x0] =	vst.idx.msk $0xffff, v59  }
0x407: {  	v61 =	vadd.f32 v61, v33;
	v56 =	vadd.s32 v26, v44;
	v58 =	vld [tilespmem:s15+$0x90];
	[tilespmem:v50+s20+$0x0] =	vst.idx.msk $0xffff, v60  }
0x408: {  	v52 =	vadd.s32 v26, v45;
	v62 =	vadd.f32 v53, v35;
	v53 =	vld [tilespmem:s11+$0x90]  }
0x409: {  	v48 =	vadd.s32 v26, v46;
	[tilespmem:v38+s20+$0x0] =	vst.idx.msk $0xffff, v61;
	v63 =	vadd.f32 v63, v34  }
0x40a: {  	v50 =	vadd.s32 v26, v47;
	[tilespmem:v49+s20+$0x0] =	vst.idx.msk $0xffff, v62;
	v60 =	vadd.f32 v51, v35  }
0x40b: {  	[tilespmem:v54+s20+$0x0] =	vst.idx.msk $0xffff, v63;
	v51 =	vld [tilespmem:s5+$0xA0];
	v61 =	vadd.f32 v55, v35  }
0x40c: {  	v57 =	vld [tilespmem:s13+$0xC0];
	[tilespmem:v56+s20+$0x0] =	vst.idx.msk $0xffff, v60;
	v63 =	vadd.f32 v58, v35  }
0x40d: {  	v42 =	vshrl.u32 v42, $0x3;
	v55 =	vadd.s32 v27, v43;
	v56 =	vld [tilespmem:s8+$0xA0];
	[tilespmem:v52+s20+$0x0] =	vst.idx.msk $0xffff, v61;
	v60 =	vadd.f32 v53, v35  }
0x40e: {  	v62 =	vshll.u32 v42, v1;
	v53 =	vld [tilespmem:s26+$0xA0];
	[tilespmem:v48+s20+$0x0] =	vst.idx.msk $0xffff, v63  }
0x40f: {  	v38 =	vbroadcast v62, $0x0;
	v62 =	vadd.s32 v27, v44;
	v58 =	vld [tilespmem:s15+$0xA0];
	[tilespmem:v50+s20+$0x0] =	vst.idx.msk $0xffff, v60  }
0x410: {  	s19 =	sadd.s32 $0x7, s7;
	v59 =	vadd.s32 v27, v46;
	v63 =	vadd.f32 v51, v34;
	v60 =	vadd.s32 v27, v45;
	v52 =	vld [tilespmem:s11+$0xA0]  }
0x411: {  	v46 =	vadd.s32 v28, v46;
	v42 =	vld [tilespmem:s14+$0xB0];
	v43 =	vadd.s32 v28, v43;
	v61 =	vmov s19  }
0x412: {  	v49 =	vshrl.u32 v61, $0x3;
	[tilespmem:v55+s20+$0x0] =	vst.idx.msk $0xffff, v63;
	v61 =	vadd.f32 v56, v34;
	v55 =	vadd.s32 v27, v47  }
0x413: {  	v44 =	vadd.s32 v28, v44;
	v49 =	vshll.u32 v49, v1;
	v53 =	vadd.f32 v53, v34  }
0x414: {  	s21 =	sadd.s32 $0x7, s25;
	v56 =	vadd.s32 v28, v41;
	v41 =	vbroadcast v49, $0x0;
	v49 =	vld [tilespmem:s5+$0xB0];
	[tilespmem:v62+s20+$0x0] =	vst.idx.msk $0xffff, v61;
	v63 =	vadd.f32 v58, v34  }
0x415: {  	v57 =	vadd.f32 v57, v36;
	v62 =	vmov s21;
	[tilespmem:v60+s20+$0x0] =	vst.idx.msk $0xffff, v53;
	v60 =	vld [tilespmem:s8+$0xB0];
	v52 =	vadd.f32 v52, v34  }
0x416: {  	s25 =	sadd.s32 $0x7, s28;
	v48 =	vadd.s32 v29, v38;
	v42 =	vadd.f32 v42, v33;
	v50 =	vshrl.u32 v62, $0x3;
	v53 =	vld [tilespmem:s26+$0xB0];
	[tilespmem:v59+s20+$0x0] =	vst.idx.msk $0xffff, v63  }
0x417: {  	v45 =	vadd.s32 v28, v45;
	v61 =	vmov s25;
	v50 =	vshll.u32 v50, v1;
	v59 =	vld [tilespmem:s15+$0xB0];
	[tilespmem:v55+s20+$0x0] =	vst.idx.msk $0xffff, v52  }
0x418: {  	v47 =	vadd.s32 v28, v47;
	v62 =	vshrl.u32 v61, $0x3;
	v50 =	vbroadcast v50, $0x0;
	v54 =	vld [tilespmem:s11+$0xB0]  }
0x419: {  	s28 =	sadd.s32 $0x7, s29;
	v58 =	vadd.s32 v29, v41;
	v49 =	vadd.f32 v49, v33;
	v52 =	vshll.u32 v62, v1  }
0x41a: {  	[tilespmem:v56+s20+$0x0] =	vst.idx.msk $0xffff, v42;
	v55 =	vadd.s32 v29, v50;
	v63 =	vadd.f32 v60, v33;
	v60 =	vmov s28  }
0x41b: {  	s29 =	sadd.s32 $0x7, s9;
	v56 =	vld [tilespmem:s14+$0xC0];
	[tilespmem:v43+s20+$0x0] =	vst.idx.msk $0xffff, v49;
	v43 =	vbroadcast v52, $0x0;
	v61 =	vshrl.u32 v60, $0x3;
	v62 =	vadd.f32 v53, v33  }
0x41c: {  	s9 =	sadd.s32 $0x7, s18;
	v52 =	vld [tilespmem:s5+$0xC0];
	[tilespmem:v44+s20+$0x0] =	vst.idx.msk $0xffff, v63;
	v42 =	vshll.u32 v61, v1;
	v63 =	vmov s29;
	v60 =	vadd.f32 v59, v33  }
0x41d: {  	v61 =	vmov s9;
	v53 =	vld [tilespmem:s8+$0xC0];
	[tilespmem:v45+s20+$0x0] =	vst.idx.msk $0xffff, v62;
	v44 =	vshrl.u32 v63, $0x3;
	v62 =	vadd.f32 v54, v33  }
0x41e: {  	v42 =	vbroadcast v42, $0x0;
	v45 =	vshrl.u32 v61, $0x3;
	v54 =	vld [tilespmem:s26+$0xC0];
	v44 =	vshll.u32 v44, v1;
	[tilespmem:v46+s20+$0x0] =	vst.idx.msk $0xffff, v60  }
0x41f: {  	v46 =	vadd.s32 v29, v43;
	v45 =	vshll.u32 v45, v1;
	v49 =	vld [tilespmem:s15+$0xC0];
	v44 =	vbroadcast v44, $0x0;
	[tilespmem:v47+s20+$0x0] =	vst.idx.msk $0xffff, v62  }
0x420: {  	v63 =	vadd.f32 v56, v36;
	v51 =	vadd.s32 v29, v42;
	v45 =	vbroadcast v45, $0x0;
	v56 =	vld [tilespmem:s11+$0xC0]  }
0x421: {  	[tilespmem:v48+s20+$0x0] =	vst.idx.msk $0xffff, v57;
	v60 =	vadd.f32 v52, v36;
	v52 =	vadd.s32 v29, v44  }
0x422: {  	v57 =	vld [tilespmem:s13+$0xD0];
	[tilespmem:v58+s20+$0x0] =	vst.idx.msk $0xffff, v63;
	v62 =	vadd.s32 v29, v45;
	v61 =	vadd.f32 v53, v36  }
0x423: {  	v58 =	vld [tilespmem:s14+$0xD0];
	[tilespmem:v55+s20+$0x0] =	vst.idx.msk $0xffff, v60;
	v63 =	vadd.f32 v54, v36  }
0x424: {  	v54 =	vadd.s32 v30, v38;
	v55 =	vld [tilespmem:s5+$0xD0];
	[tilespmem:v46+s20+$0x0] =	vst.idx.msk $0xffff, v61;
	v59 =	vadd.f32 v49, v36  }
0x425: {  	v47 =	vadd.s32 v30, v41;
	v49 =	vld [tilespmem:s8+$0xD0];
	[tilespmem:v51+s20+$0x0] =	vst.idx.msk $0xffff, v63;
	v60 =	vadd.f32 v56, v36  }
0x426: {  	v48 =	vadd.s32 v30, v50;
	v51 =	vld [tilespmem:s26+$0xD0];
	[tilespmem:v52+s20+$0x0] =	vst.idx.msk $0xffff, v59  }
0x427: {  	v61 =	vadd.f32 v57, v35;
	v52 =	vadd.s32 v30, v43;
	v56 =	vld [tilespmem:s15+$0xD0];
	[tilespmem:v62+s20+$0x0] =	vst.idx.msk $0xffff, v60  }
0x428: {  	v53 =	vadd.s32 v30, v42;
	v62 =	vadd.f32 v58, v35;
	v63 =	vld [tilespmem:s11+$0xD0]  }
0x429: {  	[tilespmem:v54+s20+$0x0] =	vst.idx.msk $0xffff, v61;
	v58 =	vadd.f32 v55, v35;
	v54 =	vadd.s32 v30, v44  }
0x42a: {  	v55 =	vld [tilespmem:s13+$0xE0];
	[tilespmem:v47+s20+$0x0] =	vst.idx.msk $0xffff, v62;
	v59 =	vadd.f32 v49, v35;
	v47 =	vadd.s32 v30, v45  }
0x42b: {  	[tilespmem:v48+s20+$0x0] =	vst.idx.msk $0xffff, v58;
	v60 =	vld [tilespmem:s14+$0xE0];
	v61 =	vadd.f32 v51, v35  }
0x42c: {  	v48 =	vadd.s32 v31, v38;
	v51 =	vld [tilespmem:s5+$0xE0];
	[tilespmem:v52+s20+$0x0] =	vst.idx.msk $0xffff, v59;
	v62 =	vadd.f32 v56, v35  }
0x42d: {  	v52 =	vadd.s32 v31, v41;
	v56 =	vld [tilespmem:s8+$0xE0];
	[tilespmem:v53+s20+$0x0] =	vst.idx.msk $0xffff, v61;
	v63 =	vadd.f32 v63, v35  }
0x42e: {  	v39 =	vadd.f32 v39, v34;
	v46 =	vadd.s32 v31, v50;
	v53 =	vld [tilespmem:s26+$0xE0];
	[tilespmem:v54+s20+$0x0] =	vst.idx.msk $0xffff, v62  }
0x42f: {  	v57 =	vadd.f32 v55, v34;
	v54 =	vadd.s32 v31, v43;
	v58 =	vld [tilespmem:s15+$0xE0];
	[tilespmem:v47+s20+$0x0] =	vst.idx.msk $0xffff, v63  }
0x430: {  	[tilespmem:v40+s20+$0x0] =	vst.idx.msk $0xffff, v39;
	v39 =	vadd.s32 v31, v42;
	v59 =	vadd.f32 v60, v34;
	v60 =	vld [tilespmem:s11+$0xE0]  }
0x431: {  	v61 =	vld [tilespmem:s12+$0xF0];
	[tilespmem:v48+s20+$0x0] =	vst.idx.msk $0xffff, v57;
	v62 =	vadd.f32 v51, v34;
	v48 =	vadd.s32 v31, v44  }
0x432: {  	v49 =	vld [tilespmem:s13+$0xF0];
	[tilespmem:v52+s20+$0x0] =	vst.idx.msk $0xffff, v59;
	v63 =	vadd.f32 v56, v34;
	v56 =	vadd.s32 v31, v45  }
0x433: {  	v37 =	vadd.s32 v32, v37;
	[tilespmem:v46+s20+$0x0] =	vst.idx.msk $0xffff, v62;
	v52 =	vld [tilespmem:s14+$0xF0];
	v57 =	vadd.f32 v53, v34  }
0x434: {  	v38 =	vadd.s32 v32, v38;
	v46 =	vld [tilespmem:s5+$0xF0];
	[tilespmem:v54+s20+$0x0] =	vst.idx.msk $0xffff, v63;
	v58 =	vadd.f32 v58, v34  }
0x435: {  	v41 =	vadd.s32 v32, v41;
	v59 =	vld [tilespmem:s8+$0xF0];
	[tilespmem:v39+s20+$0x0] =	vst.idx.msk $0xffff, v57;
	v60 =	vadd.f32 v60, v34  }
0x436: {  	v61 =	vadd.f32 v61, v33;
	v62 =	vadd.s32 v32, v50;
	v63 =	vld [tilespmem:s26+$0xF0];
	[tilespmem:v48+s20+$0x0] =	vst.idx.msk $0xffff, v58  }
0x437: {  	v43 =	vadd.s32 v32, v43;
	v49 =	vadd.f32 v49, v33;
	v50 =	vld [tilespmem:s15+$0xF0];
	[tilespmem:v56+s20+$0x0] =	vst.idx.msk $0xffff, v60  }
0x438: {  	v55 =	vadd.s32 v32, v42;
	[tilespmem:v37+s20+$0x0] =	vst.idx.msk $0xffff, v61;
	v54 =	vadd.f32 v52, v33;
	v56 =	vld [tilespmem:s11+$0xF0]  }
0x439: {  	v58 =	vadd.s32 v32, v44;
	[tilespmem:v38+s20+$0x0] =	vst.idx.msk $0xffff, v49;
	v57 =	vadd.f32 v46, v33  }
0x43a: {  	v60 =	vadd.s32 v32, v45;
	[tilespmem:v41+s20+$0x0] =	vst.idx.msk $0xffff, v54;
	v59 =	vadd.f32 v59, v33  }
0x43b: {  	[tilespmem:v62+s20+$0x0] =	vst.idx.msk $0xffff, v57;
	v61 =	vadd.f32 v63, v33  }
0x43c: {  	s10 =	sshll.u32 s10, $0x7;
	[tilespmem:v43+s20+$0x0] =	vst.idx.msk $0xffff, v59;
	v62 =	vadd.f32 v50, v33  }
0x43d: {  	s5 =	sand.u32 $0xE80, s10;
	[tilespmem:v55+s20+$0x0] =	vst.idx.msk $0xffff, v61;
	v63 =	vadd.f32 v56, v33  }
0x43e: {  	s5 =	sadd.s32 s2, s5;
	s11 =	sshll.u32 s30, $0xF;
	[tilespmem:v58+s20+$0x0] =	vst.idx.msk $0xffff, v62  }
0x43f: {  	s12 =	simm.s32 $0x13800;
	s7 =	sadd.s32 s11, s5;
	[tilespmem:v60+s20+$0x0] =	vst.idx.msk $0xffff, v63  }
0x440: {  	[hbm4b:s7+s3] =	stream.linear.scatter [tilespmem:s12], [sflag:$0x6], $0x80, $0x38;
	[tilespmem:$0x19E00] =	vst v63  }
0x441: {  	s13 =	simm.s32 $0x13888;
	s14 =	sadd.s32 $0x10, s7  }
0x442: {  	[hbm4b:s14+s3] =	stream.linear.scatter [tilespmem:s13], [sflag:$0x6], $0x80, $0x38;
	[tilespmem:$0x19E00] =	vst v63  }
0x443: {  	s18 =	simm.s32 $0x13998;
	s15 =	simm.s32 $0x13910;
	s16 =	sadd.s32 $0x20, s7  }
0x444: {  	[hbm4b:s16+s3] =	stream.linear.scatter [tilespmem:s15], [sflag:$0x6], $0x80, $0x38;
	[tilespmem:$0x19E00] =	vst v63  }
0x445: {  	s21 =	simm.s32 $0x13A20;
	s29 =	simm.s32 $0x13B30;
	s19 =	sadd.s32 $0x30, s7  }
0x446: {  	[hbm4b:s19+s3] =	stream.linear.scatter [tilespmem:s18], [sflag:$0x6], $0x80, $0x38;
	[tilespmem:$0x19E00] =	vst v63  }
0x447: {  	s9 =	simm.s32 $0x13BB8;
	s8 =	simm.s32 $0x2200;
	s25 =	sadd.s32 $0x40, s7  }
0x448: {  	[hbm4b:s25+s3] =	stream.linear.scatter [tilespmem:s21], [sflag:$0x6], $0x80, $0x38;
	[tilespmem:$0x19E00] =	vst v63  }
0x449: {  	s26 =	simm.s32 $0x13AA8;
	s5 =	simm.s32 $0x440;
	s28 =	sadd.s32 $0x50, s7  }
0x44a: {  	[hbm4b:s28+s3] =	stream.linear.scatter [tilespmem:s26], [sflag:$0x6], $0x80, $0x38;
	[tilespmem:$0x19E00] =	vst v63  }
0x44b: {  	s30 =	sadd.s32 $0x60, s7;
	s10 =	sadd.s32 $0x70, s7;
	s7 =	sadd.s32 $0x1000, s7  }
0x44c: {  	[hbm4b:s30+s3] =	stream.linear.scatter [tilespmem:s29], [sflag:$0x6], $0x80, $0x38;
	[tilespmem:$0x19E00] =	vst v63  }
.LBB2_9:
0x44d: {  	[hbm4b:s10+s3] =	stream.linear.scatter [tilespmem:s9], [sflag:$0x6], $0x80, $0x38;
	[tilespmem:$0x19E00] =	vst v63  }
0x44e: {  	s9 =	smov.u32 s5;
	s5 =	smov.u32 s8  }
0x44f: {  	s11 =	sadd.s32 $0x1100, s8;
	s5 =	sshra.s32 s5, $0x2;
	s10 =	sadd.s32 $0x13800, s9  }
0x450: {  	[hbm4b:s7+s3] =	stream.linear.scatter [tilespmem:s10], [sflag:$0x6], $0x80, $0x38;
	[tilespmem:$0x19E00] =	vst v63  }
0x451: {  	p1 =	sne.s32 s8, $0x7700;
	s8 =	sadd.s32 $0x13888, s9;
	s10 =	sadd.s32 $0x10, s7  }
0x452: {  	[hbm4b:s10+s3] =	stream.linear.scatter [tilespmem:s8], [sflag:$0x6], $0x80, $0x38;
	[tilespmem:$0x19E00] =	vst v63  }
0x453: {  	s8 =	sadd.s32 $0x13910, s9;
	s10 =	sadd.s32 $0x20, s7  }
0x454: {  	[hbm4b:s10+s3] =	stream.linear.scatter [tilespmem:s8], [sflag:$0x6], $0x80, $0x38;
	[tilespmem:$0x19E00] =	vst v63  }
0x455: {  	s8 =	sadd.s32 $0x13998, s9;
	s10 =	sadd.s32 $0x30, s7  }
0x456: {  	[hbm4b:s10+s3] =	stream.linear.scatter [tilespmem:s8], [sflag:$0x6], $0x80, $0x38;
	[tilespmem:$0x19E00] =	vst v63  }
0x457: {  	s8 =	sadd.s32 $0x13A20, s9;
	s10 =	sadd.s32 $0x40, s7  }
0x458: {  	[hbm4b:s10+s3] =	stream.linear.scatter [tilespmem:s8], [sflag:$0x6], $0x80, $0x38;
	[tilespmem:$0x19E00] =	vst v63  }
.Ltmp5:
0x459: {  	s8 =	sadd.s32 $0x13AA8, s9;
	s10 =	sadd.s32 $0x50, s7;
	(pc) =	sbr.rel @p1 .LBB2_9-.Ltmp5, $4  }
0x45a: {  	[hbm4b:s10+s3] =	stream.linear.scatter [tilespmem:s8], [sflag:$0x6], $0x80, $0x38;
	[tilespmem:$0x19E00] =	vst v63  }
0x45b: {  	s8 =	sadd.s32 $0x13B30, s9;
	s10 =	sadd.s32 $0x60, s7;
	s9 =	sadd.s32 $0x13BB8, s9  }
0x45c: {  	[hbm4b:s10+s3] =	stream.linear.scatter [tilespmem:s8], [sflag:$0x6], $0x80, $0x38;
	[tilespmem:$0x19E00] =	vst v63  }
0x45d: {  	s10 =	sadd.s32 $0x70, s7;
	s7 =	sadd.s32 $0x1000, s7;
	s8 =	smov.u32 s11  }
0x45e: {  	[hbm4b:s10+s3] =	stream.linear.scatter [tilespmem:s9], [sflag:$0x6], $0x80, $0x38;
	[tilespmem:$0x19E00] =	vst v63  }
0x45f: {  	s8 =	sadd.s32 $0x13800, s5  }
0x460: {  	[hbm4b:s7+s3] =	stream.linear.scatter [tilespmem:s8], [sflag:$0x6], $0x80, $0x38;
	[tilespmem:$0x19E00] =	vst v63  }
0x461: {  	s16 =	sadd.s32 $0x13888, s5;
	s18 =	sadd.s32 $0x10, s7  }
0x462: {  	[hbm4b:s18+s3] =	stream.linear.scatter [tilespmem:s16], [sflag:$0x6], $0x80, $0x38;
	[tilespmem:$0x19E00] =	vst v63  }
0x463: {  	s19 =	sadd.s32 $0x13910, s5;
	s21 =	sadd.s32 $0x20, s7  }
0x464: {  	[hbm4b:s21+s3] =	stream.linear.scatter [tilespmem:s19], [sflag:$0x6], $0x80, $0x38;
	[tilespmem:$0x19E00] =	vst v63  }
0x465: {  	s25 =	sadd.s32 $0x13998, s5;
	s26 =	sadd.s32 $0x30, s7  }
0x466: {  	[hbm4b:s26+s3] =	stream.linear.scatter [tilespmem:s25], [sflag:$0x6], $0x80, $0x38;
	[tilespmem:$0x19E00] =	vst v63  }
0x467: {  	s9 =	sadd.s32 $0x13A20, s5;
	s10 =	sadd.s32 $0x40, s7;
	s11 =	sadd.s32 $0x13AA8, s5  }
0x468: {  	[hbm4b:s10+s3] =	stream.linear.scatter [tilespmem:s9], [sflag:$0x6], $0x80, $0x38;
	[tilespmem:$0x19E00] =	vst v63  }
0x469: {  	s12 =	sadd.s32 $0x50, s7;
	s13 =	sadd.s32 $0x13B30, s5;
	p1 =	seq.s32 s31, $0x31  }
0x46a: {  	[hbm4b:s12+s3] =	stream.linear.scatter [tilespmem:s11], [sflag:$0x6], $0x80, $0x38;
	[tilespmem:$0x19E00] =	vst v63  }
0x46b: {  	s14 =	sadd.s32 $0x60, s7;
	s15 =	sadd.s32 $0x13BB8, s5;
	s5 =	sshll.u32 @!p1 s31, $0x9  }
0x46c: {  	[hbm4b:s14+s3] =	stream.linear.scatter [tilespmem:s13], [sflag:$0x6], $0x80, $0x38;
	[tilespmem:$0x19E00] =	vst v63  }
0x46d: {  	s8 =	simm.s32 @!p1 $0x9600;
	s16 =	sadd.s32 $0x70, s7;
	s10 =	sand.u32 @!p1 $0x3FFFFE00, s5  }
0x46e: {  	[hbm4b:s16+s3] =	stream.linear.scatter [tilespmem:s15], [sflag:$0x6], $0x80, $0x38;
	[tilespmem:$0x19E00] =	vst v63  }
0x46f: {  	s7 =	simm.s32 @!p1 $0x80;
	s18 =	simm.s32 $0x3;
	s5 =	sadd.s32 @!p1 $0x200, s10  }
0x470: {  	[tilespmem:s8], [sflag:$0x1] =	stream.indirect.gather @!p1 [hbm4b:s4+s7], $0x40, s5, s7, $0xb8;
	[tilespmem:$0x19E00] =	vst v63  }
0x471: {  	s0 =	sadd.s32 $0x2, s0;
	_ =	swait.ge [sflag:s18], $0x2000  }
0x472: {  	s19 =	sshll.u32 s0, $0x1;
	[sflag:s18] =	ssyncset.done $0x0  }
0x473: {  	s5 =	sand.u32 $0x3FFFFFC0, s19;
	[sflag:s18] =	ssyncadd.s32 $0xFFFFE000  }
0x474: {  	v36 =	vld [tilespmem:s5+$0x6400]  }
0x475: {  	v35 =	vld [tilespmem:s5+$0x6410]  }
0x476: {  	v34 =	vld [tilespmem:s5+$0x6420]  }
0x477: {  	s21 =	simm.s32 $0x0;
	v33 =	vld [tilespmem:s5+$0x6430];
	s5 =	simm.s32 @!p0 $0x7  }
0x478: {  	v37 =	vmov s21;
	_ =	swait.ge @!p0 [sflag:s5], $0x2000  }
0x479: {  	v37 =	vshrl.u32 v37, $0x3;
	[sflag:s5] =	ssyncset.done @!p0 $0x0  }
0x47a: {  	v37 =	vshll.u32 v37, v1;
	s12 =	simm.s32 $0xD700;
	[sflag:s5] =	ssyncadd.s32 @!p0 $0xFFFFE000  }
0x47b: {  	v37 =	vbroadcast v37, $0x0;
	v38 =	vld [tilespmem:s12+$0xFFFFFF00];
	_ =	sdelay $0x1  }
0x47c: {  	v39 =	vadd.s32 v0, v37;
	_ =	sdelay $0x2  }
0x47d: {  	v38 =	vadd.f32 v38, v36;
	_ =	sdelay $0x1  }
0x47e: {  	[tilespmem:v39+s22+$0x0] =	vst.idx.msk $0xffff, v38  }
0x47f: {  	v38 =	vld [tilespmem:s12+$0xFFFFFF10];
	_ =	sdelay $0x1  }
0x480: {  	v46 =	vadd.s32 v2, v37;
	_ =	sdelay $0x2  }
0x481: {  	v38 =	vadd.f32 v38, v35;
	_ =	sdelay $0x1  }
0x482: {  	[tilespmem:v46+s22+$0x0] =	vst.idx.msk $0xffff, v38  }
0x483: {  	v38 =	vld [tilespmem:s12+$0xFFFFFF20];
	_ =	sdelay $0x1  }
0x484: {  	v47 =	vadd.s32 v3, v37;
	_ =	sdelay $0x2  }
0x485: {  	v38 =	vadd.f32 v38, v34;
	_ =	sdelay $0x1  }
0x486: {  	[tilespmem:v47+s22+$0x0] =	vst.idx.msk $0xffff, v38  }
0x487: {  	v38 =	vld [tilespmem:s12+$0xFFFFFF30];
	_ =	sdelay $0x1  }
0x488: {  	v37 =	vadd.s32 v4, v37;
	_ =	sdelay $0x1  }
0x489: {  	s25 =	simm.s32 $0x1  }
0x48a: {  	v48 =	vmov s25;
	v38 =	vadd.f32 v38, v33  }
0x48b: {  	v39 =	vshrl.u32 v48, $0x3  }
0x48c: {  	s26 =	simm.s32 $0x8;
	v39 =	vshll.u32 v39, v1;
	[tilespmem:v37+s22+$0x0] =	vst.idx.msk $0xffff, v38  }
0x48d: {  	v49 =	vmov s26;
	v39 =	vbroadcast v39, $0x0;
	v38 =	vld [tilespmem:s12+$0xFFFFFF40]  }
0x48e: {  	v37 =	vshrl.u32 v49, $0x3  }
0x48f: {  	s13 =	simm.s32 $0xD900;
	v40 =	vadd.s32 v5, v39;
	v37 =	vshll.u32 v37, v1  }
0x490: {  	v41 =	vld [tilespmem:s13+$0xFFFFFF00];
	v37 =	vbroadcast v37, $0x0;
	_ =	sdelay $0x1  }
0x491: {  	v42 =	vadd.s32 v0, v37;
	v38 =	vadd.f32 v38, v36;
	_ =	sdelay $0x1  }
0x492: {  	[tilespmem:v40+s22+$0x0] =	vst.idx.msk $0xffff, v38  }
0x493: {  	v50 =	vadd.f32 v41, v36;
	v40 =	vld [tilespmem:s12+$0xFFFFFF50];
	_ =	sdelay $0x1  }
0x494: {  	v51 =	vadd.s32 v6, v39;
	[tilespmem:v42+s22+$0x0] =	vst.idx.msk $0xffff, v50  }
0x495: {  	v52 =	vld [tilespmem:s13+$0xFFFFFF10];
	_ =	sdelay $0x1  }
0x496: {  	v53 =	vadd.s32 v2, v37;
	v40 =	vadd.f32 v40, v35;
	_ =	sdelay $0x1  }
0x497: {  	[tilespmem:v51+s22+$0x0] =	vst.idx.msk $0xffff, v40  }
0x498: {  	v54 =	vadd.f32 v52, v35;
	v40 =	vld [tilespmem:s12+$0xFFFFFF60];
	_ =	sdelay $0x1  }
0x499: {  	v55 =	vadd.s32 v7, v39;
	[tilespmem:v53+s22+$0x0] =	vst.idx.msk $0xffff, v54  }
0x49a: {  	v56 =	vld [tilespmem:s13+$0xFFFFFF20];
	_ =	sdelay $0x1  }
0x49b: {  	v57 =	vadd.s32 v3, v37;
	v40 =	vadd.f32 v40, v34;
	_ =	sdelay $0x1  }
0x49c: {  	[tilespmem:v55+s22+$0x0] =	vst.idx.msk $0xffff, v40  }
0x49d: {  	v58 =	vadd.f32 v56, v34;
	v40 =	vld [tilespmem:s12+$0xFFFFFF70];
	_ =	sdelay $0x1  }
0x49e: {  	v59 =	vadd.s32 v8, v39;
	[tilespmem:v57+s22+$0x0] =	vst.idx.msk $0xffff, v58  }
0x49f: {  	v60 =	vld [tilespmem:s13+$0xFFFFFF30]  }
0x4a0: {  	s7 =	simm.s32 $0x2  }
0x4a1: {  	v61 =	vmov s7;
	v37 =	vadd.s32 v4, v37;
	v40 =	vadd.f32 v40, v33  }
0x4a2: {  	v41 =	vshrl.u32 v61, $0x3  }
0x4a3: {  	s8 =	simm.s32 $0x9;
	v41 =	vshll.u32 v41, v1;
	[tilespmem:v59+s22+$0x0] =	vst.idx.msk $0xffff, v40  }
0x4a4: {  	v62 =	vmov s8;
	v41 =	vbroadcast v41, $0x0;
	v39 =	vadd.f32 v60, v33;
	v40 =	vld [tilespmem:s12+$0xFFFFFF80]  }
0x4a5: {  	v38 =	vshrl.u32 v62, $0x3  }
0x4a6: {  	s7 =	simm.s32 $0x10;
	v63 =	vadd.s32 v9, v41;
	v38 =	vshll.u32 v38, v1;
	[tilespmem:v37+s22+$0x0] =	vst.idx.msk $0xffff, v39  }
0x4a7: {  	v48 =	vmov s7;
	v38 =	vbroadcast v38, $0x0;
	v42 =	vld [tilespmem:s13+$0xFFFFFF40]  }
0x4a8: {  	v39 =	vshrl.u32 v48, $0x3  }
0x4a9: {  	s14 =	simm.s32 $0xDB00;
	v43 =	vadd.s32 v5, v38;
	v39 =	vshll.u32 v39, v1;
	v40 =	vadd.f32 v40, v36  }
0x4aa: {  	v44 =	vld [tilespmem:s14+$0xFFFFFF00];
	v39 =	vbroadcast v39, $0x0  }
0x4ab: {  	[tilespmem:v63+s22+$0x0] =	vst.idx.msk $0xffff, v40  }
0x4ac: {  	v49 =	vadd.s32 v0, v39;
	v50 =	vadd.f32 v42, v36;
	v51 =	vld [tilespmem:s12+$0xFFFFFF90];
	_ =	sdelay $0x1  }
0x4ad: {  	v52 =	vadd.s32 v10, v41;
	[tilespmem:v43+s22+$0x0] =	vst.idx.msk $0xffff, v50  }
0x4ae: {  	v53 =	vadd.f32 v44, v36;
	v54 =	vld [tilespmem:s13+$0xFFFFFF50];
	_ =	sdelay $0x1  }
0x4af: {  	v55 =	vadd.s32 v6, v38;
	[tilespmem:v49+s22+$0x0] =	vst.idx.msk $0xffff, v53;
	v42 =	vadd.f32 v51, v35  }
0x4b0: {  	v43 =	vld [tilespmem:s14+$0xFFFFFF10]  }
0x4b1: {  	[tilespmem:v52+s22+$0x0] =	vst.idx.msk $0xffff, v42  }
0x4b2: {  	v56 =	vadd.s32 v2, v39;
	v57 =	vadd.f32 v54, v35;
	v58 =	vld [tilespmem:s12+$0xFFFFFFA0];
	_ =	sdelay $0x1  }
0x4b3: {  	v59 =	vadd.s32 v11, v41;
	[tilespmem:v55+s22+$0x0] =	vst.idx.msk $0xffff, v57  }
0x4b4: {  	v60 =	vadd.f32 v43, v35;
	v61 =	vld [tilespmem:s13+$0xFFFFFF60];
	_ =	sdelay $0x1  }
0x4b5: {  	v62 =	vadd.s32 v7, v38;
	[tilespmem:v56+s22+$0x0] =	vst.idx.msk $0xffff, v60;
	v63 =	vadd.f32 v58, v34  }
0x4b6: {  	v48 =	vld [tilespmem:s14+$0xFFFFFF20]  }
0x4b7: {  	[tilespmem:v59+s22+$0x0] =	vst.idx.msk $0xffff, v63  }
0x4b8: {  	v49 =	vadd.s32 v3, v39;
	v50 =	vadd.f32 v61, v34;
	v51 =	vld [tilespmem:s12+$0xFFFFFFB0];
	_ =	sdelay $0x1  }
0x4b9: {  	v52 =	vadd.s32 v12, v41;
	[tilespmem:v62+s22+$0x0] =	vst.idx.msk $0xffff, v50  }
0x4ba: {  	v53 =	vadd.f32 v48, v34;
	v42 =	vld [tilespmem:s13+$0xFFFFFF70]  }
0x4bb: {  	s9 =	simm.s32 $0x3  }
0x4bc: {  	v54 =	vmov s9;
	v55 =	vadd.s32 v8, v38;
	[tilespmem:v49+s22+$0x0] =	vst.idx.msk $0xffff, v53;
	v56 =	vadd.f32 v51, v33  }
0x4bd: {  	v57 =	vshrl.u32 v54, $0x3;
	v58 =	vld [tilespmem:s14+$0xFFFFFF30]  }
0x4be: {  	s11 =	simm.s32 $0xA;
	v41 =	vshll.u32 v57, v1;
	v60 =	vadd.s32 v4, v39;
	[tilespmem:v52+s22+$0x0] =	vst.idx.msk $0xffff, v56  }
0x4bf: {  	v41 =	vbroadcast v41, $0x0;
	v59 =	vmov s11;
	v61 =	vadd.f32 v42, v33;
	v40 =	vld [tilespmem:s12+$0xFFFFFFC0]  }
0x4c0: {  	s15 =	simm.s32 $0x11;
	v62 =	vshrl.u32 v59, $0x3  }
0x4c1: {  	v63 =	vmov s15;
	v48 =	vadd.s32 v13, v41;
	v42 =	vshll.u32 v62, v1;
	[tilespmem:v55+s22+$0x0] =	vst.idx.msk $0xffff, v61  }
0x4c2: {  	v49 =	vshrl.u32 v63, $0x3;
	v43 =	vadd.f32 v58, v33;
	v42 =	vbroadcast v42, $0x0;
	v50 =	vld [tilespmem:s13+$0xFFFFFF80]  }
0x4c3: {  	v39 =	vshll.u32 v49, v1  }
0x4c4: {  	s25 =	simm.s32 $0x18;
	[tilespmem:v60+s22+$0x0] =	vst.idx.msk $0xffff, v43;
	v51 =	vadd.s32 v9, v42;
	v40 =	vadd.f32 v40, v36  }
0x4c5: {  	v39 =	vbroadcast v39, $0x0;
	v52 =	vmov s25;
	v45 =	vld [tilespmem:s14+$0xFFFFFF40]  }
0x4c6: {  	v43 =	vshrl.u32 v52, $0x3;
	[tilespmem:v48+s22+$0x0] =	vst.idx.msk $0xffff, v40  }
0x4c7: {  	s5 =	simm.s32 $0xDD00;
	v54 =	vadd.s32 v5, v39;
	v53 =	vshll.u32 v43, v1;
	v55 =	vadd.f32 v50, v36;
	v56 =	vld [tilespmem:s12+$0xFFFFFFD0]  }
0x4c8: {  	v46 =	vld [tilespmem:s5+$0xFFFFFF00];
	v37 =	vbroadcast v53, $0x0  }
0x4c9: {  	v57 =	vadd.s32 v14, v41;
	[tilespmem:v51+s22+$0x0] =	vst.idx.msk $0xffff, v55  }
0x4ca: {  	v58 =	vadd.s32 v0, v37;
	v45 =	vadd.f32 v45, v36;
	v47 =	vld [tilespmem:s13+$0xFFFFFF90];
	_ =	sdelay $0x1  }
0x4cb: {  	v59 =	vadd.s32 v10, v42;
	[tilespmem:v54+s22+$0x0] =	vst.idx.msk $0xffff, v45;
	v44 =	vadd.f32 v56, v35  }
0x4cc: {  	v60 =	vadd.f32 v46, v36;
	v61 =	vld [tilespmem:s14+$0xFFFFFF50]  }
0x4cd: {  	[tilespmem:v57+s22+$0x0] =	vst.idx.msk $0xffff, v44  }
0x4ce: {  	v62 =	vadd.s32 v6, v39;
	[tilespmem:v58+s22+$0x0] =	vst.idx.msk $0xffff, v60;
	v63 =	vadd.f32 v47, v35;
	v44 =	vld [tilespmem:s12+$0xFFFFFFE0]  }
0x4cf: {  	v45 =	vld [tilespmem:s5+$0xFFFFFF10]  }
0x4d0: {  	v48 =	vadd.s32 v15, v41;
	[tilespmem:v59+s22+$0x0] =	vst.idx.msk $0xffff, v63  }
0x4d1: {  	v49 =	vadd.s32 v2, v37;
	v46 =	vadd.f32 v61, v35;
	v50 =	vld [tilespmem:s13+$0xFFFFFFA0];
	_ =	sdelay $0x1  }
0x4d2: {  	v51 =	vadd.s32 v11, v42;
	[tilespmem:v62+s22+$0x0] =	vst.idx.msk $0xffff, v46;
	v44 =	vadd.f32 v44, v34  }
0x4d3: {  	v45 =	vadd.f32 v45, v35;
	v46 =	vld [tilespmem:s14+$0xFFFFFF60]  }
0x4d4: {  	[tilespmem:v48+s22+$0x0] =	vst.idx.msk $0xffff, v44  }
0x4d5: {  	v52 =	vadd.s32 v7, v39;
	[tilespmem:v49+s22+$0x0] =	vst.idx.msk $0xffff, v45;
	v53 =	vadd.f32 v50, v34;
	v44 =	vld [tilespmem:s12+$0xFFFFFFF0]  }
0x4d6: {  	v45 =	vld [tilespmem:s5+$0xFFFFFF20]  }
0x4d7: {  	v54 =	vadd.s32 v16, v41;
	[tilespmem:v51+s22+$0x0] =	vst.idx.msk $0xffff, v53  }
0x4d8: {  	s16 =	simm.s32 $0x4;
	v55 =	vadd.s32 v3, v37;
	v56 =	vadd.f32 v46, v34;
	v57 =	vld [tilespmem:s13+$0xFFFFFFB0]  }
0x4d9: {  	v58 =	vmov s16  }
0x4da: {  	v61 =	vshrl.u32 v58, $0x3;
	v59 =	vadd.s32 v12, v42;
	[tilespmem:v52+s22+$0x0] =	vst.idx.msk $0xffff, v56;
	v60 =	vadd.f32 v44, v33  }
0x4db: {  	v43 =	vshll.u32 v61, v1;
	v62 =	vadd.f32 v45, v34;
	v63 =	vld [tilespmem:s14+$0xFFFFFF70]  }
0x4dc: {  	s18 =	simm.s32 $0xB;
	v42 =	vbroadcast v43, $0x0;
	[tilespmem:v54+s22+$0x0] =	vst.idx.msk $0xffff, v60  }
0x4dd: {  	v49 =	vadd.s32 v8, v39;
	v48 =	vmov s18;
	[tilespmem:v55+s22+$0x0] =	vst.idx.msk $0xffff, v62;
	v50 =	vadd.f32 v57, v33;
	v51 =	vld [tilespmem:s12+$0x0]  }
0x4de: {  	s19 =	simm.s32 $0x12;
	v37 =	vadd.s32 v4, v37;
	v52 =	vshrl.u32 v48, $0x3;
	v54 =	vld [tilespmem:s5+$0xFFFFFF30]  }
0x4df: {  	v53 =	vmov s19;
	v43 =	vshll.u32 v52, v1;
	v55 =	vadd.s32 v17, v42;
	[tilespmem:v59+s22+$0x0] =	vst.idx.msk $0xffff, v50  }
0x4e0: {  	v43 =	vbroadcast v43, $0x0;
	v44 =	vshrl.u32 v53, $0x3;
	v56 =	vadd.f32 v63, v33;
	v57 =	vld [tilespmem:s13+$0xFFFFFFC0]  }
0x4e1: {  	s21 =	simm.s32 $0x19;
	v44 =	vshll.u32 v44, v1  }
0x4e2: {  	v58 =	vmov s21;
	v59 =	vadd.s32 v13, v43;
	[tilespmem:v49+s22+$0x0] =	vst.idx.msk $0xffff, v56;
	v60 =	vadd.f32 v51, v36  }
0x4e3: {  	v61 =	vshrl.u32 v58, $0x3;
	v44 =	vbroadcast v44, $0x0;
	v62 =	vld [tilespmem:s14+$0xFFFFFF80];
	v46 =	vadd.f32 v54, v33  }
0x4e4: {  	v41 =	vshll.u32 v61, v1;
	[tilespmem:v55+s22+$0x0] =	vst.idx.msk $0xffff, v60  }
0x4e5: {  	s28 =	simm.s32 $0x20;
	v63 =	vadd.s32 v9, v44;
	[tilespmem:v37+s22+$0x0] =	vst.idx.msk $0xffff, v46;
	v50 =	vadd.f32 v57, v36;
	v40 =	vld [tilespmem:s12+$0x10]  }
0x4e6: {  	v41 =	vbroadcast v41, $0x0;
	v51 =	vmov s28;
	v46 =	vld [tilespmem:s5+$0xFFFFFF40]  }
0x4e7: {  	v52 =	vadd.s32 v18, v42;
	v45 =	vshrl.u32 v51, $0x3;
	[tilespmem:v59+s22+$0x0] =	vst.idx.msk $0xffff, v50  }
0x4e8: {  	s8 =	simm.s32 $0xDF00;
	v54 =	vadd.s32 v5, v41;
	v53 =	vshll.u32 v45, v1;
	v47 =	vadd.f32 v62, v36;
	v48 =	vld [tilespmem:s13+$0xFFFFFFD0]  }
0x4e9: {  	v49 =	vld [tilespmem:s8+$0xFFFFFF00];
	v39 =	vbroadcast v53, $0x0  }
0x4ea: {  	v55 =	vadd.s32 v14, v43;
	[tilespmem:v63+s22+$0x0] =	vst.idx.msk $0xffff, v47;
	v40 =	vadd.f32 v40, v35  }
0x4eb: {  	v56 =	vadd.s32 v0, v39;
	v50 =	vld [tilespmem:s14+$0xFFFFFF90];
	v46 =	vadd.f32 v46, v36  }
0x4ec: {  	[tilespmem:v52+s22+$0x0] =	vst.idx.msk $0xffff, v40  }
0x4ed: {  	v57 =	vadd.s32 v10, v44;
	[tilespmem:v54+s22+$0x0] =	vst.idx.msk $0xffff, v46;
	v58 =	vadd.f32 v48, v35;
	v59 =	vld [tilespmem:s12+$0x20]  }
0x4ee: {  	v60 =	vadd.f32 v49, v36;
	v61 =	vld [tilespmem:s5+$0xFFFFFF50]  }
0x4ef: {  	v62 =	vadd.s32 v19, v42;
	[tilespmem:v55+s22+$0x0] =	vst.idx.msk $0xffff, v58  }
0x4f0: {  	v63 =	vadd.s32 v6, v41;
	[tilespmem:v56+s22+$0x0] =	vst.idx.msk $0xffff, v60;
	v52 =	vadd.f32 v50, v35;
	v53 =	vld [tilespmem:s13+$0xFFFFFFE0]  }
0x4f1: {  	v54 =	vld [tilespmem:s8+$0xFFFFFF10]  }
0x4f2: {  	v55 =	vadd.s32 v15, v43;
	[tilespmem:v57+s22+$0x0] =	vst.idx.msk $0xffff, v52;
	v45 =	vadd.f32 v59, v34  }
0x4f3: {  	v56 =	vadd.s32 v2, v39;
	v57 =	vld [tilespmem:s14+$0xFFFFFFA0];
	v48 =	vadd.f32 v61, v35  }
0x4f4: {  	[tilespmem:v62+s22+$0x0] =	vst.idx.msk $0xffff, v45  }
0x4f5: {  	v58 =	vadd.s32 v11, v44;
	[tilespmem:v63+s22+$0x0] =	vst.idx.msk $0xffff, v48;
	v59 =	vadd.f32 v53, v34;
	v45 =	vld [tilespmem:s12+$0x30]  }
0x4f6: {  	v60 =	vadd.f32 v54, v35;
	v48 =	vld [tilespmem:s5+$0xFFFFFF60]  }
0x4f7: {  	v61 =	vadd.s32 v20, v42;
	[tilespmem:v55+s22+$0x0] =	vst.idx.msk $0xffff, v59  }
0x4f8: {  	[tilespmem:v56+s22+$0x0] =	vst.idx.msk $0xffff, v60;
	v62 =	vadd.s32 v7, v41;
	v63 =	vadd.f32 v57, v34;
	v52 =	vld [tilespmem:s13+$0xFFFFFFF0]  }
0x4f9: {  	s26 =	simm.s32 $0x5;
	v47 =	vld [tilespmem:s8+$0xFFFFFF20]  }
0x4fa: {  	v54 =	vadd.s32 v16, v43;
	v53 =	vmov s26;
	[tilespmem:v58+s22+$0x0] =	vst.idx.msk $0xffff, v63;
	v55 =	vadd.f32 v45, v33  }
0x4fb: {  	v56 =	vshrl.u32 v53, $0x3;
	v57 =	vadd.s32 v3, v39;
	v58 =	vld [tilespmem:s14+$0xFFFFFFB0];
	v48 =	vadd.f32 v48, v34  }
0x4fc: {  	s11 =	simm.s32 $0xC;
	v60 =	vadd.s32 v12, v44;
	v43 =	vshll.u32 v56, v1;
	[tilespmem:v61+s22+$0x0] =	vst.idx.msk $0xffff, v55  }
0x4fd: {  	v59 =	vmov s11;
	v43 =	vbroadcast v43, $0x0;
	[tilespmem:v62+s22+$0x0] =	vst.idx.msk $0xffff, v48;
	v61 =	vadd.f32 v52, v33;
	v42 =	vld [tilespmem:s12+$0x40]  }
0x4fe: {  	s15 =	simm.s32 $0x13;
	v53 =	vadd.s32 v8, v41;
	v63 =	vshrl.u32 v59, $0x3;
	v47 =	vadd.f32 v47, v34;
	v48 =	vld [tilespmem:s5+$0xFFFFFF70]  }
0x4ff: {  	v46 =	vshll.u32 v63, v1;
	v62 =	vmov s15;
	v52 =	vadd.s32 v21, v43;
	[tilespmem:v54+s22+$0x0] =	vst.idx.msk $0xffff, v61  }
0x500: {  	v46 =	vbroadcast v46, $0x0;
	v44 =	vshrl.u32 v62, $0x3;
	[tilespmem:v57+s22+$0x0] =	vst.idx.msk $0xffff, v47;
	v54 =	vadd.f32 v58, v33;
	v55 =	vld [tilespmem:s13+$0x0]  }
0x501: {  	s16 =	simm.s32 $0x1A;
	v39 =	vadd.s32 v4, v39;
	v44 =	vshll.u32 v44, v1;
	v57 =	vld [tilespmem:s8+$0xFFFFFF30]  }
0x502: {  	v56 =	vmov s16;
	v58 =	vadd.s32 v17, v46;
	[tilespmem:v60+s22+$0x0] =	vst.idx.msk $0xffff, v54;
	v59 =	vadd.f32 v42, v36  }
0x503: {  	v47 =	vshrl.u32 v56, $0x3;
	v44 =	vbroadcast v44, $0x0;
	v60 =	vadd.f32 v48, v33;
	v61 =	vld [tilespmem:s14+$0xFFFFFFC0]  }
0x504: {  	s18 =	simm.s32 $0x21;
	v47 =	vshll.u32 v47, v1;
	[tilespmem:v52+s22+$0x0] =	vst.idx.msk $0xffff, v59  }
0x505: {  	v62 =	vmov s18;
	v63 =	vadd.s32 v13, v44;
	[tilespmem:v53+s22+$0x0] =	vst.idx.msk $0xffff, v60;
	v52 =	vadd.f32 v55, v36;
	v53 =	vld [tilespmem:s12+$0x50]  }
0x506: {  	v37 =	vshrl.u32 v62, $0x3;
	v47 =	vbroadcast v47, $0x0;
	v54 =	vadd.f32 v57, v33;
	v55 =	vld [tilespmem:s5+$0xFFFFFF80]  }
0x507: {  	v38 =	vadd.s32 v22, v43;
	v37 =	vshll.u32 v37, v1;
	[tilespmem:v58+s22+$0x0] =	vst.idx.msk $0xffff, v52  }
0x508: {  	s29 =	simm.s32 $0x28;
	[tilespmem:v39+s22+$0x0] =	vst.idx.msk $0xffff, v54;
	v39 =	vadd.s32 v9, v47;
	v56 =	vadd.f32 v61, v36;
	v57 =	vld [tilespmem:s13+$0x10]  }
0x509: {  	v37 =	vbroadcast v37, $0x0;
	v59 =	vld [tilespmem:s8+$0xFFFFFF40];
	v58 =	vmov s29  }
0x50a: {  	v60 =	vadd.s32 v18, v46;
	v48 =	vshrl.u32 v58, $0x3;
	[tilespmem:v63+s22+$0x0] =	vst.idx.msk $0xffff, v56;
	v61 =	vadd.f32 v53, v35  }
0x50b: {  	s26 =	simm.s32 $0xE100;
	v62 =	vshll.u32 v48, v1;
	v63 =	vadd.s32 v5, v37;
	v49 =	vadd.f32 v55, v36;
	v51 =	vld [tilespmem:s14+$0xFFFFFFD0]  }
0x50c: {  	v52 =	vld [tilespmem:s26+$0xFFFFFF00];
	v42 =	vbroadcast v62, $0x0;
	[tilespmem:v38+s22+$0x0] =	vst.idx.msk $0xffff, v61  }
0x50d: {  	[tilespmem:v39+s22+$0x0] =	vst.idx.msk $0xffff, v49;
	v38 =	vadd.s32 v14, v44;
	v55 =	vadd.f32 v57, v35;
	v41 =	vld [tilespmem:s12+$0x60]  }
0x50e: {  	v56 =	vadd.s32 v0, v42;
	v57 =	vadd.f32 v59, v36;
	v58 =	vld [tilespmem:s5+$0xFFFFFF90]  }
0x50f: {  	v39 =	vadd.s32 v23, v43;
	[tilespmem:v60+s22+$0x0] =	vst.idx.msk $0xffff, v55  }
0x510: {  	v59 =	vadd.s32 v10, v47;
	[tilespmem:v63+s22+$0x0] =	vst.idx.msk $0xffff, v57;
	v60 =	vadd.f32 v51, v35;
	v61 =	vld [tilespmem:s13+$0x20]  }
0x511: {  	v62 =	vadd.f32 v52, v36;
	v63 =	vld [tilespmem:s8+$0xFFFFFF50]  }
0x512: {  	[tilespmem:v38+s22+$0x0] =	vst.idx.msk $0xffff, v60;
	v38 =	vadd.s32 v19, v46;
	v41 =	vadd.f32 v41, v34  }
0x513: {  	[tilespmem:v56+s22+$0x0] =	vst.idx.msk $0xffff, v62;
	v56 =	vadd.s32 v6, v37;
	v57 =	vadd.f32 v58, v35;
	v58 =	vld [tilespmem:s14+$0xFFFFFFE0]  }
0x514: {  	v51 =	vld [tilespmem:s26+$0xFFFFFF10];
	[tilespmem:v39+s22+$0x0] =	vst.idx.msk $0xffff, v41  }
0x515: {  	[tilespmem:v59+s22+$0x0] =	vst.idx.msk $0xffff, v57;
	v59 =	vadd.s32 v15, v44;
	v60 =	vadd.f32 v61, v34;
	v41 =	vld [tilespmem:s12+$0x70]  }
0x516: {  	v61 =	vadd.s32 v2, v42;
	v62 =	vadd.f32 v63, v35;
	v63 =	vld [tilespmem:s5+$0xFFFFFFA0]  }
0x517: {  	[tilespmem:v38+s22+$0x0] =	vst.idx.msk $0xffff, v60;
	v38 =	vadd.s32 v24, v43  }
0x518: {  	v40 =	vadd.s32 v11, v47;
	[tilespmem:v56+s22+$0x0] =	vst.idx.msk $0xffff, v62;
	v55 =	vadd.f32 v58, v34;
	v56 =	vld [tilespmem:s13+$0x30]  }
0x519: {  	s19 =	simm.s32 $0x6;
	v57 =	vadd.f32 v51, v35;
	v50 =	vld [tilespmem:s8+$0xFFFFFF60]  }
0x51a: {  	v39 =	vadd.s32 v20, v46;
	v58 =	vmov s19;
	[tilespmem:v59+s22+$0x0] =	vst.idx.msk $0xffff, v55;
	v41 =	vadd.f32 v41, v33  }
0x51b: {  	s21 =	simm.s32 $0xD;
	v46 =	vadd.s32 v7, v37;
	v59 =	vshrl.u32 v58, $0x3;
	[tilespmem:v61+s22+$0x0] =	vst.idx.msk $0xffff, v57;
	v60 =	vadd.f32 v63, v34;
	v61 =	vld [tilespmem:s14+$0xFFFFFFF0]  }
0x51c: {  	v45 =	vadd.s32 v3, v42;
	v62 =	vmov s21;
	v43 =	vshll.u32 v59, v1;
	v53 =	vld [tilespmem:s26+$0xFFFFFF20];
	[tilespmem:v38+s22+$0x0] =	vst.idx.msk $0xffff, v41  }
0x51d: {  	s11 =	simm.s32 $0x14;
	[tilespmem:v40+s22+$0x0] =	vst.idx.msk $0xffff, v60;
	v43 =	vbroadcast v43, $0x0;
	v38 =	vadd.s32 v16, v44;
	v56 =	vadd.f32 v56, v33;
	v41 =	vld [tilespmem:s12+$0x80]  }
0x51e: {  	v63 =	vmov s11;
	v57 =	vshrl.u32 v62, $0x3;
	v58 =	vadd.f32 v50, v34;
	v59 =	vld [tilespmem:s5+$0xFFFFFFB0]  }
0x51f: {  	v60 =	vshrl.u32 v63, $0x3;
	v44 =	vshll.u32 v57, v1;
	[tilespmem:v39+s22+$0x0] =	vst.idx.msk $0xffff, v56;
	v39 =	vadd.s32 v25, v43  }
0x520: {  	v40 =	vadd.s32 v12, v47;
	v44 =	vbroadcast v44, $0x0;
	[tilespmem:v46+s22+$0x0] =	vst.idx.msk $0xffff, v58;
	v61 =	vadd.f32 v61, v33;
	v62 =	vld [tilespmem:s13+$0x40]  }
0x521: {  	s15 =	simm.s32 $0x1B;
	v37 =	vadd.s32 v8, v37;
	v56 =	vshll.u32 v60, v1;
	v57 =	vadd.f32 v53, v34;
	v58 =	vld [tilespmem:s8+$0xFFFFFF70]  }
0x522: {  	v63 =	vmov s15;
	[tilespmem:v38+s22+$0x0] =	vst.idx.msk $0xffff, v61;
	v38 =	vadd.s32 v21, v44;
	v41 =	vadd.f32 v41, v36  }
0x523: {  	s16 =	simm.s32 $0x22;
	v48 =	vshrl.u32 v63, $0x3;
	v49 =	vbroadcast v56, $0x0;
	[tilespmem:v45+s22+$0x0] =	vst.idx.msk $0xffff, v57;
	v59 =	vadd.f32 v59, v33;
	v46 =	vld [tilespmem:s14+$0x0]  }
0x524: {  	v48 =	vshll.u32 v48, v1;
	v60 =	vmov s16;
	v51 =	vld [tilespmem:s26+$0xFFFFFF30];
	[tilespmem:v39+s22+$0x0] =	vst.idx.msk $0xffff, v41  }
0x525: {  	v48 =	vbroadcast v48, $0x0;
	[tilespmem:v40+s22+$0x0] =	vst.idx.msk $0xffff, v59;
	v40 =	vadd.s32 v17, v49;
	v62 =	vadd.f32 v62, v36;
	v63 =	vld [tilespmem:s12+$0x90]  }
0x526: {  	s18 =	simm.s32 $0x29;
	v42 =	vadd.s32 v4, v42;
	v61 =	vshrl.u32 v60, $0x3;
	v56 =	vadd.f32 v58, v33;
	v57 =	vld [tilespmem:s5+$0xFFFFFFC0]  }
0x527: {  	v60 =	vadd.s32 v13, v48;
	v58 =	vmov s18;
	[tilespmem:v38+s22+$0x0] =	vst.idx.msk $0xffff, v62;
	v38 =	vadd.s32 v26, v43  }
0x528: {  	v39 =	vshll.u32 v61, v1;
	v59 =	vshrl.u32 v58, $0x3;
	[tilespmem:v37+s22+$0x0] =	vst.idx.msk $0xffff, v56;
	v46 =	vadd.f32 v46, v36;
	v61 =	vld [tilespmem:s13+$0x50]  }
0x529: {  	v39 =	vbroadcast v39, $0x0;
	v41 =	vshll.u32 v59, v1;
	v51 =	vadd.f32 v51, v33;
	v62 =	vld [tilespmem:s8+$0xFFFFFF80]  }
0x52a: {  	[tilespmem:v40+s22+$0x0] =	vst.idx.msk $0xffff, v46;
	v40 =	vadd.s32 v22, v44;
	v45 =	vadd.f32 v63, v35  }
0x52b: {  	s9 =	simm.s32 $0x30;
	[tilespmem:v42+s22+$0x0] =	vst.idx.msk $0xffff, v51;
	v42 =	vadd.s32 v9, v39;
	v63 =	vadd.f32 v57, v36;
	v50 =	vld [tilespmem:s14+$0x10]  }
0x52c: {  	v54 =	vbroadcast v41, $0x0;
	v57 =	vmov s9;
	v58 =	vld [tilespmem:s26+$0xFFFFFF40];
	[tilespmem:v38+s22+$0x0] =	vst.idx.msk $0xffff, v45  }
0x52d: {  	v37 =	vadd.s32 v18, v49;
	v59 =	vshrl.u32 v57, $0x3;
	[tilespmem:v60+s22+$0x0] =	vst.idx.msk $0xffff, v63;
	v60 =	vadd.f32 v61, v35;
	v45 =	vld [tilespmem:s12+$0xA0]  }
0x52e: {  	s11 =	simm.s32 $0xE300;
	v46 =	vadd.s32 v5, v54;
	v38 =	vshll.u32 v59, v1;
	v61 =	vadd.f32 v62, v36;
	v62 =	vld [tilespmem:s5+$0xFFFFFFD0]  }
0x52f: {  	v63 =	vld [tilespmem:s11+$0xFFFFFF00];
	v55 =	vbroadcast v38, $0x0;
	v38 =	vadd.s32 v27, v43;
	[tilespmem:v40+s22+$0x0] =	vst.idx.msk $0xffff, v60  }
0x530: {  	[tilespmem:v42+s22+$0x0] =	vst.idx.msk $0xffff, v61;
	v40 =	vadd.s32 v14, v48;
	v57 =	vadd.f32 v50, v35;
	v42 =	vld [tilespmem:s13+$0x60]  }
0x531: {  	v47 =	vadd.s32 v0, v55;
	v58 =	vadd.f32 v58, v36;
	v59 =	vld [tilespmem:s8+$0xFFFFFF90]  }
0x532: {  	[tilespmem:v37+s22+$0x0] =	vst.idx.msk $0xffff, v57;
	v37 =	vadd.s32 v23, v44;
	v60 =	vadd.f32 v45, v34  }
0x533: {  	[tilespmem:v46+s22+$0x0] =	vst.idx.msk $0xffff, v58;
	v45 =	vadd.s32 v10, v39;
	v61 =	vadd.f32 v62, v35;
	v62 =	vld [tilespmem:s14+$0x20]  }
0x534: {  	v41 =	vadd.s32 v15, v48;
	v63 =	vadd.f32 v63, v36;
	v56 =	vld [tilespmem:s26+$0xFFFFFF50];
	[tilespmem:v38+s22+$0x0] =	vst.idx.msk $0xffff, v60  }
0x535: {  	s15 =	simm.s32 $0x7;
	[tilespmem:v40+s22+$0x0] =	vst.idx.msk $0xffff, v61;
	v40 =	vadd.s32 v19, v49;
	v58 =	vadd.f32 v42, v34;
	v42 =	vld [tilespmem:s12+$0xB0]  }
0x536: {  	v57 =	vmov s15;
	v46 =	vadd.s32 v6, v54;
	[tilespmem:v47+s22+$0x0] =	vst.idx.msk $0xffff, v63;
	v59 =	vadd.f32 v59, v35;
	v60 =	vld [tilespmem:s5+$0xFFFFFFE0]  }
0x537: {  	s16 =	simm.s32 $0x15;
	v38 =	vshrl.u32 v57, $0x3;
	v63 =	vadd.s32 v2, v55;
	v53 =	vld [tilespmem:s11+$0xFFFFFF10];
	[tilespmem:v37+s22+$0x0] =	vst.idx.msk $0xffff, v58;
	v37 =	vadd.s32 v28, v43  }
0x538: {  	s21 =	simm.s32 $0x1C;
	v57 =	vmov s16;
	v38 =	vshll.u32 v38, v1;
	[tilespmem:v45+s22+$0x0] =	vst.idx.msk $0xffff, v59;
	v61 =	vadd.f32 v62, v34;
	v45 =	vld [tilespmem:s13+$0x70]  }
0x539: {  	s19 =	simm.s32 $0xE;
	v58 =	vmov s21;
	v43 =	vadd.s32 v11, v39;
	v52 =	vadd.f32 v56, v35;
	v56 =	vld [tilespmem:s8+$0xFFFFFFA0]  }
0x53a: {  	v62 =	vmov s19;
	[tilespmem:v40+s22+$0x0] =	vst.idx.msk $0xffff, v61;
	v40 =	vadd.s32 v24, v44;
	v42 =	vadd.f32 v42, v33  }
0x53b: {  	s16 =	simm.s32 $0x23;
	v39 =	vadd.s32 v12, v39;
	v47 =	vshrl.u32 v62, $0x3;
	[tilespmem:v46+s22+$0x0] =	vst.idx.msk $0xffff, v52;
	v60 =	vadd.f32 v60, v34;
	v46 =	vld [tilespmem:s14+$0x30]  }
0x53c: {  	v47 =	vshll.u32 v47, v1;
	v61 =	vadd.f32 v53, v35;
	v52 =	vld [tilespmem:s26+$0xFFFFFF60];
	v53 =	vmov s16;
	[tilespmem:v37+s22+$0x0] =	vst.idx.msk $0xffff, v42  }
0x53d: {  	[tilespmem:v41+s22+$0x0] =	vst.idx.msk $0xffff, v60;
	v41 =	vadd.s32 v20, v49;
	v62 =	vadd.f32 v45, v33;
	v37 =	vbroadcast v38, $0x0;
	v44 =	vld [tilespmem:s12+$0xC0]  }
0x53e: {  	[tilespmem:v63+s22+$0x0] =	vst.idx.msk $0xffff, v61;
	v45 =	vadd.s32 v7, v54;
	v60 =	vshrl.u32 v57, $0x3;
	v63 =	vadd.f32 v56, v34;
	v49 =	vld [tilespmem:s5+$0xFFFFFFF0]  }
0x53f: {  	v61 =	vshrl.u32 v58, $0x3;
	v42 =	vadd.s32 v16, v48;
	v51 =	vld [tilespmem:s11+$0xFFFFFF20];
	[tilespmem:v40+s22+$0x0] =	vst.idx.msk $0xffff, v62;
	v40 =	vadd.s32 v29, v37  }
0x540: {  	v38 =	vbroadcast v47, $0x0;
	v47 =	vadd.s32 v3, v55;
	[tilespmem:v43+s22+$0x0] =	vst.idx.msk $0xffff, v63;
	v62 =	vadd.f32 v46, v33;
	v46 =	vld [tilespmem:s13+$0x80]  }
0x541: {  	s18 =	simm.s32 $0x2A;
	v50 =	vshll.u32 v60, v1;
	v56 =	vshll.u32 v61, v1;
	v63 =	vadd.f32 v52, v34;
	v60 =	vld [tilespmem:s8+$0xFFFFFFB0]  }
0x542: {  	v58 =	vmov s18;
	v57 =	vadd.s32 v25, v38;
	[tilespmem:v41+s22+$0x0] =	vst.idx.msk $0xffff, v62;
	v61 =	vadd.f32 v44, v36  }
0x543: {  	v55 =	vadd.s32 v4, v55;
	[tilespmem:v45+s22+$0x0] =	vst.idx.msk $0xffff, v63;
	v41 =	vbroadcast v50, $0x0;
	v62 =	vadd.f32 v49, v33;
	v45 =	vld [tilespmem:s14+$0x40]  }
0x544: {  	v59 =	vshrl.u32 v58, $0x3;
	v58 =	vadd.s32 v26, v38;
	v63 =	vadd.f32 v51, v34;
	v49 =	vld [tilespmem:s26+$0xFFFFFF70];
	[tilespmem:v40+s22+$0x0] =	vst.idx.msk $0xffff, v61  }
0x545: {  	v53 =	vshrl.u32 v53, $0x3;
	[tilespmem:v42+s22+$0x0] =	vst.idx.msk $0xffff, v62;
	v42 =	vadd.s32 v21, v41;
	v62 =	vadd.f32 v46, v36;
	v46 =	vld [tilespmem:s12+$0xD0]  }
0x546: {  	v43 =	vbroadcast v56, $0x0;
	[tilespmem:v47+s22+$0x0] =	vst.idx.msk $0xffff, v63;
	v47 =	vadd.s32 v8, v54;
	v63 =	vadd.f32 v60, v33;
	v60 =	vld [tilespmem:s5+$0x0]  }
0x547: {  	v51 =	vshll.u32 v53, v1;
	v54 =	vadd.s32 v30, v37;
	v61 =	vld [tilespmem:s11+$0xFFFFFF30];
	[tilespmem:v57+s22+$0x0] =	vst.idx.msk $0xffff, v62  }
0x548: {  	s18 =	simm.s32 $0x38;
	[tilespmem:v39+s22+$0x0] =	vst.idx.msk $0xffff, v63;
	v39 =	vadd.s32 v17, v43;
	v45 =	vadd.f32 v45, v36;
	v48 =	vld [tilespmem:s13+$0x90]  }
0x549: {  	s19 =	simm.s32 $0x31;
	v56 =	vmov s18;
	v44 =	vbroadcast v51, $0x0;
	v49 =	vadd.f32 v49, v33;
	v57 =	vld [tilespmem:s8+$0xFFFFFFC0]  }
0x54a: {  	v40 =	vshll.u32 v59, v1;
	v62 =	vmov s19;
	[tilespmem:v42+s22+$0x0] =	vst.idx.msk $0xffff, v45;
	v63 =	vadd.f32 v46, v35  }
0x54b: {  	v50 =	vadd.s32 v13, v44;
	v59 =	vshrl.u32 v62, $0x3;
	[tilespmem:v47+s22+$0x0] =	vst.idx.msk $0xffff, v49;
	v60 =	vadd.f32 v60, v36;
	v46 =	vld [tilespmem:s14+$0x50]  }
0x54c: {  	s21 =	simm.s32 $0xF;
	v59 =	vshll.u32 v59, v1;
	v47 =	vbroadcast v40, $0x0;
	v61 =	vadd.f32 v61, v33;
	v52 =	vld [tilespmem:s26+$0xFFFFFF80];
	[tilespmem:v54+s22+$0x0] =	vst.idx.msk $0xffff, v63  }
0x54d: {  	v45 =	vadd.s32 v22, v41;
	v42 =	vmov s21;
	[tilespmem:v39+s22+$0x0] =	vst.idx.msk $0xffff, v60;
	v62 =	vadd.f32 v48, v35;
	v39 =	vld [tilespmem:s12+$0xE0]  }
0x54e: {  	v53 =	vadd.s32 v9, v47;
	v63 =	vshrl.u32 v56, $0x3;
	[tilespmem:v55+s22+$0x0] =	vst.idx.msk $0xffff, v61;
	v51 =	vadd.f32 v57, v36;
	v48 =	vld [tilespmem:s5+$0x10]  }
0x54f: {  	s30 =	sshrl.u32 s0, $0x5;
	s15 =	simm.s32 $0xE300;
	s16 =	simm.s32 $0x40;
	v49 =	vbroadcast v59, $0x0;
	v40 =	vadd.s32 v31, v37;
	v55 =	vshll.u32 v63, v1;
	v54 =	vld [tilespmem:s11+$0xFFFFFF40];
	[tilespmem:v58+s22+$0x0] =	vst.idx.msk $0xffff, v62  }
.LBB2_11:
0x550: {  	p2 =	slt.u32 s16, $0x78;
	[tilespmem:v50+s22+$0x0] =	vst.idx.msk $0xffff, v51;
	v50 =	vadd.s32 v18, v43;
	v46 =	vadd.f32 v46, v35;
	v51 =	vld [tilespmem:s13+$0xA0];
	v42 =	vshrl.u32 v42, $0x3  }
0x551: {  	s11 =	sadd.s32 $0x200, s11;
	v56 =	vadd.s32 v5, v49;
	v52 =	vadd.f32 v52, v36;
	v57 =	vld [tilespmem:s8+$0xFFFFFFD0];
	v58 =	vshll.u32 v42, v1  }
0x552: {  	v42 =	vbroadcast v55, $0x0;
	v59 =	vld [tilespmem:s11+$0xFFFFFF00];
	[tilespmem:v45+s22+$0x0] =	vst.idx.msk $0xffff, v46;
	v45 =	vadd.s32 v27, v38;
	v39 =	vadd.f32 v39, v34  }
0x553: {  	v46 =	vadd.s32 v14, v44;
	[tilespmem:v53+s22+$0x0] =	vst.idx.msk $0xffff, v52;
	v48 =	vadd.f32 v48, v35;
	v52 =	vld [tilespmem:s14+$0x60]  }
0x554: {  	v53 =	vadd.s32 v0, v42;
	v54 =	vadd.f32 v54, v36;
	v55 =	vld [tilespmem:s26+$0xFFFFFF90];
	[tilespmem:v40+s22+$0x0] =	vst.idx.msk $0xffff, v39  }
0x555: {  	v39 =	vadd.s32 v23, v41;
	[tilespmem:v50+s22+$0x0] =	vst.idx.msk $0xffff, v48;
	v40 =	vadd.f32 v51, v34;
	v48 =	vld [tilespmem:s12+$0xF0];
	s12 =	smov.u32 s13;
	s13 =	smov.u32 s14;
	s14 =	smov.u32 s5  }
0x556: {  	v50 =	vadd.s32 v10, v47;
	s5 =	smov.u32 s8;
	s8 =	smov.u32 s26;
	s26 =	smov.u32 s15;
	[tilespmem:v56+s22+$0x0] =	vst.idx.msk $0xffff, v54;
	v51 =	vadd.f32 v57, v35;
	v54 =	vld [tilespmem:s14+$0x20]  }
0x557: {  	v37 =	vadd.s32 v32, v37;
	s15 =	smov.u32 s11;
	v56 =	vadd.f32 v59, v36;
	v57 =	vld [tilespmem:s26+$0xFFFFFF50];
	[tilespmem:v45+s22+$0x0] =	vst.idx.msk $0xffff, v40  }
0x558: {  	v40 =	vadd.s32 v19, v43;
	[tilespmem:v46+s22+$0x0] =	vst.idx.msk $0xffff, v51;
	v45 =	vadd.f32 v52, v34;
	v46 =	vld [tilespmem:s12+$0xB0]  }
0x559: {  	v51 =	vadd.s32 v6, v49;
	[tilespmem:v53+s22+$0x0] =	vst.idx.msk $0xffff, v56;
	v52 =	vadd.f32 v55, v35;
	v53 =	vld [tilespmem:s5+$0xFFFFFFE0]  }
0x55a: {  	s19 =	sadd.s32 $0x6, s7;
	v38 =	vadd.s32 v28, v38;
	v55 =	vld [tilespmem:s11+$0xFFFFFF10];
	[tilespmem:v39+s22+$0x0] =	vst.idx.msk $0xffff, v45;
	v39 =	vadd.f32 v48, v33  }
0x55b: {  	s21 =	sadd.s32 $0x5, s25;
	v45 =	vadd.s32 v15, v44;
	[tilespmem:v50+s22+$0x0] =	vst.idx.msk $0xffff, v52;
	v48 =	vadd.f32 v54, v34;
	v50 =	vld [tilespmem:s13+$0x70];
	v52 =	vmov s19  }
0x55c: {  	v59 =	vmov s21;
	v54 =	vadd.s32 v2, v42;
	s19 =	sadd.s32 $0x4, s28;
	v56 =	vadd.f32 v57, v35;
	v57 =	vld [tilespmem:s8+$0xFFFFFFA0];
	[tilespmem:v37+s22+$0x0] =	vst.idx.msk $0xffff, v39  }
0x55d: {  	v39 =	vmov s19;
	[tilespmem:v40+s22+$0x0] =	vst.idx.msk $0xffff, v48;
	v40 =	vadd.s32 v24, v41;
	v37 =	vadd.f32 v46, v33  }
0x55e: {  	s19 =	sadd.s32 $0x3, s29;
	v41 =	vadd.s32 v11, v47;
	[tilespmem:v51+s22+$0x0] =	vst.idx.msk $0xffff, v56;
	v46 =	vadd.f32 v53, v34;
	v48 =	vld [tilespmem:s14+$0x30];
	v51 =	vshrl.u32 v52, $0x3  }
0x55f: {  	v52 =	vadd.f32 v55, v35;
	v53 =	vld [tilespmem:s26+$0xFFFFFF60];
	v55 =	vmov s19;
	v51 =	vshll.u32 v51, v1;
	[tilespmem:v38+s22+$0x0] =	vst.idx.msk $0xffff, v37  }
0x560: {  	v43 =	vadd.s32 v20, v43;
	v37 =	vbroadcast v58, $0x0;
	[tilespmem:v45+s22+$0x0] =	vst.idx.msk $0xffff, v46;
	v38 =	vadd.f32 v50, v33;
	v45 =	vld [tilespmem:s12+$0xC0]  }
0x561: {  	v46 =	vadd.s32 v7, v49;
	[tilespmem:v54+s22+$0x0] =	vst.idx.msk $0xffff, v52;
	v50 =	vadd.f32 v57, v34;
	v52 =	vld [tilespmem:s5+$0xFFFFFFF0];
	v54 =	vshrl.u32 v59, $0x3  }
0x562: {  	v39 =	vshrl.u32 v39, $0x3;
	v56 =	vld [tilespmem:s11+$0xFFFFFF20];
	v54 =	vshll.u32 v54, v1;
	[tilespmem:v40+s22+$0x0] =	vst.idx.msk $0xffff, v38;
	v40 =	vadd.s32 v29, v37  }
0x563: {  	v44 =	vadd.s32 v16, v44;
	v38 =	vbroadcast v51, $0x0;
	[tilespmem:v41+s22+$0x0] =	vst.idx.msk $0xffff, v50;
	v41 =	vadd.f32 v48, v33;
	v48 =	vld [tilespmem:s13+$0x80]  }
0x564: {  	v39 =	vshll.u32 v39, v1;
	v50 =	vadd.s32 v3, v42;
	v51 =	vadd.f32 v53, v34;
	v53 =	vld [tilespmem:s8+$0xFFFFFFB0]  }
0x565: {  	v55 =	vshrl.u32 v55, $0x3;
	v57 =	vadd.s32 v25, v38;
	[tilespmem:v43+s22+$0x0] =	vst.idx.msk $0xffff, v41;
	v43 =	vadd.f32 v45, v36  }
0x566: {  	s19 =	sadd.s32 $0x2, s9;
	v45 =	vadd.s32 v12, v47;
	v41 =	vbroadcast v54, $0x0;
	[tilespmem:v46+s22+$0x0] =	vst.idx.msk $0xffff, v51;
	v46 =	vadd.f32 v52, v33;
	v47 =	vld [tilespmem:s14+$0x40]  }
0x567: {  	v55 =	vshll.u32 v55, v1;
	v54 =	vmov s19;
	v51 =	vadd.f32 v56, v34;
	v52 =	vld [tilespmem:s26+$0xFFFFFF70];
	[tilespmem:v40+s22+$0x0] =	vst.idx.msk $0xffff, v43  }
0x568: {  	v40 =	vshrl.u32 v54, $0x3;
	[tilespmem:v44+s22+$0x0] =	vst.idx.msk $0xffff, v46;
	v46 =	vadd.s32 v21, v41;
	v44 =	vadd.f32 v48, v36;
	v48 =	vld [tilespmem:s12+$0xD0]  }
0x569: {  	v49 =	vadd.s32 v8, v49;
	v43 =	vbroadcast v39, $0x0;
	[tilespmem:v50+s22+$0x0] =	vst.idx.msk $0xffff, v51;
	v50 =	vadd.f32 v53, v33;
	v51 =	vld [tilespmem:s5+$0x0]  }
0x56a: {  	v40 =	vshll.u32 v40, v1;
	v53 =	vadd.s32 v30, v37;
	v39 =	vld [tilespmem:s11+$0xFFFFFF30];
	[tilespmem:v57+s22+$0x0] =	vst.idx.msk $0xffff, v44  }
0x56b: {  	v54 =	vmov s16;
	[tilespmem:v45+s22+$0x0] =	vst.idx.msk $0xffff, v50;
	v45 =	vadd.s32 v17, v43;
	v47 =	vadd.f32 v47, v36;
	v56 =	vld [tilespmem:s13+$0x90]  }
0x56c: {  	s19 =	sadd.s32 $0x1, s18;
	v57 =	vadd.s32 v4, v42;
	v44 =	vbroadcast v55, $0x0;
	v42 =	vadd.f32 v52, v33;
	v58 =	vld [tilespmem:s8+$0xFFFFFFC0]  }
0x56d: {  	v59 =	vadd.s32 v26, v38;
	v50 =	vmov s19;
	[tilespmem:v46+s22+$0x0] =	vst.idx.msk $0xffff, v47;
	v48 =	vadd.f32 v48, v35  }
.Ltmp6:
0x56e: {  	v47 =	vshrl.u32 v50, $0x3;
	v50 =	vadd.s32 v13, v44;
	[tilespmem:v49+s22+$0x0] =	vst.idx.msk $0xffff, v42;
	v42 =	vadd.f32 v51, v36;
	v46 =	vld [tilespmem:s14+$0x50];
	(pc) =	sbr.rel @p2 .LBB2_11-.Ltmp6, $4  }
0x56f: {  	s19 =	sadd.s32 $0x7, s7;
	s7 =	smov.u32 s25;
	s25 =	smov.u32 s28;
	v60 =	vshll.u32 v47, v1;
	v47 =	vbroadcast v40, $0x0;
	v49 =	vadd.f32 v39, v33;
	v52 =	vld [tilespmem:s26+$0xFFFFFF80];
	[tilespmem:v53+s22+$0x0] =	vst.idx.msk $0xffff, v48  }
0x570: {  	s28 =	smov.u32 s29;
	s29 =	smov.u32 s9;
	s9 =	smov.u32 s18;
	[tilespmem:v45+s22+$0x0] =	vst.idx.msk $0xffff, v42;
	v45 =	vadd.s32 v22, v41;
	v40 =	vadd.f32 v56, v35;
	v42 =	vmov s19;
	v39 =	vld [tilespmem:s12+$0xE0]  }
0x571: {  	v54 =	vshrl.u32 v54, $0x3;
	s18 =	smov.u32 s16;
	v53 =	vadd.s32 v9, v47;
	[tilespmem:v57+s22+$0x0] =	vst.idx.msk $0xffff, v49;
	v51 =	vadd.f32 v58, v36;
	v48 =	vld [tilespmem:s5+$0x10]  }
0x572: {  	v55 =	vshll.u32 v54, v1;
	s16 =	sadd.s32 $0x8, s16;
	v49 =	vbroadcast v60, $0x0;
	v54 =	vld [tilespmem:s11+$0xFFFFFF40];
	[tilespmem:v59+s22+$0x0] =	vst.idx.msk $0xffff, v40;
	v40 =	vadd.s32 v31, v37  }
0x573: {  	s11 =	sadd.s32 $0x200, s11  }
0x574: {  	v55 =	vbroadcast v55, $0x0;
	v56 =	vld [tilespmem:s11+$0xFFFFFF00];
	_ =	sdelay $0x1  }
0x575: {  	v57 =	vadd.s32 v0, v55;
	_ =	sdelay $0x2  }
0x576: {  	v56 =	vadd.f32 v56, v36;
	_ =	sdelay $0x1  }
0x577: {  	[tilespmem:v57+s22+$0x0] =	vst.idx.msk $0xffff, v56  }
0x578: {  	v56 =	vld [tilespmem:s11+$0xFFFFFF10];
	_ =	sdelay $0x1  }
0x579: {  	v62 =	vadd.s32 v2, v55;
	_ =	sdelay $0x2  }
0x57a: {  	v56 =	vadd.f32 v56, v35;
	_ =	sdelay $0x1  }
0x57b: {  	[tilespmem:v62+s22+$0x0] =	vst.idx.msk $0xffff, v56  }
0x57c: {  	v56 =	vld [tilespmem:s11+$0xFFFFFF20];
	_ =	sdelay $0x1  }
0x57d: {  	v63 =	vadd.s32 v3, v55;
	_ =	sdelay $0x2  }
0x57e: {  	v56 =	vadd.f32 v56, v34;
	_ =	sdelay $0x1  }
0x57f: {  	[tilespmem:v63+s22+$0x0] =	vst.idx.msk $0xffff, v56  }
0x580: {  	v56 =	vld [tilespmem:s11+$0xFFFFFF30];
	_ =	sdelay $0x1  }
0x581: {  	v55 =	vadd.s32 v4, v55;
	_ =	sdelay $0x1  }
0x582: {  	s16 =	sadd.s32 $0x1, s18  }
0x583: {  	v60 =	vmov s16;
	v56 =	vadd.f32 v56, v33  }
0x584: {  	v57 =	vshrl.u32 v60, $0x3  }
0x585: {  	v57 =	vshll.u32 v57, v1;
	[tilespmem:v55+s22+$0x0] =	vst.idx.msk $0xffff, v56  }
0x586: {  	v56 =	vbroadcast v57, $0x0;
	v55 =	vld [tilespmem:s11+$0xFFFFFF40]  }
0x587: {  	v61 =	vadd.s32 v5, v49  }
0x588: {  	v58 =	vadd.s32 v5, v56;
	_ =	sdelay $0x1  }
0x589: {  	v54 =	vadd.f32 v54, v36  }
0x58a: {  	v55 =	vadd.f32 v55, v36  }
0x58b: {  	[tilespmem:v61+s22+$0x0] =	vst.idx.msk $0xffff, v54  }
0x58c: {  	v54 =	vld [tilespmem:s15+$0xFFFFFF50];
	[tilespmem:v58+s22+$0x0] =	vst.idx.msk $0xffff, v55  }
0x58d: {  	v55 =	vld [tilespmem:s11+$0xFFFFFF50]  }
0x58e: {  	v62 =	vadd.s32 v6, v49  }
0x58f: {  	v63 =	vadd.s32 v6, v56;
	_ =	sdelay $0x1  }
0x590: {  	v54 =	vadd.f32 v54, v35  }
0x591: {  	v55 =	vadd.f32 v55, v35  }
0x592: {  	[tilespmem:v62+s22+$0x0] =	vst.idx.msk $0xffff, v54  }
0x593: {  	v54 =	vld [tilespmem:s15+$0xFFFFFF60];
	[tilespmem:v63+s22+$0x0] =	vst.idx.msk $0xffff, v55  }
0x594: {  	v55 =	vld [tilespmem:s11+$0xFFFFFF60]  }
0x595: {  	v60 =	vadd.s32 v7, v49  }
0x596: {  	v61 =	vadd.s32 v7, v56;
	_ =	sdelay $0x1  }
0x597: {  	v54 =	vadd.f32 v54, v34  }
0x598: {  	v55 =	vadd.f32 v55, v34  }
0x599: {  	[tilespmem:v60+s22+$0x0] =	vst.idx.msk $0xffff, v54  }
0x59a: {  	v54 =	vld [tilespmem:s15+$0xFFFFFF70];
	[tilespmem:v61+s22+$0x0] =	vst.idx.msk $0xffff, v55  }
0x59b: {  	v55 =	vld [tilespmem:s11+$0xFFFFFF70]  }
0x59c: {  	v62 =	vadd.s32 v8, v49  }
0x59d: {  	v56 =	vadd.s32 v8, v56  }
0x59e: {  	s19 =	sadd.s32 $0x2, s9  }
0x59f: {  	s21 =	sadd.s32 $0x2, s18;
	v54 =	vadd.f32 v54, v33;
	v63 =	vmov s19  }
0x5a0: {  	v60 =	vmov s21;
	v57 =	vshrl.u32 v63, $0x3;
	v55 =	vadd.f32 v55, v33  }
0x5a1: {  	[tilespmem:v62+s22+$0x0] =	vst.idx.msk $0xffff, v54;
	v57 =	vshll.u32 v57, v1;
	v61 =	vshrl.u32 v60, $0x3  }
0x5a2: {  	v54 =	vld [tilespmem:s15+$0xFFFFFF80];
	v57 =	vbroadcast v57, $0x0;
	v49 =	vshll.u32 v61, v1;
	[tilespmem:v56+s22+$0x0] =	vst.idx.msk $0xffff, v55  }
0x5a3: {  	v49 =	vbroadcast v49, $0x0;
	v55 =	vld [tilespmem:s11+$0xFFFFFF80]  }
0x5a4: {  	v62 =	vadd.s32 v9, v57  }
0x5a5: {  	v52 =	vadd.f32 v52, v36;
	v63 =	vadd.s32 v9, v49;
	_ =	sdelay $0x1  }
0x5a6: {  	[tilespmem:v53+s22+$0x0] =	vst.idx.msk $0xffff, v52;
	v54 =	vadd.f32 v54, v36  }
0x5a7: {  	v53 =	vld [tilespmem:s26+$0xFFFFFF90];
	v59 =	vadd.f32 v55, v36  }
0x5a8: {  	[tilespmem:v62+s22+$0x0] =	vst.idx.msk $0xffff, v54  }
0x5a9: {  	v60 =	vadd.s32 v10, v47;
	v54 =	vld [tilespmem:s15+$0xFFFFFF90];
	[tilespmem:v63+s22+$0x0] =	vst.idx.msk $0xffff, v59  }
0x5aa: {  	v61 =	vld [tilespmem:s11+$0xFFFFFF90]  }
0x5ab: {  	v62 =	vadd.s32 v10, v57  }
0x5ac: {  	v53 =	vadd.f32 v53, v35;
	v63 =	vadd.s32 v10, v49;
	_ =	sdelay $0x1  }
0x5ad: {  	[tilespmem:v60+s22+$0x0] =	vst.idx.msk $0xffff, v53;
	v54 =	vadd.f32 v54, v35  }
0x5ae: {  	v53 =	vld [tilespmem:s26+$0xFFFFFFA0];
	v59 =	vadd.f32 v61, v35  }
0x5af: {  	[tilespmem:v62+s22+$0x0] =	vst.idx.msk $0xffff, v54  }
0x5b0: {  	v60 =	vadd.s32 v11, v47;
	v54 =	vld [tilespmem:s15+$0xFFFFFFA0];
	[tilespmem:v63+s22+$0x0] =	vst.idx.msk $0xffff, v59  }
0x5b1: {  	v61 =	vld [tilespmem:s11+$0xFFFFFFA0]  }
0x5b2: {  	v62 =	vadd.s32 v11, v57  }
0x5b3: {  	v53 =	vadd.f32 v53, v34;
	v63 =	vadd.s32 v11, v49;
	_ =	sdelay $0x1  }
0x5b4: {  	[tilespmem:v60+s22+$0x0] =	vst.idx.msk $0xffff, v53;
	v54 =	vadd.f32 v54, v34  }
0x5b5: {  	v53 =	vld [tilespmem:s26+$0xFFFFFFB0];
	v59 =	vadd.f32 v61, v34  }
0x5b6: {  	[tilespmem:v62+s22+$0x0] =	vst.idx.msk $0xffff, v54  }
0x5b7: {  	v60 =	vadd.s32 v12, v47;
	v54 =	vld [tilespmem:s15+$0xFFFFFFB0];
	[tilespmem:v63+s22+$0x0] =	vst.idx.msk $0xffff, v59  }
0x5b8: {  	v52 =	vld [tilespmem:s11+$0xFFFFFFB0]  }
0x5b9: {  	v55 =	vadd.s32 v12, v57  }
0x5ba: {  	s21 =	sadd.s32 $0x3, s9;
	s19 =	sadd.s32 $0x3, s29;
	v53 =	vadd.f32 v53, v33;
	v49 =	vadd.s32 v12, v49  }
0x5bb: {  	v62 =	vmov s21;
	v61 =	vmov s19;
	s19 =	sadd.s32 $0x3, s18  }
0x5bc: {  	[tilespmem:v60+s22+$0x0] =	vst.idx.msk $0xffff, v53;
	v54 =	vadd.f32 v54, v33;
	v56 =	vshrl.u32 v61, $0x3;
	v60 =	vmov s19  }
0x5bd: {  	v56 =	vshll.u32 v56, v1;
	v63 =	vshrl.u32 v62, $0x3;
	v52 =	vadd.f32 v52, v33  }
0x5be: {  	[tilespmem:v55+s22+$0x0] =	vst.idx.msk $0xffff, v54;
	v61 =	vld [tilespmem:s26+$0xFFFFFFC0];
	v53 =	vshrl.u32 v60, $0x3;
	v56 =	vbroadcast v56, $0x0;
	v47 =	vshll.u32 v63, v1  }
0x5bf: {  	v54 =	vld [tilespmem:s15+$0xFFFFFFC0];
	v53 =	vshll.u32 v53, v1;
	v47 =	vbroadcast v47, $0x0;
	[tilespmem:v49+s22+$0x0] =	vst.idx.msk $0xffff, v52  }
0x5c0: {  	v53 =	vbroadcast v53, $0x0;
	v62 =	vadd.s32 v13, v56;
	v52 =	vld [tilespmem:s11+$0xFFFFFFC0]  }
0x5c1: {  	v63 =	vadd.s32 v13, v47  }
0x5c2: {  	v60 =	vadd.s32 v13, v53  }
0x5c3: {  	[tilespmem:v50+s22+$0x0] =	vst.idx.msk $0xffff, v51;
	v57 =	vadd.f32 v61, v36  }
0x5c4: {  	v51 =	vld [tilespmem:s8+$0xFFFFFFD0];
	v61 =	vadd.f32 v54, v36  }
0x5c5: {  	[tilespmem:v62+s22+$0x0] =	vst.idx.msk $0xffff, v57;
	v62 =	vadd.f32 v52, v36  }
0x5c6: {  	v50 =	vadd.s32 v14, v44;
	[tilespmem:v63+s22+$0x0] =	vst.idx.msk $0xffff, v61;
	v52 =	vld [tilespmem:s26+$0xFFFFFFD0]  }
0x5c7: {  	v63 =	vld [tilespmem:s15+$0xFFFFFFD0];
	[tilespmem:v60+s22+$0x0] =	vst.idx.msk $0xffff, v62  }
0x5c8: {  	v49 =	vadd.s32 v14, v56;
	v60 =	vld [tilespmem:s11+$0xFFFFFFD0]  }
0x5c9: {  	v51 =	vadd.f32 v51, v35;
	v61 =	vadd.s32 v14, v47  }
0x5ca: {  	v62 =	vadd.s32 v14, v53  }
0x5cb: {  	[tilespmem:v50+s22+$0x0] =	vst.idx.msk $0xffff, v51;
	v52 =	vadd.f32 v52, v35  }
0x5cc: {  	v51 =	vld [tilespmem:s8+$0xFFFFFFE0];
	v63 =	vadd.f32 v63, v35  }
0x5cd: {  	[tilespmem:v49+s22+$0x0] =	vst.idx.msk $0xffff, v52;
	v59 =	vadd.f32 v60, v35  }
0x5ce: {  	v50 =	vadd.s32 v15, v44;
	[tilespmem:v61+s22+$0x0] =	vst.idx.msk $0xffff, v63;
	v52 =	vld [tilespmem:s26+$0xFFFFFFE0]  }
0x5cf: {  	v60 =	vld [tilespmem:s15+$0xFFFFFFE0];
	[tilespmem:v62+s22+$0x0] =	vst.idx.msk $0xffff, v59  }
0x5d0: {  	v61 =	vadd.s32 v15, v56;
	v62 =	vld [tilespmem:s11+$0xFFFFFFE0]  }
0x5d1: {  	v51 =	vadd.f32 v51, v34;
	v63 =	vadd.s32 v15, v47  }
0x5d2: {  	v58 =	vadd.s32 v15, v53  }
0x5d3: {  	[tilespmem:v50+s22+$0x0] =	vst.idx.msk $0xffff, v51;
	v52 =	vadd.f32 v52, v34  }
0x5d4: {  	v51 =	vld [tilespmem:s8+$0xFFFFFFF0];
	v60 =	vadd.f32 v60, v34  }
0x5d5: {  	[tilespmem:v61+s22+$0x0] =	vst.idx.msk $0xffff, v52;
	v61 =	vadd.f32 v62, v34  }
0x5d6: {  	[tilespmem:v63+s22+$0x0] =	vst.idx.msk $0xffff, v60;
	v52 =	vld [tilespmem:s26+$0xFFFFFFF0]  }
0x5d7: {  	s21 =	sadd.s32 $0x4, s28;
	v63 =	vadd.s32 v16, v44;
	v54 =	vld [tilespmem:s15+$0xFFFFFFF0];
	[tilespmem:v58+s22+$0x0] =	vst.idx.msk $0xffff, v61  }
0x5d8: {  	v60 =	vadd.s32 v16, v56;
	v62 =	vmov s21;
	v55 =	vld [tilespmem:s11+$0xFFFFFFF0]  }
0x5d9: {  	v51 =	vadd.f32 v51, v33;
	s19 =	sadd.s32 $0x4, s29;
	v47 =	vadd.s32 v16, v47;
	v59 =	vshrl.u32 v62, $0x3  }
0x5da: {  	v53 =	vadd.s32 v16, v53;
	v49 =	vshll.u32 v59, v1;
	v61 =	vmov s19  }
0x5db: {  	s21 =	sadd.s32 $0x4, s9;
	v49 =	vbroadcast v49, $0x0;
	v56 =	vshrl.u32 v61, $0x3;
	v52 =	vadd.f32 v52, v33  }
0x5dc: {  	s19 =	sadd.s32 $0x4, s18;
	[tilespmem:v63+s22+$0x0] =	vst.idx.msk $0xffff, v51;
	v62 =	vshll.u32 v56, v1;
	v63 =	vmov s21;
	v54 =	vadd.f32 v54, v33  }
0x5dd: {  	v56 =	vld [tilespmem:s8+$0x0];
	v59 =	vshrl.u32 v63, $0x3;
	[tilespmem:v60+s22+$0x0] =	vst.idx.msk $0xffff, v52;
	v60 =	vmov s19;
	v61 =	vadd.f32 v55, v33  }
0x5de: {  	v44 =	vbroadcast v62, $0x0;
	v50 =	vshll.u32 v59, v1;
	[tilespmem:v47+s22+$0x0] =	vst.idx.msk $0xffff, v54;
	v55 =	vld [tilespmem:s26+$0x0];
	v62 =	vshrl.u32 v60, $0x3  }
0x5df: {  	v63 =	vadd.s32 v17, v49;
	v50 =	vbroadcast v50, $0x0;
	v54 =	vld [tilespmem:s15+$0x0];
	v47 =	vshll.u32 v62, v1;
	[tilespmem:v53+s22+$0x0] =	vst.idx.msk $0xffff, v61  }
0x5e0: {  	v60 =	vadd.s32 v17, v44;
	v47 =	vbroadcast v47, $0x0;
	v53 =	vld [tilespmem:s11+$0x0]  }
0x5e1: {  	v61 =	vadd.s32 v17, v50  }
0x5e2: {  	v56 =	vadd.f32 v56, v36;
	v62 =	vadd.s32 v17, v47  }
0x5e3: {  	v55 =	vadd.f32 v55, v36  }
0x5e4: {  	[tilespmem:v63+s22+$0x0] =	vst.idx.msk $0xffff, v56;
	v63 =	vadd.f32 v54, v36  }
0x5e5: {  	v54 =	vadd.s32 v18, v43;
	v56 =	vld [tilespmem:s8+$0x10];
	[tilespmem:v60+s22+$0x0] =	vst.idx.msk $0xffff, v55;
	v60 =	vadd.f32 v53, v36  }
0x5e6: {  	[tilespmem:v61+s22+$0x0] =	vst.idx.msk $0xffff, v63;
	v53 =	vld [tilespmem:s26+$0x10]  }
0x5e7: {  	v51 =	vadd.s32 v18, v49;
	v61 =	vld [tilespmem:s15+$0x10];
	[tilespmem:v62+s22+$0x0] =	vst.idx.msk $0xffff, v60  }
0x5e8: {  	v48 =	vadd.f32 v48, v35;
	v52 =	vadd.s32 v18, v44;
	v62 =	vld [tilespmem:s11+$0x10]  }
0x5e9: {  	v63 =	vadd.s32 v18, v50  }
0x5ea: {  	[tilespmem:v54+s22+$0x0] =	vst.idx.msk $0xffff, v48;
	v60 =	vadd.f32 v56, v35;
	v54 =	vadd.s32 v18, v47  }
0x5eb: {  	v56 =	vld [tilespmem:s5+$0x20];
	v53 =	vadd.f32 v53, v35  }
0x5ec: {  	[tilespmem:v51+s22+$0x0] =	vst.idx.msk $0xffff, v60;
	v61 =	vadd.f32 v61, v35  }
0x5ed: {  	v51 =	vadd.s32 v19, v43;
	v55 =	vld [tilespmem:s8+$0x20];
	[tilespmem:v52+s22+$0x0] =	vst.idx.msk $0xffff, v53;
	v62 =	vadd.f32 v62, v35  }
0x5ee: {  	[tilespmem:v63+s22+$0x0] =	vst.idx.msk $0xffff, v61;
	v53 =	vld [tilespmem:s26+$0x20]  }
0x5ef: {  	v63 =	vadd.s32 v19, v49;
	v60 =	vld [tilespmem:s15+$0x20];
	[tilespmem:v54+s22+$0x0] =	vst.idx.msk $0xffff, v62  }
0x5f0: {  	v61 =	vadd.f32 v56, v34;
	v54 =	vadd.s32 v19, v44;
	v56 =	vld [tilespmem:s11+$0x20]  }
0x5f1: {  	v58 =	vadd.s32 v19, v50  }
0x5f2: {  	v52 =	vadd.s32 v19, v47;
	[tilespmem:v51+s22+$0x0] =	vst.idx.msk $0xffff, v61;
	v62 =	vadd.f32 v55, v34  }
0x5f3: {  	s21 =	sadd.s32 $0x5, s25;
	v55 =	vld [tilespmem:s5+$0x30];
	v53 =	vadd.f32 v53, v34  }
0x5f4: {  	v46 =	vadd.f32 v46, v35;
	v59 =	vmov s21;
	[tilespmem:v63+s22+$0x0] =	vst.idx.msk $0xffff, v62;
	v63 =	vadd.f32 v60, v34  }
0x5f5: {  	v43 =	vadd.s32 v20, v43;
	v60 =	vshrl.u32 v59, $0x3;
	v61 =	vld [tilespmem:s8+$0x30];
	[tilespmem:v54+s22+$0x0] =	vst.idx.msk $0xffff, v53;
	v62 =	vadd.f32 v56, v34  }
0x5f6: {  	v50 =	vadd.s32 v20, v50;
	v51 =	vshll.u32 v60, v1;
	[tilespmem:v58+s22+$0x0] =	vst.idx.msk $0xffff, v63;
	v56 =	vld [tilespmem:s26+$0x30]  }
0x5f7: {  	s19 =	sadd.s32 $0x5, s28;
	v49 =	vadd.s32 v20, v49;
	v47 =	vadd.s32 v20, v47;
	v48 =	vbroadcast v51, $0x0;
	v58 =	vld [tilespmem:s15+$0x30];
	[tilespmem:v52+s22+$0x0] =	vst.idx.msk $0xffff, v62  }
0x5f8: {  	v44 =	vadd.s32 v20, v44;
	v63 =	vmov s19;
	v59 =	vadd.f32 v55, v33;
	v53 =	vld [tilespmem:s11+$0x30]  }
0x5f9: {  	s21 =	sadd.s32 $0x5, s29;
	v54 =	vadd.s32 v23, v41;
	v51 =	vshrl.u32 v63, $0x3;
	v55 =	vadd.s32 v21, v48  }
0x5fa: {  	v51 =	vshll.u32 v51, v1;
	[tilespmem:v43+s22+$0x0] =	vst.idx.msk $0xffff, v59;
	v60 =	vadd.f32 v61, v33;
	v61 =	vmov s21  }
0x5fb: {  	[tilespmem:v45+s22+$0x0] =	vst.idx.msk $0xffff, v46;
	s19 =	sadd.s32 $0x5, s9;
	v46 =	vbroadcast v51, $0x0;
	v45 =	vld [tilespmem:s5+$0x40];
	v62 =	vshrl.u32 v61, $0x3;
	v63 =	vadd.f32 v56, v33  }
0x5fc: {  	s21 =	sadd.s32 $0x5, s18;
	[tilespmem:v49+s22+$0x0] =	vst.idx.msk $0xffff, v60;
	v43 =	vshll.u32 v62, v1;
	v60 =	vmov s19;
	v56 =	vld [tilespmem:s14+$0x60];
	v51 =	vadd.f32 v58, v33  }
0x5fd: {  	v62 =	vmov s21;
	v57 =	vld [tilespmem:s8+$0x40];
	v61 =	vshrl.u32 v60, $0x3;
	[tilespmem:v44+s22+$0x0] =	vst.idx.msk $0xffff, v63;
	v63 =	vadd.f32 v53, v33  }
0x5fe: {  	v58 =	vbroadcast v43, $0x0;
	v60 =	vshll.u32 v61, v1;
	v61 =	vshrl.u32 v62, $0x3;
	[tilespmem:v50+s22+$0x0] =	vst.idx.msk $0xffff, v51;
	v53 =	vld [tilespmem:s26+$0x40]  }
0x5ff: {  	v49 =	vadd.s32 v21, v46;
	v51 =	vbroadcast v60, $0x0;
	v62 =	vshll.u32 v61, v1;
	v50 =	vld [tilespmem:s15+$0x40];
	[tilespmem:v47+s22+$0x0] =	vst.idx.msk $0xffff, v63  }
0x600: {  	v52 =	vbroadcast v62, $0x0;
	v63 =	vadd.f32 v45, v36;
	v45 =	vadd.s32 v21, v58;
	v47 =	vld [tilespmem:s11+$0x40]  }
0x601: {  	v61 =	vadd.s32 v21, v51;
	v60 =	vadd.f32 v56, v34  }
0x602: {  	v62 =	vadd.f32 v57, v36;
	[tilespmem:v55+s22+$0x0] =	vst.idx.msk $0xffff, v63;
	v55 =	vadd.s32 v21, v52  }
0x603: {  	[tilespmem:v54+s22+$0x0] =	vst.idx.msk $0xffff, v60;
	v63 =	vld [tilespmem:s5+$0x50];
	v53 =	vadd.f32 v53, v36  }
0x604: {  	[tilespmem:v49+s22+$0x0] =	vst.idx.msk $0xffff, v62;
	v54 =	vld [tilespmem:s14+$0x70];
	v57 =	vadd.f32 v50, v36  }
0x605: {  	v49 =	vadd.s32 v22, v48;
	v50 =	vld [tilespmem:s8+$0x50];
	[tilespmem:v45+s22+$0x0] =	vst.idx.msk $0xffff, v53;
	v59 =	vadd.f32 v47, v36  }
0x606: {  	v41 =	vadd.s32 v24, v41;
	[tilespmem:v61+s22+$0x0] =	vst.idx.msk $0xffff, v57;
	v60 =	vld [tilespmem:s26+$0x50]  }
0x607: {  	v61 =	vadd.s32 v22, v46;
	v62 =	vld [tilespmem:s15+$0x50];
	[tilespmem:v55+s22+$0x0] =	vst.idx.msk $0xffff, v59  }
0x608: {  	v43 =	vadd.f32 v63, v35;
	v63 =	vadd.s32 v22, v58;
	v55 =	vld [tilespmem:s11+$0x50]  }
0x609: {  	v56 =	vadd.s32 v22, v51;
	v54 =	vadd.f32 v54, v33  }
0x60a: {  	v59 =	vadd.f32 v50, v35;
	[tilespmem:v49+s22+$0x0] =	vst.idx.msk $0xffff, v43;
	v49 =	vadd.s32 v22, v52  }
0x60b: {  	[tilespmem:v41+s22+$0x0] =	vst.idx.msk $0xffff, v54;
	v41 =	vld [tilespmem:s5+$0x60];
	v47 =	vadd.f32 v60, v35  }
0x60c: {  	v57 =	vld [tilespmem:s13+$0xA0];
	[tilespmem:v61+s22+$0x0] =	vst.idx.msk $0xffff, v59;
	v60 =	vadd.f32 v62, v35  }
0x60d: {  	s19 =	sadd.s32 $0x6, s7;
	v44 =	vadd.s32 v23, v48;
	v61 =	vld [tilespmem:s8+$0x60];
	[tilespmem:v63+s22+$0x0] =	vst.idx.msk $0xffff, v47;
	v62 =	vadd.f32 v55, v35  }
0x60e: {  	v63 =	vmov s19;
	[tilespmem:v56+s22+$0x0] =	vst.idx.msk $0xffff, v60;
	v54 =	vld [tilespmem:s26+$0x60]  }
0x60f: {  	v47 =	vadd.s32 v23, v46;
	v59 =	vshrl.u32 v63, $0x3;
	v55 =	vld [tilespmem:s15+$0x60];
	[tilespmem:v49+s22+$0x0] =	vst.idx.msk $0xffff, v62  }
0x610: {  	v43 =	vshll.u32 v59, v1;
	v60 =	vadd.f32 v41, v34;
	v49 =	vadd.s32 v23, v58;
	v56 =	vld [tilespmem:s11+$0x60]  }
0x611: {  	v48 =	vadd.s32 v24, v48;
	v50 =	vld [tilespmem:s14+$0x80];
	v41 =	vbroadcast v43, $0x0;
	v43 =	vadd.s32 v23, v51  }
0x612: {  	v45 =	vadd.s32 v23, v52;
	[tilespmem:v44+s22+$0x0] =	vst.idx.msk $0xffff, v60;
	v44 =	vadd.f32 v61, v34  }
0x613: {  	v53 =	vadd.f32 v57, v34;
	v52 =	vadd.s32 v24, v52;
	v60 =	vld [tilespmem:s5+$0x70];
	v54 =	vadd.f32 v54, v34  }
0x614: {  	s21 =	sadd.s32 $0x6, s25;
	v46 =	vadd.s32 v24, v46;
	v62 =	vadd.f32 v55, v34;
	[tilespmem:v47+s22+$0x0] =	vst.idx.msk $0xffff, v44  }
0x615: {  	v59 =	vadd.s32 v27, v38;
	v61 =	vmov s21;
	v55 =	vld [tilespmem:s8+$0x70];
	[tilespmem:v49+s22+$0x0] =	vst.idx.msk $0xffff, v54;
	v63 =	vadd.f32 v56, v34  }
0x616: {  	s19 =	sadd.s32 $0x6, s28;
	v50 =	vadd.f32 v50, v36;
	v57 =	vadd.s32 v25, v41;
	v44 =	vshrl.u32 v61, $0x3;
	[tilespmem:v43+s22+$0x0] =	vst.idx.msk $0xffff, v62;
	v56 =	vld [tilespmem:s26+$0x70]  }
0x617: {  	v61 =	vmov s19;
	v44 =	vshll.u32 v44, v1;
	v49 =	vadd.s32 v24, v58;
	v47 =	vld [tilespmem:s15+$0x70];
	[tilespmem:v45+s22+$0x0] =	vst.idx.msk $0xffff, v63  }
0x618: {  	v43 =	vbroadcast v44, $0x0;
	v44 =	vshrl.u32 v61, $0x3;
	v45 =	vadd.f32 v60, v33;
	v58 =	vld [tilespmem:s11+$0x70]  }
0x619: {  	v51 =	vadd.s32 v24, v51;
	s21 =	sadd.s32 $0x6, s29;
	v54 =	vadd.s32 v26, v41;
	v44 =	vshll.u32 v44, v1  }
0x61a: {  	v60 =	vadd.s32 v25, v43;
	v63 =	vmov s21;
	[tilespmem:v48+s22+$0x0] =	vst.idx.msk $0xffff, v45;
	v62 =	vadd.f32 v55, v33  }
0x61b: {  	s19 =	sadd.s32 $0x6, s9;
	[tilespmem:v57+s22+$0x0] =	vst.idx.msk $0xffff, v50;
	v44 =	vbroadcast v44, $0x0;
	s21 =	sadd.s32 $0x6, s18;
	v48 =	vshrl.u32 v63, $0x3;
	v50 =	vld [tilespmem:s5+$0x80];
	v61 =	vadd.f32 v56, v33  }
0x61c: {  	v63 =	vmov s21;
	v56 =	vld [tilespmem:s14+$0x90];
	v47 =	vadd.f32 v47, v33;
	[tilespmem:v46+s22+$0x0] =	vst.idx.msk $0xffff, v62;
	v62 =	vmov s19  }
0x61d: {  	v45 =	vshll.u32 v48, v1;
	v48 =	vld [tilespmem:s8+$0x80];
	[tilespmem:v49+s22+$0x0] =	vst.idx.msk $0xffff, v61;
	v46 =	vshrl.u32 v62, $0x3;
	v61 =	vadd.f32 v58, v33  }
0x61e: {  	v45 =	vbroadcast v45, $0x0;
	[tilespmem:v51+s22+$0x0] =	vst.idx.msk $0xffff, v47;
	v62 =	vshrl.u32 v63, $0x3;
	v57 =	vld [tilespmem:s26+$0x80];
	v46 =	vshll.u32 v46, v1  }
0x61f: {  	v49 =	vadd.s32 v25, v44;
	v51 =	vld [tilespmem:s15+$0x80];
	v47 =	vshll.u32 v62, v1;
	v46 =	vbroadcast v46, $0x0;
	[tilespmem:v52+s22+$0x0] =	vst.idx.msk $0xffff, v61  }
0x620: {  	v47 =	vbroadcast v47, $0x0;
	v50 =	vadd.f32 v50, v36;
	v52 =	vadd.s32 v25, v45;
	v55 =	vld [tilespmem:s11+$0x80]  }
0x621: {  	[tilespmem:v59+s22+$0x0] =	vst.idx.msk $0xffff, v53;
	v63 =	vadd.f32 v56, v35;
	v56 =	vadd.s32 v25, v46  }
0x622: {  	v61 =	vld [tilespmem:s13+$0xB0];
	[tilespmem:v60+s22+$0x0] =	vst.idx.msk $0xffff, v50;
	v48 =	vadd.f32 v48, v36;
	v50 =	vadd.s32 v25, v47  }
0x623: {  	[tilespmem:v54+s22+$0x0] =	vst.idx.msk $0xffff, v63;
	v53 =	vld [tilespmem:s5+$0x90];
	v62 =	vadd.f32 v57, v36  }
0x624: {  	v38 =	vadd.s32 v28, v38;
	v63 =	vld [tilespmem:s14+$0xA0];
	v59 =	vadd.f32 v51, v36;
	[tilespmem:v49+s22+$0x0] =	vst.idx.msk $0xffff, v48  }
0x625: {  	v49 =	vadd.s32 v26, v43;
	v51 =	vld [tilespmem:s8+$0x90];
	[tilespmem:v52+s22+$0x0] =	vst.idx.msk $0xffff, v62;
	v60 =	vadd.f32 v55, v36  }
0x626: {  	v54 =	vadd.s32 v27, v41;
	v55 =	vld [tilespmem:s26+$0x90];
	[tilespmem:v56+s22+$0x0] =	vst.idx.msk $0xffff, v59  }
0x627: {  	v61 =	vadd.f32 v61, v33;
	v56 =	vadd.s32 v26, v44;
	v58 =	vld [tilespmem:s15+$0x90];
	[tilespmem:v50+s22+$0x0] =	vst.idx.msk $0xffff, v60  }
0x628: {  	v52 =	vadd.s32 v26, v45;
	v62 =	vadd.f32 v53, v35;
	v53 =	vld [tilespmem:s11+$0x90]  }
0x629: {  	v48 =	vadd.s32 v26, v46;
	[tilespmem:v38+s22+$0x0] =	vst.idx.msk $0xffff, v61;
	v63 =	vadd.f32 v63, v34  }
0x62a: {  	v50 =	vadd.s32 v26, v47;
	[tilespmem:v49+s22+$0x0] =	vst.idx.msk $0xffff, v62;
	v60 =	vadd.f32 v51, v35  }
0x62b: {  	[tilespmem:v54+s22+$0x0] =	vst.idx.msk $0xffff, v63;
	v51 =	vld [tilespmem:s5+$0xA0];
	v61 =	vadd.f32 v55, v35  }
0x62c: {  	v57 =	vld [tilespmem:s13+$0xC0];
	[tilespmem:v56+s22+$0x0] =	vst.idx.msk $0xffff, v60;
	v63 =	vadd.f32 v58, v35  }
0x62d: {  	v42 =	vshrl.u32 v42, $0x3;
	v55 =	vadd.s32 v27, v43;
	v56 =	vld [tilespmem:s8+$0xA0];
	[tilespmem:v52+s22+$0x0] =	vst.idx.msk $0xffff, v61;
	v60 =	vadd.f32 v53, v35  }
0x62e: {  	v62 =	vshll.u32 v42, v1;
	v53 =	vld [tilespmem:s26+$0xA0];
	[tilespmem:v48+s22+$0x0] =	vst.idx.msk $0xffff, v63  }
0x62f: {  	v38 =	vbroadcast v62, $0x0;
	v62 =	vadd.s32 v27, v44;
	v58 =	vld [tilespmem:s15+$0xA0];
	[tilespmem:v50+s22+$0x0] =	vst.idx.msk $0xffff, v60  }
0x630: {  	s19 =	sadd.s32 $0x7, s7;
	v59 =	vadd.s32 v27, v46;
	v63 =	vadd.f32 v51, v34;
	v60 =	vadd.s32 v27, v45;
	v52 =	vld [tilespmem:s11+$0xA0]  }
0x631: {  	v46 =	vadd.s32 v28, v46;
	v42 =	vld [tilespmem:s14+$0xB0];
	v43 =	vadd.s32 v28, v43;
	v61 =	vmov s19  }
0x632: {  	v49 =	vshrl.u32 v61, $0x3;
	[tilespmem:v55+s22+$0x0] =	vst.idx.msk $0xffff, v63;
	v61 =	vadd.f32 v56, v34;
	v55 =	vadd.s32 v27, v47  }
0x633: {  	v44 =	vadd.s32 v28, v44;
	v49 =	vshll.u32 v49, v1;
	v53 =	vadd.f32 v53, v34  }
0x634: {  	s21 =	sadd.s32 $0x7, s25;
	v56 =	vadd.s32 v28, v41;
	v41 =	vbroadcast v49, $0x0;
	v49 =	vld [tilespmem:s5+$0xB0];
	[tilespmem:v62+s22+$0x0] =	vst.idx.msk $0xffff, v61;
	v63 =	vadd.f32 v58, v34  }
0x635: {  	v57 =	vadd.f32 v57, v36;
	v62 =	vmov s21;
	[tilespmem:v60+s22+$0x0] =	vst.idx.msk $0xffff, v53;
	v60 =	vld [tilespmem:s8+$0xB0];
	v52 =	vadd.f32 v52, v34  }
0x636: {  	s25 =	sadd.s32 $0x7, s28;
	v48 =	vadd.s32 v29, v38;
	v42 =	vadd.f32 v42, v33;
	v50 =	vshrl.u32 v62, $0x3;
	v53 =	vld [tilespmem:s26+$0xB0];
	[tilespmem:v59+s22+$0x0] =	vst.idx.msk $0xffff, v63  }
0x637: {  	v45 =	vadd.s32 v28, v45;
	v61 =	vmov s25;
	v50 =	vshll.u32 v50, v1;
	v59 =	vld [tilespmem:s15+$0xB0];
	[tilespmem:v55+s22+$0x0] =	vst.idx.msk $0xffff, v52  }
0x638: {  	v47 =	vadd.s32 v28, v47;
	v62 =	vshrl.u32 v61, $0x3;
	v50 =	vbroadcast v50, $0x0;
	v54 =	vld [tilespmem:s11+$0xB0]  }
0x639: {  	s28 =	sadd.s32 $0x7, s29;
	v58 =	vadd.s32 v29, v41;
	v49 =	vadd.f32 v49, v33;
	v52 =	vshll.u32 v62, v1  }
0x63a: {  	[tilespmem:v56+s22+$0x0] =	vst.idx.msk $0xffff, v42;
	v55 =	vadd.s32 v29, v50;
	v63 =	vadd.f32 v60, v33;
	v60 =	vmov s28  }
0x63b: {  	s29 =	sadd.s32 $0x7, s9;
	v56 =	vld [tilespmem:s14+$0xC0];
	[tilespmem:v43+s22+$0x0] =	vst.idx.msk $0xffff, v49;
	v43 =	vbroadcast v52, $0x0;
	v61 =	vshrl.u32 v60, $0x3;
	v62 =	vadd.f32 v53, v33  }
0x63c: {  	s9 =	sadd.s32 $0x7, s18;
	v52 =	vld [tilespmem:s5+$0xC0];
	[tilespmem:v44+s22+$0x0] =	vst.idx.msk $0xffff, v63;
	v42 =	vshll.u32 v61, v1;
	v63 =	vmov s29;
	v60 =	vadd.f32 v59, v33  }
0x63d: {  	v61 =	vmov s9;
	v53 =	vld [tilespmem:s8+$0xC0];
	[tilespmem:v45+s22+$0x0] =	vst.idx.msk $0xffff, v62;
	v44 =	vshrl.u32 v63, $0x3;
	v62 =	vadd.f32 v54, v33  }
0x63e: {  	v42 =	vbroadcast v42, $0x0;
	v45 =	vshrl.u32 v61, $0x3;
	v54 =	vld [tilespmem:s26+$0xC0];
	v44 =	vshll.u32 v44, v1;
	[tilespmem:v46+s22+$0x0] =	vst.idx.msk $0xffff, v60  }
0x63f: {  	v46 =	vadd.s32 v29, v43;
	v45 =	vshll.u32 v45, v1;
	v49 =	vld [tilespmem:s15+$0xC0];
	v44 =	vbroadcast v44, $0x0;
	[tilespmem:v47+s22+$0x0] =	vst.idx.msk $0xffff, v62  }
0x640: {  	v63 =	vadd.f32 v56, v36;
	v51 =	vadd.s32 v29, v42;
	v45 =	vbroadcast v45, $0x0;
	v56 =	vld [tilespmem:s11+$0xC0]  }
0x641: {  	[tilespmem:v48+s22+$0x0] =	vst.idx.msk $0xffff, v57;
	v60 =	vadd.f32 v52, v36;
	v52 =	vadd.s32 v29, v44  }
0x642: {  	v57 =	vld [tilespmem:s13+$0xD0];
	[tilespmem:v58+s22+$0x0] =	vst.idx.msk $0xffff, v63;
	v62 =	vadd.s32 v29, v45;
	v61 =	vadd.f32 v53, v36  }
0x643: {  	v58 =	vld [tilespmem:s14+$0xD0];
	[tilespmem:v55+s22+$0x0] =	vst.idx.msk $0xffff, v60;
	v63 =	vadd.f32 v54, v36  }
0x644: {  	v54 =	vadd.s32 v30, v38;
	v55 =	vld [tilespmem:s5+$0xD0];
	[tilespmem:v46+s22+$0x0] =	vst.idx.msk $0xffff, v61;
	v59 =	vadd.f32 v49, v36  }
0x645: {  	v47 =	vadd.s32 v30, v41;
	v49 =	vld [tilespmem:s8+$0xD0];
	[tilespmem:v51+s22+$0x0] =	vst.idx.msk $0xffff, v63;
	v60 =	vadd.f32 v56, v36  }
0x646: {  	v48 =	vadd.s32 v30, v50;
	v51 =	vld [tilespmem:s26+$0xD0];
	[tilespmem:v52+s22+$0x0] =	vst.idx.msk $0xffff, v59  }
0x647: {  	v61 =	vadd.f32 v57, v35;
	v52 =	vadd.s32 v30, v43;
	v56 =	vld [tilespmem:s15+$0xD0];
	[tilespmem:v62+s22+$0x0] =	vst.idx.msk $0xffff, v60  }
0x648: {  	v53 =	vadd.s32 v30, v42;
	v62 =	vadd.f32 v58, v35;
	v63 =	vld [tilespmem:s11+$0xD0]  }
0x649: {  	[tilespmem:v54+s22+$0x0] =	vst.idx.msk $0xffff, v61;
	v58 =	vadd.f32 v55, v35;
	v54 =	vadd.s32 v30, v44  }
0x64a: {  	v55 =	vld [tilespmem:s13+$0xE0];
	[tilespmem:v47+s22+$0x0] =	vst.idx.msk $0xffff, v62;
	v59 =	vadd.f32 v49, v35;
	v47 =	vadd.s32 v30, v45  }
0x64b: {  	[tilespmem:v48+s22+$0x0] =	vst.idx.msk $0xffff, v58;
	v60 =	vld [tilespmem:s14+$0xE0];
	v61 =	vadd.f32 v51, v35  }
0x64c: {  	v48 =	vadd.s32 v31, v38;
	v51 =	vld [tilespmem:s5+$0xE0];
	[tilespmem:v52+s22+$0x0] =	vst.idx.msk $0xffff, v59;
	v62 =	vadd.f32 v56, v35  }
0x64d: {  	v52 =	vadd.s32 v31, v41;
	v56 =	vld [tilespmem:s8+$0xE0];
	[tilespmem:v53+s22+$0x0] =	vst.idx.msk $0xffff, v61;
	v63 =	vadd.f32 v63, v35  }
0x64e: {  	v39 =	vadd.f32 v39, v34;
	v46 =	vadd.s32 v31, v50;
	v53 =	vld [tilespmem:s26+$0xE0];
	[tilespmem:v54+s22+$0x0] =	vst.idx.msk $0xffff, v62  }
0x64f: {  	v57 =	vadd.f32 v55, v34;
	v54 =	vadd.s32 v31, v43;
	v58 =	vld [tilespmem:s15+$0xE0];
	[tilespmem:v47+s22+$0x0] =	vst.idx.msk $0xffff, v63  }
0x650: {  	[tilespmem:v40+s22+$0x0] =	vst.idx.msk $0xffff, v39;
	v39 =	vadd.s32 v31, v42;
	v59 =	vadd.f32 v60, v34;
	v60 =	vld [tilespmem:s11+$0xE0]  }
0x651: {  	v61 =	vld [tilespmem:s12+$0xF0];
	[tilespmem:v48+s22+$0x0] =	vst.idx.msk $0xffff, v57;
	v62 =	vadd.f32 v51, v34;
	v48 =	vadd.s32 v31, v44  }
0x652: {  	v49 =	vld [tilespmem:s13+$0xF0];
	[tilespmem:v52+s22+$0x0] =	vst.idx.msk $0xffff, v59;
	v63 =	vadd.f32 v56, v34;
	v56 =	vadd.s32 v31, v45  }
0x653: {  	v37 =	vadd.s32 v32, v37;
	[tilespmem:v46+s22+$0x0] =	vst.idx.msk $0xffff, v62;
	v52 =	vld [tilespmem:s14+$0xF0];
	v57 =	vadd.f32 v53, v34  }
0x654: {  	v38 =	vadd.s32 v32, v38;
	v46 =	vld [tilespmem:s5+$0xF0];
	[tilespmem:v54+s22+$0x0] =	vst.idx.msk $0xffff, v63;
	v58 =	vadd.f32 v58, v34  }
0x655: {  	v41 =	vadd.s32 v32, v41;
	v59 =	vld [tilespmem:s8+$0xF0];
	[tilespmem:v39+s22+$0x0] =	vst.idx.msk $0xffff, v57;
	v60 =	vadd.f32 v60, v34  }
0x656: {  	v61 =	vadd.f32 v61, v33;
	v62 =	vadd.s32 v32, v50;
	v63 =	vld [tilespmem:s26+$0xF0];
	[tilespmem:v48+s22+$0x0] =	vst.idx.msk $0xffff, v58  }
0x657: {  	v43 =	vadd.s32 v32, v43;
	v49 =	vadd.f32 v49, v33;
	v50 =	vld [tilespmem:s15+$0xF0];
	[tilespmem:v56+s22+$0x0] =	vst.idx.msk $0xffff, v60  }
0x658: {  	v55 =	vadd.s32 v32, v42;
	[tilespmem:v37+s22+$0x0] =	vst.idx.msk $0xffff, v61;
	v54 =	vadd.f32 v52, v33;
	v56 =	vld [tilespmem:s11+$0xF0]  }
0x659: {  	v58 =	vadd.s32 v32, v44;
	[tilespmem:v38+s22+$0x0] =	vst.idx.msk $0xffff, v49;
	v57 =	vadd.f32 v46, v33  }
0x65a: {  	v60 =	vadd.s32 v32, v45;
	[tilespmem:v41+s22+$0x0] =	vst.idx.msk $0xffff, v54;
	v59 =	vadd.f32 v59, v33  }
0x65b: {  	[tilespmem:v62+s22+$0x0] =	vst.idx.msk $0xffff, v57;
	v61 =	vadd.f32 v63, v33  }
0x65c: {  	s0 =	sshll.u32 s0, $0x7;
	[tilespmem:v43+s22+$0x0] =	vst.idx.msk $0xffff, v59;
	v62 =	vadd.f32 v50, v33  }
0x65d: {  	s0 =	sand.u32 $0xF00, s0;
	[tilespmem:v55+s22+$0x0] =	vst.idx.msk $0xffff, v61;
	v63 =	vadd.f32 v56, v33  }
0x65e: {  	s0 =	sadd.s32 s2, s0;
	s11 =	sshll.u32 s30, $0xF;
	[tilespmem:v58+s22+$0x0] =	vst.idx.msk $0xffff, v62  }
0x65f: {  	s12 =	simm.s32 $0x15A00;
	s5 =	sadd.s32 s11, s0;
	[tilespmem:v60+s22+$0x0] =	vst.idx.msk $0xffff, v63  }
0x660: {  	[hbm4b:s5+s3] =	stream.linear.scatter [tilespmem:s12], [sflag:$0x7], $0x80, $0x38;
	[tilespmem:$0x19E00] =	vst v63  }
0x661: {  	s13 =	simm.s32 $0x15A88;
	s14 =	sadd.s32 $0x10, s5  }
0x662: {  	[hbm4b:s14+s3] =	stream.linear.scatter [tilespmem:s13], [sflag:$0x7], $0x80, $0x38;
	[tilespmem:$0x19E00] =	vst v63  }
0x663: {  	s18 =	simm.s32 $0x15B98;
	s15 =	simm.s32 $0x15B10;
	s16 =	sadd.s32 $0x20, s5  }
0x664: {  	[hbm4b:s16+s3] =	stream.linear.scatter [tilespmem:s15], [sflag:$0x7], $0x80, $0x38;
	[tilespmem:$0x19E00] =	vst v63  }
0x665: {  	s7 =	simm.s32 $0x2200;
	s21 =	simm.s32 $0x15C20;
	s19 =	sadd.s32 $0x30, s5  }
0x666: {  	[hbm4b:s19+s3] =	stream.linear.scatter [tilespmem:s18], [sflag:$0x7], $0x80, $0x38;
	[tilespmem:$0x19E00] =	vst v63  }
0x667: {  	s29 =	simm.s32 $0x15D30;
	s8 =	simm.s32 $0x15DB8;
	s25 =	sadd.s32 $0x40, s5  }
0x668: {  	[hbm4b:s25+s3] =	stream.linear.scatter [tilespmem:s21], [sflag:$0x7], $0x80, $0x38;
	[tilespmem:$0x19E00] =	vst v63  }
0x669: {  	s26 =	simm.s32 $0x15CA8;
	s0 =	simm.s32 $0x440;
	s28 =	sadd.s32 $0x50, s5  }
0x66a: {  	[hbm4b:s28+s3] =	stream.linear.scatter [tilespmem:s26], [sflag:$0x7], $0x80, $0x38;
	[tilespmem:$0x19E00] =	vst v63  }
0x66b: {  	s30 =	sadd.s32 $0x60, s5;
	s9 =	sadd.s32 $0x70, s5;
	s5 =	sadd.s32 $0x1000, s5  }
0x66c: {  	[hbm4b:s30+s3] =	stream.linear.scatter [tilespmem:s29], [sflag:$0x7], $0x80, $0x38;
	[tilespmem:$0x19E00] =	vst v63  }
.LBB2_13:
0x66d: {  	[hbm4b:s9+s3] =	stream.linear.scatter [tilespmem:s8], [sflag:$0x7], $0x80, $0x38;
	[tilespmem:$0x19E00] =	vst v63  }
0x66e: {  	s8 =	smov.u32 s0;
	s0 =	smov.u32 s7  }
0x66f: {  	s11 =	sadd.s32 $0x1100, s7;
	s0 =	sshra.s32 s0, $0x2;
	s9 =	sadd.s32 $0x15A00, s8  }
0x670: {  	[hbm4b:s5+s3] =	stream.linear.scatter [tilespmem:s9], [sflag:$0x7], $0x80, $0x38;
	[tilespmem:$0x19E00] =	vst v63  }
0x671: {  	p2 =	sne.s32 s7, $0x7700;
	s7 =	sadd.s32 $0x15A88, s8;
	s9 =	sadd.s32 $0x10, s5  }
0x672: {  	[hbm4b:s9+s3] =	stream.linear.scatter [tilespmem:s7], [sflag:$0x7], $0x80, $0x38;
	[tilespmem:$0x19E00] =	vst v63  }
0x673: {  	s7 =	sadd.s32 $0x15B10, s8;
	s9 =	sadd.s32 $0x20, s5  }
0x674: {  	[hbm4b:s9+s3] =	stream.linear.scatter [tilespmem:s7], [sflag:$0x7], $0x80, $0x38;
	[tilespmem:$0x19E00] =	vst v63  }
0x675: {  	s7 =	sadd.s32 $0x15B98, s8;
	s9 =	sadd.s32 $0x30, s5  }
0x676: {  	[hbm4b:s9+s3] =	stream.linear.scatter [tilespmem:s7], [sflag:$0x7], $0x80, $0x38;
	[tilespmem:$0x19E00] =	vst v63  }
0x677: {  	s7 =	sadd.s32 $0x15C20, s8;
	s9 =	sadd.s32 $0x40, s5  }
0x678: {  	[hbm4b:s9+s3] =	stream.linear.scatter [tilespmem:s7], [sflag:$0x7], $0x80, $0x38;
	[tilespmem:$0x19E00] =	vst v63  }
.Ltmp7:
0x679: {  	s7 =	sadd.s32 $0x15CA8, s8;
	s9 =	sadd.s32 $0x50, s5;
	(pc) =	sbr.rel @p2 .LBB2_13-.Ltmp7, $4  }
0x67a: {  	[hbm4b:s9+s3] =	stream.linear.scatter [tilespmem:s7], [sflag:$0x7], $0x80, $0x38;
	[tilespmem:$0x19E00] =	vst v63  }
0x67b: {  	s7 =	sadd.s32 $0x15D30, s8;
	s9 =	sadd.s32 $0x60, s5;
	s8 =	sadd.s32 $0x15DB8, s8  }
0x67c: {  	[hbm4b:s9+s3] =	stream.linear.scatter [tilespmem:s7], [sflag:$0x7], $0x80, $0x38;
	[tilespmem:$0x19E00] =	vst v63  }
0x67d: {  	s9 =	sadd.s32 $0x70, s5;
	s5 =	sadd.s32 $0x1000, s5;
	s7 =	smov.u32 s11  }
0x67e: {  	[hbm4b:s9+s3] =	stream.linear.scatter [tilespmem:s8], [sflag:$0x7], $0x80, $0x38;
	[tilespmem:$0x19E00] =	vst v63  }
0x67f: {  	s7 =	sadd.s32 $0x15A00, s0  }
0x680: {  	[hbm4b:s5+s3] =	stream.linear.scatter [tilespmem:s7], [sflag:$0x7], $0x80, $0x38;
	[tilespmem:$0x19E00] =	vst v63  }
0x681: {  	s12 =	sadd.s32 $0x15A88, s0;
	s13 =	sadd.s32 $0x10, s5  }
0x682: {  	[hbm4b:s13+s3] =	stream.linear.scatter [tilespmem:s12], [sflag:$0x7], $0x80, $0x38;
	[tilespmem:$0x19E00] =	vst v63  }
0x683: {  	s14 =	sadd.s32 $0x15B10, s0;
	s15 =	sadd.s32 $0x20, s5  }
0x684: {  	[hbm4b:s15+s3] =	stream.linear.scatter [tilespmem:s14], [sflag:$0x7], $0x80, $0x38;
	[tilespmem:$0x19E00] =	vst v63  }
0x685: {  	s16 =	sadd.s32 $0x15B98, s0;
	s18 =	sadd.s32 $0x30, s5  }
0x686: {  	[hbm4b:s18+s3] =	stream.linear.scatter [tilespmem:s16], [sflag:$0x7], $0x80, $0x38;
	[tilespmem:$0x19E00] =	vst v63  }
0x687: {  	s19 =	sadd.s32 $0x15C20, s0;
	s21 =	sadd.s32 $0x40, s5  }
0x688: {  	[hbm4b:s21+s3] =	stream.linear.scatter [tilespmem:s19], [sflag:$0x7], $0x80, $0x38;
	[tilespmem:$0x19E00] =	vst v63  }
0x689: {  	s25 =	sadd.s32 $0x15CA8, s0;
	s26 =	sadd.s32 $0x50, s5  }
0x68a: {  	[hbm4b:s26+s3] =	stream.linear.scatter [tilespmem:s25], [sflag:$0x7], $0x80, $0x38;
	[tilespmem:$0x19E00] =	vst v63  }
0x68b: {  	s29 =	sadd.s32 $0x15D30, s0;
	s30 =	sadd.s32 $0x60, s5  }
0x68c: {  	[hbm4b:s30+s3] =	stream.linear.scatter [tilespmem:s29], [sflag:$0x7], $0x80, $0x38;
	[tilespmem:$0x19E00] =	vst v63  }
0x68d: {  	s8 =	sadd.s32 $0x15DB8, s0;
	s9 =	sadd.s32 $0x70, s5  }
0x68e: {  	[hbm4b:s9+s3] =	stream.linear.scatter [tilespmem:s8], [sflag:$0x7], $0x80, $0x38;
	[tilespmem:$0x19E00] =	vst v63  }
0x68f: {  	s0 =	sadd.s32 @!p1 $0x280, s10;
	s5 =	simm.s32 @!p1 $0x80;
	s7 =	simm.s32 @!p1 $0xB600  }
0x690: {  	[tilespmem:s7], [sflag:$0x2] =	stream.indirect.gather @!p1 [hbm4b:s4+s5], $0x40, s0, s5, $0xb8;
	[tilespmem:$0x19E00] =	vst v63  }
0x691: {  	s0 =	sadd.s32 s6, s1;
	_ =	swait.ge [sflag:s23], $0x2000  }
0x692: {  	s1 =	sshll.u32 s0, $0x1;
	[sflag:s23] =	ssyncset.done $0x0  }
0x693: {  	s1 =	sand.u32 $0x3FFFFFC0, s1;
	[sflag:s23] =	ssyncadd.s32 $0xFFFFE000  }
0x694: {  	v36 =	vld [tilespmem:s1+$0x6400]  }
0x695: {  	v35 =	vld [tilespmem:s1+$0x6410]  }
0x696: {  	v34 =	vld [tilespmem:s1+$0x6420]  }
0x697: {  	s10 =	simm.s32 $0x0;
	v33 =	vld [tilespmem:s1+$0x6430];
	s1 =	simm.s32 @!p0 $0x8  }
0x698: {  	v37 =	vmov s10;
	_ =	swait.ge @!p0 [sflag:s1], $0x2000  }
0x699: {  	v37 =	vshrl.u32 v37, $0x3;
	[sflag:s1] =	ssyncset.done @!p0 $0x0  }
0x69a: {  	v37 =	vshll.u32 v37, v1;
	[sflag:s1] =	ssyncadd.s32 @!p0 $0xFFFFE000;
	s1 =	simm.s32 $0xF700  }
0x69b: {  	v37 =	vbroadcast v37, $0x0;
	v38 =	vld [tilespmem:s1+$0xFFFFFF00];
	_ =	sdelay $0x1  }
0x69c: {  	v39 =	vadd.s32 v0, v37;
	_ =	sdelay $0x2  }
0x69d: {  	v38 =	vadd.f32 v38, v36;
	_ =	sdelay $0x1  }
0x69e: {  	[tilespmem:v39+s24+$0x0] =	vst.idx.msk $0xffff, v38  }
0x69f: {  	v38 =	vld [tilespmem:s1+$0xFFFFFF10];
	_ =	sdelay $0x1  }
0x6a0: {  	v46 =	vadd.s32 v2, v37;
	_ =	sdelay $0x2  }
0x6a1: {  	v38 =	vadd.f32 v38, v35;
	_ =	sdelay $0x1  }
0x6a2: {  	[tilespmem:v46+s24+$0x0] =	vst.idx.msk $0xffff, v38  }
0x6a3: {  	v38 =	vld [tilespmem:s1+$0xFFFFFF20];
	_ =	sdelay $0x1  }
0x6a4: {  	v47 =	vadd.s32 v3, v37;
	_ =	sdelay $0x2  }
0x6a5: {  	v38 =	vadd.f32 v38, v34;
	_ =	sdelay $0x1  }
0x6a6: {  	[tilespmem:v47+s24+$0x0] =	vst.idx.msk $0xffff, v38  }
0x6a7: {  	v38 =	vld [tilespmem:s1+$0xFFFFFF30];
	_ =	sdelay $0x1  }
0x6a8: {  	v37 =	vadd.s32 v4, v37;
	_ =	sdelay $0x1  }
0x6a9: {  	s11 =	simm.s32 $0x1  }
0x6aa: {  	v48 =	vmov s11;
	v38 =	vadd.f32 v38, v33  }
0x6ab: {  	v39 =	vshrl.u32 v48, $0x3  }
0x6ac: {  	s12 =	simm.s32 $0x8;
	v39 =	vshll.u32 v39, v1;
	[tilespmem:v37+s24+$0x0] =	vst.idx.msk $0xffff, v38  }
0x6ad: {  	v49 =	vmov s12;
	v39 =	vbroadcast v39, $0x0;
	v38 =	vld [tilespmem:s1+$0xFFFFFF40]  }
0x6ae: {  	v37 =	vshrl.u32 v49, $0x3  }
0x6af: {  	s10 =	simm.s32 $0xF900;
	v40 =	vadd.s32 v5, v39;
	v37 =	vshll.u32 v37, v1  }
0x6b0: {  	v41 =	vld [tilespmem:s10+$0xFFFFFF00];
	v37 =	vbroadcast v37, $0x0;
	_ =	sdelay $0x1  }
0x6b1: {  	v42 =	vadd.s32 v0, v37;
	v38 =	vadd.f32 v38, v36;
	_ =	sdelay $0x1  }
0x6b2: {  	[tilespmem:v40+s24+$0x0] =	vst.idx.msk $0xffff, v38  }
0x6b3: {  	v50 =	vadd.f32 v41, v36;
	v40 =	vld [tilespmem:s1+$0xFFFFFF50];
	_ =	sdelay $0x1  }
0x6b4: {  	v51 =	vadd.s32 v6, v39;
	[tilespmem:v42+s24+$0x0] =	vst.idx.msk $0xffff, v50  }
0x6b5: {  	v52 =	vld [tilespmem:s10+$0xFFFFFF10];
	_ =	sdelay $0x1  }
0x6b6: {  	v53 =	vadd.s32 v2, v37;
	v40 =	vadd.f32 v40, v35;
	_ =	sdelay $0x1  }
0x6b7: {  	[tilespmem:v51+s24+$0x0] =	vst.idx.msk $0xffff, v40  }
0x6b8: {  	v54 =	vadd.f32 v52, v35;
	v40 =	vld [tilespmem:s1+$0xFFFFFF60];
	_ =	sdelay $0x1  }
0x6b9: {  	v55 =	vadd.s32 v7, v39;
	[tilespmem:v53+s24+$0x0] =	vst.idx.msk $0xffff, v54  }
0x6ba: {  	v56 =	vld [tilespmem:s10+$0xFFFFFF20];
	_ =	sdelay $0x1  }
0x6bb: {  	v57 =	vadd.s32 v3, v37;
	v40 =	vadd.f32 v40, v34;
	_ =	sdelay $0x1  }
0x6bc: {  	[tilespmem:v55+s24+$0x0] =	vst.idx.msk $0xffff, v40  }
0x6bd: {  	v58 =	vadd.f32 v56, v34;
	v40 =	vld [tilespmem:s1+$0xFFFFFF70];
	_ =	sdelay $0x1  }
0x6be: {  	v59 =	vadd.s32 v8, v39;
	[tilespmem:v57+s24+$0x0] =	vst.idx.msk $0xffff, v58  }
0x6bf: {  	v60 =	vld [tilespmem:s10+$0xFFFFFF30]  }
0x6c0: {  	s13 =	simm.s32 $0x2  }
0x6c1: {  	v61 =	vmov s13;
	v37 =	vadd.s32 v4, v37;
	v40 =	vadd.f32 v40, v33  }
0x6c2: {  	v41 =	vshrl.u32 v61, $0x3  }
0x6c3: {  	s14 =	simm.s32 $0x9;
	v41 =	vshll.u32 v41, v1;
	[tilespmem:v59+s24+$0x0] =	vst.idx.msk $0xffff, v40  }
0x6c4: {  	v62 =	vmov s14;
	v41 =	vbroadcast v41, $0x0;
	v39 =	vadd.f32 v60, v33;
	v40 =	vld [tilespmem:s1+$0xFFFFFF80]  }
0x6c5: {  	v38 =	vshrl.u32 v62, $0x3  }
0x6c6: {  	s7 =	simm.s32 $0x10;
	v63 =	vadd.s32 v9, v41;
	v38 =	vshll.u32 v38, v1;
	[tilespmem:v37+s24+$0x0] =	vst.idx.msk $0xffff, v39  }
0x6c7: {  	v48 =	vmov s7;
	v38 =	vbroadcast v38, $0x0;
	v42 =	vld [tilespmem:s10+$0xFFFFFF40]  }
0x6c8: {  	v39 =	vshrl.u32 v48, $0x3  }
0x6c9: {  	s12 =	simm.s32 $0xFB00;
	v43 =	vadd.s32 v5, v38;
	v39 =	vshll.u32 v39, v1;
	v40 =	vadd.f32 v40, v36  }
0x6ca: {  	v44 =	vld [tilespmem:s12+$0xFFFFFF00];
	v39 =	vbroadcast v39, $0x0  }
0x6cb: {  	[tilespmem:v63+s24+$0x0] =	vst.idx.msk $0xffff, v40  }
0x6cc: {  	v49 =	vadd.s32 v0, v39;
	v50 =	vadd.f32 v42, v36;
	v51 =	vld [tilespmem:s1+$0xFFFFFF90];
	_ =	sdelay $0x1  }
0x6cd: {  	v52 =	vadd.s32 v10, v41;
	[tilespmem:v43+s24+$0x0] =	vst.idx.msk $0xffff, v50  }
0x6ce: {  	v53 =	vadd.f32 v44, v36;
	v54 =	vld [tilespmem:s10+$0xFFFFFF50];
	_ =	sdelay $0x1  }
0x6cf: {  	v55 =	vadd.s32 v6, v38;
	[tilespmem:v49+s24+$0x0] =	vst.idx.msk $0xffff, v53;
	v42 =	vadd.f32 v51, v35  }
0x6d0: {  	v43 =	vld [tilespmem:s12+$0xFFFFFF10]  }
0x6d1: {  	[tilespmem:v52+s24+$0x0] =	vst.idx.msk $0xffff, v42  }
0x6d2: {  	v56 =	vadd.s32 v2, v39;
	v57 =	vadd.f32 v54, v35;
	v58 =	vld [tilespmem:s1+$0xFFFFFFA0];
	_ =	sdelay $0x1  }
0x6d3: {  	v59 =	vadd.s32 v11, v41;
	[tilespmem:v55+s24+$0x0] =	vst.idx.msk $0xffff, v57  }
0x6d4: {  	v60 =	vadd.f32 v43, v35;
	v61 =	vld [tilespmem:s10+$0xFFFFFF60];
	_ =	sdelay $0x1  }
0x6d5: {  	v62 =	vadd.s32 v7, v38;
	[tilespmem:v56+s24+$0x0] =	vst.idx.msk $0xffff, v60;
	v63 =	vadd.f32 v58, v34  }
0x6d6: {  	v48 =	vld [tilespmem:s12+$0xFFFFFF20]  }
0x6d7: {  	[tilespmem:v59+s24+$0x0] =	vst.idx.msk $0xffff, v63  }
0x6d8: {  	v49 =	vadd.s32 v3, v39;
	v50 =	vadd.f32 v61, v34;
	v51 =	vld [tilespmem:s1+$0xFFFFFFB0];
	_ =	sdelay $0x1  }
0x6d9: {  	v52 =	vadd.s32 v12, v41;
	[tilespmem:v62+s24+$0x0] =	vst.idx.msk $0xffff, v50  }
0x6da: {  	v53 =	vadd.f32 v48, v34;
	v42 =	vld [tilespmem:s10+$0xFFFFFF70]  }
0x6db: {  	s15 =	simm.s32 $0x3  }
0x6dc: {  	v54 =	vmov s15;
	v55 =	vadd.s32 v8, v38;
	[tilespmem:v49+s24+$0x0] =	vst.idx.msk $0xffff, v53;
	v56 =	vadd.f32 v51, v33  }
0x6dd: {  	v57 =	vshrl.u32 v54, $0x3;
	v58 =	vld [tilespmem:s12+$0xFFFFFF30]  }
0x6de: {  	s16 =	simm.s32 $0xA;
	v41 =	vshll.u32 v57, v1;
	v60 =	vadd.s32 v4, v39;
	[tilespmem:v52+s24+$0x0] =	vst.idx.msk $0xffff, v56  }
0x6df: {  	v41 =	vbroadcast v41, $0x0;
	v59 =	vmov s16;
	v61 =	vadd.f32 v42, v33;
	v40 =	vld [tilespmem:s1+$0xFFFFFFC0]  }
0x6e0: {  	s18 =	simm.s32 $0x11;
	v62 =	vshrl.u32 v59, $0x3  }
0x6e1: {  	v63 =	vmov s18;
	v48 =	vadd.s32 v13, v41;
	v42 =	vshll.u32 v62, v1;
	[tilespmem:v55+s24+$0x0] =	vst.idx.msk $0xffff, v61  }
0x6e2: {  	v49 =	vshrl.u32 v63, $0x3;
	v43 =	vadd.f32 v58, v33;
	v42 =	vbroadcast v42, $0x0;
	v50 =	vld [tilespmem:s10+$0xFFFFFF80]  }
0x6e3: {  	v39 =	vshll.u32 v49, v1  }
0x6e4: {  	s13 =	simm.s32 $0x18;
	[tilespmem:v60+s24+$0x0] =	vst.idx.msk $0xffff, v43;
	v51 =	vadd.s32 v9, v42;
	v40 =	vadd.f32 v40, v36  }
0x6e5: {  	v39 =	vbroadcast v39, $0x0;
	v52 =	vmov s13;
	v45 =	vld [tilespmem:s12+$0xFFFFFF40]  }
0x6e6: {  	v43 =	vshrl.u32 v52, $0x3;
	[tilespmem:v48+s24+$0x0] =	vst.idx.msk $0xffff, v40  }
0x6e7: {  	s5 =	simm.s32 $0xFD00;
	v54 =	vadd.s32 v5, v39;
	v53 =	vshll.u32 v43, v1;
	v55 =	vadd.f32 v50, v36;
	v56 =	vld [tilespmem:s1+$0xFFFFFFD0]  }
0x6e8: {  	v46 =	vld [tilespmem:s5+$0xFFFFFF00];
	v37 =	vbroadcast v53, $0x0  }
0x6e9: {  	v57 =	vadd.s32 v14, v41;
	[tilespmem:v51+s24+$0x0] =	vst.idx.msk $0xffff, v55  }
0x6ea: {  	v58 =	vadd.s32 v0, v37;
	v45 =	vadd.f32 v45, v36;
	v47 =	vld [tilespmem:s10+$0xFFFFFF90];
	_ =	sdelay $0x1  }
0x6eb: {  	v59 =	vadd.s32 v10, v42;
	[tilespmem:v54+s24+$0x0] =	vst.idx.msk $0xffff, v45;
	v44 =	vadd.f32 v56, v35  }
0x6ec: {  	v60 =	vadd.f32 v46, v36;
	v61 =	vld [tilespmem:s12+$0xFFFFFF50]  }
0x6ed: {  	[tilespmem:v57+s24+$0x0] =	vst.idx.msk $0xffff, v44  }
0x6ee: {  	v62 =	vadd.s32 v6, v39;
	[tilespmem:v58+s24+$0x0] =	vst.idx.msk $0xffff, v60;
	v63 =	vadd.f32 v47, v35;
	v44 =	vld [tilespmem:s1+$0xFFFFFFE0]  }
0x6ef: {  	v45 =	vld [tilespmem:s5+$0xFFFFFF10]  }
0x6f0: {  	v48 =	vadd.s32 v15, v41;
	[tilespmem:v59+s24+$0x0] =	vst.idx.msk $0xffff, v63  }
0x6f1: {  	v49 =	vadd.s32 v2, v37;
	v46 =	vadd.f32 v61, v35;
	v50 =	vld [tilespmem:s10+$0xFFFFFFA0];
	_ =	sdelay $0x1  }
0x6f2: {  	v51 =	vadd.s32 v11, v42;
	[tilespmem:v62+s24+$0x0] =	vst.idx.msk $0xffff, v46;
	v44 =	vadd.f32 v44, v34  }
0x6f3: {  	v45 =	vadd.f32 v45, v35;
	v46 =	vld [tilespmem:s12+$0xFFFFFF60]  }
0x6f4: {  	[tilespmem:v48+s24+$0x0] =	vst.idx.msk $0xffff, v44  }
0x6f5: {  	v52 =	vadd.s32 v7, v39;
	[tilespmem:v49+s24+$0x0] =	vst.idx.msk $0xffff, v45;
	v53 =	vadd.f32 v50, v34;
	v44 =	vld [tilespmem:s1+$0xFFFFFFF0]  }
0x6f6: {  	v45 =	vld [tilespmem:s5+$0xFFFFFF20]  }
0x6f7: {  	v54 =	vadd.s32 v16, v41;
	[tilespmem:v51+s24+$0x0] =	vst.idx.msk $0xffff, v53  }
0x6f8: {  	s19 =	simm.s32 $0x4;
	v55 =	vadd.s32 v3, v37;
	v56 =	vadd.f32 v46, v34;
	v57 =	vld [tilespmem:s10+$0xFFFFFFB0]  }
0x6f9: {  	v58 =	vmov s19  }
0x6fa: {  	v61 =	vshrl.u32 v58, $0x3;
	v59 =	vadd.s32 v12, v42;
	[tilespmem:v52+s24+$0x0] =	vst.idx.msk $0xffff, v56;
	v60 =	vadd.f32 v44, v33  }
0x6fb: {  	v43 =	vshll.u32 v61, v1;
	v62 =	vadd.f32 v45, v34;
	v63 =	vld [tilespmem:s12+$0xFFFFFF70]  }
0x6fc: {  	s21 =	simm.s32 $0xB;
	v42 =	vbroadcast v43, $0x0;
	[tilespmem:v54+s24+$0x0] =	vst.idx.msk $0xffff, v60  }
0x6fd: {  	v49 =	vadd.s32 v8, v39;
	v48 =	vmov s21;
	[tilespmem:v55+s24+$0x0] =	vst.idx.msk $0xffff, v62;
	v50 =	vadd.f32 v57, v33;
	v51 =	vld [tilespmem:s1+$0x0]  }
0x6fe: {  	s25 =	simm.s32 $0x12;
	v37 =	vadd.s32 v4, v37;
	v52 =	vshrl.u32 v48, $0x3;
	v54 =	vld [tilespmem:s5+$0xFFFFFF30]  }
0x6ff: {  	v53 =	vmov s25;
	v43 =	vshll.u32 v52, v1;
	v55 =	vadd.s32 v17, v42;
	[tilespmem:v59+s24+$0x0] =	vst.idx.msk $0xffff, v50  }
0x700: {  	v43 =	vbroadcast v43, $0x0;
	v44 =	vshrl.u32 v53, $0x3;
	v56 =	vadd.f32 v63, v33;
	v57 =	vld [tilespmem:s10+$0xFFFFFFC0]  }
0x701: {  	s26 =	simm.s32 $0x19;
	v44 =	vshll.u32 v44, v1  }
0x702: {  	v58 =	vmov s26;
	v59 =	vadd.s32 v13, v43;
	[tilespmem:v49+s24+$0x0] =	vst.idx.msk $0xffff, v56;
	v60 =	vadd.f32 v51, v36  }
0x703: {  	v61 =	vshrl.u32 v58, $0x3;
	v44 =	vbroadcast v44, $0x0;
	v62 =	vld [tilespmem:s12+$0xFFFFFF80];
	v46 =	vadd.f32 v54, v33  }
0x704: {  	v41 =	vshll.u32 v61, v1;
	[tilespmem:v55+s24+$0x0] =	vst.idx.msk $0xffff, v60  }
0x705: {  	s25 =	simm.s32 $0x20;
	v63 =	vadd.s32 v9, v44;
	[tilespmem:v37+s24+$0x0] =	vst.idx.msk $0xffff, v46;
	v50 =	vadd.f32 v57, v36;
	v40 =	vld [tilespmem:s1+$0x10]  }
0x706: {  	v41 =	vbroadcast v41, $0x0;
	v51 =	vmov s25;
	v46 =	vld [tilespmem:s5+$0xFFFFFF40]  }
0x707: {  	v52 =	vadd.s32 v18, v42;
	v45 =	vshrl.u32 v51, $0x3;
	[tilespmem:v59+s24+$0x0] =	vst.idx.msk $0xffff, v50  }
0x708: {  	s8 =	simm.s32 $0xFF00;
	v54 =	vadd.s32 v5, v41;
	v53 =	vshll.u32 v45, v1;
	v47 =	vadd.f32 v62, v36;
	v48 =	vld [tilespmem:s10+$0xFFFFFFD0]  }
0x709: {  	v49 =	vld [tilespmem:s8+$0xFFFFFF00];
	v39 =	vbroadcast v53, $0x0  }
0x70a: {  	v55 =	vadd.s32 v14, v43;
	[tilespmem:v63+s24+$0x0] =	vst.idx.msk $0xffff, v47;
	v40 =	vadd.f32 v40, v35  }
0x70b: {  	v56 =	vadd.s32 v0, v39;
	v50 =	vld [tilespmem:s12+$0xFFFFFF90];
	v46 =	vadd.f32 v46, v36  }
0x70c: {  	[tilespmem:v52+s24+$0x0] =	vst.idx.msk $0xffff, v40  }
0x70d: {  	v57 =	vadd.s32 v10, v44;
	[tilespmem:v54+s24+$0x0] =	vst.idx.msk $0xffff, v46;
	v58 =	vadd.f32 v48, v35;
	v59 =	vld [tilespmem:s1+$0x20]  }
0x70e: {  	v60 =	vadd.f32 v49, v36;
	v61 =	vld [tilespmem:s5+$0xFFFFFF50]  }
0x70f: {  	v62 =	vadd.s32 v19, v42;
	[tilespmem:v55+s24+$0x0] =	vst.idx.msk $0xffff, v58  }
0x710: {  	v63 =	vadd.s32 v6, v41;
	[tilespmem:v56+s24+$0x0] =	vst.idx.msk $0xffff, v60;
	v52 =	vadd.f32 v50, v35;
	v53 =	vld [tilespmem:s10+$0xFFFFFFE0]  }
0x711: {  	v54 =	vld [tilespmem:s8+$0xFFFFFF10]  }
0x712: {  	v55 =	vadd.s32 v15, v43;
	[tilespmem:v57+s24+$0x0] =	vst.idx.msk $0xffff, v52;
	v45 =	vadd.f32 v59, v34  }
0x713: {  	v56 =	vadd.s32 v2, v39;
	v57 =	vld [tilespmem:s12+$0xFFFFFFA0];
	v48 =	vadd.f32 v61, v35  }
0x714: {  	[tilespmem:v62+s24+$0x0] =	vst.idx.msk $0xffff, v45  }
0x715: {  	v58 =	vadd.s32 v11, v44;
	[tilespmem:v63+s24+$0x0] =	vst.idx.msk $0xffff, v48;
	v59 =	vadd.f32 v53, v34;
	v45 =	vld [tilespmem:s1+$0x30]  }
0x716: {  	v60 =	vadd.f32 v54, v35;
	v48 =	vld [tilespmem:s5+$0xFFFFFF60]  }
0x717: {  	v61 =	vadd.s32 v20, v42;
	[tilespmem:v55+s24+$0x0] =	vst.idx.msk $0xffff, v59  }
0x718: {  	[tilespmem:v56+s24+$0x0] =	vst.idx.msk $0xffff, v60;
	v62 =	vadd.s32 v7, v41;
	v63 =	vadd.f32 v57, v34;
	v52 =	vld [tilespmem:s10+$0xFFFFFFF0]  }
0x719: {  	s29 =	simm.s32 $0x5;
	v47 =	vld [tilespmem:s8+$0xFFFFFF20]  }
0x71a: {  	v54 =	vadd.s32 v16, v43;
	v53 =	vmov s29;
	[tilespmem:v58+s24+$0x0] =	vst.idx.msk $0xffff, v63;
	v55 =	vadd.f32 v45, v33  }
0x71b: {  	v56 =	vshrl.u32 v53, $0x3;
	v57 =	vadd.s32 v3, v39;
	v58 =	vld [tilespmem:s12+$0xFFFFFFB0];
	v48 =	vadd.f32 v48, v34  }
0x71c: {  	s30 =	simm.s32 $0xC;
	v60 =	vadd.s32 v12, v44;
	v43 =	vshll.u32 v56, v1;
	[tilespmem:v61+s24+$0x0] =	vst.idx.msk $0xffff, v55  }
0x71d: {  	v59 =	vmov s30;
	v43 =	vbroadcast v43, $0x0;
	[tilespmem:v62+s24+$0x0] =	vst.idx.msk $0xffff, v48;
	v61 =	vadd.f32 v52, v33;
	v42 =	vld [tilespmem:s1+$0x40]  }
0x71e: {  	s11 =	simm.s32 $0x13;
	v53 =	vadd.s32 v8, v41;
	v63 =	vshrl.u32 v59, $0x3;
	v47 =	vadd.f32 v47, v34;
	v48 =	vld [tilespmem:s5+$0xFFFFFF70]  }
0x71f: {  	v46 =	vshll.u32 v63, v1;
	v62 =	vmov s11;
	v52 =	vadd.s32 v21, v43;
	[tilespmem:v54+s24+$0x0] =	vst.idx.msk $0xffff, v61  }
0x720: {  	v46 =	vbroadcast v46, $0x0;
	v44 =	vshrl.u32 v62, $0x3;
	[tilespmem:v57+s24+$0x0] =	vst.idx.msk $0xffff, v47;
	v54 =	vadd.f32 v58, v33;
	v55 =	vld [tilespmem:s10+$0x0]  }
0x721: {  	s14 =	simm.s32 $0x1A;
	v39 =	vadd.s32 v4, v39;
	v44 =	vshll.u32 v44, v1;
	v57 =	vld [tilespmem:s8+$0xFFFFFF30]  }
0x722: {  	v56 =	vmov s14;
	v58 =	vadd.s32 v17, v46;
	[tilespmem:v60+s24+$0x0] =	vst.idx.msk $0xffff, v54;
	v59 =	vadd.f32 v42, v36  }
0x723: {  	v47 =	vshrl.u32 v56, $0x3;
	v44 =	vbroadcast v44, $0x0;
	v60 =	vadd.f32 v48, v33;
	v61 =	vld [tilespmem:s12+$0xFFFFFFC0]  }
0x724: {  	s15 =	simm.s32 $0x21;
	v47 =	vshll.u32 v47, v1;
	[tilespmem:v52+s24+$0x0] =	vst.idx.msk $0xffff, v59  }
0x725: {  	v62 =	vmov s15;
	v63 =	vadd.s32 v13, v44;
	[tilespmem:v53+s24+$0x0] =	vst.idx.msk $0xffff, v60;
	v52 =	vadd.f32 v55, v36;
	v53 =	vld [tilespmem:s1+$0x50]  }
0x726: {  	v37 =	vshrl.u32 v62, $0x3;
	v47 =	vbroadcast v47, $0x0;
	v54 =	vadd.f32 v57, v33;
	v55 =	vld [tilespmem:s5+$0xFFFFFF80]  }
0x727: {  	v38 =	vadd.s32 v22, v43;
	v37 =	vshll.u32 v37, v1;
	[tilespmem:v58+s24+$0x0] =	vst.idx.msk $0xffff, v52  }
0x728: {  	s26 =	simm.s32 $0x28;
	[tilespmem:v39+s24+$0x0] =	vst.idx.msk $0xffff, v54;
	v39 =	vadd.s32 v9, v47;
	v56 =	vadd.f32 v61, v36;
	v57 =	vld [tilespmem:s10+$0x10]  }
0x729: {  	v37 =	vbroadcast v37, $0x0;
	v59 =	vld [tilespmem:s8+$0xFFFFFF40];
	v58 =	vmov s26  }
0x72a: {  	v60 =	vadd.s32 v18, v46;
	v48 =	vshrl.u32 v58, $0x3;
	[tilespmem:v63+s24+$0x0] =	vst.idx.msk $0xffff, v56;
	v61 =	vadd.f32 v53, v35  }
0x72b: {  	s14 =	simm.s32 $0x10100;
	v62 =	vshll.u32 v48, v1;
	v63 =	vadd.s32 v5, v37;
	v49 =	vadd.f32 v55, v36;
	v51 =	vld [tilespmem:s12+$0xFFFFFFD0]  }
0x72c: {  	v52 =	vld [tilespmem:s14+$0xFFFFFF00];
	v42 =	vbroadcast v62, $0x0;
	[tilespmem:v38+s24+$0x0] =	vst.idx.msk $0xffff, v61  }
0x72d: {  	[tilespmem:v39+s24+$0x0] =	vst.idx.msk $0xffff, v49;
	v38 =	vadd.s32 v14, v44;
	v55 =	vadd.f32 v57, v35;
	v41 =	vld [tilespmem:s1+$0x60]  }
0x72e: {  	v56 =	vadd.s32 v0, v42;
	v57 =	vadd.f32 v59, v36;
	v58 =	vld [tilespmem:s5+$0xFFFFFF90]  }
0x72f: {  	v39 =	vadd.s32 v23, v43;
	[tilespmem:v60+s24+$0x0] =	vst.idx.msk $0xffff, v55  }
0x730: {  	v59 =	vadd.s32 v10, v47;
	[tilespmem:v63+s24+$0x0] =	vst.idx.msk $0xffff, v57;
	v60 =	vadd.f32 v51, v35;
	v61 =	vld [tilespmem:s10+$0x20]  }
0x731: {  	v62 =	vadd.f32 v52, v36;
	v63 =	vld [tilespmem:s8+$0xFFFFFF50]  }
0x732: {  	[tilespmem:v38+s24+$0x0] =	vst.idx.msk $0xffff, v60;
	v38 =	vadd.s32 v19, v46;
	v41 =	vadd.f32 v41, v34  }
0x733: {  	[tilespmem:v56+s24+$0x0] =	vst.idx.msk $0xffff, v62;
	v56 =	vadd.s32 v6, v37;
	v57 =	vadd.f32 v58, v35;
	v58 =	vld [tilespmem:s12+$0xFFFFFFE0]  }
0x734: {  	v51 =	vld [tilespmem:s14+$0xFFFFFF10];
	[tilespmem:v39+s24+$0x0] =	vst.idx.msk $0xffff, v41  }
0x735: {  	[tilespmem:v59+s24+$0x0] =	vst.idx.msk $0xffff, v57;
	v59 =	vadd.s32 v15, v44;
	v60 =	vadd.f32 v61, v34;
	v41 =	vld [tilespmem:s1+$0x70]  }
0x736: {  	v61 =	vadd.s32 v2, v42;
	v62 =	vadd.f32 v63, v35;
	v63 =	vld [tilespmem:s5+$0xFFFFFFA0]  }
0x737: {  	[tilespmem:v38+s24+$0x0] =	vst.idx.msk $0xffff, v60;
	v38 =	vadd.s32 v24, v43  }
0x738: {  	v40 =	vadd.s32 v11, v47;
	[tilespmem:v56+s24+$0x0] =	vst.idx.msk $0xffff, v62;
	v55 =	vadd.f32 v58, v34;
	v56 =	vld [tilespmem:s10+$0x30]  }
0x739: {  	s16 =	simm.s32 $0x6;
	v57 =	vadd.f32 v51, v35;
	v50 =	vld [tilespmem:s8+$0xFFFFFF60]  }
0x73a: {  	v39 =	vadd.s32 v20, v46;
	v58 =	vmov s16;
	[tilespmem:v59+s24+$0x0] =	vst.idx.msk $0xffff, v55;
	v41 =	vadd.f32 v41, v33  }
0x73b: {  	s18 =	simm.s32 $0xD;
	v46 =	vadd.s32 v7, v37;
	v59 =	vshrl.u32 v58, $0x3;
	[tilespmem:v61+s24+$0x0] =	vst.idx.msk $0xffff, v57;
	v60 =	vadd.f32 v63, v34;
	v61 =	vld [tilespmem:s12+$0xFFFFFFF0]  }
0x73c: {  	v45 =	vadd.s32 v3, v42;
	v62 =	vmov s18;
	v43 =	vshll.u32 v59, v1;
	v53 =	vld [tilespmem:s14+$0xFFFFFF20];
	[tilespmem:v38+s24+$0x0] =	vst.idx.msk $0xffff, v41  }
0x73d: {  	s11 =	simm.s32 $0x14;
	[tilespmem:v40+s24+$0x0] =	vst.idx.msk $0xffff, v60;
	v43 =	vbroadcast v43, $0x0;
	v38 =	vadd.s32 v16, v44;
	v56 =	vadd.f32 v56, v33;
	v41 =	vld [tilespmem:s1+$0x80]  }
0x73e: {  	v63 =	vmov s11;
	v57 =	vshrl.u32 v62, $0x3;
	v58 =	vadd.f32 v50, v34;
	v59 =	vld [tilespmem:s5+$0xFFFFFFB0]  }
0x73f: {  	v60 =	vshrl.u32 v63, $0x3;
	v44 =	vshll.u32 v57, v1;
	[tilespmem:v39+s24+$0x0] =	vst.idx.msk $0xffff, v56;
	v39 =	vadd.s32 v25, v43  }
0x740: {  	v40 =	vadd.s32 v12, v47;
	v44 =	vbroadcast v44, $0x0;
	[tilespmem:v46+s24+$0x0] =	vst.idx.msk $0xffff, v58;
	v61 =	vadd.f32 v61, v33;
	v62 =	vld [tilespmem:s10+$0x40]  }
0x741: {  	s19 =	simm.s32 $0x1B;
	v37 =	vadd.s32 v8, v37;
	v56 =	vshll.u32 v60, v1;
	v57 =	vadd.f32 v53, v34;
	v58 =	vld [tilespmem:s8+$0xFFFFFF70]  }
0x742: {  	v63 =	vmov s19;
	[tilespmem:v38+s24+$0x0] =	vst.idx.msk $0xffff, v61;
	v38 =	vadd.s32 v21, v44;
	v41 =	vadd.f32 v41, v36  }
0x743: {  	s21 =	simm.s32 $0x22;
	v48 =	vshrl.u32 v63, $0x3;
	v49 =	vbroadcast v56, $0x0;
	[tilespmem:v45+s24+$0x0] =	vst.idx.msk $0xffff, v57;
	v59 =	vadd.f32 v59, v33;
	v46 =	vld [tilespmem:s12+$0x0]  }
0x744: {  	v48 =	vshll.u32 v48, v1;
	v60 =	vmov s21;
	v51 =	vld [tilespmem:s14+$0xFFFFFF30];
	[tilespmem:v39+s24+$0x0] =	vst.idx.msk $0xffff, v41  }
0x745: {  	v48 =	vbroadcast v48, $0x0;
	[tilespmem:v40+s24+$0x0] =	vst.idx.msk $0xffff, v59;
	v40 =	vadd.s32 v17, v49;
	v62 =	vadd.f32 v62, v36;
	v63 =	vld [tilespmem:s1+$0x90]  }
0x746: {  	s29 =	simm.s32 $0x29;
	v42 =	vadd.s32 v4, v42;
	v61 =	vshrl.u32 v60, $0x3;
	v56 =	vadd.f32 v58, v33;
	v57 =	vld [tilespmem:s5+$0xFFFFFFC0]  }
0x747: {  	v60 =	vadd.s32 v13, v48;
	v58 =	vmov s29;
	[tilespmem:v38+s24+$0x0] =	vst.idx.msk $0xffff, v62;
	v38 =	vadd.s32 v26, v43  }
0x748: {  	v39 =	vshll.u32 v61, v1;
	v59 =	vshrl.u32 v58, $0x3;
	[tilespmem:v37+s24+$0x0] =	vst.idx.msk $0xffff, v56;
	v46 =	vadd.f32 v46, v36;
	v61 =	vld [tilespmem:s10+$0x50]  }
0x749: {  	v39 =	vbroadcast v39, $0x0;
	v41 =	vshll.u32 v59, v1;
	v51 =	vadd.f32 v51, v33;
	v62 =	vld [tilespmem:s8+$0xFFFFFF80]  }
0x74a: {  	[tilespmem:v40+s24+$0x0] =	vst.idx.msk $0xffff, v46;
	v40 =	vadd.s32 v22, v44;
	v45 =	vadd.f32 v63, v35  }
0x74b: {  	s9 =	simm.s32 $0x30;
	[tilespmem:v42+s24+$0x0] =	vst.idx.msk $0xffff, v51;
	v42 =	vadd.s32 v9, v39;
	v63 =	vadd.f32 v57, v36;
	v50 =	vld [tilespmem:s12+$0x10]  }
0x74c: {  	v54 =	vbroadcast v41, $0x0;
	v57 =	vmov s9;
	v58 =	vld [tilespmem:s14+$0xFFFFFF40];
	[tilespmem:v38+s24+$0x0] =	vst.idx.msk $0xffff, v45  }
0x74d: {  	v37 =	vadd.s32 v18, v49;
	v59 =	vshrl.u32 v57, $0x3;
	[tilespmem:v60+s24+$0x0] =	vst.idx.msk $0xffff, v63;
	v60 =	vadd.f32 v61, v35;
	v45 =	vld [tilespmem:s1+$0xA0]  }
0x74e: {  	s11 =	simm.s32 $0x10300;
	v46 =	vadd.s32 v5, v54;
	v38 =	vshll.u32 v59, v1;
	v61 =	vadd.f32 v62, v36;
	v62 =	vld [tilespmem:s5+$0xFFFFFFD0]  }
0x74f: {  	v63 =	vld [tilespmem:s11+$0xFFFFFF00];
	v55 =	vbroadcast v38, $0x0;
	v38 =	vadd.s32 v27, v43;
	[tilespmem:v40+s24+$0x0] =	vst.idx.msk $0xffff, v60  }
0x750: {  	[tilespmem:v42+s24+$0x0] =	vst.idx.msk $0xffff, v61;
	v40 =	vadd.s32 v14, v48;
	v57 =	vadd.f32 v50, v35;
	v42 =	vld [tilespmem:s10+$0x60]  }
0x751: {  	v47 =	vadd.s32 v0, v55;
	v58 =	vadd.f32 v58, v36;
	v59 =	vld [tilespmem:s8+$0xFFFFFF90]  }
0x752: {  	[tilespmem:v37+s24+$0x0] =	vst.idx.msk $0xffff, v57;
	v37 =	vadd.s32 v23, v44;
	v60 =	vadd.f32 v45, v34  }
0x753: {  	[tilespmem:v46+s24+$0x0] =	vst.idx.msk $0xffff, v58;
	v45 =	vadd.s32 v10, v39;
	v61 =	vadd.f32 v62, v35;
	v62 =	vld [tilespmem:s12+$0x20]  }
0x754: {  	v41 =	vadd.s32 v15, v48;
	v63 =	vadd.f32 v63, v36;
	v56 =	vld [tilespmem:s14+$0xFFFFFF50];
	[tilespmem:v38+s24+$0x0] =	vst.idx.msk $0xffff, v60  }
0x755: {  	s15 =	simm.s32 $0x7;
	[tilespmem:v40+s24+$0x0] =	vst.idx.msk $0xffff, v61;
	v40 =	vadd.s32 v19, v49;
	v58 =	vadd.f32 v42, v34;
	v42 =	vld [tilespmem:s1+$0xB0]  }
0x756: {  	v57 =	vmov s15;
	v46 =	vadd.s32 v6, v54;
	[tilespmem:v47+s24+$0x0] =	vst.idx.msk $0xffff, v63;
	v59 =	vadd.f32 v59, v35;
	v60 =	vld [tilespmem:s5+$0xFFFFFFE0]  }
0x757: {  	s16 =	simm.s32 $0x15;
	v38 =	vshrl.u32 v57, $0x3;
	v63 =	vadd.s32 v2, v55;
	v53 =	vld [tilespmem:s11+$0xFFFFFF10];
	[tilespmem:v37+s24+$0x0] =	vst.idx.msk $0xffff, v58;
	v37 =	vadd.s32 v28, v43  }
0x758: {  	s18 =	simm.s32 $0x1C;
	v57 =	vmov s16;
	v38 =	vshll.u32 v38, v1;
	[tilespmem:v45+s24+$0x0] =	vst.idx.msk $0xffff, v59;
	v61 =	vadd.f32 v62, v34;
	v45 =	vld [tilespmem:s10+$0x70]  }
0x759: {  	s30 =	simm.s32 $0xE;
	v58 =	vmov s18;
	v43 =	vadd.s32 v11, v39;
	v52 =	vadd.f32 v56, v35;
	v56 =	vld [tilespmem:s8+$0xFFFFFFA0]  }
0x75a: {  	v62 =	vmov s30;
	[tilespmem:v40+s24+$0x0] =	vst.idx.msk $0xffff, v61;
	v40 =	vadd.s32 v24, v44;
	v42 =	vadd.f32 v42, v33  }
0x75b: {  	s19 =	simm.s32 $0x23;
	v39 =	vadd.s32 v12, v39;
	v47 =	vshrl.u32 v62, $0x3;
	[tilespmem:v46+s24+$0x0] =	vst.idx.msk $0xffff, v52;
	v60 =	vadd.f32 v60, v34;
	v46 =	vld [tilespmem:s12+$0x30]  }
0x75c: {  	v47 =	vshll.u32 v47, v1;
	v61 =	vadd.f32 v53, v35;
	v52 =	vld [tilespmem:s14+$0xFFFFFF60];
	v53 =	vmov s19;
	[tilespmem:v37+s24+$0x0] =	vst.idx.msk $0xffff, v42  }
0x75d: {  	[tilespmem:v41+s24+$0x0] =	vst.idx.msk $0xffff, v60;
	v41 =	vadd.s32 v20, v49;
	v62 =	vadd.f32 v45, v33;
	v37 =	vbroadcast v38, $0x0;
	v44 =	vld [tilespmem:s1+$0xC0]  }
0x75e: {  	[tilespmem:v63+s24+$0x0] =	vst.idx.msk $0xffff, v61;
	v45 =	vadd.s32 v7, v54;
	v60 =	vshrl.u32 v57, $0x3;
	v63 =	vadd.f32 v56, v34;
	v49 =	vld [tilespmem:s5+$0xFFFFFFF0]  }
0x75f: {  	v61 =	vshrl.u32 v58, $0x3;
	v42 =	vadd.s32 v16, v48;
	v51 =	vld [tilespmem:s11+$0xFFFFFF20];
	[tilespmem:v40+s24+$0x0] =	vst.idx.msk $0xffff, v62;
	v40 =	vadd.s32 v29, v37  }
0x760: {  	v38 =	vbroadcast v47, $0x0;
	v47 =	vadd.s32 v3, v55;
	[tilespmem:v43+s24+$0x0] =	vst.idx.msk $0xffff, v63;
	v62 =	vadd.f32 v46, v33;
	v46 =	vld [tilespmem:s10+$0x80]  }
0x761: {  	s21 =	simm.s32 $0x2A;
	v50 =	vshll.u32 v60, v1;
	v56 =	vshll.u32 v61, v1;
	v63 =	vadd.f32 v52, v34;
	v60 =	vld [tilespmem:s8+$0xFFFFFFB0]  }
0x762: {  	v58 =	vmov s21;
	v57 =	vadd.s32 v25, v38;
	[tilespmem:v41+s24+$0x0] =	vst.idx.msk $0xffff, v62;
	v61 =	vadd.f32 v44, v36  }
0x763: {  	v55 =	vadd.s32 v4, v55;
	[tilespmem:v45+s24+$0x0] =	vst.idx.msk $0xffff, v63;
	v41 =	vbroadcast v50, $0x0;
	v62 =	vadd.f32 v49, v33;
	v45 =	vld [tilespmem:s12+$0x40]  }
0x764: {  	v59 =	vshrl.u32 v58, $0x3;
	v58 =	vadd.s32 v26, v38;
	v63 =	vadd.f32 v51, v34;
	v49 =	vld [tilespmem:s14+$0xFFFFFF70];
	[tilespmem:v40+s24+$0x0] =	vst.idx.msk $0xffff, v61  }
0x765: {  	v53 =	vshrl.u32 v53, $0x3;
	[tilespmem:v42+s24+$0x0] =	vst.idx.msk $0xffff, v62;
	v42 =	vadd.s32 v21, v41;
	v62 =	vadd.f32 v46, v36;
	v46 =	vld [tilespmem:s1+$0xD0]  }
0x766: {  	v43 =	vbroadcast v56, $0x0;
	[tilespmem:v47+s24+$0x0] =	vst.idx.msk $0xffff, v63;
	v47 =	vadd.s32 v8, v54;
	v63 =	vadd.f32 v60, v33;
	v60 =	vld [tilespmem:s5+$0x0]  }
0x767: {  	v51 =	vshll.u32 v53, v1;
	v54 =	vadd.s32 v30, v37;
	v61 =	vld [tilespmem:s11+$0xFFFFFF30];
	[tilespmem:v57+s24+$0x0] =	vst.idx.msk $0xffff, v62  }
0x768: {  	s18 =	simm.s32 $0x38;
	[tilespmem:v39+s24+$0x0] =	vst.idx.msk $0xffff, v63;
	v39 =	vadd.s32 v17, v43;
	v45 =	vadd.f32 v45, v36;
	v48 =	vld [tilespmem:s10+$0x90]  }
0x769: {  	s29 =	simm.s32 $0x31;
	v56 =	vmov s18;
	v44 =	vbroadcast v51, $0x0;
	v49 =	vadd.f32 v49, v33;
	v57 =	vld [tilespmem:s8+$0xFFFFFFC0]  }
0x76a: {  	v40 =	vshll.u32 v59, v1;
	v62 =	vmov s29;
	[tilespmem:v42+s24+$0x0] =	vst.idx.msk $0xffff, v45;
	v63 =	vadd.f32 v46, v35  }
0x76b: {  	v50 =	vadd.s32 v13, v44;
	v59 =	vshrl.u32 v62, $0x3;
	[tilespmem:v47+s24+$0x0] =	vst.idx.msk $0xffff, v49;
	v60 =	vadd.f32 v60, v36;
	v46 =	vld [tilespmem:s12+$0x50]  }
0x76c: {  	s30 =	simm.s32 $0xF;
	v59 =	vshll.u32 v59, v1;
	v47 =	vbroadcast v40, $0x0;
	v61 =	vadd.f32 v61, v33;
	v52 =	vld [tilespmem:s14+$0xFFFFFF80];
	[tilespmem:v54+s24+$0x0] =	vst.idx.msk $0xffff, v63  }
0x76d: {  	v45 =	vadd.s32 v22, v41;
	v42 =	vmov s30;
	[tilespmem:v39+s24+$0x0] =	vst.idx.msk $0xffff, v60;
	v62 =	vadd.f32 v48, v35;
	v39 =	vld [tilespmem:s1+$0xE0]  }
0x76e: {  	v53 =	vadd.s32 v9, v47;
	v63 =	vshrl.u32 v56, $0x3;
	[tilespmem:v55+s24+$0x0] =	vst.idx.msk $0xffff, v61;
	v51 =	vadd.f32 v57, v36;
	v48 =	vld [tilespmem:s5+$0x10]  }
0x76f: {  	s28 =	sshrl.u32 s0, $0x5;
	s15 =	simm.s32 $0x10300;
	s16 =	simm.s32 $0x40;
	v49 =	vbroadcast v59, $0x0;
	v40 =	vadd.s32 v31, v37;
	v55 =	vshll.u32 v63, v1;
	v54 =	vld [tilespmem:s11+$0xFFFFFF40];
	[tilespmem:v58+s24+$0x0] =	vst.idx.msk $0xffff, v62  }
.LBB2_15:
0x770: {  	p0 =	slt.u32 s16, $0x78;
	[tilespmem:v50+s24+$0x0] =	vst.idx.msk $0xffff, v51;
	v50 =	vadd.s32 v18, v43;
	v46 =	vadd.f32 v46, v35;
	v51 =	vld [tilespmem:s10+$0xA0];
	v42 =	vshrl.u32 v42, $0x3  }
0x771: {  	s11 =	sadd.s32 $0x200, s11;
	v56 =	vadd.s32 v5, v49;
	v52 =	vadd.f32 v52, v36;
	v57 =	vld [tilespmem:s8+$0xFFFFFFD0];
	v58 =	vshll.u32 v42, v1  }
0x772: {  	v42 =	vbroadcast v55, $0x0;
	v59 =	vld [tilespmem:s11+$0xFFFFFF00];
	[tilespmem:v45+s24+$0x0] =	vst.idx.msk $0xffff, v46;
	v45 =	vadd.s32 v27, v38;
	v39 =	vadd.f32 v39, v34  }
0x773: {  	v46 =	vadd.s32 v14, v44;
	[tilespmem:v53+s24+$0x0] =	vst.idx.msk $0xffff, v52;
	v48 =	vadd.f32 v48, v35;
	v52 =	vld [tilespmem:s12+$0x60]  }
0x774: {  	v53 =	vadd.s32 v0, v42;
	v54 =	vadd.f32 v54, v36;
	v55 =	vld [tilespmem:s14+$0xFFFFFF90];
	[tilespmem:v40+s24+$0x0] =	vst.idx.msk $0xffff, v39  }
0x775: {  	v39 =	vadd.s32 v23, v41;
	[tilespmem:v50+s24+$0x0] =	vst.idx.msk $0xffff, v48;
	v40 =	vadd.f32 v51, v34;
	v48 =	vld [tilespmem:s1+$0xF0];
	s1 =	smov.u32 s10;
	s10 =	smov.u32 s12;
	s12 =	smov.u32 s5  }
0x776: {  	v50 =	vadd.s32 v10, v47;
	s5 =	smov.u32 s8;
	s8 =	smov.u32 s14;
	s14 =	smov.u32 s15;
	[tilespmem:v56+s24+$0x0] =	vst.idx.msk $0xffff, v54;
	v51 =	vadd.f32 v57, v35;
	v54 =	vld [tilespmem:s12+$0x20]  }
0x777: {  	v37 =	vadd.s32 v32, v37;
	s15 =	smov.u32 s11;
	v56 =	vadd.f32 v59, v36;
	v57 =	vld [tilespmem:s14+$0xFFFFFF50];
	[tilespmem:v45+s24+$0x0] =	vst.idx.msk $0xffff, v40  }
0x778: {  	v40 =	vadd.s32 v19, v43;
	[tilespmem:v46+s24+$0x0] =	vst.idx.msk $0xffff, v51;
	v45 =	vadd.f32 v52, v34;
	v46 =	vld [tilespmem:s1+$0xB0]  }
0x779: {  	v51 =	vadd.s32 v6, v49;
	[tilespmem:v53+s24+$0x0] =	vst.idx.msk $0xffff, v56;
	v52 =	vadd.f32 v55, v35;
	v53 =	vld [tilespmem:s5+$0xFFFFFFE0]  }
0x77a: {  	s19 =	sadd.s32 $0x6, s7;
	v38 =	vadd.s32 v28, v38;
	v55 =	vld [tilespmem:s11+$0xFFFFFF10];
	[tilespmem:v39+s24+$0x0] =	vst.idx.msk $0xffff, v45;
	v39 =	vadd.f32 v48, v33  }
0x77b: {  	s21 =	sadd.s32 $0x5, s13;
	v45 =	vadd.s32 v15, v44;
	[tilespmem:v50+s24+$0x0] =	vst.idx.msk $0xffff, v52;
	v48 =	vadd.f32 v54, v34;
	v50 =	vld [tilespmem:s10+$0x70];
	v52 =	vmov s19  }
0x77c: {  	v59 =	vmov s21;
	v54 =	vadd.s32 v2, v42;
	s19 =	sadd.s32 $0x4, s25;
	v56 =	vadd.f32 v57, v35;
	v57 =	vld [tilespmem:s8+$0xFFFFFFA0];
	[tilespmem:v37+s24+$0x0] =	vst.idx.msk $0xffff, v39  }
0x77d: {  	v39 =	vmov s19;
	[tilespmem:v40+s24+$0x0] =	vst.idx.msk $0xffff, v48;
	v40 =	vadd.s32 v24, v41;
	v37 =	vadd.f32 v46, v33  }
0x77e: {  	s19 =	sadd.s32 $0x3, s26;
	v41 =	vadd.s32 v11, v47;
	[tilespmem:v51+s24+$0x0] =	vst.idx.msk $0xffff, v56;
	v46 =	vadd.f32 v53, v34;
	v48 =	vld [tilespmem:s12+$0x30];
	v51 =	vshrl.u32 v52, $0x3  }
0x77f: {  	v52 =	vadd.f32 v55, v35;
	v53 =	vld [tilespmem:s14+$0xFFFFFF60];
	v55 =	vmov s19;
	v51 =	vshll.u32 v51, v1;
	[tilespmem:v38+s24+$0x0] =	vst.idx.msk $0xffff, v37  }
0x780: {  	v43 =	vadd.s32 v20, v43;
	v37 =	vbroadcast v58, $0x0;
	[tilespmem:v45+s24+$0x0] =	vst.idx.msk $0xffff, v46;
	v38 =	vadd.f32 v50, v33;
	v45 =	vld [tilespmem:s1+$0xC0]  }
0x781: {  	v46 =	vadd.s32 v7, v49;
	[tilespmem:v54+s24+$0x0] =	vst.idx.msk $0xffff, v52;
	v50 =	vadd.f32 v57, v34;
	v52 =	vld [tilespmem:s5+$0xFFFFFFF0];
	v54 =	vshrl.u32 v59, $0x3  }
0x782: {  	v39 =	vshrl.u32 v39, $0x3;
	v56 =	vld [tilespmem:s11+$0xFFFFFF20];
	v54 =	vshll.u32 v54, v1;
	[tilespmem:v40+s24+$0x0] =	vst.idx.msk $0xffff, v38;
	v40 =	vadd.s32 v29, v37  }
0x783: {  	v44 =	vadd.s32 v16, v44;
	v38 =	vbroadcast v51, $0x0;
	[tilespmem:v41+s24+$0x0] =	vst.idx.msk $0xffff, v50;
	v41 =	vadd.f32 v48, v33;
	v48 =	vld [tilespmem:s10+$0x80]  }
0x784: {  	v39 =	vshll.u32 v39, v1;
	v50 =	vadd.s32 v3, v42;
	v51 =	vadd.f32 v53, v34;
	v53 =	vld [tilespmem:s8+$0xFFFFFFB0]  }
0x785: {  	v55 =	vshrl.u32 v55, $0x3;
	v57 =	vadd.s32 v25, v38;
	[tilespmem:v43+s24+$0x0] =	vst.idx.msk $0xffff, v41;
	v43 =	vadd.f32 v45, v36  }
0x786: {  	s19 =	sadd.s32 $0x2, s9;
	v45 =	vadd.s32 v12, v47;
	v41 =	vbroadcast v54, $0x0;
	[tilespmem:v46+s24+$0x0] =	vst.idx.msk $0xffff, v51;
	v46 =	vadd.f32 v52, v33;
	v47 =	vld [tilespmem:s12+$0x40]  }
0x787: {  	v55 =	vshll.u32 v55, v1;
	v54 =	vmov s19;
	v51 =	vadd.f32 v56, v34;
	v52 =	vld [tilespmem:s14+$0xFFFFFF70];
	[tilespmem:v40+s24+$0x0] =	vst.idx.msk $0xffff, v43  }
0x788: {  	v40 =	vshrl.u32 v54, $0x3;
	[tilespmem:v44+s24+$0x0] =	vst.idx.msk $0xffff, v46;
	v46 =	vadd.s32 v21, v41;
	v44 =	vadd.f32 v48, v36;
	v48 =	vld [tilespmem:s1+$0xD0]  }
0x789: {  	v49 =	vadd.s32 v8, v49;
	v43 =	vbroadcast v39, $0x0;
	[tilespmem:v50+s24+$0x0] =	vst.idx.msk $0xffff, v51;
	v50 =	vadd.f32 v53, v33;
	v51 =	vld [tilespmem:s5+$0x0]  }
0x78a: {  	v40 =	vshll.u32 v40, v1;
	v53 =	vadd.s32 v30, v37;
	v39 =	vld [tilespmem:s11+$0xFFFFFF30];
	[tilespmem:v57+s24+$0x0] =	vst.idx.msk $0xffff, v44  }
0x78b: {  	v54 =	vmov s16;
	[tilespmem:v45+s24+$0x0] =	vst.idx.msk $0xffff, v50;
	v45 =	vadd.s32 v17, v43;
	v47 =	vadd.f32 v47, v36;
	v56 =	vld [tilespmem:s10+$0x90]  }
0x78c: {  	s19 =	sadd.s32 $0x1, s18;
	v57 =	vadd.s32 v4, v42;
	v44 =	vbroadcast v55, $0x0;
	v42 =	vadd.f32 v52, v33;
	v58 =	vld [tilespmem:s8+$0xFFFFFFC0]  }
0x78d: {  	v59 =	vadd.s32 v26, v38;
	v50 =	vmov s19;
	[tilespmem:v46+s24+$0x0] =	vst.idx.msk $0xffff, v47;
	v48 =	vadd.f32 v48, v35  }
.Ltmp8:
0x78e: {  	v47 =	vshrl.u32 v50, $0x3;
	v50 =	vadd.s32 v13, v44;
	[tilespmem:v49+s24+$0x0] =	vst.idx.msk $0xffff, v42;
	v42 =	vadd.f32 v51, v36;
	v46 =	vld [tilespmem:s12+$0x50];
	(pc) =	sbr.rel @p0 .LBB2_15-.Ltmp8, $4  }
0x78f: {  	s19 =	sadd.s32 $0x7, s7;
	s7 =	smov.u32 s13;
	s13 =	smov.u32 s25;
	v60 =	vshll.u32 v47, v1;
	v47 =	vbroadcast v40, $0x0;
	v49 =	vadd.f32 v39, v33;
	v52 =	vld [tilespmem:s14+$0xFFFFFF80];
	[tilespmem:v53+s24+$0x0] =	vst.idx.msk $0xffff, v48  }
0x790: {  	s25 =	smov.u32 s26;
	s26 =	smov.u32 s9;
	s9 =	smov.u32 s18;
	[tilespmem:v45+s24+$0x0] =	vst.idx.msk $0xffff, v42;
	v45 =	vadd.s32 v22, v41;
	v40 =	vadd.f32 v56, v35;
	v42 =	vmov s19;
	v39 =	vld [tilespmem:s1+$0xE0]  }
0x791: {  	v54 =	vshrl.u32 v54, $0x3;
	s18 =	smov.u32 s16;
	v53 =	vadd.s32 v9, v47;
	[tilespmem:v57+s24+$0x0] =	vst.idx.msk $0xffff, v49;
	v51 =	vadd.f32 v58, v36;
	v48 =	vld [tilespmem:s5+$0x10]  }
0x792: {  	v55 =	vshll.u32 v54, v1;
	s16 =	sadd.s32 $0x8, s16;
	v49 =	vbroadcast v60, $0x0;
	v54 =	vld [tilespmem:s11+$0xFFFFFF40];
	[tilespmem:v59+s24+$0x0] =	vst.idx.msk $0xffff, v40;
	v40 =	vadd.s32 v31, v37  }
0x793: {  	s11 =	sadd.s32 $0x200, s11  }
0x794: {  	v55 =	vbroadcast v55, $0x0;
	v56 =	vld [tilespmem:s11+$0xFFFFFF00];
	_ =	sdelay $0x1  }
0x795: {  	v57 =	vadd.s32 v0, v55;
	_ =	sdelay $0x2  }
0x796: {  	v56 =	vadd.f32 v56, v36;
	_ =	sdelay $0x1  }
0x797: {  	[tilespmem:v57+s24+$0x0] =	vst.idx.msk $0xffff, v56  }
0x798: {  	v56 =	vld [tilespmem:s11+$0xFFFFFF10];
	_ =	sdelay $0x1  }
0x799: {  	v62 =	vadd.s32 v2, v55;
	_ =	sdelay $0x2  }
0x79a: {  	v56 =	vadd.f32 v56, v35;
	_ =	sdelay $0x1  }
0x79b: {  	[tilespmem:v62+s24+$0x0] =	vst.idx.msk $0xffff, v56  }
0x79c: {  	v56 =	vld [tilespmem:s11+$0xFFFFFF20];
	_ =	sdelay $0x1  }
0x79d: {  	v63 =	vadd.s32 v3, v55;
	_ =	sdelay $0x2  }
0x79e: {  	v56 =	vadd.f32 v56, v34;
	_ =	sdelay $0x1  }
0x79f: {  	[tilespmem:v63+s24+$0x0] =	vst.idx.msk $0xffff, v56  }
0x7a0: {  	v56 =	vld [tilespmem:s11+$0xFFFFFF30];
	_ =	sdelay $0x1  }
0x7a1: {  	v55 =	vadd.s32 v4, v55;
	_ =	sdelay $0x1  }
0x7a2: {  	s16 =	sadd.s32 $0x1, s18  }
0x7a3: {  	v60 =	vmov s16;
	v56 =	vadd.f32 v56, v33  }
0x7a4: {  	v57 =	vshrl.u32 v60, $0x3  }
0x7a5: {  	v57 =	vshll.u32 v57, v1;
	[tilespmem:v55+s24+$0x0] =	vst.idx.msk $0xffff, v56  }
0x7a6: {  	v56 =	vbroadcast v57, $0x0;
	v55 =	vld [tilespmem:s11+$0xFFFFFF40]  }
0x7a7: {  	v61 =	vadd.s32 v5, v49  }
0x7a8: {  	v58 =	vadd.s32 v5, v56;
	_ =	sdelay $0x1  }
0x7a9: {  	v54 =	vadd.f32 v54, v36  }
0x7aa: {  	v55 =	vadd.f32 v55, v36  }
0x7ab: {  	[tilespmem:v61+s24+$0x0] =	vst.idx.msk $0xffff, v54  }
0x7ac: {  	v54 =	vld [tilespmem:s15+$0xFFFFFF50];
	[tilespmem:v58+s24+$0x0] =	vst.idx.msk $0xffff, v55  }
0x7ad: {  	v55 =	vld [tilespmem:s11+$0xFFFFFF50]  }
0x7ae: {  	v62 =	vadd.s32 v6, v49  }
0x7af: {  	v63 =	vadd.s32 v6, v56;
	_ =	sdelay $0x1  }
0x7b0: {  	v54 =	vadd.f32 v54, v35  }
0x7b1: {  	v55 =	vadd.f32 v55, v35  }
0x7b2: {  	[tilespmem:v62+s24+$0x0] =	vst.idx.msk $0xffff, v54  }
0x7b3: {  	v54 =	vld [tilespmem:s15+$0xFFFFFF60];
	[tilespmem:v63+s24+$0x0] =	vst.idx.msk $0xffff, v55  }
0x7b4: {  	v55 =	vld [tilespmem:s11+$0xFFFFFF60]  }
0x7b5: {  	v60 =	vadd.s32 v7, v49  }
0x7b6: {  	v61 =	vadd.s32 v7, v56;
	_ =	sdelay $0x1  }
0x7b7: {  	v54 =	vadd.f32 v54, v34  }
0x7b8: {  	v55 =	vadd.f32 v55, v34  }
0x7b9: {  	[tilespmem:v60+s24+$0x0] =	vst.idx.msk $0xffff, v54  }
0x7ba: {  	v54 =	vld [tilespmem:s15+$0xFFFFFF70];
	[tilespmem:v61+s24+$0x0] =	vst.idx.msk $0xffff, v55  }
0x7bb: {  	v55 =	vld [tilespmem:s11+$0xFFFFFF70]  }
0x7bc: {  	v62 =	vadd.s32 v8, v49  }
0x7bd: {  	v56 =	vadd.s32 v8, v56  }
0x7be: {  	s19 =	sadd.s32 $0x2, s9  }
0x7bf: {  	s21 =	sadd.s32 $0x2, s18;
	v54 =	vadd.f32 v54, v33;
	v63 =	vmov s19  }
0x7c0: {  	v60 =	vmov s21;
	v57 =	vshrl.u32 v63, $0x3;
	v55 =	vadd.f32 v55, v33  }
0x7c1: {  	[tilespmem:v62+s24+$0x0] =	vst.idx.msk $0xffff, v54;
	v57 =	vshll.u32 v57, v1;
	v61 =	vshrl.u32 v60, $0x3  }
0x7c2: {  	v54 =	vld [tilespmem:s15+$0xFFFFFF80];
	v57 =	vbroadcast v57, $0x0;
	v49 =	vshll.u32 v61, v1;
	[tilespmem:v56+s24+$0x0] =	vst.idx.msk $0xffff, v55  }
0x7c3: {  	v49 =	vbroadcast v49, $0x0;
	v55 =	vld [tilespmem:s11+$0xFFFFFF80]  }
0x7c4: {  	v62 =	vadd.s32 v9, v57  }
0x7c5: {  	v52 =	vadd.f32 v52, v36;
	v63 =	vadd.s32 v9, v49;
	_ =	sdelay $0x1  }
0x7c6: {  	[tilespmem:v53+s24+$0x0] =	vst.idx.msk $0xffff, v52;
	v54 =	vadd.f32 v54, v36  }
0x7c7: {  	v53 =	vld [tilespmem:s14+$0xFFFFFF90];
	v59 =	vadd.f32 v55, v36  }
0x7c8: {  	[tilespmem:v62+s24+$0x0] =	vst.idx.msk $0xffff, v54  }
0x7c9: {  	v60 =	vadd.s32 v10, v47;
	v54 =	vld [tilespmem:s15+$0xFFFFFF90];
	[tilespmem:v63+s24+$0x0] =	vst.idx.msk $0xffff, v59  }
0x7ca: {  	v61 =	vld [tilespmem:s11+$0xFFFFFF90]  }
0x7cb: {  	v62 =	vadd.s32 v10, v57  }
0x7cc: {  	v53 =	vadd.f32 v53, v35;
	v63 =	vadd.s32 v10, v49;
	_ =	sdelay $0x1  }
0x7cd: {  	[tilespmem:v60+s24+$0x0] =	vst.idx.msk $0xffff, v53;
	v54 =	vadd.f32 v54, v35  }
0x7ce: {  	v53 =	vld [tilespmem:s14+$0xFFFFFFA0];
	v59 =	vadd.f32 v61, v35  }
0x7cf: {  	[tilespmem:v62+s24+$0x0] =	vst.idx.msk $0xffff, v54  }
0x7d0: {  	v60 =	vadd.s32 v11, v47;
	v54 =	vld [tilespmem:s15+$0xFFFFFFA0];
	[tilespmem:v63+s24+$0x0] =	vst.idx.msk $0xffff, v59  }
0x7d1: {  	v61 =	vld [tilespmem:s11+$0xFFFFFFA0]  }
0x7d2: {  	v62 =	vadd.s32 v11, v57  }
0x7d3: {  	v53 =	vadd.f32 v53, v34;
	v63 =	vadd.s32 v11, v49;
	_ =	sdelay $0x1  }
0x7d4: {  	[tilespmem:v60+s24+$0x0] =	vst.idx.msk $0xffff, v53;
	v54 =	vadd.f32 v54, v34  }
0x7d5: {  	v53 =	vld [tilespmem:s14+$0xFFFFFFB0];
	v59 =	vadd.f32 v61, v34  }
0x7d6: {  	[tilespmem:v62+s24+$0x0] =	vst.idx.msk $0xffff, v54  }
0x7d7: {  	v60 =	vadd.s32 v12, v47;
	v54 =	vld [tilespmem:s15+$0xFFFFFFB0];
	[tilespmem:v63+s24+$0x0] =	vst.idx.msk $0xffff, v59  }
0x7d8: {  	v52 =	vld [tilespmem:s11+$0xFFFFFFB0]  }
0x7d9: {  	v55 =	vadd.s32 v12, v57  }
0x7da: {  	s29 =	sadd.s32 $0x3, s26;
	s30 =	sadd.s32 $0x3, s9;
	v53 =	vadd.f32 v53, v33;
	v49 =	vadd.s32 v12, v49  }
0x7db: {  	s19 =	sadd.s32 $0x3, s18;
	v62 =	vmov s30;
	v61 =	vmov s29  }
0x7dc: {  	[tilespmem:v60+s24+$0x0] =	vst.idx.msk $0xffff, v53;
	v60 =	vmov s19;
	v54 =	vadd.f32 v54, v33;
	v56 =	vshrl.u32 v61, $0x3  }
0x7dd: {  	v56 =	vshll.u32 v56, v1;
	v63 =	vshrl.u32 v62, $0x3;
	v52 =	vadd.f32 v52, v33  }
0x7de: {  	v53 =	vshrl.u32 v60, $0x3;
	[tilespmem:v55+s24+$0x0] =	vst.idx.msk $0xffff, v54;
	v61 =	vld [tilespmem:s14+$0xFFFFFFC0];
	v56 =	vbroadcast v56, $0x0;
	v47 =	vshll.u32 v63, v1  }
0x7df: {  	v53 =	vshll.u32 v53, v1;
	v54 =	vld [tilespmem:s15+$0xFFFFFFC0];
	v47 =	vbroadcast v47, $0x0;
	[tilespmem:v49+s24+$0x0] =	vst.idx.msk $0xffff, v52  }
0x7e0: {  	v53 =	vbroadcast v53, $0x0;
	v62 =	vadd.s32 v13, v56;
	v52 =	vld [tilespmem:s11+$0xFFFFFFC0]  }
0x7e1: {  	v63 =	vadd.s32 v13, v47  }
0x7e2: {  	v60 =	vadd.s32 v13, v53  }
0x7e3: {  	[tilespmem:v50+s24+$0x0] =	vst.idx.msk $0xffff, v51;
	v57 =	vadd.f32 v61, v36  }
0x7e4: {  	v51 =	vld [tilespmem:s8+$0xFFFFFFD0];
	v61 =	vadd.f32 v54, v36  }
0x7e5: {  	[tilespmem:v62+s24+$0x0] =	vst.idx.msk $0xffff, v57;
	v62 =	vadd.f32 v52, v36  }
0x7e6: {  	v50 =	vadd.s32 v14, v44;
	[tilespmem:v63+s24+$0x0] =	vst.idx.msk $0xffff, v61;
	v52 =	vld [tilespmem:s14+$0xFFFFFFD0]  }
0x7e7: {  	v63 =	vld [tilespmem:s15+$0xFFFFFFD0];
	[tilespmem:v60+s24+$0x0] =	vst.idx.msk $0xffff, v62  }
0x7e8: {  	v49 =	vadd.s32 v14, v56;
	v60 =	vld [tilespmem:s11+$0xFFFFFFD0]  }
0x7e9: {  	v51 =	vadd.f32 v51, v35;
	v61 =	vadd.s32 v14, v47  }
0x7ea: {  	v62 =	vadd.s32 v14, v53  }
0x7eb: {  	[tilespmem:v50+s24+$0x0] =	vst.idx.msk $0xffff, v51;
	v52 =	vadd.f32 v52, v35  }
0x7ec: {  	v51 =	vld [tilespmem:s8+$0xFFFFFFE0];
	v63 =	vadd.f32 v63, v35  }
0x7ed: {  	[tilespmem:v49+s24+$0x0] =	vst.idx.msk $0xffff, v52;
	v59 =	vadd.f32 v60, v35  }
0x7ee: {  	v50 =	vadd.s32 v15, v44;
	[tilespmem:v61+s24+$0x0] =	vst.idx.msk $0xffff, v63;
	v52 =	vld [tilespmem:s14+$0xFFFFFFE0]  }
0x7ef: {  	v60 =	vld [tilespmem:s15+$0xFFFFFFE0];
	[tilespmem:v62+s24+$0x0] =	vst.idx.msk $0xffff, v59  }
0x7f0: {  	v61 =	vadd.s32 v15, v56;
	v62 =	vld [tilespmem:s11+$0xFFFFFFE0]  }
0x7f1: {  	v51 =	vadd.f32 v51, v34;
	v63 =	vadd.s32 v15, v47  }
0x7f2: {  	v58 =	vadd.s32 v15, v53  }
0x7f3: {  	[tilespmem:v50+s24+$0x0] =	vst.idx.msk $0xffff, v51;
	v52 =	vadd.f32 v52, v34  }
0x7f4: {  	v51 =	vld [tilespmem:s8+$0xFFFFFFF0];
	v60 =	vadd.f32 v60, v34  }
0x7f5: {  	[tilespmem:v61+s24+$0x0] =	vst.idx.msk $0xffff, v52;
	v61 =	vadd.f32 v62, v34  }
0x7f6: {  	[tilespmem:v63+s24+$0x0] =	vst.idx.msk $0xffff, v60;
	v52 =	vld [tilespmem:s14+$0xFFFFFFF0]  }
0x7f7: {  	s21 =	sadd.s32 $0x4, s25;
	v63 =	vadd.s32 v16, v44;
	v54 =	vld [tilespmem:s15+$0xFFFFFFF0];
	[tilespmem:v58+s24+$0x0] =	vst.idx.msk $0xffff, v61  }
0x7f8: {  	v60 =	vadd.s32 v16, v56;
	v62 =	vmov s21;
	v55 =	vld [tilespmem:s11+$0xFFFFFFF0]  }
0x7f9: {  	v51 =	vadd.f32 v51, v33;
	s29 =	sadd.s32 $0x4, s26;
	v47 =	vadd.s32 v16, v47;
	v59 =	vshrl.u32 v62, $0x3  }
0x7fa: {  	v53 =	vadd.s32 v16, v53;
	v49 =	vshll.u32 v59, v1;
	v61 =	vmov s29  }
0x7fb: {  	s30 =	sadd.s32 $0x4, s9;
	v49 =	vbroadcast v49, $0x0;
	v56 =	vshrl.u32 v61, $0x3;
	v52 =	vadd.f32 v52, v33  }
0x7fc: {  	s19 =	sadd.s32 $0x4, s18;
	[tilespmem:v63+s24+$0x0] =	vst.idx.msk $0xffff, v51;
	v62 =	vshll.u32 v56, v1;
	v63 =	vmov s30;
	v54 =	vadd.f32 v54, v33  }
0x7fd: {  	v56 =	vld [tilespmem:s8+$0x0];
	v59 =	vshrl.u32 v63, $0x3;
	[tilespmem:v60+s24+$0x0] =	vst.idx.msk $0xffff, v52;
	v60 =	vmov s19;
	v61 =	vadd.f32 v55, v33  }
0x7fe: {  	v44 =	vbroadcast v62, $0x0;
	v50 =	vshll.u32 v59, v1;
	[tilespmem:v47+s24+$0x0] =	vst.idx.msk $0xffff, v54;
	v55 =	vld [tilespmem:s14+$0x0];
	v62 =	vshrl.u32 v60, $0x3  }
0x7ff: {  	v63 =	vadd.s32 v17, v49;
	v50 =	vbroadcast v50, $0x0;
	v54 =	vld [tilespmem:s15+$0x0];
	v47 =	vshll.u32 v62, v1;
	[tilespmem:v53+s24+$0x0] =	vst.idx.msk $0xffff, v61  }
0x800: {  	v60 =	vadd.s32 v17, v44;
	v47 =	vbroadcast v47, $0x0;
	v53 =	vld [tilespmem:s11+$0x0]  }
0x801: {  	v61 =	vadd.s32 v17, v50  }
0x802: {  	v56 =	vadd.f32 v56, v36;
	v62 =	vadd.s32 v17, v47  }
0x803: {  	v55 =	vadd.f32 v55, v36  }
0x804: {  	[tilespmem:v63+s24+$0x0] =	vst.idx.msk $0xffff, v56;
	v63 =	vadd.f32 v54, v36  }
0x805: {  	v54 =	vadd.s32 v18, v43;
	v56 =	vld [tilespmem:s8+$0x10];
	[tilespmem:v60+s24+$0x0] =	vst.idx.msk $0xffff, v55;
	v60 =	vadd.f32 v53, v36  }
0x806: {  	[tilespmem:v61+s24+$0x0] =	vst.idx.msk $0xffff, v63;
	v53 =	vld [tilespmem:s14+$0x10]  }
0x807: {  	v51 =	vadd.s32 v18, v49;
	v61 =	vld [tilespmem:s15+$0x10];
	[tilespmem:v62+s24+$0x0] =	vst.idx.msk $0xffff, v60  }
0x808: {  	v48 =	vadd.f32 v48, v35;
	v52 =	vadd.s32 v18, v44;
	v62 =	vld [tilespmem:s11+$0x10]  }
0x809: {  	v63 =	vadd.s32 v18, v50  }
0x80a: {  	[tilespmem:v54+s24+$0x0] =	vst.idx.msk $0xffff, v48;
	v60 =	vadd.f32 v56, v35;
	v54 =	vadd.s32 v18, v47  }
0x80b: {  	v56 =	vld [tilespmem:s5+$0x20];
	v53 =	vadd.f32 v53, v35  }
0x80c: {  	[tilespmem:v51+s24+$0x0] =	vst.idx.msk $0xffff, v60;
	v61 =	vadd.f32 v61, v35  }
0x80d: {  	v51 =	vadd.s32 v19, v43;
	v55 =	vld [tilespmem:s8+$0x20];
	[tilespmem:v52+s24+$0x0] =	vst.idx.msk $0xffff, v53;
	v62 =	vadd.f32 v62, v35  }
0x80e: {  	[tilespmem:v63+s24+$0x0] =	vst.idx.msk $0xffff, v61;
	v53 =	vld [tilespmem:s14+$0x20]  }
0x80f: {  	v63 =	vadd.s32 v19, v49;
	v60 =	vld [tilespmem:s15+$0x20];
	[tilespmem:v54+s24+$0x0] =	vst.idx.msk $0xffff, v62  }
0x810: {  	v61 =	vadd.f32 v56, v34;
	v54 =	vadd.s32 v19, v44;
	v56 =	vld [tilespmem:s11+$0x20]  }
0x811: {  	v58 =	vadd.s32 v19, v50  }
0x812: {  	v52 =	vadd.s32 v19, v47;
	[tilespmem:v51+s24+$0x0] =	vst.idx.msk $0xffff, v61;
	v62 =	vadd.f32 v55, v34  }
0x813: {  	s21 =	sadd.s32 $0x5, s13;
	v55 =	vld [tilespmem:s5+$0x30];
	v53 =	vadd.f32 v53, v34  }
0x814: {  	v46 =	vadd.f32 v46, v35;
	v59 =	vmov s21;
	[tilespmem:v63+s24+$0x0] =	vst.idx.msk $0xffff, v62;
	v63 =	vadd.f32 v60, v34  }
0x815: {  	v43 =	vadd.s32 v20, v43;
	v60 =	vshrl.u32 v59, $0x3;
	v61 =	vld [tilespmem:s8+$0x30];
	[tilespmem:v54+s24+$0x0] =	vst.idx.msk $0xffff, v53;
	v62 =	vadd.f32 v56, v34  }
0x816: {  	v50 =	vadd.s32 v20, v50;
	v51 =	vshll.u32 v60, v1;
	[tilespmem:v58+s24+$0x0] =	vst.idx.msk $0xffff, v63;
	v56 =	vld [tilespmem:s14+$0x30]  }
0x817: {  	s29 =	sadd.s32 $0x5, s25;
	v49 =	vadd.s32 v20, v49;
	v47 =	vadd.s32 v20, v47;
	v48 =	vbroadcast v51, $0x0;
	v58 =	vld [tilespmem:s15+$0x30];
	[tilespmem:v52+s24+$0x0] =	vst.idx.msk $0xffff, v62  }
0x818: {  	v44 =	vadd.s32 v20, v44;
	v63 =	vmov s29;
	v59 =	vadd.f32 v55, v33;
	v53 =	vld [tilespmem:s11+$0x30]  }
0x819: {  	s30 =	sadd.s32 $0x5, s26;
	v54 =	vadd.s32 v23, v41;
	v51 =	vshrl.u32 v63, $0x3;
	v55 =	vadd.s32 v21, v48  }
0x81a: {  	v51 =	vshll.u32 v51, v1;
	[tilespmem:v43+s24+$0x0] =	vst.idx.msk $0xffff, v59;
	v60 =	vadd.f32 v61, v33;
	v61 =	vmov s30  }
0x81b: {  	[tilespmem:v45+s24+$0x0] =	vst.idx.msk $0xffff, v46;
	s19 =	sadd.s32 $0x5, s9;
	v46 =	vbroadcast v51, $0x0;
	v45 =	vld [tilespmem:s5+$0x40];
	v62 =	vshrl.u32 v61, $0x3;
	v63 =	vadd.f32 v56, v33  }
0x81c: {  	s21 =	sadd.s32 $0x5, s18;
	[tilespmem:v49+s24+$0x0] =	vst.idx.msk $0xffff, v60;
	v43 =	vshll.u32 v62, v1;
	v60 =	vmov s19;
	v56 =	vld [tilespmem:s12+$0x60];
	v51 =	vadd.f32 v58, v33  }
0x81d: {  	v62 =	vmov s21;
	v57 =	vld [tilespmem:s8+$0x40];
	v61 =	vshrl.u32 v60, $0x3;
	[tilespmem:v44+s24+$0x0] =	vst.idx.msk $0xffff, v63;
	v63 =	vadd.f32 v53, v33  }
0x81e: {  	v58 =	vbroadcast v43, $0x0;
	v60 =	vshll.u32 v61, v1;
	v61 =	vshrl.u32 v62, $0x3;
	[tilespmem:v50+s24+$0x0] =	vst.idx.msk $0xffff, v51;
	v53 =	vld [tilespmem:s14+$0x40]  }
0x81f: {  	v49 =	vadd.s32 v21, v46;
	v51 =	vbroadcast v60, $0x0;
	v62 =	vshll.u32 v61, v1;
	v50 =	vld [tilespmem:s15+$0x40];
	[tilespmem:v47+s24+$0x0] =	vst.idx.msk $0xffff, v63  }
0x820: {  	v52 =	vbroadcast v62, $0x0;
	v63 =	vadd.f32 v45, v36;
	v45 =	vadd.s32 v21, v58;
	v47 =	vld [tilespmem:s11+$0x40]  }
0x821: {  	v61 =	vadd.s32 v21, v51;
	v60 =	vadd.f32 v56, v34  }
0x822: {  	v62 =	vadd.f32 v57, v36;
	[tilespmem:v55+s24+$0x0] =	vst.idx.msk $0xffff, v63;
	v55 =	vadd.s32 v21, v52  }
0x823: {  	[tilespmem:v54+s24+$0x0] =	vst.idx.msk $0xffff, v60;
	v63 =	vld [tilespmem:s5+$0x50];
	v53 =	vadd.f32 v53, v36  }
0x824: {  	[tilespmem:v49+s24+$0x0] =	vst.idx.msk $0xffff, v62;
	v54 =	vld [tilespmem:s12+$0x70];
	v57 =	vadd.f32 v50, v36  }
0x825: {  	v49 =	vadd.s32 v22, v48;
	v50 =	vld [tilespmem:s8+$0x50];
	[tilespmem:v45+s24+$0x0] =	vst.idx.msk $0xffff, v53;
	v59 =	vadd.f32 v47, v36  }
0x826: {  	v41 =	vadd.s32 v24, v41;
	[tilespmem:v61+s24+$0x0] =	vst.idx.msk $0xffff, v57;
	v60 =	vld [tilespmem:s14+$0x50]  }
0x827: {  	v61 =	vadd.s32 v22, v46;
	v62 =	vld [tilespmem:s15+$0x50];
	[tilespmem:v55+s24+$0x0] =	vst.idx.msk $0xffff, v59  }
0x828: {  	v43 =	vadd.f32 v63, v35;
	v63 =	vadd.s32 v22, v58;
	v55 =	vld [tilespmem:s11+$0x50]  }
0x829: {  	v56 =	vadd.s32 v22, v51;
	v54 =	vadd.f32 v54, v33  }
0x82a: {  	v59 =	vadd.f32 v50, v35;
	[tilespmem:v49+s24+$0x0] =	vst.idx.msk $0xffff, v43;
	v49 =	vadd.s32 v22, v52  }
0x82b: {  	[tilespmem:v41+s24+$0x0] =	vst.idx.msk $0xffff, v54;
	v41 =	vld [tilespmem:s5+$0x60];
	v47 =	vadd.f32 v60, v35  }
0x82c: {  	v57 =	vld [tilespmem:s10+$0xA0];
	[tilespmem:v61+s24+$0x0] =	vst.idx.msk $0xffff, v59;
	v60 =	vadd.f32 v62, v35  }
0x82d: {  	s29 =	sadd.s32 $0x6, s7;
	v44 =	vadd.s32 v23, v48;
	v61 =	vld [tilespmem:s8+$0x60];
	[tilespmem:v63+s24+$0x0] =	vst.idx.msk $0xffff, v47;
	v62 =	vadd.f32 v55, v35  }
0x82e: {  	v63 =	vmov s29;
	[tilespmem:v56+s24+$0x0] =	vst.idx.msk $0xffff, v60;
	v54 =	vld [tilespmem:s14+$0x60]  }
0x82f: {  	v47 =	vadd.s32 v23, v46;
	v59 =	vshrl.u32 v63, $0x3;
	v55 =	vld [tilespmem:s15+$0x60];
	[tilespmem:v49+s24+$0x0] =	vst.idx.msk $0xffff, v62  }
0x830: {  	v43 =	vshll.u32 v59, v1;
	v60 =	vadd.f32 v41, v34;
	v49 =	vadd.s32 v23, v58;
	v56 =	vld [tilespmem:s11+$0x60]  }
0x831: {  	v48 =	vadd.s32 v24, v48;
	v50 =	vld [tilespmem:s12+$0x80];
	v41 =	vbroadcast v43, $0x0;
	v43 =	vadd.s32 v23, v51  }
0x832: {  	v45 =	vadd.s32 v23, v52;
	[tilespmem:v44+s24+$0x0] =	vst.idx.msk $0xffff, v60;
	v44 =	vadd.f32 v61, v34  }
0x833: {  	v53 =	vadd.f32 v57, v34;
	v52 =	vadd.s32 v24, v52;
	v60 =	vld [tilespmem:s5+$0x70];
	v54 =	vadd.f32 v54, v34  }
0x834: {  	s30 =	sadd.s32 $0x6, s13;
	v46 =	vadd.s32 v24, v46;
	v62 =	vadd.f32 v55, v34;
	[tilespmem:v47+s24+$0x0] =	vst.idx.msk $0xffff, v44  }
0x835: {  	v59 =	vadd.s32 v27, v38;
	v61 =	vmov s30;
	v55 =	vld [tilespmem:s8+$0x70];
	[tilespmem:v49+s24+$0x0] =	vst.idx.msk $0xffff, v54;
	v63 =	vadd.f32 v56, v34  }
0x836: {  	s19 =	sadd.s32 $0x6, s25;
	v50 =	vadd.f32 v50, v36;
	v57 =	vadd.s32 v25, v41;
	v44 =	vshrl.u32 v61, $0x3;
	[tilespmem:v43+s24+$0x0] =	vst.idx.msk $0xffff, v62;
	v56 =	vld [tilespmem:s14+$0x70]  }
0x837: {  	v61 =	vmov s19;
	v44 =	vshll.u32 v44, v1;
	v49 =	vadd.s32 v24, v58;
	v47 =	vld [tilespmem:s15+$0x70];
	[tilespmem:v45+s24+$0x0] =	vst.idx.msk $0xffff, v63  }
0x838: {  	v43 =	vbroadcast v44, $0x0;
	v44 =	vshrl.u32 v61, $0x3;
	v45 =	vadd.f32 v60, v33;
	v58 =	vld [tilespmem:s11+$0x70]  }
0x839: {  	s21 =	sadd.s32 $0x6, s26;
	v51 =	vadd.s32 v24, v51;
	v54 =	vadd.s32 v26, v41;
	v44 =	vshll.u32 v44, v1  }
0x83a: {  	v60 =	vadd.s32 v25, v43;
	v63 =	vmov s21;
	[tilespmem:v48+s24+$0x0] =	vst.idx.msk $0xffff, v45;
	v62 =	vadd.f32 v55, v33  }
0x83b: {  	s29 =	sadd.s32 $0x6, s9;
	s30 =	sadd.s32 $0x6, s18;
	[tilespmem:v57+s24+$0x0] =	vst.idx.msk $0xffff, v50;
	v44 =	vbroadcast v44, $0x0;
	v48 =	vshrl.u32 v63, $0x3;
	v50 =	vld [tilespmem:s5+$0x80];
	v61 =	vadd.f32 v56, v33  }
0x83c: {  	v63 =	vmov s30;
	v56 =	vld [tilespmem:s12+$0x90];
	v47 =	vadd.f32 v47, v33;
	[tilespmem:v46+s24+$0x0] =	vst.idx.msk $0xffff, v62;
	v62 =	vmov s29  }
0x83d: {  	v45 =	vshll.u32 v48, v1;
	v48 =	vld [tilespmem:s8+$0x80];
	[tilespmem:v49+s24+$0x0] =	vst.idx.msk $0xffff, v61;
	v46 =	vshrl.u32 v62, $0x3;
	v61 =	vadd.f32 v58, v33  }
0x83e: {  	v45 =	vbroadcast v45, $0x0;
	[tilespmem:v51+s24+$0x0] =	vst.idx.msk $0xffff, v47;
	v62 =	vshrl.u32 v63, $0x3;
	v57 =	vld [tilespmem:s14+$0x80];
	v46 =	vshll.u32 v46, v1  }
0x83f: {  	v49 =	vadd.s32 v25, v44;
	v51 =	vld [tilespmem:s15+$0x80];
	v47 =	vshll.u32 v62, v1;
	v46 =	vbroadcast v46, $0x0;
	[tilespmem:v52+s24+$0x0] =	vst.idx.msk $0xffff, v61  }
0x840: {  	v47 =	vbroadcast v47, $0x0;
	v50 =	vadd.f32 v50, v36;
	v52 =	vadd.s32 v25, v45;
	v55 =	vld [tilespmem:s11+$0x80]  }
0x841: {  	[tilespmem:v59+s24+$0x0] =	vst.idx.msk $0xffff, v53;
	v63 =	vadd.f32 v56, v35;
	v56 =	vadd.s32 v25, v46  }
0x842: {  	v61 =	vld [tilespmem:s10+$0xB0];
	[tilespmem:v60+s24+$0x0] =	vst.idx.msk $0xffff, v50;
	v48 =	vadd.f32 v48, v36;
	v50 =	vadd.s32 v25, v47  }
0x843: {  	[tilespmem:v54+s24+$0x0] =	vst.idx.msk $0xffff, v63;
	v53 =	vld [tilespmem:s5+$0x90];
	v62 =	vadd.f32 v57, v36  }
0x844: {  	v38 =	vadd.s32 v28, v38;
	v63 =	vld [tilespmem:s12+$0xA0];
	v59 =	vadd.f32 v51, v36;
	[tilespmem:v49+s24+$0x0] =	vst.idx.msk $0xffff, v48  }
0x845: {  	v49 =	vadd.s32 v26, v43;
	v51 =	vld [tilespmem:s8+$0x90];
	[tilespmem:v52+s24+$0x0] =	vst.idx.msk $0xffff, v62;
	v60 =	vadd.f32 v55, v36  }
0x846: {  	v54 =	vadd.s32 v27, v41;
	v55 =	vld [tilespmem:s14+$0x90];
	[tilespmem:v56+s24+$0x0] =	vst.idx.msk $0xffff, v59  }
0x847: {  	v61 =	vadd.f32 v61, v33;
	v56 =	vadd.s32 v26, v44;
	v58 =	vld [tilespmem:s15+$0x90];
	[tilespmem:v50+s24+$0x0] =	vst.idx.msk $0xffff, v60  }
0x848: {  	v52 =	vadd.s32 v26, v45;
	v62 =	vadd.f32 v53, v35;
	v53 =	vld [tilespmem:s11+$0x90]  }
0x849: {  	v48 =	vadd.s32 v26, v46;
	[tilespmem:v38+s24+$0x0] =	vst.idx.msk $0xffff, v61;
	v63 =	vadd.f32 v63, v34  }
0x84a: {  	v50 =	vadd.s32 v26, v47;
	[tilespmem:v49+s24+$0x0] =	vst.idx.msk $0xffff, v62;
	v60 =	vadd.f32 v51, v35  }
0x84b: {  	[tilespmem:v54+s24+$0x0] =	vst.idx.msk $0xffff, v63;
	v51 =	vld [tilespmem:s5+$0xA0];
	v61 =	vadd.f32 v55, v35  }
0x84c: {  	v57 =	vld [tilespmem:s10+$0xC0];
	[tilespmem:v56+s24+$0x0] =	vst.idx.msk $0xffff, v60;
	v63 =	vadd.f32 v58, v35  }
0x84d: {  	v42 =	vshrl.u32 v42, $0x3;
	v55 =	vadd.s32 v27, v43;
	v56 =	vld [tilespmem:s8+$0xA0];
	[tilespmem:v52+s24+$0x0] =	vst.idx.msk $0xffff, v61;
	v60 =	vadd.f32 v53, v35  }
0x84e: {  	v62 =	vshll.u32 v42, v1;
	v53 =	vld [tilespmem:s14+$0xA0];
	[tilespmem:v48+s24+$0x0] =	vst.idx.msk $0xffff, v63  }
0x84f: {  	v38 =	vbroadcast v62, $0x0;
	v62 =	vadd.s32 v27, v44;
	v58 =	vld [tilespmem:s15+$0xA0];
	[tilespmem:v50+s24+$0x0] =	vst.idx.msk $0xffff, v60  }
0x850: {  	s19 =	sadd.s32 $0x7, s7;
	v59 =	vadd.s32 v27, v46;
	v63 =	vadd.f32 v51, v34;
	v60 =	vadd.s32 v27, v45;
	v52 =	vld [tilespmem:s11+$0xA0]  }
0x851: {  	v46 =	vadd.s32 v28, v46;
	v42 =	vld [tilespmem:s12+$0xB0];
	v43 =	vadd.s32 v28, v43;
	v61 =	vmov s19  }
0x852: {  	v49 =	vshrl.u32 v61, $0x3;
	[tilespmem:v55+s24+$0x0] =	vst.idx.msk $0xffff, v63;
	v61 =	vadd.f32 v56, v34;
	v55 =	vadd.s32 v27, v47  }
0x853: {  	v44 =	vadd.s32 v28, v44;
	v49 =	vshll.u32 v49, v1;
	v53 =	vadd.f32 v53, v34  }
0x854: {  	s21 =	sadd.s32 $0x7, s13;
	v56 =	vadd.s32 v28, v41;
	v41 =	vbroadcast v49, $0x0;
	v49 =	vld [tilespmem:s5+$0xB0];
	[tilespmem:v62+s24+$0x0] =	vst.idx.msk $0xffff, v61;
	v63 =	vadd.f32 v58, v34  }
0x855: {  	v57 =	vadd.f32 v57, v36;
	v62 =	vmov s21;
	[tilespmem:v60+s24+$0x0] =	vst.idx.msk $0xffff, v53;
	v60 =	vld [tilespmem:s8+$0xB0];
	v52 =	vadd.f32 v52, v34  }
0x856: {  	s25 =	sadd.s32 $0x7, s25;
	v48 =	vadd.s32 v29, v38;
	v42 =	vadd.f32 v42, v33;
	v50 =	vshrl.u32 v62, $0x3;
	v53 =	vld [tilespmem:s14+$0xB0];
	[tilespmem:v59+s24+$0x0] =	vst.idx.msk $0xffff, v63  }
0x857: {  	v45 =	vadd.s32 v28, v45;
	v61 =	vmov s25;
	v50 =	vshll.u32 v50, v1;
	v59 =	vld [tilespmem:s15+$0xB0];
	[tilespmem:v55+s24+$0x0] =	vst.idx.msk $0xffff, v52  }
0x858: {  	v47 =	vadd.s32 v28, v47;
	v62 =	vshrl.u32 v61, $0x3;
	v50 =	vbroadcast v50, $0x0;
	v54 =	vld [tilespmem:s11+$0xB0]  }
0x859: {  	s29 =	sadd.s32 $0x7, s26;
	v58 =	vadd.s32 v29, v41;
	v49 =	vadd.f32 v49, v33;
	v52 =	vshll.u32 v62, v1  }
0x85a: {  	[tilespmem:v56+s24+$0x0] =	vst.idx.msk $0xffff, v42;
	v55 =	vadd.s32 v29, v50;
	v63 =	vadd.f32 v60, v33;
	v60 =	vmov s29  }
0x85b: {  	s30 =	sadd.s32 $0x7, s9;
	v56 =	vld [tilespmem:s12+$0xC0];
	[tilespmem:v43+s24+$0x0] =	vst.idx.msk $0xffff, v49;
	v43 =	vbroadcast v52, $0x0;
	v61 =	vshrl.u32 v60, $0x3;
	v62 =	vadd.f32 v53, v33  }
0x85c: {  	s9 =	sadd.s32 $0x7, s18;
	v52 =	vld [tilespmem:s5+$0xC0];
	[tilespmem:v44+s24+$0x0] =	vst.idx.msk $0xffff, v63;
	v42 =	vshll.u32 v61, v1;
	v63 =	vmov s30;
	v60 =	vadd.f32 v59, v33  }
0x85d: {  	v61 =	vmov s9;
	v53 =	vld [tilespmem:s8+$0xC0];
	[tilespmem:v45+s24+$0x0] =	vst.idx.msk $0xffff, v62;
	v44 =	vshrl.u32 v63, $0x3;
	v62 =	vadd.f32 v54, v33  }
0x85e: {  	v42 =	vbroadcast v42, $0x0;
	v45 =	vshrl.u32 v61, $0x3;
	v54 =	vld [tilespmem:s14+$0xC0];
	v44 =	vshll.u32 v44, v1;
	[tilespmem:v46+s24+$0x0] =	vst.idx.msk $0xffff, v60  }
0x85f: {  	v46 =	vadd.s32 v29, v43;
	v45 =	vshll.u32 v45, v1;
	v49 =	vld [tilespmem:s15+$0xC0];
	v44 =	vbroadcast v44, $0x0;
	[tilespmem:v47+s24+$0x0] =	vst.idx.msk $0xffff, v62  }
0x860: {  	v63 =	vadd.f32 v56, v36;
	v51 =	vadd.s32 v29, v42;
	v45 =	vbroadcast v45, $0x0;
	v56 =	vld [tilespmem:s11+$0xC0]  }
0x861: {  	[tilespmem:v48+s24+$0x0] =	vst.idx.msk $0xffff, v57;
	v60 =	vadd.f32 v52, v36;
	v52 =	vadd.s32 v29, v44  }
0x862: {  	v57 =	vld [tilespmem:s10+$0xD0];
	[tilespmem:v58+s24+$0x0] =	vst.idx.msk $0xffff, v63;
	v62 =	vadd.s32 v29, v45;
	v61 =	vadd.f32 v53, v36  }
0x863: {  	v58 =	vld [tilespmem:s12+$0xD0];
	[tilespmem:v55+s24+$0x0] =	vst.idx.msk $0xffff, v60;
	v63 =	vadd.f32 v54, v36  }
0x864: {  	v54 =	vadd.s32 v30, v38;
	v55 =	vld [tilespmem:s5+$0xD0];
	[tilespmem:v46+s24+$0x0] =	vst.idx.msk $0xffff, v61;
	v59 =	vadd.f32 v49, v36  }
0x865: {  	v47 =	vadd.s32 v30, v41;
	v49 =	vld [tilespmem:s8+$0xD0];
	[tilespmem:v51+s24+$0x0] =	vst.idx.msk $0xffff, v63;
	v60 =	vadd.f32 v56, v36  }
0x866: {  	v48 =	vadd.s32 v30, v50;
	v51 =	vld [tilespmem:s14+$0xD0];
	[tilespmem:v52+s24+$0x0] =	vst.idx.msk $0xffff, v59  }
0x867: {  	v61 =	vadd.f32 v57, v35;
	v52 =	vadd.s32 v30, v43;
	v56 =	vld [tilespmem:s15+$0xD0];
	[tilespmem:v62+s24+$0x0] =	vst.idx.msk $0xffff, v60  }
0x868: {  	v53 =	vadd.s32 v30, v42;
	v62 =	vadd.f32 v58, v35;
	v63 =	vld [tilespmem:s11+$0xD0]  }
0x869: {  	[tilespmem:v54+s24+$0x0] =	vst.idx.msk $0xffff, v61;
	v58 =	vadd.f32 v55, v35;
	v54 =	vadd.s32 v30, v44  }
0x86a: {  	v55 =	vld [tilespmem:s10+$0xE0];
	[tilespmem:v47+s24+$0x0] =	vst.idx.msk $0xffff, v62;
	v59 =	vadd.f32 v49, v35;
	v47 =	vadd.s32 v30, v45  }
0x86b: {  	[tilespmem:v48+s24+$0x0] =	vst.idx.msk $0xffff, v58;
	v60 =	vld [tilespmem:s12+$0xE0];
	v61 =	vadd.f32 v51, v35  }
0x86c: {  	v48 =	vadd.s32 v31, v38;
	v51 =	vld [tilespmem:s5+$0xE0];
	[tilespmem:v52+s24+$0x0] =	vst.idx.msk $0xffff, v59;
	v62 =	vadd.f32 v56, v35  }
0x86d: {  	v52 =	vadd.s32 v31, v41;
	v56 =	vld [tilespmem:s8+$0xE0];
	[tilespmem:v53+s24+$0x0] =	vst.idx.msk $0xffff, v61;
	v63 =	vadd.f32 v63, v35  }
0x86e: {  	v39 =	vadd.f32 v39, v34;
	v46 =	vadd.s32 v31, v50;
	v53 =	vld [tilespmem:s14+$0xE0];
	[tilespmem:v54+s24+$0x0] =	vst.idx.msk $0xffff, v62  }
0x86f: {  	v57 =	vadd.f32 v55, v34;
	v54 =	vadd.s32 v31, v43;
	v58 =	vld [tilespmem:s15+$0xE0];
	[tilespmem:v47+s24+$0x0] =	vst.idx.msk $0xffff, v63  }
0x870: {  	[tilespmem:v40+s24+$0x0] =	vst.idx.msk $0xffff, v39;
	v39 =	vadd.s32 v31, v42;
	v59 =	vadd.f32 v60, v34;
	v60 =	vld [tilespmem:s11+$0xE0]  }
0x871: {  	v61 =	vld [tilespmem:s1+$0xF0];
	[tilespmem:v48+s24+$0x0] =	vst.idx.msk $0xffff, v57;
	v62 =	vadd.f32 v51, v34;
	v48 =	vadd.s32 v31, v44  }
0x872: {  	v49 =	vld [tilespmem:s10+$0xF0];
	[tilespmem:v52+s24+$0x0] =	vst.idx.msk $0xffff, v59;
	v63 =	vadd.f32 v56, v34;
	v56 =	vadd.s32 v31, v45  }
0x873: {  	v37 =	vadd.s32 v32, v37;
	[tilespmem:v46+s24+$0x0] =	vst.idx.msk $0xffff, v62;
	v52 =	vld [tilespmem:s12+$0xF0];
	v57 =	vadd.f32 v53, v34  }
0x874: {  	v38 =	vadd.s32 v32, v38;
	v46 =	vld [tilespmem:s5+$0xF0];
	[tilespmem:v54+s24+$0x0] =	vst.idx.msk $0xffff, v63;
	v58 =	vadd.f32 v58, v34  }
0x875: {  	v41 =	vadd.s32 v32, v41;
	v59 =	vld [tilespmem:s8+$0xF0];
	[tilespmem:v39+s24+$0x0] =	vst.idx.msk $0xffff, v57;
	v60 =	vadd.f32 v60, v34  }
0x876: {  	v61 =	vadd.f32 v61, v33;
	v62 =	vadd.s32 v32, v50;
	v63 =	vld [tilespmem:s14+$0xF0];
	[tilespmem:v48+s24+$0x0] =	vst.idx.msk $0xffff, v58  }
0x877: {  	v43 =	vadd.s32 v32, v43;
	v49 =	vadd.f32 v49, v33;
	v50 =	vld [tilespmem:s15+$0xF0];
	[tilespmem:v56+s24+$0x0] =	vst.idx.msk $0xffff, v60  }
0x878: {  	v55 =	vadd.s32 v32, v42;
	[tilespmem:v37+s24+$0x0] =	vst.idx.msk $0xffff, v61;
	v54 =	vadd.f32 v52, v33;
	v56 =	vld [tilespmem:s11+$0xF0]  }
0x879: {  	v58 =	vadd.s32 v32, v44;
	[tilespmem:v38+s24+$0x0] =	vst.idx.msk $0xffff, v49;
	v57 =	vadd.f32 v46, v33  }
0x87a: {  	v60 =	vadd.s32 v32, v45;
	[tilespmem:v41+s24+$0x0] =	vst.idx.msk $0xffff, v54;
	v59 =	vadd.f32 v59, v33  }
0x87b: {  	[tilespmem:v62+s24+$0x0] =	vst.idx.msk $0xffff, v57;
	v61 =	vadd.f32 v63, v33  }
0x87c: {  	s0 =	sshll.u32 s0, $0x7;
	[tilespmem:v43+s24+$0x0] =	vst.idx.msk $0xffff, v59;
	v62 =	vadd.f32 v50, v33  }
0x87d: {  	s0 =	sand.u32 $0xF80, s0;
	[tilespmem:v55+s24+$0x0] =	vst.idx.msk $0xffff, v61;
	v63 =	vadd.f32 v56, v33  }
0x87e: {  	s0 =	sadd.s32 s2, s0;
	s11 =	sshll.u32 s28, $0xF;
	[tilespmem:v58+s24+$0x0] =	vst.idx.msk $0xffff, v62  }
0x87f: {  	s12 =	simm.s32 $0x17C00;
	s1 =	sadd.s32 s11, s0;
	[tilespmem:v60+s24+$0x0] =	vst.idx.msk $0xffff, v63  }
0x880: {  	[hbm4b:s1+s3] =	stream.linear.scatter [tilespmem:s12], [sflag:$0x8], $0x80, $0x38;
	[tilespmem:$0x19E00] =	vst v63  }
0x881: {  	s13 =	simm.s32 $0x17C88;
	s14 =	sadd.s32 $0x10, s1  }
0x882: {  	[hbm4b:s14+s3] =	stream.linear.scatter [tilespmem:s13], [sflag:$0x8], $0x80, $0x38;
	[tilespmem:$0x19E00] =	vst v63  }
0x883: {  	s7 =	simm.s32 $0x17FB8;
	s15 =	simm.s32 $0x17D10;
	s16 =	sadd.s32 $0x20, s1  }
0x884: {  	[hbm4b:s16+s3] =	stream.linear.scatter [tilespmem:s15], [sflag:$0x8], $0x80, $0x38;
	[tilespmem:$0x19E00] =	vst v63  }
0x885: {  	s18 =	simm.s32 $0x17D98;
	s26 =	simm.s32 $0x17EA8;
	s19 =	sadd.s32 $0x30, s1  }
0x886: {  	[hbm4b:s19+s3] =	stream.linear.scatter [tilespmem:s18], [sflag:$0x8], $0x80, $0x38;
	[tilespmem:$0x19E00] =	vst v63  }
0x887: {  	s21 =	simm.s32 $0x17E20;
	s29 =	simm.s32 $0x17F30;
	s25 =	sadd.s32 $0x40, s1  }
0x888: {  	[hbm4b:s25+s3] =	stream.linear.scatter [tilespmem:s21], [sflag:$0x8], $0x80, $0x38;
	[tilespmem:$0x19E00] =	vst v63  }
0x889: {  	s5 =	simm.s32 $0x2200;
	s0 =	simm.s32 $0x440;
	s28 =	sadd.s32 $0x50, s1  }
0x88a: {  	[hbm4b:s28+s3] =	stream.linear.scatter [tilespmem:s26], [sflag:$0x8], $0x80, $0x38;
	[tilespmem:$0x19E00] =	vst v63  }
0x88b: {  	s30 =	sadd.s32 $0x60, s1;
	s8 =	sadd.s32 $0x70, s1;
	s1 =	sadd.s32 $0x1000, s1  }
0x88c: {  	[hbm4b:s30+s3] =	stream.linear.scatter [tilespmem:s29], [sflag:$0x8], $0x80, $0x38;
	[tilespmem:$0x19E00] =	vst v63  }
.LBB2_17:
0x88d: {  	[hbm4b:s8+s3] =	stream.linear.scatter [tilespmem:s7], [sflag:$0x8], $0x80, $0x38;
	[tilespmem:$0x19E00] =	vst v63  }
0x88e: {  	s7 =	smov.u32 s0;
	s0 =	smov.u32 s5  }
0x88f: {  	s9 =	sadd.s32 $0x1100, s5;
	s0 =	sshra.s32 s0, $0x2;
	s8 =	sadd.s32 $0x17C00, s7  }
0x890: {  	[hbm4b:s1+s3] =	stream.linear.scatter [tilespmem:s8], [sflag:$0x8], $0x80, $0x38;
	[tilespmem:$0x19E00] =	vst v63  }
0x891: {  	p0 =	sne.s32 s5, $0x7700;
	s5 =	sadd.s32 $0x17C88, s7;
	s8 =	sadd.s32 $0x10, s1  }
0x892: {  	[hbm4b:s8+s3] =	stream.linear.scatter [tilespmem:s5], [sflag:$0x8], $0x80, $0x38;
	[tilespmem:$0x19E00] =	vst v63  }
0x893: {  	s5 =	sadd.s32 $0x17D10, s7;
	s8 =	sadd.s32 $0x20, s1  }
0x894: {  	[hbm4b:s8+s3] =	stream.linear.scatter [tilespmem:s5], [sflag:$0x8], $0x80, $0x38;
	[tilespmem:$0x19E00] =	vst v63  }
0x895: {  	s5 =	sadd.s32 $0x17D98, s7;
	s8 =	sadd.s32 $0x30, s1  }
0x896: {  	[hbm4b:s8+s3] =	stream.linear.scatter [tilespmem:s5], [sflag:$0x8], $0x80, $0x38;
	[tilespmem:$0x19E00] =	vst v63  }
0x897: {  	s5 =	sadd.s32 $0x17E20, s7;
	s8 =	sadd.s32 $0x40, s1  }
0x898: {  	[hbm4b:s8+s3] =	stream.linear.scatter [tilespmem:s5], [sflag:$0x8], $0x80, $0x38;
	[tilespmem:$0x19E00] =	vst v63  }
.Ltmp9:
0x899: {  	s5 =	sadd.s32 $0x17EA8, s7;
	s8 =	sadd.s32 $0x50, s1;
	(pc) =	sbr.rel @p0 .LBB2_17-.Ltmp9, $4  }
0x89a: {  	[hbm4b:s8+s3] =	stream.linear.scatter [tilespmem:s5], [sflag:$0x8], $0x80, $0x38;
	[tilespmem:$0x19E00] =	vst v63  }
0x89b: {  	s5 =	sadd.s32 $0x17F30, s7;
	s8 =	sadd.s32 $0x60, s1;
	s7 =	sadd.s32 $0x17FB8, s7  }
0x89c: {  	[hbm4b:s8+s3] =	stream.linear.scatter [tilespmem:s5], [sflag:$0x8], $0x80, $0x38;
	[tilespmem:$0x19E00] =	vst v63  }
0x89d: {  	s8 =	sadd.s32 $0x70, s1;
	s1 =	sadd.s32 $0x1000, s1;
	s5 =	smov.u32 s9  }
0x89e: {  	[hbm4b:s8+s3] =	stream.linear.scatter [tilespmem:s7], [sflag:$0x8], $0x80, $0x38;
	[tilespmem:$0x19E00] =	vst v63  }
0x89f: {  	s5 =	sadd.s32 $0x17C00, s0  }
0x8a0: {  	[hbm4b:s1+s3] =	stream.linear.scatter [tilespmem:s5], [sflag:$0x8], $0x80, $0x38;
	[tilespmem:$0x19E00] =	vst v63  }
0x8a1: {  	s11 =	sadd.s32 $0x17C88, s0;
	s12 =	sadd.s32 $0x10, s1  }
0x8a2: {  	[hbm4b:s12+s3] =	stream.linear.scatter [tilespmem:s11], [sflag:$0x8], $0x80, $0x38;
	[tilespmem:$0x19E00] =	vst v63  }
0x8a3: {  	s13 =	sadd.s32 $0x17D10, s0;
	s14 =	sadd.s32 $0x20, s1  }
0x8a4: {  	[hbm4b:s14+s3] =	stream.linear.scatter [tilespmem:s13], [sflag:$0x8], $0x80, $0x38;
	[tilespmem:$0x19E00] =	vst v63  }
0x8a5: {  	s15 =	sadd.s32 $0x17D98, s0;
	s16 =	sadd.s32 $0x30, s1  }
0x8a6: {  	[hbm4b:s16+s3] =	stream.linear.scatter [tilespmem:s15], [sflag:$0x8], $0x80, $0x38;
	[tilespmem:$0x19E00] =	vst v63  }
0x8a7: {  	s18 =	sadd.s32 $0x17E20, s0;
	s19 =	sadd.s32 $0x40, s1  }
0x8a8: {  	[hbm4b:s19+s3] =	stream.linear.scatter [tilespmem:s18], [sflag:$0x8], $0x80, $0x38;
	[tilespmem:$0x19E00] =	vst v63  }
0x8a9: {  	s21 =	sadd.s32 $0x17EA8, s0;
	s25 =	sadd.s32 $0x50, s1  }
0x8aa: {  	[hbm4b:s25+s3] =	stream.linear.scatter [tilespmem:s21], [sflag:$0x8], $0x80, $0x38;
	[tilespmem:$0x19E00] =	vst v63  }
.Ltmp10:
0x8ab: {  	_ = 	snop;
	(pc) =	sbr.rel @p1 .LBB2_20-.Ltmp10, $4  }
0x8ac: {  	s26 =	sadd.s32 $0x17F30, s0;
	s28 =	sadd.s32 $0x60, s1  }
0x8ad: {  	[hbm4b:s28+s3] =	stream.linear.scatter [tilespmem:s26], [sflag:$0x8], $0x80, $0x38;
	[tilespmem:$0x19E00] =	vst v63  }
0x8ae: {  	s29 =	sadd.s32 $0x17FB8, s0;
	s30 =	sadd.s32 $0x70, s1;
	s21 =	simm.s32 $0x80  }
0x8af: {  	[hbm4b:s30+s3] =	stream.linear.scatter [tilespmem:s29], [sflag:$0x8], $0x80, $0x38;
	[tilespmem:$0x19E00] =	vst v63  }
.Ltmp11:
0x8b0: {  	(pc) =	sbr.rel .LBB2_2-.Ltmp11, $4  }
0x8b1: {  	s0 =	sshll.u32 s31, $0x9  }
0x8b2: {  	s0 =	sand.u32 $0x3FFFFE00, s0  }
0x8b3: {  	s1 =	simm.s32 $0xD600;
	s31 =	sadd.s32 $0x1, s31;
	s0 =	sadd.s32 $0x300, s0  }
0x8b4: {  	[tilespmem:s1], [sflag:$0x3] =	stream.indirect.gather [hbm4b:s4+s21], $0x40, s0, s21, $0xb8;
	[tilespmem:$0x19E00] =	vst v63  }
.LBB2_21:
0x8b5: {  	_ =	sfence.sel $0x180000  }
0x8b6: {  	[bflag:$0x0] =	sbarrier.arrive $0xFFFF  }
0x8b7: {  	_ =	strace $0x90000047  }
0x8b8: {  	s0 =	stileid.u32;
	[bflag:$0x2] =	sbarrier.arrive $0xFFFF  }
0x8b9: {  	p0 =	sne.s32 s0, $0x0;
	s0 =	rddreg [dreg:$0x2]  }
0x8ba: {  	s0 =	sadd.s32 @!p0 $0x100000, s0  }
0x8bb: {  	[sflag:s0] =	ssyncadd.tile.s32 @!p0 $0x1;
	_ =	shalt  }
.Lfunc_end2:
_tile_overlayer_lowered:
.L_overlay_start_2:
0x8bc: {  	(tag) =	ssettag $0x2  }
0x8bd: {  	s0 =	rddreg [dreg:$0x0];
	s2 =	stileid.u32  }
0x8be: {  	s1 =	rddreg [dreg:$0x1];
	p0 =	sne.s32 s2, $0x0  }
0x8bf: {  	s3 =	rddreg [dreg:$0x2];
	[bflag:$0x3] =	sbarrier.arrive $0xFFFF;
	s2 =	simm.s32 @!p0 $0x1C09  }
0x8c0: {  	[timem:s3], [sflag:s2] =	dma.local @!p0 [hbm:s0], s1  }
0x8c1: {  	s0 =	simm.s32 @!p0 $0x9  }
0x8c2: {  	_ =	swait.ge @!p0 [sflag:s0], s1  }
0x8c3: {  	s1 =	ssub.s32 @!p0 $0x0, s1;
	[sflag:s0] =	ssyncset.done @!p0 $0x0  }
0x8c4: {  	[sflag:s0] =	ssyncadd.s32 @!p0 s1  }
0x8c5: {  	[bflag:$0x3] =	sbarrier.arrive $0xFFFF  }
0x8c6: {  	_ =	shalt  }

</sc_bundles>
